<compile_context>
chip_gen: v7x
topology: tpu7x:2x2x1
jax: 0.10.2.dev20260603
libtpu: 0.0.44.dev20260713+nightly
codegen_flags: <defaults>
</compile_context>

<pallas_src>
import jax
import jax.numpy as jnp
from jax import lax
from jax.experimental import pallas as pl
from jax.experimental.pallas import tpu as pltpu
from jax.experimental.pallas import tpu_sc as plsc

N_ROWS = 128
N_COLS = 32768
N_KEEP = 1024
L = 16
NBINS = 2048
NV_COL = N_COLS // L
NV_BIN = NBINS // L
N_WORKERS = 32
ROWS_PER_W = N_ROWS // N_WORKERS
def _monotone_key(v):
    sign = jnp.uint32(0x80000000)
    u = lax.bitcast_convert_type(v, jnp.uint32)
    return jnp.where(u >= sign, ~u, u | sign)


def _topn_body(in_hbm, out_hbm, row_v, cand_v, hist_v, c2_v, out_v):
    wid = lax.axis_index("c") * 16 + lax.axis_index("s")
    iota = lax.iota(jnp.int32, L)

    def do_row(k, _):
        r = wid * ROWS_PER_W + k
        pltpu.sync_copy(in_hbm.at[r], row_v)

        @plsc.parallel_loop(0, NV_BIN, unroll=4)
        def _clear(i):
            hist_v[pl.ds(i * L, L)] = jnp.zeros((L,), jnp.int32)

        ones = jnp.ones((L,), jnp.int32)

        @plsc.parallel_loop(0, NV_COL, unroll=16)
        def _hist(i):
            key = _monotone_key(row_v[pl.ds(i * L, L)])
            bins = (key >> jnp.uint32(21)).astype(jnp.int32)
            plsc.addupdate_scatter(hist_v, [bins], ones)

        @plsc.parallel_loop(0, NV_BIN, unroll=2,
                            carry=(jnp.int32(0), jnp.int32(-1)))
        def scan_loop(i, carry):
            acc, best = carry
            v = hist_v[pl.ds(i * L, L)]
            cs = plsc.cumsum(v)
            a_incl = N_COLS - (acc + cs - v)
            binvec = i * L + iota
            cand = jnp.where(a_incl >= N_KEEP, binvec, -1)
            return acc + jnp.max(cs), jnp.maximum(best, jnp.max(cand))
        _, bstar = scan_loop
        thresh = bstar.astype(jnp.uint32) << jnp.uint32(21)

        @plsc.parallel_loop(0, NV_COL, unroll=8, carry=jnp.int32(0))
        def comp_loop(i, off):
            v = row_v[pl.ds(i * L, L)]
            key = _monotone_key(v)
            msk = key >= thresh
            mi = msk.astype(jnp.int32)
            cs = plsc.cumsum(mi)
            idx = jnp.where(msk, off + cs - 1, N_COLS + iota)
            plsc.store_scatter(cand_v, [idx], v)
            return off + jnp.max(cs)
        m = comp_loop

        mvv = (m + L - 1) >> 4
        HB = 256
        k_rank = jnp.int32(N_KEEP)
        pref = jnp.uint32(0)
        tot = m
        for pi, shift in enumerate((24, 16, 8, 0)):
            @plsc.parallel_loop(0, (HB + L) // L, unroll=4)
            def _dclear(i):
                hist_v[pl.ds(i * L, L)] = jnp.zeros((L,), jnp.int32)

            sh = jnp.uint32(shift)

            @plsc.parallel_loop(0, mvv, unroll=2)
            def _dhist(i, pi=pi, sh=sh, pref=pref):
                key = _monotone_key(cand_v[pl.ds(i * L, L)])
                valid = (i * L + iota) < m
                if pi > 0:
                    valid = valid & ((key >> (sh + 8)) == (pref >> (sh + 8)))
                digit = ((key >> sh) & jnp.uint32(0xFF)).astype(jnp.int32)
                plsc.addupdate_scatter(hist_v, [digit], ones, mask=valid)

            @plsc.parallel_loop(0, HB // L, unroll=2,
                                carry=(jnp.int32(0), jnp.int32(-1),
                                       jnp.int32(-1)))
            def _dscan(i, carry, tot=tot, k_rank=k_rank):
                acc, bestp, bestc = carry
                v = hist_v[pl.ds(i * L, L)]
                cs = plsc.cumsum(v)
                a_incl = tot - (acc + cs - v)
                cond = a_incl >= k_rank
                dvec = (i * L + iota) << 16
                packed = jnp.where(cond, dvec + a_incl, -1)
                packc = jnp.where(cond, dvec + v, -1)
                return (acc + jnp.max(cs), jnp.maximum(bestp, jnp.max(packed)),
                        jnp.maximum(bestc, jnp.max(packc)))
            _, bestp, bestc = _dscan
            dstar = bestp >> 16
            a_star = bestp & 0xFFFF
            cntd = bestc & 0xFFFF
            k_rank = k_rank - (a_star - cntd)
            tot = cntd
            pref = pref | (dstar.astype(jnp.uint32) << sh)

        @plsc.parallel_loop(0, mvv, unroll=4, carry=jnp.int32(0))
        def comp2_loop(i, off):
            v = cand_v[pl.ds(i * L, L)]
            key = _monotone_key(v)
            msk = ((i * L + iota) < m) & (key > pref)
            mi = msk.astype(jnp.int32)
            cs = plsc.cumsum(mi)
            idx = jnp.where(msk, off + cs - 1, N_KEEP + iota)
            plsc.store_scatter(c2_v, [idx], v)
            return off + jnp.max(cs)
        c = comp2_loop

        u_t = jnp.where(pref >= jnp.uint32(0x80000000),
                        pref ^ jnp.uint32(0x80000000), ~pref)
        t_f = lax.bitcast_convert_type(jnp.broadcast_to(u_t, (L,)), jnp.float32)

        @plsc.parallel_loop(c >> 4, N_KEEP // L, unroll=2)
        def _fill(i):
            v = c2_v[pl.ds(i * L, L)]
            c2_v[pl.ds(i * L, L)] = jnp.where(i * L + iota >= c, t_f, v)

        NV = N_KEEP // L
        NPAIR = NV // 2

        @plsc.parallel_loop(0, NV, unroll=4)
        def _leaf(i):
            c2_v[pl.ds(i * L, L)] = jnp.sort(c2_v[pl.ds(i * L, L)])

        def level_body(lr16, c0):
            r16m1 = (jnp.int32(1) << lr16) - 1

            @plsc.parallel_loop(0, NPAIR, unroll=4)
            def _st_a(t):
                p = t >> lr16
                i = t & r16m1
                base = (p << (lr16 + 1)) + i
                s2 = base + ((r16m1 - i) << 1) + 1
                a = c2_v[pl.ds(base * L, L)]
                rb = lax.rev(c2_v[pl.ds(s2 * L, L)], (0,))
                c2_v[pl.ds(base * L, L)] = jnp.minimum(a, rb)
                c2_v[pl.ds(s2 * L, L)] = lax.rev(jnp.maximum(a, rb), (0,))

            def st_b(j, c):
                ld16 = lr16 - 1 - j
                d16 = jnp.int32(1) << ld16
                d16m1 = d16 - 1

                @plsc.parallel_loop(0, NPAIR, unroll=4)
                def _st_b(t):
                    s = ((t >> ld16) << (ld16 + 1)) + (t & d16m1)
                    s2 = s + d16
                    a = c2_v[pl.ds(s * L, L)]
                    b = c2_v[pl.ds(s2 * L, L)]
                    c2_v[pl.ds(s * L, L)] = jnp.minimum(a, b)
                    c2_v[pl.ds(s2 * L, L)] = jnp.maximum(a, b)
                return c
            lax.fori_loop(0, lr16, st_b, 0)

            @plsc.parallel_loop(0, NV, unroll=4)
            def _st_c(i):
                c2_v[pl.ds(i * L, L)] = jnp.sort(c2_v[pl.ds(i * L, L)])
            return c0
        lax.fori_loop(0, 6, level_body, 0)

        @plsc.parallel_loop(0, NV, unroll=4)
        def _emit(j):
            out_v[pl.ds(j * L, L)] = lax.rev(
                c2_v[pl.ds((NV - 1 - j) * L, L)], (0,))
        pltpu.sync_copy(out_v, out_hbm.at[r])
        return 0

    lax.fori_loop(0, ROWS_PER_W, do_row, 0)


@jax.jit
def kernel(inputs):
    mesh = plsc.VectorSubcoreMesh(core_axis_name="c", subcore_axis_name="s")
    f = pl.kernel(
        _topn_body,
        out_type=jax.ShapeDtypeStruct((N_ROWS, N_KEEP), jnp.float32),
        mesh=mesh,
        compiler_params=pltpu.CompilerParams(needs_layout_passes=False),
        scratch_types=[
            pltpu.VMEM((N_COLS,), jnp.float32),
            pltpu.VMEM((N_COLS + L,), jnp.float32),
            pltpu.VMEM((NBINS,), jnp.int32),
            pltpu.VMEM((N_KEEP + L,), jnp.float32),
            pltpu.VMEM((N_KEEP,), jnp.float32),
        ],
    )
    return f(inputs)

# --- scband reference (transcript-rebuilt; emitter-appended) ---
"""Pipeline reference for scband-top-n-49864570306593 (READ-ONLY COPY).

The authoritative reference and input builder live on the scoring server;
editing this copy changes nothing except your own understanding.
"""

import jax, jax.numpy as jnp
import numpy as np

N_KEEP = 1024

def setup_inputs(seed: int = 0) -> dict:
    key = jax.random.key(seed)
    inputs = jax.random.normal(key, (128, 32768), dtype=jnp.float32)
    return {"inputs": inputs}

def reference(inputs):
    # TopN with argsort=False: full descending sort, then take first N columns
    sorted_desc = jnp.sort(inputs, axis=-1)[:, ::-1]
    return sorted_desc[:, :N_KEEP]

if __name__ == "__main__":
    import jax
    _d = setup_inputs()
    print(jax.jit(kernel)(*tuple(_d.values())))

</pallas_src>

<mosaic_0001>
#map = affine_map<(d0, d1) -> (0, 0)>
module attributes {stable_mosaic.version = 14 : i64} {
  func.func @_topn_body(%arg0: i32, %arg1: i32, %arg2: memref<128x32768xf32, #tpu.memory_space<hbm>>, %arg3: memref<128x1024xf32, #tpu.memory_space<hbm>>, %arg4: memref<32768xf32, #tpu.memory_space<vmem>>, %arg5: memref<32784xf32, #tpu.memory_space<vmem>>, %arg6: memref<2048xi32, #tpu.memory_space<vmem>>, %arg7: memref<1040xf32, #tpu.memory_space<vmem>>, %arg8: memref<1024xf32, #tpu.memory_space<vmem>>) attributes {dimension_semantics = [#tpu.dimension_semantics<core_parallel>, #tpu.dimension_semantics<subcore_parallel>], iteration_bounds = array<i64: 2, 16>, scalar_prefetch = 0 : i64, scratch_operands = 5 : i64, tpu.core_type = #tpu.core_type<sc_vector_subcore>, window_params = [{transform_indices = #map}, {transform_indices = #map}]} {
    %mul3A = arith.constant 16 : i32
    %mul3A_0 = arith.muli %arg0, %mul3A : i32
    %add3A = arith.addi %mul3A_0, %arg1 : i32
    %iota3A = tpu.iota {dimensions = array<i32: 0>} : vector<16xi32>
    %scan3A = arith.constant 0 : i32
    %scan3A_1 = arith.constant 0 : i32
    %scan3A_2 = arith.constant 4 : i32
    %scan3A_3 = arith.addi %scan3A_1, %scan3A_2 : i32
    %scan3A_4 = arith.constant 1 : i32
    %scan3A_5 = scf.for %scan3A_7 = %scan3A_1 to %scan3A_3 step %scan3A_4 iter_args(%scan3A_8 = %scan3A) -> (i32)  : i32 {
      %mul3A_9 = arith.constant 4 : i32
      %mul3A_10 = arith.muli %add3A, %mul3A_9 : i32
      %add3A_11 = arith.addi %mul3A_10, %scan3A_7 : i32
      "tpu.region"() ({
        %run_scoped3A = tpu.sem_alloc : memref<!tpu.dma_semaphore, #tpu.memory_space<semaphore_mem>>
        %dma_start3A = arith.constant 0 : i32
        %dma_start3A_156 = tpu.memref_slice %arg2[%add3A_11, %dma_start3A] : memref<128x32768xf32, #tpu.memory_space<hbm>> -> memref<1x32768xf32, #tpu.memory_space<hbm>>
        %dma_start3A_157 = tpu.memref_squeeze %dma_start3A_156 : memref<1x32768xf32, #tpu.memory_space<hbm>> -> memref<32768xf32, #tpu.memory_space<hbm>>
        %dma_start3A_158 = arith.constant 0 : i32
        %dma_start3A_159 = tpu.memref_slice %arg2[%add3A_11, %dma_start3A_158] : memref<128x32768xf32, #tpu.memory_space<hbm>> -> memref<1x32768xf32, #tpu.memory_space<hbm>>
        %dma_start3A_160 = tpu.memref_squeeze %dma_start3A_159 : memref<1x32768xf32, #tpu.memory_space<hbm>> -> memref<32768xf32, #tpu.memory_space<hbm>>
        tpu.enqueue_dma source(%dma_start3A_160 : memref<32768xf32, #tpu.memory_space<hbm>>) target(%arg4 : memref<32768xf32, #tpu.memory_space<vmem>>) target_semaphore(%run_scoped3A : memref<!tpu.dma_semaphore, #tpu.memory_space<semaphore_mem>>)
        %dma_wait3A = arith.constant 0 : i32
        %dma_wait3A_161 = tpu.memref_slice %arg2[%add3A_11, %dma_wait3A] : memref<128x32768xf32, #tpu.memory_space<hbm>> -> memref<1x32768xf32, #tpu.memory_space<hbm>>
        %dma_wait3A_162 = tpu.memref_squeeze %dma_wait3A_161 : memref<1x32768xf32, #tpu.memory_space<hbm>> -> memref<32768xf32, #tpu.memory_space<hbm>>
        %dma_wait3A_163 = arith.constant 0 : i32
        %dma_wait3A_164 = tpu.memref_slice %arg2[%add3A_11, %dma_wait3A_163] : memref<128x32768xf32, #tpu.memory_space<hbm>> -> memref<1x32768xf32, #tpu.memory_space<hbm>>
        %dma_wait3A_165 = tpu.memref_squeeze %dma_wait3A_164 : memref<1x32768xf32, #tpu.memory_space<hbm>> -> memref<32768xf32, #tpu.memory_space<hbm>>
        tpu.wait_dma2 semaphore(%run_scoped3A : memref<!tpu.dma_semaphore, #tpu.memory_space<semaphore_mem>>) src(%dma_wait3A_165 : memref<32768xf32, #tpu.memory_space<hbm>>) dst(%arg4 : memref<32768xf32, #tpu.memory_space<vmem>>)
        tpu.yield
      }) : () -> ()
      %parallel_loop3A = arith.constant 0 : i32
      %parallel_loop3A_12 = arith.constant 128 : i32
      %parallel_loop3A_13 = arith.constant 1 : i32
      scf.for %parallel_loop3A_156 = %parallel_loop3A to %parallel_loop3A_12 step %parallel_loop3A_13  : i32 {
        %parallel_loop3A_157 = arith.constant 0 : i32
        %parallel_loop3A_158 = vector.broadcast %parallel_loop3A_157 : i32 to vector<16xi32>
        %parallel_loop3A_159 = arith.constant 16 : i32
        %parallel_loop3A_160 = arith.muli %parallel_loop3A_156, %parallel_loop3A_159 : i32
        %parallel_loop3A_161 = arith.index_cast %parallel_loop3A_160 : i32 to index
        %parallel_loop3A_162 = tpu.vector_load %arg6[%parallel_loop3A_161] {strides = array<i32>} : memref<2048xi32, #tpu.memory_space<vmem>>, vector<16xi32>,
        tpu.vector_store %arg6[%parallel_loop3A_161], %parallel_loop3A_158 {strides = array<i32>} : memref<2048xi32, #tpu.memory_space<vmem>>, vector<16xi32>,
      } {sc.loop_unroll_factor = 4 : i64, sc.parallel_access}
      %broadcast_in_dim3A = arith.constant 1 : i32
      %broadcast_in_dim3A_14 = vector.broadcast %broadcast_in_dim3A : i32 to vector<16xi32>
      %parallel_loop3A_15 = arith.constant 0 : i32
      %parallel_loop3A_16 = arith.constant 2048 : i32
      %parallel_loop3A_17 = arith.constant 1 : i32
      scf.for %parallel_loop3A_156 = %parallel_loop3A_15 to %parallel_loop3A_16 step %parallel_loop3A_17  : i32 {
        %parallel_loop3A_157 = arith.constant 16 : i32
        %parallel_loop3A_158 = arith.muli %parallel_loop3A_156, %parallel_loop3A_157 : i32
        %parallel_loop3A_159 = arith.index_cast %parallel_loop3A_158 : i32 to index
        %parallel_loop3A_160 = tpu.vector_load %arg4[%parallel_loop3A_159] {strides = array<i32>} : memref<32768xf32, #tpu.memory_space<vmem>>, vector<16xf32>,
        %parallel_loop3A_161 = tpu.bitcast %parallel_loop3A_160 : vector<16xf32> -> vector<16xi32>
        %parallel_loop3A_162 = arith.constant -2147483648 : i32
        %parallel_loop3A_163 = vector.broadcast %parallel_loop3A_162 : i32 to vector<16xi32>
        %parallel_loop3A_164 = arith.cmpi uge, %parallel_loop3A_161, %parallel_loop3A_163 : vector<16xi32>
        %parallel_loop3A_165 = arith.constant dense<-1> : vector<16xi32>
        %parallel_loop3A_166 = arith.xori %parallel_loop3A_161, %parallel_loop3A_165 : vector<16xi32>
        %parallel_loop3A_167 = arith.constant -2147483648 : i32
        %parallel_loop3A_168 = vector.broadcast %parallel_loop3A_167 : i32 to vector<16xi32>
        %parallel_loop3A_169 = arith.ori %parallel_loop3A_161, %parallel_loop3A_168 : vector<16xi32>
        %parallel_loop3A_170 = arith.select %parallel_loop3A_164, %parallel_loop3A_166, %parallel_loop3A_169 : vector<16xi1>, vector<16xi32>
        %parallel_loop3A_171 = arith.constant 21 : i32
        %parallel_loop3A_172 = vector.broadcast %parallel_loop3A_171 : i32 to vector<16xi32>
        %parallel_loop3A_173 = arith.shrui %parallel_loop3A_170, %parallel_loop3A_172 : vector<16xi32>
        tpu.vector_store_idx %arg6[%parallel_loop3A_173], %broadcast_in_dim3A_14 {add = true} : memref<2048xi32, #tpu.memory_space<vmem>>[vector<16xi32>], vector<16xi32>,
      } {sc.loop_unroll_factor = 16 : i64, sc.parallel_access}
      %parallel_loop3A_18 = arith.constant 0 : i32
      %parallel_loop3A_19 = arith.constant 128 : i32
      %parallel_loop3A_20 = arith.constant 1 : i32
      %parallel_loop3A_21 = arith.constant 0 : i32
      %parallel_loop3A_22 = arith.constant -1 : i32
      %parallel_loop3A_23:2 = scf.for %parallel_loop3A_156 = %parallel_loop3A_18 to %parallel_loop3A_19 step %parallel_loop3A_20 iter_args(%parallel_loop3A_157 = %parallel_loop3A_21, %parallel_loop3A_158 = %parallel_loop3A_22) -> (i32, i32)  : i32 {
        %parallel_loop3A_159 = arith.constant 16 : i32
        %parallel_loop3A_160 = arith.muli %parallel_loop3A_156, %parallel_loop3A_159 : i32
        %parallel_loop3A_161 = arith.index_cast %parallel_loop3A_160 : i32 to index
        %parallel_loop3A_162 = tpu.vector_load %arg6[%parallel_loop3A_161] {strides = array<i32>} : memref<2048xi32, #tpu.memory_space<vmem>>, vector<16xi32>,
        %parallel_loop3A_163 = arith.constant true
        %parallel_loop3A_164 = vector.broadcast %parallel_loop3A_163 : i1 to vector<16xi1>
        %parallel_loop3A_165 = tpu.scan <sum>, %parallel_loop3A_162 masked %parallel_loop3A_164 : vector<16xi32>, vector<16xi1> -> vector<16xi32>
        %parallel_loop3A_166 = vector.broadcast %parallel_loop3A_157 : i32 to vector<16xi32>
        %parallel_loop3A_167 = arith.addi %parallel_loop3A_166, %parallel_loop3A_165 : vector<16xi32>
        %parallel_loop3A_168 = arith.subi %parallel_loop3A_167, %parallel_loop3A_162 : vector<16xi32>
        %parallel_loop3A_169 = arith.constant 32768 : i32
        %parallel_loop3A_170 = vector.broadcast %parallel_loop3A_169 : i32 to vector<16xi32>
        %parallel_loop3A_171 = arith.subi %parallel_loop3A_170, %parallel_loop3A_168 : vector<16xi32>
        %parallel_loop3A_172 = arith.constant 16 : i32
        %parallel_loop3A_173 = arith.muli %parallel_loop3A_156, %parallel_loop3A_172 : i32
        %parallel_loop3A_174 = vector.broadcast %parallel_loop3A_173 : i32 to vector<16xi32>
        %parallel_loop3A_175 = arith.addi %parallel_loop3A_174, %iota3A : vector<16xi32>
        %parallel_loop3A_176 = arith.constant 1024 : i32
        %parallel_loop3A_177 = vector.broadcast %parallel_loop3A_176 : i32 to vector<16xi32>
        %parallel_loop3A_178 = arith.cmpi sge, %parallel_loop3A_171, %parallel_loop3A_177 : vector<16xi32>
        %parallel_loop3A_179 = arith.constant -1 : i32
        %parallel_loop3A_180 = vector.broadcast %parallel_loop3A_179 : i32 to vector<16xi32>
        %parallel_loop3A_181 = arith.select %parallel_loop3A_178, %parallel_loop3A_175, %parallel_loop3A_180 : vector<16xi1>, vector<16xi32>
        %parallel_loop3A_182 = arith.constant true
        %parallel_loop3A_183 = vector.broadcast %parallel_loop3A_182 : i1 to vector<16xi1>
        %parallel_loop3A_184 = arith.constant -2147483648 : i32
        %parallel_loop3A_185 = vector.broadcast %parallel_loop3A_184 : i32 to vector<16xi32>
        %parallel_loop3A_186 = arith.xori %parallel_loop3A_165, %parallel_loop3A_185 : vector<16xi32>
        %parallel_loop3A_187 = tpu.scan <max>, %parallel_loop3A_186 masked %parallel_loop3A_183 : vector<16xi32>, vector<16xi1> -> vector<16xi32>
        %parallel_loop3A_188 = arith.xori %parallel_loop3A_187, %parallel_loop3A_185 : vector<16xi32>
        %parallel_loop3A_189 = vector.extract %parallel_loop3A_188[15] : i32 from vector<16xi32>
        %parallel_loop3A_190 = arith.addi %parallel_loop3A_157, %parallel_loop3A_189 : i32
        %parallel_loop3A_191 = arith.constant true
        %parallel_loop3A_192 = vector.broadcast %parallel_loop3A_191 : i1 to vector<16xi1>
        %parallel_loop3A_193 = arith.constant -2147483648 : i32
        %parallel_loop3A_194 = vector.broadcast %parallel_loop3A_193 : i32 to vector<16xi32>
        %parallel_loop3A_195 = arith.xori %parallel_loop3A_181, %parallel_loop3A_194 : vector<16xi32>
        %parallel_loop3A_196 = tpu.scan <max>, %parallel_loop3A_195 masked %parallel_loop3A_192 : vector<16xi32>, vector<16xi1> -> vector<16xi32>
        %parallel_loop3A_197 = arith.xori %parallel_loop3A_196, %parallel_loop3A_194 : vector<16xi32>
        %parallel_loop3A_198 = vector.extract %parallel_loop3A_197[15] : i32 from vector<16xi32>
        %parallel_loop3A_199 = arith.maxsi %parallel_loop3A_158, %parallel_loop3A_198 : i32
        scf.yield %parallel_loop3A_190, %parallel_loop3A_199 : i32, i32
      } {sc.loop_unroll_factor = 2 : i64, sc.parallel_access}
      %shift_left3A = arith.constant 21 : i32
      %shift_left3A_24 = arith.shli %parallel_loop3A_23#1, %shift_left3A : i32
      %parallel_loop3A_25 = arith.constant 0 : i32
      %parallel_loop3A_26 = arith.constant 2048 : i32
      %parallel_loop3A_27 = arith.constant 1 : i32
      %parallel_loop3A_28 = arith.constant 0 : i32
      %parallel_loop3A_29 = scf.for %parallel_loop3A_156 = %parallel_loop3A_25 to %parallel_loop3A_26 step %parallel_loop3A_27 iter_args(%parallel_loop3A_157 = %parallel_loop3A_28) -> (i32)  : i32 {
        %parallel_loop3A_158 = arith.constant 16 : i32
        %parallel_loop3A_159 = arith.muli %parallel_loop3A_156, %parallel_loop3A_158 : i32
        %parallel_loop3A_160 = arith.index_cast %parallel_loop3A_159 : i32 to index
        %parallel_loop3A_161 = tpu.vector_load %arg4[%parallel_loop3A_160] {strides = array<i32>} : memref<32768xf32, #tpu.memory_space<vmem>>, vector<16xf32>,
        %parallel_loop3A_162 = tpu.bitcast %parallel_loop3A_161 : vector<16xf32> -> vector<16xi32>
        %parallel_loop3A_163 = arith.constant -2147483648 : i32
        %parallel_loop3A_164 = vector.broadcast %parallel_loop3A_163 : i32 to vector<16xi32>
        %parallel_loop3A_165 = arith.cmpi uge, %parallel_loop3A_162, %parallel_loop3A_164 : vector<16xi32>
        %parallel_loop3A_166 = arith.constant dense<-1> : vector<16xi32>
        %parallel_loop3A_167 = arith.xori %parallel_loop3A_162, %parallel_loop3A_166 : vector<16xi32>
        %parallel_loop3A_168 = arith.constant -2147483648 : i32
        %parallel_loop3A_169 = vector.broadcast %parallel_loop3A_168 : i32 to vector<16xi32>
        %parallel_loop3A_170 = arith.ori %parallel_loop3A_162, %parallel_loop3A_169 : vector<16xi32>
        %parallel_loop3A_171 = arith.select %parallel_loop3A_165, %parallel_loop3A_167, %parallel_loop3A_170 : vector<16xi1>, vector<16xi32>
        %parallel_loop3A_172 = vector.broadcast %shift_left3A_24 : i32 to vector<16xi32>
        %parallel_loop3A_173 = arith.cmpi uge, %parallel_loop3A_171, %parallel_loop3A_172 : vector<16xi32>
        %parallel_loop3A_174 = arith.extui %parallel_loop3A_173 : vector<16xi1> to vector<16xi32>
        %parallel_loop3A_175 = arith.constant true
        %parallel_loop3A_176 = vector.broadcast %parallel_loop3A_175 : i1 to vector<16xi1>
        %parallel_loop3A_177 = tpu.scan <sum>, %parallel_loop3A_174 masked %parallel_loop3A_176 : vector<16xi32>, vector<16xi1> -> vector<16xi32>
        %parallel_loop3A_178 = vector.broadcast %parallel_loop3A_157 : i32 to vector<16xi32>
        %parallel_loop3A_179 = arith.addi %parallel_loop3A_178, %parallel_loop3A_177 : vector<16xi32>
        %parallel_loop3A_180 = arith.constant 1 : i32
        %parallel_loop3A_181 = vector.broadcast %parallel_loop3A_180 : i32 to vector<16xi32>
        %parallel_loop3A_182 = arith.subi %parallel_loop3A_179, %parallel_loop3A_181 : vector<16xi32>
        %parallel_loop3A_183 = arith.constant 32768 : i32
        %parallel_loop3A_184 = vector.broadcast %parallel_loop3A_183 : i32 to vector<16xi32>
        %parallel_loop3A_185 = arith.addi %parallel_loop3A_184, %iota3A : vector<16xi32>
        %parallel_loop3A_186 = arith.select %parallel_loop3A_173, %parallel_loop3A_182, %parallel_loop3A_185 : vector<16xi1>, vector<16xi32>
        tpu.vector_store_idx %arg5[%parallel_loop3A_186], %parallel_loop3A_161 : memref<32784xf32, #tpu.memory_space<vmem>>[vector<16xi32>], vector<16xf32>,
        %parallel_loop3A_187 = arith.constant true
        %parallel_loop3A_188 = vector.broadcast %parallel_loop3A_187 : i1 to vector<16xi1>
        %parallel_loop3A_189 = arith.constant -2147483648 : i32
        %parallel_loop3A_190 = vector.broadcast %parallel_loop3A_189 : i32 to vector<16xi32>
        %parallel_loop3A_191 = arith.xori %parallel_loop3A_177, %parallel_loop3A_190 : vector<16xi32>
        %parallel_loop3A_192 = tpu.scan <max>, %parallel_loop3A_191 masked %parallel_loop3A_188 : vector<16xi32>, vector<16xi1> -> vector<16xi32>
        %parallel_loop3A_193 = arith.xori %parallel_loop3A_192, %parallel_loop3A_190 : vector<16xi32>
        %parallel_loop3A_194 = vector.extract %parallel_loop3A_193[15] : i32 from vector<16xi32>
        %parallel_loop3A_195 = arith.addi %parallel_loop3A_157, %parallel_loop3A_194 : i32
        scf.yield %parallel_loop3A_195 : i32
      } {sc.loop_unroll_factor = 8 : i64, sc.parallel_access}
      %add3A_30 = arith.constant 16 : i32
      %add3A_31 = arith.addi %parallel_loop3A_29, %add3A_30 : i32
      %sub3A = arith.constant 1 : i32
      %sub3A_32 = arith.subi %add3A_31, %sub3A : i32
      %shift_right_arithmetic3A = arith.constant 4 : i32
      %shift_right_arithmetic3A_33 = arith.shrsi %sub3A_32, %shift_right_arithmetic3A : i32
      %parallel_loop3A_34 = arith.constant 0 : i32
      %parallel_loop3A_35 = arith.constant 17 : i32
      %parallel_loop3A_36 = arith.constant 1 : i32
      scf.for %parallel_loop3A_156 = %parallel_loop3A_34 to %parallel_loop3A_35 step %parallel_loop3A_36  : i32 {
        %parallel_loop3A_157 = arith.constant 0 : i32
        %parallel_loop3A_158 = vector.broadcast %parallel_loop3A_157 : i32 to vector<16xi32>
        %parallel_loop3A_159 = arith.constant 16 : i32
        %parallel_loop3A_160 = arith.muli %parallel_loop3A_156, %parallel_loop3A_159 : i32
        %parallel_loop3A_161 = arith.index_cast %parallel_loop3A_160 : i32 to index
        %parallel_loop3A_162 = tpu.vector_load %arg6[%parallel_loop3A_161] {strides = array<i32>} : memref<2048xi32, #tpu.memory_space<vmem>>, vector<16xi32>,
        tpu.vector_store %arg6[%parallel_loop3A_161], %parallel_loop3A_158 {strides = array<i32>} : memref<2048xi32, #tpu.memory_space<vmem>>, vector<16xi32>,
      } {sc.loop_unroll_factor = 4 : i64, sc.parallel_access}
      %parallel_loop3A_37 = arith.constant 0 : i32
      %parallel_loop3A_38 = arith.constant 1 : i32
      %parallel_loop3A_39 = arith.constant 24 : i32
      scf.for %parallel_loop3A_156 = %parallel_loop3A_37 to %shift_right_arithmetic3A_33 step %parallel_loop3A_38  : i32 {
        %parallel_loop3A_157 = arith.constant 16 : i32
        %parallel_loop3A_158 = arith.muli %parallel_loop3A_156, %parallel_loop3A_157 : i32
        %parallel_loop3A_159 = arith.index_cast %parallel_loop3A_158 : i32 to index
        %parallel_loop3A_160 = tpu.vector_load %arg5[%parallel_loop3A_159] {strides = array<i32>} : memref<32784xf32, #tpu.memory_space<vmem>>, vector<16xf32>,
        %parallel_loop3A_161 = tpu.bitcast %parallel_loop3A_160 : vector<16xf32> -> vector<16xi32>
        %parallel_loop3A_162 = arith.constant -2147483648 : i32
        %parallel_loop3A_163 = vector.broadcast %parallel_loop3A_162 : i32 to vector<16xi32>
        %parallel_loop3A_164 = arith.cmpi uge, %parallel_loop3A_161, %parallel_loop3A_163 : vector<16xi32>
        %parallel_loop3A_165 = arith.constant dense<-1> : vector<16xi32>
        %parallel_loop3A_166 = arith.xori %parallel_loop3A_161, %parallel_loop3A_165 : vector<16xi32>
        %parallel_loop3A_167 = arith.constant -2147483648 : i32
        %parallel_loop3A_168 = vector.broadcast %parallel_loop3A_167 : i32 to vector<16xi32>
        %parallel_loop3A_169 = arith.ori %parallel_loop3A_161, %parallel_loop3A_168 : vector<16xi32>
        %parallel_loop3A_170 = arith.select %parallel_loop3A_164, %parallel_loop3A_166, %parallel_loop3A_169 : vector<16xi1>, vector<16xi32>
        %parallel_loop3A_171 = arith.constant 16 : i32
        %parallel_loop3A_172 = arith.muli %parallel_loop3A_156, %parallel_loop3A_171 : i32
        %parallel_loop3A_173 = vector.broadcast %parallel_loop3A_172 : i32 to vector<16xi32>
        %parallel_loop3A_174 = arith.addi %parallel_loop3A_173, %iota3A : vector<16xi32>
        %parallel_loop3A_175 = vector.broadcast %parallel_loop3A_29 : i32 to vector<16xi32>
        %parallel_loop3A_176 = arith.cmpi slt, %parallel_loop3A_174, %parallel_loop3A_175 : vector<16xi32>
        %parallel_loop3A_177 = vector.broadcast %parallel_loop3A_39 : i32 to vector<16xi32>
        %parallel_loop3A_178 = arith.shrui %parallel_loop3A_170, %parallel_loop3A_177 : vector<16xi32>
        %parallel_loop3A_179 = arith.constant 255 : i32
        %parallel_loop3A_180 = vector.broadcast %parallel_loop3A_179 : i32 to vector<16xi32>
        %parallel_loop3A_181 = arith.andi %parallel_loop3A_178, %parallel_loop3A_180 : vector<16xi32>
        tpu.vector_store_idx %arg6[%parallel_loop3A_181], %broadcast_in_dim3A_14 masked %parallel_loop3A_176 {add = true} : memref<2048xi32, #tpu.memory_space<vmem>>[vector<16xi32>], vector<16xi32>, vector<16xi1>
      } {sc.loop_unroll_factor = 2 : i64, sc.parallel_access}
      %parallel_loop3A_40 = arith.constant 0 : i32
      %parallel_loop3A_41 = arith.constant 16 : i32
      %parallel_loop3A_42 = arith.constant 1 : i32
      %parallel_loop3A_43 = arith.constant 1024 : i32
      %parallel_loop3A_44 = arith.constant 0 : i32
      %parallel_loop3A_45 = arith.constant -1 : i32
      %parallel_loop3A_46 = arith.constant -1 : i32
      %parallel_loop3A_47:3 = scf.for %parallel_loop3A_156 = %parallel_loop3A_40 to %parallel_loop3A_41 step %parallel_loop3A_42 iter_args(%parallel_loop3A_157 = %parallel_loop3A_44, %parallel_loop3A_158 = %parallel_loop3A_45, %parallel_loop3A_159 = %parallel_loop3A_46) -> (i32, i32, i32)  : i32 {
        %parallel_loop3A_160 = arith.constant 16 : i32
        %parallel_loop3A_161 = arith.muli %parallel_loop3A_156, %parallel_loop3A_160 : i32
        %parallel_loop3A_162 = arith.index_cast %parallel_loop3A_161 : i32 to index
        %parallel_loop3A_163 = tpu.vector_load %arg6[%parallel_loop3A_162] {strides = array<i32>} : memref<2048xi32, #tpu.memory_space<vmem>>, vector<16xi32>,
        %parallel_loop3A_164 = arith.constant true
        %parallel_loop3A_165 = vector.broadcast %parallel_loop3A_164 : i1 to vector<16xi1>
        %parallel_loop3A_166 = tpu.scan <sum>, %parallel_loop3A_163 masked %parallel_loop3A_165 : vector<16xi32>, vector<16xi1> -> vector<16xi32>
        %parallel_loop3A_167 = vector.broadcast %parallel_loop3A_157 : i32 to vector<16xi32>
        %parallel_loop3A_168 = arith.addi %parallel_loop3A_167, %parallel_loop3A_166 : vector<16xi32>
        %parallel_loop3A_169 = arith.subi %parallel_loop3A_168, %parallel_loop3A_163 : vector<16xi32>
        %parallel_loop3A_170 = vector.broadcast %parallel_loop3A_29 : i32 to vector<16xi32>
        %parallel_loop3A_171 = arith.subi %parallel_loop3A_170, %parallel_loop3A_169 : vector<16xi32>
        %parallel_loop3A_172 = vector.broadcast %parallel_loop3A_43 : i32 to vector<16xi32>
        %parallel_loop3A_173 = arith.cmpi sge, %parallel_loop3A_171, %parallel_loop3A_172 : vector<16xi32>
        %parallel_loop3A_174 = arith.constant 16 : i32
        %parallel_loop3A_175 = arith.muli %parallel_loop3A_156, %parallel_loop3A_174 : i32
        %parallel_loop3A_176 = vector.broadcast %parallel_loop3A_175 : i32 to vector<16xi32>
        %parallel_loop3A_177 = arith.addi %parallel_loop3A_176, %iota3A : vector<16xi32>
        %parallel_loop3A_178 = arith.constant 16 : i32
        %parallel_loop3A_179 = vector.broadcast %parallel_loop3A_178 : i32 to vector<16xi32>
        %parallel_loop3A_180 = arith.shli %parallel_loop3A_177, %parallel_loop3A_179 : vector<16xi32>
        %parallel_loop3A_181 = arith.addi %parallel_loop3A_180, %parallel_loop3A_171 : vector<16xi32>
        %parallel_loop3A_182 = arith.constant -1 : i32
        %parallel_loop3A_183 = vector.broadcast %parallel_loop3A_182 : i32 to vector<16xi32>
        %parallel_loop3A_184 = arith.select %parallel_loop3A_173, %parallel_loop3A_181, %parallel_loop3A_183 : vector<16xi1>, vector<16xi32>
        %parallel_loop3A_185 = arith.addi %parallel_loop3A_180, %parallel_loop3A_163 : vector<16xi32>
        %parallel_loop3A_186 = arith.constant -1 : i32
        %parallel_loop3A_187 = vector.broadcast %parallel_loop3A_186 : i32 to vector<16xi32>
        %parallel_loop3A_188 = arith.select %parallel_loop3A_173, %parallel_loop3A_185, %parallel_loop3A_187 : vector<16xi1>, vector<16xi32>
        %parallel_loop3A_189 = arith.constant true
        %parallel_loop3A_190 = vector.broadcast %parallel_loop3A_189 : i1 to vector<16xi1>
        %parallel_loop3A_191 = arith.constant -2147483648 : i32
        %parallel_loop3A_192 = vector.broadcast %parallel_loop3A_191 : i32 to vector<16xi32>
        %parallel_loop3A_193 = arith.xori %parallel_loop3A_166, %parallel_loop3A_192 : vector<16xi32>
        %parallel_loop3A_194 = tpu.scan <max>, %parallel_loop3A_193 masked %parallel_loop3A_190 : vector<16xi32>, vector<16xi1> -> vector<16xi32>
        %parallel_loop3A_195 = arith.xori %parallel_loop3A_194, %parallel_loop3A_192 : vector<16xi32>
        %parallel_loop3A_196 = vector.extract %parallel_loop3A_195[15] : i32 from vector<16xi32>
        %parallel_loop3A_197 = arith.addi %parallel_loop3A_157, %parallel_loop3A_196 : i32
        %parallel_loop3A_198 = arith.constant true
        %parallel_loop3A_199 = vector.broadcast %parallel_loop3A_198 : i1 to vector<16xi1>
        %parallel_loop3A_200 = arith.constant -2147483648 : i32
        %parallel_loop3A_201 = vector.broadcast %parallel_loop3A_200 : i32 to vector<16xi32>
        %parallel_loop3A_202 = arith.xori %parallel_loop3A_184, %parallel_loop3A_201 : vector<16xi32>
        %parallel_loop3A_203 = tpu.scan <max>, %parallel_loop3A_202 masked %parallel_loop3A_199 : vector<16xi32>, vector<16xi1> -> vector<16xi32>
        %parallel_loop3A_204 = arith.xori %parallel_loop3A_203, %parallel_loop3A_201 : vector<16xi32>
        %parallel_loop3A_205 = vector.extract %parallel_loop3A_204[15] : i32 from vector<16xi32>
        %parallel_loop3A_206 = arith.maxsi %parallel_loop3A_158, %parallel_loop3A_205 : i32
        %parallel_loop3A_207 = arith.constant true
        %parallel_loop3A_208 = vector.broadcast %parallel_loop3A_207 : i1 to vector<16xi1>
        %parallel_loop3A_209 = arith.constant -2147483648 : i32
        %parallel_loop3A_210 = vector.broadcast %parallel_loop3A_209 : i32 to vector<16xi32>
        %parallel_loop3A_211 = arith.xori %parallel_loop3A_188, %parallel_loop3A_210 : vector<16xi32>
        %parallel_loop3A_212 = tpu.scan <max>, %parallel_loop3A_211 masked %parallel_loop3A_208 : vector<16xi32>, vector<16xi1> -> vector<16xi32>
        %parallel_loop3A_213 = arith.xori %parallel_loop3A_212, %parallel_loop3A_210 : vector<16xi32>
        %parallel_loop3A_214 = vector.extract %parallel_loop3A_213[15] : i32 from vector<16xi32>
        %parallel_loop3A_215 = arith.maxsi %parallel_loop3A_159, %parallel_loop3A_214 : i32
        scf.yield %parallel_loop3A_197, %parallel_loop3A_206, %parallel_loop3A_215 : i32, i32, i32
      } {sc.loop_unroll_factor = 2 : i64, sc.parallel_access}
      %shift_right_arithmetic3A_48 = arith.constant 16 : i32
      %shift_right_arithmetic3A_49 = arith.shrsi %parallel_loop3A_47#1, %shift_right_arithmetic3A_48 : i32
      %and3A = arith.constant 65535 : i32
      %and3A_50 = arith.andi %parallel_loop3A_47#1, %and3A : i32
      %and3A_51 = arith.constant 65535 : i32
      %and3A_52 = arith.andi %parallel_loop3A_47#2, %and3A_51 : i32
      %sub3A_53 = arith.subi %and3A_50, %and3A_52 : i32
      %sub3A_54 = arith.constant 1024 : i32
      %sub3A_55 = arith.subi %sub3A_54, %sub3A_53 : i32
      %shift_left3A_56 = arith.constant 24 : i32
      %shift_left3A_57 = arith.shli %shift_right_arithmetic3A_49, %shift_left3A_56 : i32
      %or3A = arith.constant 0 : i32
      %or3A_58 = arith.ori %or3A, %shift_left3A_57 : i32
      %parallel_loop3A_59 = arith.constant 0 : i32
      %parallel_loop3A_60 = arith.constant 17 : i32
      %parallel_loop3A_61 = arith.constant 1 : i32
      scf.for %parallel_loop3A_156 = %parallel_loop3A_59 to %parallel_loop3A_60 step %parallel_loop3A_61  : i32 {
        %parallel_loop3A_157 = arith.constant 0 : i32
        %parallel_loop3A_158 = vector.broadcast %parallel_loop3A_157 : i32 to vector<16xi32>
        %parallel_loop3A_159 = arith.constant 16 : i32
        %parallel_loop3A_160 = arith.muli %parallel_loop3A_156, %parallel_loop3A_159 : i32
        %parallel_loop3A_161 = arith.index_cast %parallel_loop3A_160 : i32 to index
        %parallel_loop3A_162 = tpu.vector_load %arg6[%parallel_loop3A_161] {strides = array<i32>} : memref<2048xi32, #tpu.memory_space<vmem>>, vector<16xi32>,
        tpu.vector_store %arg6[%parallel_loop3A_161], %parallel_loop3A_158 {strides = array<i32>} : memref<2048xi32, #tpu.memory_space<vmem>>, vector<16xi32>,
      } {sc.loop_unroll_factor = 4 : i64, sc.parallel_access}
      %parallel_loop3A_62 = arith.constant 0 : i32
      %parallel_loop3A_63 = arith.constant 1 : i32
      %parallel_loop3A_64 = arith.constant 16 : i32
      scf.for %parallel_loop3A_156 = %parallel_loop3A_62 to %shift_right_arithmetic3A_33 step %parallel_loop3A_63  : i32 {
        %parallel_loop3A_157 = arith.constant 16 : i32
        %parallel_loop3A_158 = arith.muli %parallel_loop3A_156, %parallel_loop3A_157 : i32
        %parallel_loop3A_159 = arith.index_cast %parallel_loop3A_158 : i32 to index
        %parallel_loop3A_160 = tpu.vector_load %arg5[%parallel_loop3A_159] {strides = array<i32>} : memref<32784xf32, #tpu.memory_space<vmem>>, vector<16xf32>,
        %parallel_loop3A_161 = tpu.bitcast %parallel_loop3A_160 : vector<16xf32> -> vector<16xi32>
        %parallel_loop3A_162 = arith.constant -2147483648 : i32
        %parallel_loop3A_163 = vector.broadcast %parallel_loop3A_162 : i32 to vector<16xi32>
        %parallel_loop3A_164 = arith.cmpi uge, %parallel_loop3A_161, %parallel_loop3A_163 : vector<16xi32>
        %parallel_loop3A_165 = arith.constant dense<-1> : vector<16xi32>
        %parallel_loop3A_166 = arith.xori %parallel_loop3A_161, %parallel_loop3A_165 : vector<16xi32>
        %parallel_loop3A_167 = arith.constant -2147483648 : i32
        %parallel_loop3A_168 = vector.broadcast %parallel_loop3A_167 : i32 to vector<16xi32>
        %parallel_loop3A_169 = arith.ori %parallel_loop3A_161, %parallel_loop3A_168 : vector<16xi32>
        %parallel_loop3A_170 = arith.select %parallel_loop3A_164, %parallel_loop3A_166, %parallel_loop3A_169 : vector<16xi1>, vector<16xi32>
        %parallel_loop3A_171 = arith.constant 16 : i32
        %parallel_loop3A_172 = arith.muli %parallel_loop3A_156, %parallel_loop3A_171 : i32
        %parallel_loop3A_173 = vector.broadcast %parallel_loop3A_172 : i32 to vector<16xi32>
        %parallel_loop3A_174 = arith.addi %parallel_loop3A_173, %iota3A : vector<16xi32>
        %parallel_loop3A_175 = vector.broadcast %parallel_loop3A_29 : i32 to vector<16xi32>
        %parallel_loop3A_176 = arith.cmpi slt, %parallel_loop3A_174, %parallel_loop3A_175 : vector<16xi32>
        %parallel_loop3A_177 = arith.constant 8 : i32
        %parallel_loop3A_178 = arith.addi %parallel_loop3A_64, %parallel_loop3A_177 : i32
        %parallel_loop3A_179 = vector.broadcast %parallel_loop3A_178 : i32 to vector<16xi32>
        %parallel_loop3A_180 = arith.shrui %parallel_loop3A_170, %parallel_loop3A_179 : vector<16xi32>
        %parallel_loop3A_181 = arith.constant 8 : i32
        %parallel_loop3A_182 = arith.addi %parallel_loop3A_64, %parallel_loop3A_181 : i32
        %parallel_loop3A_183 = arith.shrui %or3A_58, %parallel_loop3A_182 : i32
        %parallel_loop3A_184 = vector.broadcast %parallel_loop3A_183 : i32 to vector<16xi32>
        %parallel_loop3A_185 = arith.cmpi eq, %parallel_loop3A_180, %parallel_loop3A_184 : vector<16xi32>
        %parallel_loop3A_186 = arith.andi %parallel_loop3A_176, %parallel_loop3A_185 : vector<16xi1>
        %parallel_loop3A_187 = vector.broadcast %parallel_loop3A_64 : i32 to vector<16xi32>
        %parallel_loop3A_188 = arith.shrui %parallel_loop3A_170, %parallel_loop3A_187 : vector<16xi32>
        %parallel_loop3A_189 = arith.constant 255 : i32
        %parallel_loop3A_190 = vector.broadcast %parallel_loop3A_189 : i32 to vector<16xi32>
        %parallel_loop3A_191 = arith.andi %parallel_loop3A_188, %parallel_loop3A_190 : vector<16xi32>
        tpu.vector_store_idx %arg6[%parallel_loop3A_191], %broadcast_in_dim3A_14 masked %parallel_loop3A_186 {add = true} : memref<2048xi32, #tpu.memory_space<vmem>>[vector<16xi32>], vector<16xi32>, vector<16xi1>
      } {sc.loop_unroll_factor = 2 : i64, sc.parallel_access}
      %parallel_loop3A_65 = arith.constant 0 : i32
      %parallel_loop3A_66 = arith.constant 16 : i32
      %parallel_loop3A_67 = arith.constant 1 : i32
      %parallel_loop3A_68 = arith.constant 0 : i32
      %parallel_loop3A_69 = arith.constant -1 : i32
      %parallel_loop3A_70 = arith.constant -1 : i32
      %parallel_loop3A_71:3 = scf.for %parallel_loop3A_156 = %parallel_loop3A_65 to %parallel_loop3A_66 step %parallel_loop3A_67 iter_args(%parallel_loop3A_157 = %parallel_loop3A_68, %parallel_loop3A_158 = %parallel_loop3A_69, %parallel_loop3A_159 = %parallel_loop3A_70) -> (i32, i32, i32)  : i32 {
        %parallel_loop3A_160 = arith.constant 16 : i32
        %parallel_loop3A_161 = arith.muli %parallel_loop3A_156, %parallel_loop3A_160 : i32
        %parallel_loop3A_162 = arith.index_cast %parallel_loop3A_161 : i32 to index
        %parallel_loop3A_163 = tpu.vector_load %arg6[%parallel_loop3A_162] {strides = array<i32>} : memref<2048xi32, #tpu.memory_space<vmem>>, vector<16xi32>,
        %parallel_loop3A_164 = arith.constant true
        %parallel_loop3A_165 = vector.broadcast %parallel_loop3A_164 : i1 to vector<16xi1>
        %parallel_loop3A_166 = tpu.scan <sum>, %parallel_loop3A_163 masked %parallel_loop3A_165 : vector<16xi32>, vector<16xi1> -> vector<16xi32>
        %parallel_loop3A_167 = vector.broadcast %parallel_loop3A_157 : i32 to vector<16xi32>
        %parallel_loop3A_168 = arith.addi %parallel_loop3A_167, %parallel_loop3A_166 : vector<16xi32>
        %parallel_loop3A_169 = arith.subi %parallel_loop3A_168, %parallel_loop3A_163 : vector<16xi32>
        %parallel_loop3A_170 = vector.broadcast %and3A_52 : i32 to vector<16xi32>
        %parallel_loop3A_171 = arith.subi %parallel_loop3A_170, %parallel_loop3A_169 : vector<16xi32>
        %parallel_loop3A_172 = vector.broadcast %sub3A_55 : i32 to vector<16xi32>
        %parallel_loop3A_173 = arith.cmpi sge, %parallel_loop3A_171, %parallel_loop3A_172 : vector<16xi32>
        %parallel_loop3A_174 = arith.constant 16 : i32
        %parallel_loop3A_175 = arith.muli %parallel_loop3A_156, %parallel_loop3A_174 : i32
        %parallel_loop3A_176 = vector.broadcast %parallel_loop3A_175 : i32 to vector<16xi32>
        %parallel_loop3A_177 = arith.addi %parallel_loop3A_176, %iota3A : vector<16xi32>
        %parallel_loop3A_178 = arith.constant 16 : i32
        %parallel_loop3A_179 = vector.broadcast %parallel_loop3A_178 : i32 to vector<16xi32>
        %parallel_loop3A_180 = arith.shli %parallel_loop3A_177, %parallel_loop3A_179 : vector<16xi32>
        %parallel_loop3A_181 = arith.addi %parallel_loop3A_180, %parallel_loop3A_171 : vector<16xi32>
        %parallel_loop3A_182 = arith.constant -1 : i32
        %parallel_loop3A_183 = vector.broadcast %parallel_loop3A_182 : i32 to vector<16xi32>
        %parallel_loop3A_184 = arith.select %parallel_loop3A_173, %parallel_loop3A_181, %parallel_loop3A_183 : vector<16xi1>, vector<16xi32>
        %parallel_loop3A_185 = arith.addi %parallel_loop3A_180, %parallel_loop3A_163 : vector<16xi32>
        %parallel_loop3A_186 = arith.constant -1 : i32
        %parallel_loop3A_187 = vector.broadcast %parallel_loop3A_186 : i32 to vector<16xi32>
        %parallel_loop3A_188 = arith.select %parallel_loop3A_173, %parallel_loop3A_185, %parallel_loop3A_187 : vector<16xi1>, vector<16xi32>
        %parallel_loop3A_189 = arith.constant true
        %parallel_loop3A_190 = vector.broadcast %parallel_loop3A_189 : i1 to vector<16xi1>
        %parallel_loop3A_191 = arith.constant -2147483648 : i32
        %parallel_loop3A_192 = vector.broadcast %parallel_loop3A_191 : i32 to vector<16xi32>
        %parallel_loop3A_193 = arith.xori %parallel_loop3A_166, %parallel_loop3A_192 : vector<16xi32>
        %parallel_loop3A_194 = tpu.scan <max>, %parallel_loop3A_193 masked %parallel_loop3A_190 : vector<16xi32>, vector<16xi1> -> vector<16xi32>
        %parallel_loop3A_195 = arith.xori %parallel_loop3A_194, %parallel_loop3A_192 : vector<16xi32>
        %parallel_loop3A_196 = vector.extract %parallel_loop3A_195[15] : i32 from vector<16xi32>
        %parallel_loop3A_197 = arith.addi %parallel_loop3A_157, %parallel_loop3A_196 : i32
        %parallel_loop3A_198 = arith.constant true
        %parallel_loop3A_199 = vector.broadcast %parallel_loop3A_198 : i1 to vector<16xi1>
        %parallel_loop3A_200 = arith.constant -2147483648 : i32
        %parallel_loop3A_201 = vector.broadcast %parallel_loop3A_200 : i32 to vector<16xi32>
        %parallel_loop3A_202 = arith.xori %parallel_loop3A_184, %parallel_loop3A_201 : vector<16xi32>
        %parallel_loop3A_203 = tpu.scan <max>, %parallel_loop3A_202 masked %parallel_loop3A_199 : vector<16xi32>, vector<16xi1> -> vector<16xi32>
        %parallel_loop3A_204 = arith.xori %parallel_loop3A_203, %parallel_loop3A_201 : vector<16xi32>
        %parallel_loop3A_205 = vector.extract %parallel_loop3A_204[15] : i32 from vector<16xi32>
        %parallel_loop3A_206 = arith.maxsi %parallel_loop3A_158, %parallel_loop3A_205 : i32
        %parallel_loop3A_207 = arith.constant true
        %parallel_loop3A_208 = vector.broadcast %parallel_loop3A_207 : i1 to vector<16xi1>
        %parallel_loop3A_209 = arith.constant -2147483648 : i32
        %parallel_loop3A_210 = vector.broadcast %parallel_loop3A_209 : i32 to vector<16xi32>
        %parallel_loop3A_211 = arith.xori %parallel_loop3A_188, %parallel_loop3A_210 : vector<16xi32>
        %parallel_loop3A_212 = tpu.scan <max>, %parallel_loop3A_211 masked %parallel_loop3A_208 : vector<16xi32>, vector<16xi1> -> vector<16xi32>
        %parallel_loop3A_213 = arith.xori %parallel_loop3A_212, %parallel_loop3A_210 : vector<16xi32>
        %parallel_loop3A_214 = vector.extract %parallel_loop3A_213[15] : i32 from vector<16xi32>
        %parallel_loop3A_215 = arith.maxsi %parallel_loop3A_159, %parallel_loop3A_214 : i32
        scf.yield %parallel_loop3A_197, %parallel_loop3A_206, %parallel_loop3A_215 : i32, i32, i32
      } {sc.loop_unroll_factor = 2 : i64, sc.parallel_access}
      %shift_right_arithmetic3A_72 = arith.constant 16 : i32
      %shift_right_arithmetic3A_73 = arith.shrsi %parallel_loop3A_71#1, %shift_right_arithmetic3A_72 : i32
      %and3A_74 = arith.constant 65535 : i32
      %and3A_75 = arith.andi %parallel_loop3A_71#1, %and3A_74 : i32
      %and3A_76 = arith.constant 65535 : i32
      %and3A_77 = arith.andi %parallel_loop3A_71#2, %and3A_76 : i32
      %sub3A_78 = arith.subi %and3A_75, %and3A_77 : i32
      %sub3A_79 = arith.subi %sub3A_55, %sub3A_78 : i32
      %shift_left3A_80 = arith.constant 16 : i32
      %shift_left3A_81 = arith.shli %shift_right_arithmetic3A_73, %shift_left3A_80 : i32
      %or3A_82 = arith.ori %or3A_58, %shift_left3A_81 : i32
      %parallel_loop3A_83 = arith.constant 0 : i32
      %parallel_loop3A_84 = arith.constant 17 : i32
      %parallel_loop3A_85 = arith.constant 1 : i32
      scf.for %parallel_loop3A_156 = %parallel_loop3A_83 to %parallel_loop3A_84 step %parallel_loop3A_85  : i32 {
        %parallel_loop3A_157 = arith.constant 0 : i32
        %parallel_loop3A_158 = vector.broadcast %parallel_loop3A_157 : i32 to vector<16xi32>
        %parallel_loop3A_159 = arith.constant 16 : i32
        %parallel_loop3A_160 = arith.muli %parallel_loop3A_156, %parallel_loop3A_159 : i32
        %parallel_loop3A_161 = arith.index_cast %parallel_loop3A_160 : i32 to index
        %parallel_loop3A_162 = tpu.vector_load %arg6[%parallel_loop3A_161] {strides = array<i32>} : memref<2048xi32, #tpu.memory_space<vmem>>, vector<16xi32>,
        tpu.vector_store %arg6[%parallel_loop3A_161], %parallel_loop3A_158 {strides = array<i32>} : memref<2048xi32, #tpu.memory_space<vmem>>, vector<16xi32>,
      } {sc.loop_unroll_factor = 4 : i64, sc.parallel_access}
      %parallel_loop3A_86 = arith.constant 0 : i32
      %parallel_loop3A_87 = arith.constant 1 : i32
      %parallel_loop3A_88 = arith.constant 8 : i32
      scf.for %parallel_loop3A_156 = %parallel_loop3A_86 to %shift_right_arithmetic3A_33 step %parallel_loop3A_87  : i32 {
        %parallel_loop3A_157 = arith.constant 16 : i32
        %parallel_loop3A_158 = arith.muli %parallel_loop3A_156, %parallel_loop3A_157 : i32
        %parallel_loop3A_159 = arith.index_cast %parallel_loop3A_158 : i32 to index
        %parallel_loop3A_160 = tpu.vector_load %arg5[%parallel_loop3A_159] {strides = array<i32>} : memref<32784xf32, #tpu.memory_space<vmem>>, vector<16xf32>,
        %parallel_loop3A_161 = tpu.bitcast %parallel_loop3A_160 : vector<16xf32> -> vector<16xi32>
        %parallel_loop3A_162 = arith.constant -2147483648 : i32
        %parallel_loop3A_163 = vector.broadcast %parallel_loop3A_162 : i32 to vector<16xi32>
        %parallel_loop3A_164 = arith.cmpi uge, %parallel_loop3A_161, %parallel_loop3A_163 : vector<16xi32>
        %parallel_loop3A_165 = arith.constant dense<-1> : vector<16xi32>
        %parallel_loop3A_166 = arith.xori %parallel_loop3A_161, %parallel_loop3A_165 : vector<16xi32>
        %parallel_loop3A_167 = arith.constant -2147483648 : i32
        %parallel_loop3A_168 = vector.broadcast %parallel_loop3A_167 : i32 to vector<16xi32>
        %parallel_loop3A_169 = arith.ori %parallel_loop3A_161, %parallel_loop3A_168 : vector<16xi32>
        %parallel_loop3A_170 = arith.select %parallel_loop3A_164, %parallel_loop3A_166, %parallel_loop3A_169 : vector<16xi1>, vector<16xi32>
        %parallel_loop3A_171 = arith.constant 16 : i32
        %parallel_loop3A_172 = arith.muli %parallel_loop3A_156, %parallel_loop3A_171 : i32
        %parallel_loop3A_173 = vector.broadcast %parallel_loop3A_172 : i32 to vector<16xi32>
        %parallel_loop3A_174 = arith.addi %parallel_loop3A_173, %iota3A : vector<16xi32>
        %parallel_loop3A_175 = vector.broadcast %parallel_loop3A_29 : i32 to vector<16xi32>
        %parallel_loop3A_176 = arith.cmpi slt, %parallel_loop3A_174, %parallel_loop3A_175 : vector<16xi32>
        %parallel_loop3A_177 = arith.constant 8 : i32
        %parallel_loop3A_178 = arith.addi %parallel_loop3A_88, %parallel_loop3A_177 : i32
        %parallel_loop3A_179 = vector.broadcast %parallel_loop3A_178 : i32 to vector<16xi32>
        %parallel_loop3A_180 = arith.shrui %parallel_loop3A_170, %parallel_loop3A_179 : vector<16xi32>
        %parallel_loop3A_181 = arith.constant 8 : i32
        %parallel_loop3A_182 = arith.addi %parallel_loop3A_88, %parallel_loop3A_181 : i32
        %parallel_loop3A_183 = arith.shrui %or3A_82, %parallel_loop3A_182 : i32
        %parallel_loop3A_184 = vector.broadcast %parallel_loop3A_183 : i32 to vector<16xi32>
        %parallel_loop3A_185 = arith.cmpi eq, %parallel_loop3A_180, %parallel_loop3A_184 : vector<16xi32>
        %parallel_loop3A_186 = arith.andi %parallel_loop3A_176, %parallel_loop3A_185 : vector<16xi1>
        %parallel_loop3A_187 = vector.broadcast %parallel_loop3A_88 : i32 to vector<16xi32>
        %parallel_loop3A_188 = arith.shrui %parallel_loop3A_170, %parallel_loop3A_187 : vector<16xi32>
        %parallel_loop3A_189 = arith.constant 255 : i32
        %parallel_loop3A_190 = vector.broadcast %parallel_loop3A_189 : i32 to vector<16xi32>
        %parallel_loop3A_191 = arith.andi %parallel_loop3A_188, %parallel_loop3A_190 : vector<16xi32>
        tpu.vector_store_idx %arg6[%parallel_loop3A_191], %broadcast_in_dim3A_14 masked %parallel_loop3A_186 {add = true} : memref<2048xi32, #tpu.memory_space<vmem>>[vector<16xi32>], vector<16xi32>, vector<16xi1>
      } {sc.loop_unroll_factor = 2 : i64, sc.parallel_access}
      %parallel_loop3A_89 = arith.constant 0 : i32
      %parallel_loop3A_90 = arith.constant 16 : i32
      %parallel_loop3A_91 = arith.constant 1 : i32
      %parallel_loop3A_92 = arith.constant 0 : i32
      %parallel_loop3A_93 = arith.constant -1 : i32
      %parallel_loop3A_94 = arith.constant -1 : i32
      %parallel_loop3A_95:3 = scf.for %parallel_loop3A_156 = %parallel_loop3A_89 to %parallel_loop3A_90 step %parallel_loop3A_91 iter_args(%parallel_loop3A_157 = %parallel_loop3A_92, %parallel_loop3A_158 = %parallel_loop3A_93, %parallel_loop3A_159 = %parallel_loop3A_94) -> (i32, i32, i32)  : i32 {
        %parallel_loop3A_160 = arith.constant 16 : i32
        %parallel_loop3A_161 = arith.muli %parallel_loop3A_156, %parallel_loop3A_160 : i32
        %parallel_loop3A_162 = arith.index_cast %parallel_loop3A_161 : i32 to index
        %parallel_loop3A_163 = tpu.vector_load %arg6[%parallel_loop3A_162] {strides = array<i32>} : memref<2048xi32, #tpu.memory_space<vmem>>, vector<16xi32>,
        %parallel_loop3A_164 = arith.constant true
        %parallel_loop3A_165 = vector.broadcast %parallel_loop3A_164 : i1 to vector<16xi1>
        %parallel_loop3A_166 = tpu.scan <sum>, %parallel_loop3A_163 masked %parallel_loop3A_165 : vector<16xi32>, vector<16xi1> -> vector<16xi32>
        %parallel_loop3A_167 = vector.broadcast %parallel_loop3A_157 : i32 to vector<16xi32>
        %parallel_loop3A_168 = arith.addi %parallel_loop3A_167, %parallel_loop3A_166 : vector<16xi32>
        %parallel_loop3A_169 = arith.subi %parallel_loop3A_168, %parallel_loop3A_163 : vector<16xi32>
        %parallel_loop3A_170 = vector.broadcast %and3A_77 : i32 to vector<16xi32>
        %parallel_loop3A_171 = arith.subi %parallel_loop3A_170, %parallel_loop3A_169 : vector<16xi32>
        %parallel_loop3A_172 = vector.broadcast %sub3A_79 : i32 to vector<16xi32>
        %parallel_loop3A_173 = arith.cmpi sge, %parallel_loop3A_171, %parallel_loop3A_172 : vector<16xi32>
        %parallel_loop3A_174 = arith.constant 16 : i32
        %parallel_loop3A_175 = arith.muli %parallel_loop3A_156, %parallel_loop3A_174 : i32
        %parallel_loop3A_176 = vector.broadcast %parallel_loop3A_175 : i32 to vector<16xi32>
        %parallel_loop3A_177 = arith.addi %parallel_loop3A_176, %iota3A : vector<16xi32>
        %parallel_loop3A_178 = arith.constant 16 : i32
        %parallel_loop3A_179 = vector.broadcast %parallel_loop3A_178 : i32 to vector<16xi32>
        %parallel_loop3A_180 = arith.shli %parallel_loop3A_177, %parallel_loop3A_179 : vector<16xi32>
        %parallel_loop3A_181 = arith.addi %parallel_loop3A_180, %parallel_loop3A_171 : vector<16xi32>
        %parallel_loop3A_182 = arith.constant -1 : i32
        %parallel_loop3A_183 = vector.broadcast %parallel_loop3A_182 : i32 to vector<16xi32>
        %parallel_loop3A_184 = arith.select %parallel_loop3A_173, %parallel_loop3A_181, %parallel_loop3A_183 : vector<16xi1>, vector<16xi32>
        %parallel_loop3A_185 = arith.addi %parallel_loop3A_180, %parallel_loop3A_163 : vector<16xi32>
        %parallel_loop3A_186 = arith.constant -1 : i32
        %parallel_loop3A_187 = vector.broadcast %parallel_loop3A_186 : i32 to vector<16xi32>
        %parallel_loop3A_188 = arith.select %parallel_loop3A_173, %parallel_loop3A_185, %parallel_loop3A_187 : vector<16xi1>, vector<16xi32>
        %parallel_loop3A_189 = arith.constant true
        %parallel_loop3A_190 = vector.broadcast %parallel_loop3A_189 : i1 to vector<16xi1>
        %parallel_loop3A_191 = arith.constant -2147483648 : i32
        %parallel_loop3A_192 = vector.broadcast %parallel_loop3A_191 : i32 to vector<16xi32>
        %parallel_loop3A_193 = arith.xori %parallel_loop3A_166, %parallel_loop3A_192 : vector<16xi32>
        %parallel_loop3A_194 = tpu.scan <max>, %parallel_loop3A_193 masked %parallel_loop3A_190 : vector<16xi32>, vector<16xi1> -> vector<16xi32>
        %parallel_loop3A_195 = arith.xori %parallel_loop3A_194, %parallel_loop3A_192 : vector<16xi32>
        %parallel_loop3A_196 = vector.extract %parallel_loop3A_195[15] : i32 from vector<16xi32>
        %parallel_loop3A_197 = arith.addi %parallel_loop3A_157, %parallel_loop3A_196 : i32
        %parallel_loop3A_198 = arith.constant true
        %parallel_loop3A_199 = vector.broadcast %parallel_loop3A_198 : i1 to vector<16xi1>
        %parallel_loop3A_200 = arith.constant -2147483648 : i32
        %parallel_loop3A_201 = vector.broadcast %parallel_loop3A_200 : i32 to vector<16xi32>
        %parallel_loop3A_202 = arith.xori %parallel_loop3A_184, %parallel_loop3A_201 : vector<16xi32>
        %parallel_loop3A_203 = tpu.scan <max>, %parallel_loop3A_202 masked %parallel_loop3A_199 : vector<16xi32>, vector<16xi1> -> vector<16xi32>
        %parallel_loop3A_204 = arith.xori %parallel_loop3A_203, %parallel_loop3A_201 : vector<16xi32>
        %parallel_loop3A_205 = vector.extract %parallel_loop3A_204[15] : i32 from vector<16xi32>
        %parallel_loop3A_206 = arith.maxsi %parallel_loop3A_158, %parallel_loop3A_205 : i32
        %parallel_loop3A_207 = arith.constant true
        %parallel_loop3A_208 = vector.broadcast %parallel_loop3A_207 : i1 to vector<16xi1>
        %parallel_loop3A_209 = arith.constant -2147483648 : i32
        %parallel_loop3A_210 = vector.broadcast %parallel_loop3A_209 : i32 to vector<16xi32>
        %parallel_loop3A_211 = arith.xori %parallel_loop3A_188, %parallel_loop3A_210 : vector<16xi32>
        %parallel_loop3A_212 = tpu.scan <max>, %parallel_loop3A_211 masked %parallel_loop3A_208 : vector<16xi32>, vector<16xi1> -> vector<16xi32>
        %parallel_loop3A_213 = arith.xori %parallel_loop3A_212, %parallel_loop3A_210 : vector<16xi32>
        %parallel_loop3A_214 = vector.extract %parallel_loop3A_213[15] : i32 from vector<16xi32>
        %parallel_loop3A_215 = arith.maxsi %parallel_loop3A_159, %parallel_loop3A_214 : i32
        scf.yield %parallel_loop3A_197, %parallel_loop3A_206, %parallel_loop3A_215 : i32, i32, i32
      } {sc.loop_unroll_factor = 2 : i64, sc.parallel_access}
      %shift_right_arithmetic3A_96 = arith.constant 16 : i32
      %shift_right_arithmetic3A_97 = arith.shrsi %parallel_loop3A_95#1, %shift_right_arithmetic3A_96 : i32
      %and3A_98 = arith.constant 65535 : i32
      %and3A_99 = arith.andi %parallel_loop3A_95#1, %and3A_98 : i32
      %and3A_100 = arith.constant 65535 : i32
      %and3A_101 = arith.andi %parallel_loop3A_95#2, %and3A_100 : i32
      %sub3A_102 = arith.subi %and3A_99, %and3A_101 : i32
      %sub3A_103 = arith.subi %sub3A_79, %sub3A_102 : i32
      %shift_left3A_104 = arith.constant 8 : i32
      %shift_left3A_105 = arith.shli %shift_right_arithmetic3A_97, %shift_left3A_104 : i32
      %or3A_106 = arith.ori %or3A_82, %shift_left3A_105 : i32
      %parallel_loop3A_107 = arith.constant 0 : i32
      %parallel_loop3A_108 = arith.constant 17 : i32
      %parallel_loop3A_109 = arith.constant 1 : i32
      scf.for %parallel_loop3A_156 = %parallel_loop3A_107 to %parallel_loop3A_108 step %parallel_loop3A_109  : i32 {
        %parallel_loop3A_157 = arith.constant 0 : i32
        %parallel_loop3A_158 = vector.broadcast %parallel_loop3A_157 : i32 to vector<16xi32>
        %parallel_loop3A_159 = arith.constant 16 : i32
        %parallel_loop3A_160 = arith.muli %parallel_loop3A_156, %parallel_loop3A_159 : i32
        %parallel_loop3A_161 = arith.index_cast %parallel_loop3A_160 : i32 to index
        %parallel_loop3A_162 = tpu.vector_load %arg6[%parallel_loop3A_161] {strides = array<i32>} : memref<2048xi32, #tpu.memory_space<vmem>>, vector<16xi32>,
        tpu.vector_store %arg6[%parallel_loop3A_161], %parallel_loop3A_158 {strides = array<i32>} : memref<2048xi32, #tpu.memory_space<vmem>>, vector<16xi32>,
      } {sc.loop_unroll_factor = 4 : i64, sc.parallel_access}
      %parallel_loop3A_110 = arith.constant 0 : i32
      %parallel_loop3A_111 = arith.constant 1 : i32
      %parallel_loop3A_112 = arith.constant 0 : i32
      scf.for %parallel_loop3A_156 = %parallel_loop3A_110 to %shift_right_arithmetic3A_33 step %parallel_loop3A_111  : i32 {
        %parallel_loop3A_157 = arith.constant 16 : i32
        %parallel_loop3A_158 = arith.muli %parallel_loop3A_156, %parallel_loop3A_157 : i32
        %parallel_loop3A_159 = arith.index_cast %parallel_loop3A_158 : i32 to index
        %parallel_loop3A_160 = tpu.vector_load %arg5[%parallel_loop3A_159] {strides = array<i32>} : memref<32784xf32, #tpu.memory_space<vmem>>, vector<16xf32>,
        %parallel_loop3A_161 = tpu.bitcast %parallel_loop3A_160 : vector<16xf32> -> vector<16xi32>
        %parallel_loop3A_162 = arith.constant -2147483648 : i32
        %parallel_loop3A_163 = vector.broadcast %parallel_loop3A_162 : i32 to vector<16xi32>
        %parallel_loop3A_164 = arith.cmpi uge, %parallel_loop3A_161, %parallel_loop3A_163 : vector<16xi32>
        %parallel_loop3A_165 = arith.constant dense<-1> : vector<16xi32>
        %parallel_loop3A_166 = arith.xori %parallel_loop3A_161, %parallel_loop3A_165 : vector<16xi32>
        %parallel_loop3A_167 = arith.constant -2147483648 : i32
        %parallel_loop3A_168 = vector.broadcast %parallel_loop3A_167 : i32 to vector<16xi32>
        %parallel_loop3A_169 = arith.ori %parallel_loop3A_161, %parallel_loop3A_168 : vector<16xi32>
        %parallel_loop3A_170 = arith.select %parallel_loop3A_164, %parallel_loop3A_166, %parallel_loop3A_169 : vector<16xi1>, vector<16xi32>
        %parallel_loop3A_171 = arith.constant 16 : i32
        %parallel_loop3A_172 = arith.muli %parallel_loop3A_156, %parallel_loop3A_171 : i32
        %parallel_loop3A_173 = vector.broadcast %parallel_loop3A_172 : i32 to vector<16xi32>
        %parallel_loop3A_174 = arith.addi %parallel_loop3A_173, %iota3A : vector<16xi32>
        %parallel_loop3A_175 = vector.broadcast %parallel_loop3A_29 : i32 to vector<16xi32>
        %parallel_loop3A_176 = arith.cmpi slt, %parallel_loop3A_174, %parallel_loop3A_175 : vector<16xi32>
        %parallel_loop3A_177 = arith.constant 8 : i32
        %parallel_loop3A_178 = arith.addi %parallel_loop3A_112, %parallel_loop3A_177 : i32
        %parallel_loop3A_179 = vector.broadcast %parallel_loop3A_178 : i32 to vector<16xi32>
        %parallel_loop3A_180 = arith.shrui %parallel_loop3A_170, %parallel_loop3A_179 : vector<16xi32>
        %parallel_loop3A_181 = arith.constant 8 : i32
        %parallel_loop3A_182 = arith.addi %parallel_loop3A_112, %parallel_loop3A_181 : i32
        %parallel_loop3A_183 = arith.shrui %or3A_106, %parallel_loop3A_182 : i32
        %parallel_loop3A_184 = vector.broadcast %parallel_loop3A_183 : i32 to vector<16xi32>
        %parallel_loop3A_185 = arith.cmpi eq, %parallel_loop3A_180, %parallel_loop3A_184 : vector<16xi32>
        %parallel_loop3A_186 = arith.andi %parallel_loop3A_176, %parallel_loop3A_185 : vector<16xi1>
        %parallel_loop3A_187 = vector.broadcast %parallel_loop3A_112 : i32 to vector<16xi32>
        %parallel_loop3A_188 = arith.shrui %parallel_loop3A_170, %parallel_loop3A_187 : vector<16xi32>
        %parallel_loop3A_189 = arith.constant 255 : i32
        %parallel_loop3A_190 = vector.broadcast %parallel_loop3A_189 : i32 to vector<16xi32>
        %parallel_loop3A_191 = arith.andi %parallel_loop3A_188, %parallel_loop3A_190 : vector<16xi32>
        tpu.vector_store_idx %arg6[%parallel_loop3A_191], %broadcast_in_dim3A_14 masked %parallel_loop3A_186 {add = true} : memref<2048xi32, #tpu.memory_space<vmem>>[vector<16xi32>], vector<16xi32>, vector<16xi1>
      } {sc.loop_unroll_factor = 2 : i64, sc.parallel_access}
      %parallel_loop3A_113 = arith.constant 0 : i32
      %parallel_loop3A_114 = arith.constant 16 : i32
      %parallel_loop3A_115 = arith.constant 1 : i32
      %parallel_loop3A_116 = arith.constant 0 : i32
      %parallel_loop3A_117 = arith.constant -1 : i32
      %parallel_loop3A_118 = arith.constant -1 : i32
      %parallel_loop3A_119:3 = scf.for %parallel_loop3A_156 = %parallel_loop3A_113 to %parallel_loop3A_114 step %parallel_loop3A_115 iter_args(%parallel_loop3A_157 = %parallel_loop3A_116, %parallel_loop3A_158 = %parallel_loop3A_117, %parallel_loop3A_159 = %parallel_loop3A_118) -> (i32, i32, i32)  : i32 {
        %parallel_loop3A_160 = arith.constant 16 : i32
        %parallel_loop3A_161 = arith.muli %parallel_loop3A_156, %parallel_loop3A_160 : i32
        %parallel_loop3A_162 = arith.index_cast %parallel_loop3A_161 : i32 to index
        %parallel_loop3A_163 = tpu.vector_load %arg6[%parallel_loop3A_162] {strides = array<i32>} : memref<2048xi32, #tpu.memory_space<vmem>>, vector<16xi32>,
        %parallel_loop3A_164 = arith.constant true
        %parallel_loop3A_165 = vector.broadcast %parallel_loop3A_164 : i1 to vector<16xi1>
        %parallel_loop3A_166 = tpu.scan <sum>, %parallel_loop3A_163 masked %parallel_loop3A_165 : vector<16xi32>, vector<16xi1> -> vector<16xi32>
        %parallel_loop3A_167 = vector.broadcast %parallel_loop3A_157 : i32 to vector<16xi32>
        %parallel_loop3A_168 = arith.addi %parallel_loop3A_167, %parallel_loop3A_166 : vector<16xi32>
        %parallel_loop3A_169 = arith.subi %parallel_loop3A_168, %parallel_loop3A_163 : vector<16xi32>
        %parallel_loop3A_170 = vector.broadcast %and3A_101 : i32 to vector<16xi32>
        %parallel_loop3A_171 = arith.subi %parallel_loop3A_170, %parallel_loop3A_169 : vector<16xi32>
        %parallel_loop3A_172 = vector.broadcast %sub3A_103 : i32 to vector<16xi32>
        %parallel_loop3A_173 = arith.cmpi sge, %parallel_loop3A_171, %parallel_loop3A_172 : vector<16xi32>
        %parallel_loop3A_174 = arith.constant 16 : i32
        %parallel_loop3A_175 = arith.muli %parallel_loop3A_156, %parallel_loop3A_174 : i32
        %parallel_loop3A_176 = vector.broadcast %parallel_loop3A_175 : i32 to vector<16xi32>
        %parallel_loop3A_177 = arith.addi %parallel_loop3A_176, %iota3A : vector<16xi32>
        %parallel_loop3A_178 = arith.constant 16 : i32
        %parallel_loop3A_179 = vector.broadcast %parallel_loop3A_178 : i32 to vector<16xi32>
        %parallel_loop3A_180 = arith.shli %parallel_loop3A_177, %parallel_loop3A_179 : vector<16xi32>
        %parallel_loop3A_181 = arith.addi %parallel_loop3A_180, %parallel_loop3A_171 : vector<16xi32>
        %parallel_loop3A_182 = arith.constant -1 : i32
        %parallel_loop3A_183 = vector.broadcast %parallel_loop3A_182 : i32 to vector<16xi32>
        %parallel_loop3A_184 = arith.select %parallel_loop3A_173, %parallel_loop3A_181, %parallel_loop3A_183 : vector<16xi1>, vector<16xi32>
        %parallel_loop3A_185 = arith.addi %parallel_loop3A_180, %parallel_loop3A_163 : vector<16xi32>
        %parallel_loop3A_186 = arith.constant -1 : i32
        %parallel_loop3A_187 = vector.broadcast %parallel_loop3A_186 : i32 to vector<16xi32>
        %parallel_loop3A_188 = arith.select %parallel_loop3A_173, %parallel_loop3A_185, %parallel_loop3A_187 : vector<16xi1>, vector<16xi32>
        %parallel_loop3A_189 = arith.constant true
        %parallel_loop3A_190 = vector.broadcast %parallel_loop3A_189 : i1 to vector<16xi1>
        %parallel_loop3A_191 = arith.constant -2147483648 : i32
        %parallel_loop3A_192 = vector.broadcast %parallel_loop3A_191 : i32 to vector<16xi32>
        %parallel_loop3A_193 = arith.xori %parallel_loop3A_166, %parallel_loop3A_192 : vector<16xi32>
        %parallel_loop3A_194 = tpu.scan <max>, %parallel_loop3A_193 masked %parallel_loop3A_190 : vector<16xi32>, vector<16xi1> -> vector<16xi32>
        %parallel_loop3A_195 = arith.xori %parallel_loop3A_194, %parallel_loop3A_192 : vector<16xi32>
        %parallel_loop3A_196 = vector.extract %parallel_loop3A_195[15] : i32 from vector<16xi32>
        %parallel_loop3A_197 = arith.addi %parallel_loop3A_157, %parallel_loop3A_196 : i32
        %parallel_loop3A_198 = arith.constant true
        %parallel_loop3A_199 = vector.broadcast %parallel_loop3A_198 : i1 to vector<16xi1>
        %parallel_loop3A_200 = arith.constant -2147483648 : i32
        %parallel_loop3A_201 = vector.broadcast %parallel_loop3A_200 : i32 to vector<16xi32>
        %parallel_loop3A_202 = arith.xori %parallel_loop3A_184, %parallel_loop3A_201 : vector<16xi32>
        %parallel_loop3A_203 = tpu.scan <max>, %parallel_loop3A_202 masked %parallel_loop3A_199 : vector<16xi32>, vector<16xi1> -> vector<16xi32>
        %parallel_loop3A_204 = arith.xori %parallel_loop3A_203, %parallel_loop3A_201 : vector<16xi32>
        %parallel_loop3A_205 = vector.extract %parallel_loop3A_204[15] : i32 from vector<16xi32>
        %parallel_loop3A_206 = arith.maxsi %parallel_loop3A_158, %parallel_loop3A_205 : i32
        %parallel_loop3A_207 = arith.constant true
        %parallel_loop3A_208 = vector.broadcast %parallel_loop3A_207 : i1 to vector<16xi1>
        %parallel_loop3A_209 = arith.constant -2147483648 : i32
        %parallel_loop3A_210 = vector.broadcast %parallel_loop3A_209 : i32 to vector<16xi32>
        %parallel_loop3A_211 = arith.xori %parallel_loop3A_188, %parallel_loop3A_210 : vector<16xi32>
        %parallel_loop3A_212 = tpu.scan <max>, %parallel_loop3A_211 masked %parallel_loop3A_208 : vector<16xi32>, vector<16xi1> -> vector<16xi32>
        %parallel_loop3A_213 = arith.xori %parallel_loop3A_212, %parallel_loop3A_210 : vector<16xi32>
        %parallel_loop3A_214 = vector.extract %parallel_loop3A_213[15] : i32 from vector<16xi32>
        %parallel_loop3A_215 = arith.maxsi %parallel_loop3A_159, %parallel_loop3A_214 : i32
        scf.yield %parallel_loop3A_197, %parallel_loop3A_206, %parallel_loop3A_215 : i32, i32, i32
      } {sc.loop_unroll_factor = 2 : i64, sc.parallel_access}
      %shift_right_arithmetic3A_120 = arith.constant 16 : i32
      %shift_right_arithmetic3A_121 = arith.shrsi %parallel_loop3A_119#1, %shift_right_arithmetic3A_120 : i32
      %and3A_122 = arith.constant 65535 : i32
      %and3A_123 = arith.andi %parallel_loop3A_119#1, %and3A_122 : i32
      %and3A_124 = arith.constant 65535 : i32
      %and3A_125 = arith.andi %parallel_loop3A_119#2, %and3A_124 : i32
      %sub3A_126 = arith.subi %and3A_123, %and3A_125 : i32
      %sub3A_127 = arith.subi %sub3A_103, %sub3A_126 : i32
      %shift_left3A_128 = arith.constant 0 : i32
      %shift_left3A_129 = arith.shli %shift_right_arithmetic3A_121, %shift_left3A_128 : i32
      %or3A_130 = arith.ori %or3A_106, %shift_left3A_129 : i32
      %parallel_loop3A_131 = arith.constant 0 : i32
      %parallel_loop3A_132 = arith.constant 1 : i32
      %parallel_loop3A_133 = arith.constant 0 : i32
      %parallel_loop3A_134 = scf.for %parallel_loop3A_156 = %parallel_loop3A_131 to %shift_right_arithmetic3A_33 step %parallel_loop3A_132 iter_args(%parallel_loop3A_157 = %parallel_loop3A_133) -> (i32)  : i32 {
        %parallel_loop3A_158 = arith.constant 16 : i32
        %parallel_loop3A_159 = arith.muli %parallel_loop3A_156, %parallel_loop3A_158 : i32
        %parallel_loop3A_160 = arith.index_cast %parallel_loop3A_159 : i32 to index
        %parallel_loop3A_161 = tpu.vector_load %arg5[%parallel_loop3A_160] {strides = array<i32>} : memref<32784xf32, #tpu.memory_space<vmem>>, vector<16xf32>,
        %parallel_loop3A_162 = tpu.bitcast %parallel_loop3A_161 : vector<16xf32> -> vector<16xi32>
        %parallel_loop3A_163 = arith.constant -2147483648 : i32
        %parallel_loop3A_164 = vector.broadcast %parallel_loop3A_163 : i32 to vector<16xi32>
        %parallel_loop3A_165 = arith.cmpi uge, %parallel_loop3A_162, %parallel_loop3A_164 : vector<16xi32>
        %parallel_loop3A_166 = arith.constant dense<-1> : vector<16xi32>
        %parallel_loop3A_167 = arith.xori %parallel_loop3A_162, %parallel_loop3A_166 : vector<16xi32>
        %parallel_loop3A_168 = arith.constant -2147483648 : i32
        %parallel_loop3A_169 = vector.broadcast %parallel_loop3A_168 : i32 to vector<16xi32>
        %parallel_loop3A_170 = arith.ori %parallel_loop3A_162, %parallel_loop3A_169 : vector<16xi32>
        %parallel_loop3A_171 = arith.select %parallel_loop3A_165, %parallel_loop3A_167, %parallel_loop3A_170 : vector<16xi1>, vector<16xi32>
        %parallel_loop3A_172 = arith.constant 16 : i32
        %parallel_loop3A_173 = arith.muli %parallel_loop3A_156, %parallel_loop3A_172 : i32
        %parallel_loop3A_174 = vector.broadcast %parallel_loop3A_173 : i32 to vector<16xi32>
        %parallel_loop3A_175 = arith.addi %parallel_loop3A_174, %iota3A : vector<16xi32>
        %parallel_loop3A_176 = vector.broadcast %parallel_loop3A_29 : i32 to vector<16xi32>
        %parallel_loop3A_177 = arith.cmpi slt, %parallel_loop3A_175, %parallel_loop3A_176 : vector<16xi32>
        %parallel_loop3A_178 = vector.broadcast %or3A_130 : i32 to vector<16xi32>
        %parallel_loop3A_179 = arith.cmpi ugt, %parallel_loop3A_171, %parallel_loop3A_178 : vector<16xi32>
        %parallel_loop3A_180 = arith.andi %parallel_loop3A_177, %parallel_loop3A_179 : vector<16xi1>
        %parallel_loop3A_181 = arith.extui %parallel_loop3A_180 : vector<16xi1> to vector<16xi32>
        %parallel_loop3A_182 = arith.constant true
        %parallel_loop3A_183 = vector.broadcast %parallel_loop3A_182 : i1 to vector<16xi1>
        %parallel_loop3A_184 = tpu.scan <sum>, %parallel_loop3A_181 masked %parallel_loop3A_183 : vector<16xi32>, vector<16xi1> -> vector<16xi32>
        %parallel_loop3A_185 = vector.broadcast %parallel_loop3A_157 : i32 to vector<16xi32>
        %parallel_loop3A_186 = arith.addi %parallel_loop3A_185, %parallel_loop3A_184 : vector<16xi32>
        %parallel_loop3A_187 = arith.constant 1 : i32
        %parallel_loop3A_188 = vector.broadcast %parallel_loop3A_187 : i32 to vector<16xi32>
        %parallel_loop3A_189 = arith.subi %parallel_loop3A_186, %parallel_loop3A_188 : vector<16xi32>
        %parallel_loop3A_190 = arith.constant 1024 : i32
        %parallel_loop3A_191 = vector.broadcast %parallel_loop3A_190 : i32 to vector<16xi32>
        %parallel_loop3A_192 = arith.addi %parallel_loop3A_191, %iota3A : vector<16xi32>
        %parallel_loop3A_193 = arith.select %parallel_loop3A_180, %parallel_loop3A_189, %parallel_loop3A_192 : vector<16xi1>, vector<16xi32>
        tpu.vector_store_idx %arg7[%parallel_loop3A_193], %parallel_loop3A_161 : memref<1040xf32, #tpu.memory_space<vmem>>[vector<16xi32>], vector<16xf32>,
        %parallel_loop3A_194 = arith.constant true
        %parallel_loop3A_195 = vector.broadcast %parallel_loop3A_194 : i1 to vector<16xi1>
        %parallel_loop3A_196 = arith.constant -2147483648 : i32
        %parallel_loop3A_197 = vector.broadcast %parallel_loop3A_196 : i32 to vector<16xi32>
        %parallel_loop3A_198 = arith.xori %parallel_loop3A_184, %parallel_loop3A_197 : vector<16xi32>
        %parallel_loop3A_199 = tpu.scan <max>, %parallel_loop3A_198 masked %parallel_loop3A_195 : vector<16xi32>, vector<16xi1> -> vector<16xi32>
        %parallel_loop3A_200 = arith.xori %parallel_loop3A_199, %parallel_loop3A_197 : vector<16xi32>
        %parallel_loop3A_201 = vector.extract %parallel_loop3A_200[15] : i32 from vector<16xi32>
        %parallel_loop3A_202 = arith.addi %parallel_loop3A_157, %parallel_loop3A_201 : i32
        scf.yield %parallel_loop3A_202 : i32
      } {sc.loop_unroll_factor = 4 : i64, sc.parallel_access}
      %ge3A = arith.constant -2147483648 : i32
      %ge3A_135 = arith.cmpi uge, %or3A_130, %ge3A : i32
      %xor3A = arith.constant -2147483648 : i32
      %xor3A_136 = arith.xori %or3A_130, %xor3A : i32
      %not3A = arith.constant -1 : i32
      %not3A_137 = arith.xori %or3A_130, %not3A : i32
      %select_n3A = arith.select %ge3A_135, %xor3A_136, %not3A_137 : i32
      %broadcast_in_dim3A_138 = vector.broadcast %select_n3A : i32 to vector<16xi32>
      %bitcast_convert_type3A = tpu.bitcast %broadcast_in_dim3A_138 : vector<16xi32> -> vector<16xf32>
      %shift_right_arithmetic3A_139 = arith.constant 4 : i32
      %shift_right_arithmetic3A_140 = arith.shrsi %parallel_loop3A_134, %shift_right_arithmetic3A_139 : i32
      %parallel_loop3A_141 = arith.constant 64 : i32
      %parallel_loop3A_142 = arith.constant 1 : i32
      scf.for %parallel_loop3A_156 = %shift_right_arithmetic3A_140 to %parallel_loop3A_141 step %parallel_loop3A_142  : i32 {
        %parallel_loop3A_157 = arith.constant 16 : i32
        %parallel_loop3A_158 = arith.muli %parallel_loop3A_156, %parallel_loop3A_157 : i32
        %parallel_loop3A_159 = arith.index_cast %parallel_loop3A_158 : i32 to index
        %parallel_loop3A_160 = tpu.vector_load %arg7[%parallel_loop3A_159] {strides = array<i32>} : memref<1040xf32, #tpu.memory_space<vmem>>, vector<16xf32>,
        %parallel_loop3A_161 = arith.constant 16 : i32
        %parallel_loop3A_162 = arith.muli %parallel_loop3A_156, %parallel_loop3A_161 : i32
        %parallel_loop3A_163 = vector.broadcast %parallel_loop3A_162 : i32 to vector<16xi32>
        %parallel_loop3A_164 = arith.addi %parallel_loop3A_163, %iota3A : vector<16xi32>
        %parallel_loop3A_165 = vector.broadcast %parallel_loop3A_134 : i32 to vector<16xi32>
        %parallel_loop3A_166 = arith.cmpi sge, %parallel_loop3A_164, %parallel_loop3A_165 : vector<16xi32>
        %parallel_loop3A_167 = arith.select %parallel_loop3A_166, %bitcast_convert_type3A, %parallel_loop3A_160 : vector<16xi1>, vector<16xf32>
        %parallel_loop3A_168 = arith.constant 16 : i32
        %parallel_loop3A_169 = arith.muli %parallel_loop3A_156, %parallel_loop3A_168 : i32
        %parallel_loop3A_170 = arith.index_cast %parallel_loop3A_169 : i32 to index
        %parallel_loop3A_171 = tpu.vector_load %arg7[%parallel_loop3A_170] {strides = array<i32>} : memref<1040xf32, #tpu.memory_space<vmem>>, vector<16xf32>,
        tpu.vector_store %arg7[%parallel_loop3A_170], %parallel_loop3A_167 {strides = array<i32>} : memref<1040xf32, #tpu.memory_space<vmem>>, vector<16xf32>,
      } {sc.loop_unroll_factor = 2 : i64, sc.parallel_access}
      %parallel_loop3A_143 = arith.constant 0 : i32
      %parallel_loop3A_144 = arith.constant 64 : i32
      %parallel_loop3A_145 = arith.constant 1 : i32
      scf.for %parallel_loop3A_156 = %parallel_loop3A_143 to %parallel_loop3A_144 step %parallel_loop3A_145  : i32 {
        %parallel_loop3A_157 = arith.constant 16 : i32
        %parallel_loop3A_158 = arith.muli %parallel_loop3A_156, %parallel_loop3A_157 : i32
        %parallel_loop3A_159 = arith.index_cast %parallel_loop3A_158 : i32 to index
        %parallel_loop3A_160 = tpu.vector_load %arg7[%parallel_loop3A_159] {strides = array<i32>} : memref<1040xf32, #tpu.memory_space<vmem>>, vector<16xf32>,
        %parallel_loop3A_161 = arith.constant dense<true> : vector<16xi1>
        %parallel_loop3A_162, %parallel_loop3A_163, %parallel_loop3A_164 = tpu.sort %parallel_loop3A_160, %parallel_loop3A_160 masked %parallel_loop3A_161 : (vector<16xf32>, vector<16xf32>, vector<16xi1>) -> (vector<16xi1>, vector<16xf32>, vector<16xf32>)
        %parallel_loop3A_165 = arith.constant 16 : i32
        %parallel_loop3A_166 = arith.muli %parallel_loop3A_156, %parallel_loop3A_165 : i32
        %parallel_loop3A_167 = arith.index_cast %parallel_loop3A_166 : i32 to index
        %parallel_loop3A_168 = tpu.vector_load %arg7[%parallel_loop3A_167] {strides = array<i32>} : memref<1040xf32, #tpu.memory_space<vmem>>, vector<16xf32>,
        tpu.vector_store %arg7[%parallel_loop3A_167], %parallel_loop3A_163 {strides = array<i32>} : memref<1040xf32, #tpu.memory_space<vmem>>, vector<16xf32>,
      } {sc.loop_unroll_factor = 4 : i64, sc.parallel_access}
      %scan3A_146 = arith.constant 0 : i32
      %scan3A_147 = arith.constant 0 : i32
      %scan3A_148 = arith.constant 6 : i32
      %scan3A_149 = arith.addi %scan3A_147, %scan3A_148 : i32
      %scan3A_150 = arith.constant 1 : i32
      scf.for %scan3A_156 = %scan3A_147 to %scan3A_149 step %scan3A_150  : i32 {
        %shift_left3A_157 = arith.constant 1 : i32
        %shift_left3A_158 = arith.shli %shift_left3A_157, %scan3A_156 : i32
        %sub3A_159 = arith.constant 1 : i32
        %sub3A_160 = arith.subi %shift_left3A_158, %sub3A_159 : i32
        %parallel_loop3A_161 = arith.constant 0 : i32
        %parallel_loop3A_162 = arith.constant 32 : i32
        %parallel_loop3A_163 = arith.constant 1 : i32
        scf.for %parallel_loop3A_176 = %parallel_loop3A_161 to %parallel_loop3A_162 step %parallel_loop3A_163  : i32 {
          %parallel_loop3A_177 = arith.shrsi %parallel_loop3A_176, %scan3A_156 : i32
          %parallel_loop3A_178 = arith.andi %parallel_loop3A_176, %sub3A_160 : i32
          %parallel_loop3A_179 = arith.constant 1 : i32
          %parallel_loop3A_180 = arith.addi %scan3A_156, %parallel_loop3A_179 : i32
          %parallel_loop3A_181 = arith.shli %parallel_loop3A_177, %parallel_loop3A_180 : i32
          %parallel_loop3A_182 = arith.addi %parallel_loop3A_181, %parallel_loop3A_178 : i32
          %parallel_loop3A_183 = arith.subi %sub3A_160, %parallel_loop3A_178 : i32
          %parallel_loop3A_184 = arith.constant 1 : i32
          %parallel_loop3A_185 = arith.shli %parallel_loop3A_183, %parallel_loop3A_184 : i32
          %parallel_loop3A_186 = arith.addi %parallel_loop3A_182, %parallel_loop3A_185 : i32
          %parallel_loop3A_187 = arith.constant 1 : i32
          %parallel_loop3A_188 = arith.addi %parallel_loop3A_186, %parallel_loop3A_187 : i32
          %parallel_loop3A_189 = arith.constant 16 : i32
          %parallel_loop3A_190 = arith.muli %parallel_loop3A_182, %parallel_loop3A_189 : i32
          %parallel_loop3A_191 = arith.index_cast %parallel_loop3A_190 : i32 to index
          %parallel_loop3A_192 = tpu.vector_load %arg7[%parallel_loop3A_191] {strides = array<i32>} : memref<1040xf32, #tpu.memory_space<vmem>>, vector<16xf32>,
          %parallel_loop3A_193 = arith.constant 16 : i32
          %parallel_loop3A_194 = arith.muli %parallel_loop3A_188, %parallel_loop3A_193 : i32
          %parallel_loop3A_195 = arith.index_cast %parallel_loop3A_194 : i32 to index
          %parallel_loop3A_196 = tpu.vector_load %arg7[%parallel_loop3A_195] {strides = array<i32>} : memref<1040xf32, #tpu.memory_space<vmem>>, vector<16xf32>,
          %parallel_loop3A_197 = arith.constant 15 : i32
          %parallel_loop3A_198 = vector.broadcast %parallel_loop3A_197 : i32 to vector<16xi32>
          %parallel_loop3A_199 = tpu.iota {dimensions = array<i32: 0>} : vector<16xi32>
          %parallel_loop3A_200 = arith.subi %parallel_loop3A_198, %parallel_loop3A_199 : vector<16xi32>
          %parallel_loop3A_201 = tpu.dynamic_gather %parallel_loop3A_196[%parallel_loop3A_200] in [0] : vector<16xf32>, vector<16xi32> -> vector<16xf32>
          %parallel_loop3A_202 = arith.minimumf %parallel_loop3A_192, %parallel_loop3A_201 : vector<16xf32>
          %parallel_loop3A_203 = arith.constant 16 : i32
          %parallel_loop3A_204 = arith.muli %parallel_loop3A_182, %parallel_loop3A_203 : i32
          %parallel_loop3A_205 = arith.index_cast %parallel_loop3A_204 : i32 to index
          %parallel_loop3A_206 = tpu.vector_load %arg7[%parallel_loop3A_205] {strides = array<i32>} : memref<1040xf32, #tpu.memory_space<vmem>>, vector<16xf32>,
          tpu.vector_store %arg7[%parallel_loop3A_205], %parallel_loop3A_202 {strides = array<i32>} : memref<1040xf32, #tpu.memory_space<vmem>>, vector<16xf32>,
          %parallel_loop3A_207 = arith.maximumf %parallel_loop3A_192, %parallel_loop3A_201 : vector<16xf32>
          %parallel_loop3A_208 = arith.constant 15 : i32
          %parallel_loop3A_209 = vector.broadcast %parallel_loop3A_208 : i32 to vector<16xi32>
          %parallel_loop3A_210 = tpu.iota {dimensions = array<i32: 0>} : vector<16xi32>
          %parallel_loop3A_211 = arith.subi %parallel_loop3A_209, %parallel_loop3A_210 : vector<16xi32>
          %parallel_loop3A_212 = tpu.dynamic_gather %parallel_loop3A_207[%parallel_loop3A_211] in [0] : vector<16xf32>, vector<16xi32> -> vector<16xf32>
          %parallel_loop3A_213 = arith.constant 16 : i32
          %parallel_loop3A_214 = arith.muli %parallel_loop3A_188, %parallel_loop3A_213 : i32
          %parallel_loop3A_215 = arith.index_cast %parallel_loop3A_214 : i32 to index
          %parallel_loop3A_216 = tpu.vector_load %arg7[%parallel_loop3A_215] {strides = array<i32>} : memref<1040xf32, #tpu.memory_space<vmem>>, vector<16xf32>,
          tpu.vector_store %arg7[%parallel_loop3A_215], %parallel_loop3A_212 {strides = array<i32>} : memref<1040xf32, #tpu.memory_space<vmem>>, vector<16xf32>,
        } {sc.loop_unroll_factor = 4 : i64, sc.parallel_access}
        %while3A = arith.constant 0 : i32
        %while3A_164 = arith.constant 0 : i32
        %while3A_165 = arith.subi %scan3A_156, %while3A_164 : i32
        %while3A_166 = arith.addi %while3A_164, %while3A_165 : i32
        %while3A_167 = arith.constant 1 : i32
        %while3A_168 = arith.divsi %while3A_165, %while3A_167 : i32
        %while3A_169 = arith.muli %while3A_168, %while3A_167 : i32
        %while3A_170 = arith.addi %while3A_164, %while3A_169 : i32
        %while3A_171 = arith.constant 1 : i32
        scf.for %while3A_176 = %while3A_164 to %while3A_170 step %while3A_171  : i32 {
          %sub3A_177 = arith.constant 1 : i32
          %sub3A_178 = arith.subi %scan3A_156, %sub3A_177 : i32
          %sub3A_179 = arith.subi %sub3A_178, %while3A_176 : i32
          %shift_left3A_180 = arith.constant 1 : i32
          %shift_left3A_181 = arith.shli %shift_left3A_180, %sub3A_179 : i32
          %sub3A_182 = arith.constant 1 : i32
          %sub3A_183 = arith.subi %shift_left3A_181, %sub3A_182 : i32
          %parallel_loop3A_184 = arith.constant 0 : i32
          %parallel_loop3A_185 = arith.constant 32 : i32
          %parallel_loop3A_186 = arith.constant 1 : i32
          scf.for %parallel_loop3A_187 = %parallel_loop3A_184 to %parallel_loop3A_185 step %parallel_loop3A_186  : i32 {
            %parallel_loop3A_188 = arith.shrsi %parallel_loop3A_187, %sub3A_179 : i32
            %parallel_loop3A_189 = arith.constant 1 : i32
            %parallel_loop3A_190 = arith.addi %sub3A_179, %parallel_loop3A_189 : i32
            %parallel_loop3A_191 = arith.shli %parallel_loop3A_188, %parallel_loop3A_190 : i32
            %parallel_loop3A_192 = arith.andi %parallel_loop3A_187, %sub3A_183 : i32
            %parallel_loop3A_193 = arith.addi %parallel_loop3A_191, %parallel_loop3A_192 : i32
            %parallel_loop3A_194 = arith.addi %parallel_loop3A_193, %shift_left3A_181 : i32
            %parallel_loop3A_195 = arith.constant 16 : i32
            %parallel_loop3A_196 = arith.muli %parallel_loop3A_193, %parallel_loop3A_195 : i32
            %parallel_loop3A_197 = arith.index_cast %parallel_loop3A_196 : i32 to index
            %parallel_loop3A_198 = tpu.vector_load %arg7[%parallel_loop3A_197] {strides = array<i32>} : memref<1040xf32, #tpu.memory_space<vmem>>, vector<16xf32>,
            %parallel_loop3A_199 = arith.constant 16 : i32
            %parallel_loop3A_200 = arith.muli %parallel_loop3A_194, %parallel_loop3A_199 : i32
            %parallel_loop3A_201 = arith.index_cast %parallel_loop3A_200 : i32 to index
            %parallel_loop3A_202 = tpu.vector_load %arg7[%parallel_loop3A_201] {strides = array<i32>} : memref<1040xf32, #tpu.memory_space<vmem>>, vector<16xf32>,
            %parallel_loop3A_203 = arith.minimumf %parallel_loop3A_198, %parallel_loop3A_202 : vector<16xf32>
            %parallel_loop3A_204 = arith.constant 16 : i32
            %parallel_loop3A_205 = arith.muli %parallel_loop3A_193, %parallel_loop3A_204 : i32
            %parallel_loop3A_206 = arith.index_cast %parallel_loop3A_205 : i32 to index
            %parallel_loop3A_207 = tpu.vector_load %arg7[%parallel_loop3A_206] {strides = array<i32>} : memref<1040xf32, #tpu.memory_space<vmem>>, vector<16xf32>,
            tpu.vector_store %arg7[%parallel_loop3A_206], %parallel_loop3A_203 {strides = array<i32>} : memref<1040xf32, #tpu.memory_space<vmem>>, vector<16xf32>,
            %parallel_loop3A_208 = arith.maximumf %parallel_loop3A_198, %parallel_loop3A_202 : vector<16xf32>
            %parallel_loop3A_209 = arith.constant 16 : i32
            %parallel_loop3A_210 = arith.muli %parallel_loop3A_194, %parallel_loop3A_209 : i32
            %parallel_loop3A_211 = arith.index_cast %parallel_loop3A_210 : i32 to index
            %parallel_loop3A_212 = tpu.vector_load %arg7[%parallel_loop3A_211] {strides = array<i32>} : memref<1040xf32, #tpu.memory_space<vmem>>, vector<16xf32>,
            tpu.vector_store %arg7[%parallel_loop3A_211], %parallel_loop3A_208 {strides = array<i32>} : memref<1040xf32, #tpu.memory_space<vmem>>, vector<16xf32>,
          } {sc.loop_unroll_factor = 4 : i64, sc.parallel_access}
        }
        %while3A_172 = arith.constant 1 : i32
        scf.for %while3A_176 = %while3A_170 to %while3A_166 step %while3A_172  : i32 {
          %sub3A_177 = arith.constant 1 : i32
          %sub3A_178 = arith.subi %scan3A_156, %sub3A_177 : i32
          %sub3A_179 = arith.subi %sub3A_178, %while3A_176 : i32
          %shift_left3A_180 = arith.constant 1 : i32
          %shift_left3A_181 = arith.shli %shift_left3A_180, %sub3A_179 : i32
          %sub3A_182 = arith.constant 1 : i32
          %sub3A_183 = arith.subi %shift_left3A_181, %sub3A_182 : i32
          %parallel_loop3A_184 = arith.constant 0 : i32
          %parallel_loop3A_185 = arith.constant 32 : i32
          %parallel_loop3A_186 = arith.constant 1 : i32
          scf.for %parallel_loop3A_187 = %parallel_loop3A_184 to %parallel_loop3A_185 step %parallel_loop3A_186  : i32 {
            %parallel_loop3A_188 = arith.shrsi %parallel_loop3A_187, %sub3A_179 : i32
            %parallel_loop3A_189 = arith.constant 1 : i32
            %parallel_loop3A_190 = arith.addi %sub3A_179, %parallel_loop3A_189 : i32
            %parallel_loop3A_191 = arith.shli %parallel_loop3A_188, %parallel_loop3A_190 : i32
            %parallel_loop3A_192 = arith.andi %parallel_loop3A_187, %sub3A_183 : i32
            %parallel_loop3A_193 = arith.addi %parallel_loop3A_191, %parallel_loop3A_192 : i32
            %parallel_loop3A_194 = arith.addi %parallel_loop3A_193, %shift_left3A_181 : i32
            %parallel_loop3A_195 = arith.constant 16 : i32
            %parallel_loop3A_196 = arith.muli %parallel_loop3A_193, %parallel_loop3A_195 : i32
            %parallel_loop3A_197 = arith.index_cast %parallel_loop3A_196 : i32 to index
            %parallel_loop3A_198 = tpu.vector_load %arg7[%parallel_loop3A_197] {strides = array<i32>} : memref<1040xf32, #tpu.memory_space<vmem>>, vector<16xf32>,
            %parallel_loop3A_199 = arith.constant 16 : i32
            %parallel_loop3A_200 = arith.muli %parallel_loop3A_194, %parallel_loop3A_199 : i32
            %parallel_loop3A_201 = arith.index_cast %parallel_loop3A_200 : i32 to index
            %parallel_loop3A_202 = tpu.vector_load %arg7[%parallel_loop3A_201] {strides = array<i32>} : memref<1040xf32, #tpu.memory_space<vmem>>, vector<16xf32>,
            %parallel_loop3A_203 = arith.minimumf %parallel_loop3A_198, %parallel_loop3A_202 : vector<16xf32>
            %parallel_loop3A_204 = arith.constant 16 : i32
            %parallel_loop3A_205 = arith.muli %parallel_loop3A_193, %parallel_loop3A_204 : i32
            %parallel_loop3A_206 = arith.index_cast %parallel_loop3A_205 : i32 to index
            %parallel_loop3A_207 = tpu.vector_load %arg7[%parallel_loop3A_206] {strides = array<i32>} : memref<1040xf32, #tpu.memory_space<vmem>>, vector<16xf32>,
            tpu.vector_store %arg7[%parallel_loop3A_206], %parallel_loop3A_203 {strides = array<i32>} : memref<1040xf32, #tpu.memory_space<vmem>>, vector<16xf32>,
            %parallel_loop3A_208 = arith.maximumf %parallel_loop3A_198, %parallel_loop3A_202 : vector<16xf32>
            %parallel_loop3A_209 = arith.constant 16 : i32
            %parallel_loop3A_210 = arith.muli %parallel_loop3A_194, %parallel_loop3A_209 : i32
            %parallel_loop3A_211 = arith.index_cast %parallel_loop3A_210 : i32 to index
            %parallel_loop3A_212 = tpu.vector_load %arg7[%parallel_loop3A_211] {strides = array<i32>} : memref<1040xf32, #tpu.memory_space<vmem>>, vector<16xf32>,
            tpu.vector_store %arg7[%parallel_loop3A_211], %parallel_loop3A_208 {strides = array<i32>} : memref<1040xf32, #tpu.memory_space<vmem>>, vector<16xf32>,
          } {sc.loop_unroll_factor = 4 : i64, sc.parallel_access}
        }
        %parallel_loop3A_173 = arith.constant 0 : i32
        %parallel_loop3A_174 = arith.constant 64 : i32
        %parallel_loop3A_175 = arith.constant 1 : i32
        scf.for %parallel_loop3A_176 = %parallel_loop3A_173 to %parallel_loop3A_174 step %parallel_loop3A_175  : i32 {
          %parallel_loop3A_177 = arith.constant 16 : i32
          %parallel_loop3A_178 = arith.muli %parallel_loop3A_176, %parallel_loop3A_177 : i32
          %parallel_loop3A_179 = arith.index_cast %parallel_loop3A_178 : i32 to index
          %parallel_loop3A_180 = tpu.vector_load %arg7[%parallel_loop3A_179] {strides = array<i32>} : memref<1040xf32, #tpu.memory_space<vmem>>, vector<16xf32>,
          %parallel_loop3A_181 = arith.constant dense<true> : vector<16xi1>
          %parallel_loop3A_182, %parallel_loop3A_183, %parallel_loop3A_184 = tpu.sort %parallel_loop3A_180, %parallel_loop3A_180 masked %parallel_loop3A_181 : (vector<16xf32>, vector<16xf32>, vector<16xi1>) -> (vector<16xi1>, vector<16xf32>, vector<16xf32>)
          %parallel_loop3A_185 = arith.constant 16 : i32
          %parallel_loop3A_186 = arith.muli %parallel_loop3A_176, %parallel_loop3A_185 : i32
          %parallel_loop3A_187 = arith.index_cast %parallel_loop3A_186 : i32 to index
          %parallel_loop3A_188 = tpu.vector_load %arg7[%parallel_loop3A_187] {strides = array<i32>} : memref<1040xf32, #tpu.memory_space<vmem>>, vector<16xf32>,
          tpu.vector_store %arg7[%parallel_loop3A_187], %parallel_loop3A_183 {strides = array<i32>} : memref<1040xf32, #tpu.memory_space<vmem>>, vector<16xf32>,
        } {sc.loop_unroll_factor = 4 : i64, sc.parallel_access}
      }
      %scan3A_151 = arith.constant 6 : i32
      %parallel_loop3A_152 = arith.constant 0 : i32
      %parallel_loop3A_153 = arith.constant 64 : i32
      %parallel_loop3A_154 = arith.constant 1 : i32
      scf.for %parallel_loop3A_156 = %parallel_loop3A_152 to %parallel_loop3A_153 step %parallel_loop3A_154  : i32 {
        %parallel_loop3A_157 = arith.constant 63 : i32
        %parallel_loop3A_158 = arith.subi %parallel_loop3A_157, %parallel_loop3A_156 : i32
        %parallel_loop3A_159 = arith.constant 16 : i32
        %parallel_loop3A_160 = arith.muli %parallel_loop3A_158, %parallel_loop3A_159 : i32
        %parallel_loop3A_161 = arith.index_cast %parallel_loop3A_160 : i32 to index
        %parallel_loop3A_162 = tpu.vector_load %arg7[%parallel_loop3A_161] {strides = array<i32>} : memref<1040xf32, #tpu.memory_space<vmem>>, vector<16xf32>,
        %parallel_loop3A_163 = arith.constant 15 : i32
        %parallel_loop3A_164 = vector.broadcast %parallel_loop3A_163 : i32 to vector<16xi32>
        %parallel_loop3A_165 = tpu.iota {dimensions = array<i32: 0>} : vector<16xi32>
        %parallel_loop3A_166 = arith.subi %parallel_loop3A_164, %parallel_loop3A_165 : vector<16xi32>
        %parallel_loop3A_167 = tpu.dynamic_gather %parallel_loop3A_162[%parallel_loop3A_166] in [0] : vector<16xf32>, vector<16xi32> -> vector<16xf32>
        %parallel_loop3A_168 = arith.constant 16 : i32
        %parallel_loop3A_169 = arith.muli %parallel_loop3A_156, %parallel_loop3A_168 : i32
        %parallel_loop3A_170 = arith.index_cast %parallel_loop3A_169 : i32 to index
        %parallel_loop3A_171 = tpu.vector_load %arg8[%parallel_loop3A_170] {strides = array<i32>} : memref<1024xf32, #tpu.memory_space<vmem>>, vector<16xf32>,
        tpu.vector_store %arg8[%parallel_loop3A_170], %parallel_loop3A_167 {strides = array<i32>} : memref<1024xf32, #tpu.memory_space<vmem>>, vector<16xf32>,
      } {sc.loop_unroll_factor = 4 : i64, sc.parallel_access}
      "tpu.region"() ({
        %run_scoped3A = tpu.sem_alloc : memref<!tpu.dma_semaphore, #tpu.memory_space<semaphore_mem>>
        %dma_start3A = arith.constant 0 : i32
        %dma_start3A_156 = tpu.memref_slice %arg3[%add3A_11, %dma_start3A] : memref<128x1024xf32, #tpu.memory_space<hbm>> -> memref<1x1024xf32, #tpu.memory_space<hbm>>
        %dma_start3A_157 = tpu.memref_squeeze %dma_start3A_156 : memref<1x1024xf32, #tpu.memory_space<hbm>> -> memref<1024xf32, #tpu.memory_space<hbm>>
        %dma_start3A_158 = arith.constant 0 : i32
        %dma_start3A_159 = tpu.memref_slice %arg3[%add3A_11, %dma_start3A_158] : memref<128x1024xf32, #tpu.memory_space<hbm>> -> memref<1x1024xf32, #tpu.memory_space<hbm>>
        %dma_start3A_160 = tpu.memref_squeeze %dma_start3A_159 : memref<1x1024xf32, #tpu.memory_space<hbm>> -> memref<1024xf32, #tpu.memory_space<hbm>>
        tpu.enqueue_dma source(%arg8 : memref<1024xf32, #tpu.memory_space<vmem>>) target(%dma_start3A_160 : memref<1024xf32, #tpu.memory_space<hbm>>) target_semaphore(%run_scoped3A : memref<!tpu.dma_semaphore, #tpu.memory_space<semaphore_mem>>)
        %dma_wait3A = arith.constant 0 : i32
        %dma_wait3A_161 = tpu.memref_slice %arg3[%add3A_11, %dma_wait3A] : memref<128x1024xf32, #tpu.memory_space<hbm>> -> memref<1x1024xf32, #tpu.memory_space<hbm>>
        %dma_wait3A_162 = tpu.memref_squeeze %dma_wait3A_161 : memref<1x1024xf32, #tpu.memory_space<hbm>> -> memref<1024xf32, #tpu.memory_space<hbm>>
        %dma_wait3A_163 = arith.constant 0 : i32
        %dma_wait3A_164 = tpu.memref_slice %arg3[%add3A_11, %dma_wait3A_163] : memref<128x1024xf32, #tpu.memory_space<hbm>> -> memref<1x1024xf32, #tpu.memory_space<hbm>>
        %dma_wait3A_165 = tpu.memref_squeeze %dma_wait3A_164 : memref<1x1024xf32, #tpu.memory_space<hbm>> -> memref<1024xf32, #tpu.memory_space<hbm>>
        tpu.wait_dma2 semaphore(%run_scoped3A : memref<!tpu.dma_semaphore, #tpu.memory_space<semaphore_mem>>) src(%arg8 : memref<1024xf32, #tpu.memory_space<vmem>>) dst(%dma_wait3A_165 : memref<1024xf32, #tpu.memory_space<hbm>>)
        tpu.yield
      }) : () -> ()
      %scan3A_155 = arith.constant 0 : i32
      scf.yield %scan3A_155 : i32
    }
    %scan3A_6 = arith.constant 4 : i32
    return
  }
}

</mosaic_0001>

<sc_bundles>
// kernel: kernel.3.cloned.1.call-start
scs
__scs_entry_jumppad:
0x0: {  	(pc) =	sbr.rel $0x88, $3  }
0x1: {  	(tag) =	ssettag $0x0;
	lr =	simm.s32 $0x1  }
0x2: {  	[smem:$0x3FA0] =	sst lr;
	_ =	strace $0xD0000000  }
0x3: {  	_ = 	snop  }
0x4: {  	_ = 	snop  }
0x5: {  	_ = 	snop  }
0x6: {  	_ = 	snop  }
0x7: {  	_ = 	snop  }
__scs_overlays_trampoline_lowered:
0x8: {  	[smem:$0x3FAF] =	sst s0  }
0x9: {  	[smem:$0x3FB0] =	sst s1  }
0xa: {  	[smem:$0x3FB1] =	sst s2  }
0xb: {  	[smem:$0x3FB2] =	sst s3  }
0xc: {  	[smem:$0x3FB3] =	sst s4  }
0xd: {  	[smem:$0x3FB4] =	sst s5  }
0xe: {  	[smem:$0x3FB5] =	sst s6  }
0xf: {  	[smem:$0x3FB6] =	sst s7  }
0x10: {  	[smem:$0x3FB7] =	sst s8  }
0x11: {  	[smem:$0x3FB8] =	sst s9;
	s0 =	simm.s32 @!p0 $0x0  }
0x12: {  	s1 =	sld [smem:$0x3F9E];
	s0 =	simm.s32 @p0 $0x1  }
0x13: {  	[smem:$0x3FB9] =	sst s0;
	s0 =	simm.s32 @!p1 $0x0  }
0x14: {  	s2 =	sld [smem:$0x3F9D];
	s0 =	simm.s32 @p1 $0x1  }
0x15: {  	[smem:$0x3FBA] =	sst s0;
	s0 =	simm.s32 @!p2 $0x0  }
0x16: {  	s3 =	sld [smem:$0x3FDB];
	s0 =	simm.s32 @p2 $0x1  }
0x17: {  	s4 =	simm.s32 $0x1BF5;
	[smem:$0x3FBC] =	sst s0  }
0x18: {  	s0 =	sld [smem:$0x3F9F];
	_ =	swait.ge [sflag:s4], $0x0  }
0x19: {  	s7 =	sld [smem:$0x3FA0]  }
0x1a: {  	s8 =	sadd.s32 $0xFFFFE003, lr  }
0x1b: {  	s9 =	sadd.s32 $0xFFFFFEF7, lr;
	s5 =	simm.s32 $0xFFFFFFFF;
	p2 =	slt.u32 s8, $0xFFFFF086  }
0x1c: {  	p1 =	slt.u32 s9, $0xF7A;
	s5 =	simm.s32 @!p2 $0x0  }
0x1d: {  	s5 =	simm.s32 @p1 $0x1;
	p0 =	seq.s32 s7, s2  }
0x1e: {  	s7 =	smul.u32 @!p0 $0xF7A, s2;
	p2 =	seq.s32 @!p0 s5, $0x0  }
0x1f: {  	s9 =	smul.u32 $0xF7A, s1;
	s8 =	simm.s32 @!p0 $0x1BF5;
	p2 =	por !p2, p0  }
0x20: {  	[sflag:s8] =	ssyncset.s32 @!p0 $0xFFFFF086;
	s6 =	sadd.s32 @!p0 s3, s7;
	s7 =	simm.s32 @!p0 $0x108  }
0x21: {  	s3 =	sadd.s32 s3, s9;
	s6 =	sadd.s32 @!p0 $0x88, s6;
	s7 =	simm.s32 @p2 $0x1082  }
0x22: {  	[simem:s7], [sflag:s8] =	dma.local @!p0 [hbm:s6], $0xF7A  }
0x23: {  	s9 =	sor.u32 $0xD0000000, s2;
	s6 =	simm.s32 $0x108;
	_ =	swait.ge @!p0 [sflag:s8], $0x0  }
0x24: {  	s3 =	sadd.s32 $0x88, s3;
	s6 =	simm.s32 @!p1 $0x1082;
	[sflag:s4] =	ssyncset.s32 $0xFFFFF086  }
0x25: {  	[simem:s6], [sflag:s4] =	dma.local [hbm:s3], $0xF7A  }
0x26: {  	[smem:$0x3FA0] =	sst s1;
	(tag) =	ssettag s2;
	_ =	strace s9  }
0x27: {  	s1 =	sld [smem:$0x3FB0]  }
0x28: {  	s2 =	sld [smem:$0x3FB1]  }
0x29: {  	s4 =	sld [smem:$0x3FB3]  }
0x2a: {  	p0 =	seq.s32 s5, $0x0;
	s5 =	sld [smem:$0x3FB4]  }
0x2b: {  	s6 =	sld [smem:$0x3FB5]  }
0x2c: {  	s7 =	sld [smem:$0x3FB6]  }
0x2d: {  	s3 =	simm.s32 $0x108;
	s8 =	sld [smem:$0x3FB7]  }
0x2e: {  	s3 =	simm.s32 @!p0 $0x1082;
	s9 =	sld [smem:$0x3FB8]  }
0x2f: {  	lr =	sadd.s32 s0, s3;
	s0 =	sld [smem:$0x3FAF]  }
0x30: {  	s3 =	sld [smem:$0x3FB2]  }
0x31: {  	[smem:$0x3FBB] =	sst s10  }
0x32: {  	s10 =	sld [smem:$0x3FB9];
	_ =	sdelay $0x3  }
0x33: {  	p0 =	seq.s32 s10, $0x1;
	s10 =	sld [smem:$0x3FBB];
	_ =	sdelay $0x3  }
0x34: {  	[smem:$0x3FBB] =	sst s10  }
0x35: {  	s10 =	sld [smem:$0x3FBA];
	_ =	sdelay $0x3  }
0x36: {  	p1 =	seq.s32 s10, $0x1;
	s10 =	sld [smem:$0x3FBB];
	_ =	sdelay $0x3  }
0x37: {  	[smem:$0x3FBB] =	sst s10  }
0x38: {  	s10 =	sld [smem:$0x3FBC]  }
0x39: {  	_ = 	snop;
	(pc) =	sbr.ind lr, $3  }
0x3a: {  	_ = 	snop  }
0x3b: {  	_ = 	snop  }
0x3c: {  	p2 =	seq.s32 s10, $0x1;
	s10 =	sld [smem:$0x3FBB]  }
0x3d: {  	_ =	shalt  }
0x3e: {  	_ =	shalt  }
0x3f: {  	_ =	shalt  }
0x40: {  	_ =	shalt  }
0x41: {  	_ =	shalt  }
0x42: {  	_ =	shalt  }
0x43: {  	_ =	shalt  }
0x44: {  	_ =	shalt  }
0x45: {  	_ =	shalt  }
0x46: {  	_ =	shalt  }
0x47: {  	_ =	shalt  }
0x48: {  	_ =	shalt  }
0x49: {  	_ =	shalt  }
0x4a: {  	_ =	shalt  }
0x4b: {  	_ =	shalt  }
0x4c: {  	_ =	shalt  }
0x4d: {  	_ =	shalt  }
0x4e: {  	_ =	shalt  }
0x4f: {  	_ =	shalt  }
0x50: {  	_ =	shalt  }
0x51: {  	_ =	shalt  }
0x52: {  	_ =	shalt  }
0x53: {  	_ =	shalt  }
0x54: {  	_ =	shalt  }
0x55: {  	_ =	shalt  }
0x56: {  	_ =	shalt  }
0x57: {  	_ =	shalt  }
0x58: {  	_ =	shalt  }
0x59: {  	_ =	shalt  }
0x5a: {  	_ =	shalt  }
0x5b: {  	_ =	shalt  }
0x5c: {  	_ =	shalt  }
0x5d: {  	_ =	shalt  }
0x5e: {  	_ =	shalt  }
0x5f: {  	_ =	shalt  }
0x60: {  	_ =	shalt  }
0x61: {  	_ =	shalt  }
0x62: {  	_ =	shalt  }
0x63: {  	_ =	shalt  }
0x64: {  	_ =	shalt  }
0x65: {  	_ =	shalt  }
0x66: {  	_ =	shalt  }
0x67: {  	_ =	shalt  }
0x68: {  	_ =	shalt  }
0x69: {  	_ =	shalt  }
0x6a: {  	_ =	shalt  }
0x6b: {  	_ =	shalt  }
0x6c: {  	_ =	shalt  }
0x6d: {  	_ =	shalt  }
0x6e: {  	_ =	shalt  }
0x6f: {  	_ =	shalt  }
0x70: {  	_ =	shalt  }
0x71: {  	_ =	shalt  }
0x72: {  	_ =	shalt  }
0x73: {  	_ =	shalt  }
0x74: {  	_ =	shalt  }
0x75: {  	_ =	shalt  }
0x76: {  	_ =	shalt  }
0x77: {  	_ =	shalt  }
0x78: {  	_ =	shalt  }
0x79: {  	_ =	shalt  }
0x7a: {  	_ =	shalt  }
0x7b: {  	_ =	shalt  }
0x7c: {  	_ =	shalt  }
0x7d: {  	_ =	shalt  }
0x7e: {  	_ =	shalt  }
0x7f: {  	_ =	shalt  }
0x80: {  	_ =	shalt  }
0x81: {  	_ =	shalt  }
0x82: {  	_ =	shalt  }
0x83: {  	_ =	shalt  }
0x84: {  	_ =	shalt  }
0x85: {  	_ =	shalt  }
0x86: {  	_ =	shalt  }
0x87: {  	_ =	shalt  }
.Lfunc_end0:
.L_simem_size_0:
called_computation_lowered:
.L_overlay_start_0:
0x88: {  	s2 =	sld [smem:$0x3FD9]  }
0x89: {  	s3 =	sld [smem:$0x3FFE];
	_ =	sdelay $0x1  }
0x8a: {  	s1 =	srdreg.scid  }
0x8b: {  	s0 =	sand.u32 $0x1, s1  }
0x8c: {  	s18 =	sshll.u32 s0, $0xA;
	s2 =	sadd.s32 s3, s2  }
0x8d: {  	s2 =	sadd.s32 s2, s18  }
0x8e: {  	[smem:$0x3FC7] =	sst s2  }
0x8f: {  	_ = 	snop  }
0x90: {  	s2 =	sld [smem:$0x3FC9]  }
0x91: {  	s19 =	sld [smem:$0x3FD0];
	(tm) =	ssettm $0x1  }
0x92: {  	s4 =	sld [smem:$0x3FFB];
	_ =	sdelay $0x3  }
0x93: {  	_ =	strace s4  }
0x94: {  	s4 =	sld [smem:$0x3FFC];
	_ =	sdelay $0x3  }
0x95: {  	_ =	strace s4  }
0x96: {  	s4 =	sld [smem:$0x3FFD];
	_ =	sdelay $0x3  }
0x97: {  	_ =	strace s4  }
0x98: {  	_ =	strace $0x8FFFFFFF  }
0x99: {  	s20 =	sld [smem:$0x3FDB];
	_ =	sdelay $0x1  }
0x9a: {  	s5 =	simm.s32 $_scs_section_size  }
0x9b: {  	s6 =	simm.s32 $_size__tile_overlayer_lowered;
	s7 =	simm.s32 $_tile_overlayer_lowered  }
0x9c: {  	s23 =	simm.s32 $0x1BFF;
	s22 =	sshll.u32 s7, $0x1;
	s4 =	sadd.s32 s5, s20  }
0x9d: {  	s8 =	simm.s32 $0x0;
	s21 =	sshll.u32 s6, $0x1;
	s6 =	sadd.s32 s22, s4  }
0x9e: {  	[timem:s8], [sflag:s23] =	dma.local [hbm:s6], s21  }
0x9f: {  	_ =	swait.ge [sflag:s23], s21  }
0xa0: {  	s5 =	ssub.s32 $0x0, s21;
	[sflag:s23] =	ssyncset.done $0x0  }
0xa1: {  	[sflag:s23] =	ssyncadd.s32 s5;
	_ =	sdelay $0x1  }
0xa2: {  	s24 =	simm.s32 $0x1B8B  }
0xa3: {  	_ =	swait.ge [sflag:s24], $0x1  }
0xa4: {  	[sflag:s24] =	ssyncset.done $0x0  }
0xa5: {  	s25 =	simm.s32 $0x1B8E;
	[sflag:s24] =	ssyncadd.s32 $0xFFFFFFFF  }
0xa6: {  	s26 =	simm.s32 $execute0_lowered;
	[smem:$0x3FD2] =	sst s25  }
0xa7: {  	s5 =	sshll.u32 s26, $0x1;
	_ =	strace $0x80000046;
	[dreg:$0x1] =	wrdreg $0xFFFFFFFF  }
0xa8: {  	s28 =	simm.s32 $_size_execute0_lowered;
	s4 =	sadd.s32 s4, s5;
	[dreg:$0x0] =	wrdreg $0x0  }
0xa9: {  	s5 =	sshll.u32 s28, $0x1;
	[dreg:$0x2] =	wrdreg s4  }
0xaa: {  	[dreg:$0x3] =	wrdreg s5  }
0xab: {  	[dreg:$0x4] =	wrdreg $0xC0  }
0xac: {  	_ =	task [dreg:s8], $0x5FFFF  }
0xad: {  	[dreg:$0x1] =	wrdreg $0xFFFFFFFF  }
0xae: {  	[dreg:$0x0] =	wrdreg $0x60  }
0xaf: {  	[dreg:$0x2] =	wrdreg s2  }
0xb0: {  	[dreg:$0x3] =	wrdreg s19  }
0xb1: {  	[dreg:$0x4] =	wrdreg $0x9  }
0xb2: {  	_ =	task.clear_ibuf [dreg:s8], $0x5FFFF;
	_ =	strace $0x90000046  }
0xb3: {  	s29 =	simm.s32 $0x9;
	_ =	strace $0x80000048  }
0xb4: {  	_ =	swait.ge [sflag:s29], $0x1  }
0xb5: {  	[sflag:s29] =	ssyncadd.s32 $0xFFFFFFFF  }
0xb6: {  	_ =	strace $0x90000048  }
0xb7: {  	_ =	sfence  }
0xb8: {  	s30 =	sld [smem:$0x0];
	_ =	sdelay $0x2  }
0xb9: {  	s31 =	sshll.u32 s1, $0xD;
	s1 =	sshrl.u32 s1, $0x2  }
0xba: {  	s3 =	sand.u32 $0x4000, s31;
	s1 =	sadd.s32 s1, s30  }
0xbb: {  	s0 =	sor.u32 s3, s0;
	s1 =	sshll.u32 s1, $0x11  }
0xbc: {  	s0 =	sor.u32 s1, s0  }
0xbd: {  	s0 =	sadd.s32 $0x8F2B, s0  }
0xbe: {  	[sflag:s0] =	ssyncadd.remote.s32 $0x1  }
0xbf: {  	_ =	sfence.sel $0xFFFF  }
0xc0: {  	[dreg:$0x0] =	wrdreg $0xFFFFFFFF;
	(pc) =	sbr.abs _section_cstart, $3  }
0xc1: {  	[dreg:$0x1] =	wrdreg $0xFFFFFFFF  }
0xc2: {  	_ =	task.clear_ibuf [dreg:s8], $0x2FFFF;
	_ =	strace $0x9FFFFFFF  }
0xc3: {  	(tm) =	ssettm $0x7FFFFFFF  }
tec
execute0_lowered:
.L_overlay_start_1:
0x0: {  	(tag) =	ssettag $0x1  }
0x1: {  	s0 =	srdreg.scid;
	s3 =	simm.s32 $0x0  }
0x2: {  	s2 =	stileid.u32;
	s11 =	simm.s32 $0x1;
	s12 =	simm.s32 $0x10080  }
0x3: {  	s13 =	simm.s32 $0x8000;
	s14 =	simm.s32 $0x10880;
	s0 =	sand.u32 $0x1, s0  }
0x4: {  	s4 =	sshll.u32 s2, $0x2;
	s1 =	ssub.s32 $0x2, s0;
	s0 =	sshll.u32 s0, $0x6  }
0x5: {  	s15 =	simm.s32 $0xFFFFFFFF;
	[smem:$0x7FF] =	sst s3;
	s0 =	sor.u32 s4, s0  }
.Ltmp0:
0x6: {  	[dreg:$0x3] =	wrdreg s4;
	s0 =	sshrl.u32 s0, $0x3;
	(pc) =	sbr.rel .LBB2_1-.Ltmp0, $4  }
0x7: {  	s29 =	sshrl.u32 s1, $0x1;
	_ =	strace $0x80000047;
	s30 =	sshll.u32 s0, $0x12  }
0x8: {  	s1 =	ssub.s32 s1, s29;
	s0 =	sshll.u32 s0, $0xD;
	[dreg:$0x4] =	wrdreg s30  }
0x9: {  	v0 =	vimm.s32 $0x0;
	v1 =	vlaneseq.u32;
	s2 =	simm.s32 $0x80;
	s31 =	smax.u32 s1, $0x1;
	[dreg:$0x5] =	wrdreg s0  }
0xa: {  	v2 =	vimm.s32 $0x1;
	s3 =	simm.s32 $0x400;
	v3 =	vor.u32 $0x80000000, v1;
	v4 =	vor.u32 $0x8000, v1;
	s1 =	simm.s32 $0x0;
	[dreg:$0x6] =	wrdreg s31  }
.LBB2_94:
0xb: {  	s1 =	rddreg [dreg:$0x7]  }
0xc: {  	s0 =	rddreg [dreg:$0x6];
	s1 =	sadd.s32 $0x1, s1  }
0xd: {  	p0 =	sne.s32 s1, s0  }
.Ltmp1:
0xe: {  	_ = 	snop;
	(pc) =	sbr.rel @!p0 .LBB2_95-.Ltmp1, $1  }
0xf: {  	_ =	sdelay $0x3  }
.LBB2_1:
0x10: {  	[dreg:$0x7] =	wrdreg s1;
	s18 =	simm.s32 $0x0  }
.LBB2_2:
0x11: {  	s0 =	rddreg [dreg:$0x3]  }
0x12: {  	s0 =	sadd.s32 s0, s18  }
0x13: {  	s0 =	sshll.u32 s0, $0x7  }
0x14: {  	s30 =	rddreg [dreg:$0x4];
	s19 =	sand.u32 $0x380, s0  }
0x15: {  	s0 =	sor.u32 s30, s19  }
0x16: {  	s1 =	rddreg [dreg:$0x0];
	s0 =	sshrl.u32 s0, $0x3  }
0x17: {  	s31 =	simm.s32 $0x0;
	s0 =	sadd.s32 s1, s0  }
0x18: {  	[tilespmem:s31], [sflag:$0x1] =	stream.strided.gather [hbm4b:s0+s2], $0x8000, s3, s2, $0x38;
	[tilespmem:$0x11100] =	vst v63  }
0x19: {  	_ =	swait.ge [sflag:s11], $0x8000  }
0x1a: {  	[sflag:s11] =	ssyncset.done $0x0  }
0x1b: {  	s0 =	simm.s32 $0x100A0;
	[sflag:s11] =	ssyncadd.s32 $0xFFFF8000  }
0x1c: {  	[tilespmem:s0+$0xFFFFFFE0] =	vst v0  }
0x1d: {  	[tilespmem:s0+$0x10] =	vst v0  }
0x1e: {  	s2 =	simm.s32 $0x0;
	[tilespmem:s0+$0x0] =	vst v0  }
.LBB2_3:
0x1f: {  	s2 =	sadd.s32 $0x4, s2  }
0x20: {  	[tilespmem:s0+$0xFFFFFFF0] =	vst v0;
	s0 =	sadd.s32 $0x40, s0;
	p0 =	slt.u32 s2, $0x7C  }
.Ltmp2:
0x21: {  	[tilespmem:s0+$0xFFFFFFE0] =	vst v0;
	(pc) =	sbr.rel @p0 .LBB2_3-.Ltmp2, $3  }
0x22: {  	_ =	sdelay $0x1  }
0x23: {  	[tilespmem:s0+$0x10] =	vst v0  }
0x24: {  	s1 =	simm.s32 $0x80;
	[tilespmem:s0+$0x0] =	vst v0  }
0x25: {  	[tilespmem:s0+$0xFFFFFFF0] =	vst v0  }
0x26: {  	v5 =	vld [tilespmem:s1+$0x50]  }
0x27: {  	v6 =	vld [tilespmem:s1+$0xFFFFFFE0]  }
0x28: {  	v7 =	vld [tilespmem:s1+$0xFFFFFFF0]  }
0x29: {  	v9 =	vld [tilespmem:s1+$0x20]  }
0x2a: {  	v8 =	vld [tilespmem:s1+$0x10]  }
0x2b: {  	v10 =	vld [tilespmem:s1+$0x30]  }
0x2c: {  	vm0 =	vlt.s32 v5, $0x0  }
0x2d: {  	v13 =	vld [tilespmem:s1+$0xFFFFFFD0];
	v11 =	vxor.u32 $0xFFFFFFFF, v5;
	v5 =	vor.u32 $0x80000000, v5;
	v12 =	vor.u32 $0x80000000, v6  }
0x2e: {  	v15 =	vld [tilespmem:s1+$0xFFFFFFC0];
	vm12 =	vlt.s32 v7, $0x0;
	vm4 =	vlt.s32 v9, $0x0;
	v14 =	vxor.u32 $0xFFFFFFFF, v9  }
0x2f: {  	v18 =	vld [tilespmem:s1+$0xFFFFFFB0];
	v9 =	vor.u32 $0x80000000, v9;
	vm5 =	vlt.s32 v8, $0x0;
	v16 =	vxor.u32 $0xFFFFFFFF, v8  }
0x30: {  	v19 =	vld [tilespmem:s1+$0xFFFFFFA0];
	v17 =	vor.u32 $0x80000000, v10;
	v8 =	vor.u32 $0x80000000, v8;
	vm1 =	vlt.s32 v10, $0x0  }
0x31: {  	v10 =	vxor.u32 $0xFFFFFFFF, v10;
	v20 =	vor.u32 $0x80000000, v7;
	vm2 =	vlt.s32 v6, $0x0  }
0x32: {  	v21 =	vxor.u32 $0xFFFFFFFF, v6;
	vm13 =	vlt.s32 v13, $0x0;
	v22 =	vxor.u32 $0xFFFFFFFF, v13  }
0x33: {  	vm14 =	vlt.s32 v15, $0x0;
	v23 =	vxor.u32 $0xFFFFFFFF, v15;
	v5 =	vsel vm0, v11, v5;
	v11 =	vld [tilespmem:s1+$0x0]  }
0x34: {  	vm6 =	vlt.s32 v18, $0x0;
	v10 =	vsel vm1, v10, v17;
	v17 =	vld [tilespmem:s1+$0xFFFFFF90];
	v5 =	vshrl.u32 v5, $0x15  }
0x35: {  	v24 =	vxor.u32 $0xFFFFFFFF, v18;
	v25 =	vor.u32 $0x80000000, v19;
	v10 =	vshrl.u32 v10, $0x15  }
0x36: {  	v15 =	vor.u32 $0x80000000, v15;
	vm7 =	vlt.s32 v19, $0x0;
	v8 =	vsel vm5, v16, v8  }
0x37: {  	v14 =	vsel vm4, v14, v9;
	v16 =	vor.u32 $0x80000000, v18;
	v9 =	vld [tilespmem:s1+$0xFFFFFF80];
	v18 =	vshrl.u32 v8, $0x15  }
0x38: {  	v15 =	vsel vm14, v23, v15;
	v8 =	vld [tilespmem:s1+$0x40];
	v26 =	vshrl.u32 v14, $0x15;
	vm3 =	vlt.s32 v11, $0x0  }
0x39: {  	v6 =	vor.u32 $0x80000000, v11;
	vm15 =	vlt.s32 v17, $0x0;
	v14 =	vor.u32 $0x80000000, v17;
	[tilespmem:v5+s12+$0x0] =	vst.idx.add.s32.msk $0xffff, v2  }
0x3a: {  	v5 =	vxor.u32 $0xFFFFFFFF, v11;
	v11 =	vxor.u32 $0xFFFFFFFF, v17;
	v17 =	vxor.u32 $0xFFFFFFFF, v19;
	[tilespmem:v10+s12+$0x0] =	vst.idx.add.s32.msk $0xffff, v2  }
0x3b: {  	v19 =	vor.u32 $0x80000000, v13;
	v13 =	vld [tilespmem:s1+$0x70];
	v10 =	vsel vm15, v11, v14;
	v11 =	vsel vm6, v24, v16  }
0x3c: {  	[tilespmem:v18+s12+$0x0] =	vst.idx.add.s32.msk $0xffff, v2;
	v16 =	vsel vm3, v5, v6;
	v14 =	vsel vm13, v22, v19;
	v5 =	vshrl.u32 v10, $0x15  }
0x3d: {  	s0 =	simm.s32 $0x0;
	[tilespmem:v26+s12+$0x0] =	vst.idx.add.s32.msk $0xffff, v2;
	v10 =	vsel vm2, v21, v12;
	v12 =	vsel vm7, v17, v25;
	v17 =	vxor.u32 $0xFFFFFFFF, v7  }
0x3e: {  	s20 =	simm.s32 $0x10;
	s2 =	simm.s32 $0x180;
	s21 =	simm.s32 $0x10090;
	v6 =	vshrl.u32 v11, $0x15;
	v11 =	vld [tilespmem:s1+$0x60];
	v7 =	vshrl.u32 v10, $0x15;
	v10 =	vsel vm12, v17, v20  }
.LBB2_5:
0x3f: {  	v17 =	vld [tilespmem:s2+$0x50];
	s0 =	sadd.s32 $0x10, s0;
	v15 =	vshrl.u32 v15, $0x15;
	v16 =	vshrl.u32 v16, $0x15  }
0x40: {  	v12 =	vshrl.u32 v12, $0x15;
	v14 =	vshrl.u32 v14, $0x15;
	v18 =	vld [tilespmem:s2+$0xFFFFFF90];
	p0 =	slt.u32 s0, $0x7F0;
	vm0 =	vlt.s32 v13, $0x0  }
0x41: {  	v20 =	vor.u32 $0x80000000, v9;
	v21 =	vxor.u32 $0xFFFFFFFF, v13;
	v13 =	vor.u32 $0x80000000, v13;
	v19 =	vld [tilespmem:s2+$0xFFFFFFA0]  }
0x42: {  	vm1 =	vlt.s32 v9, $0x0;
	vm2 =	vlt.s32 v8, $0x0;
	v23 =	vxor.u32 $0xFFFFFFFF, v8;
	v22 =	vld [tilespmem:s2+$0xFFFFFFB0]  }
0x43: {  	v9 =	vxor.u32 $0xFFFFFFFF, v9;
	vm3 =	vlt.s32 v11, $0x0;
	v25 =	vxor.u32 $0xFFFFFFFF, v11;
	v24 =	vld [tilespmem:s2+$0xFFFFFFC0]  }
0x44: {  	v9 =	vsel vm1, v9, v20;
	v26 =	vld [tilespmem:s2+$0xFFFFFFD0];
	vm4 =	vlt.s32 v17, $0x0;
	v27 =	vxor.u32 $0xFFFFFFFF, v17  }
0x45: {  	v8 =	vor.u32 $0x80000000, v8;
	v11 =	vor.u32 $0x80000000, v11;
	v17 =	vor.u32 $0x80000000, v17;
	v20 =	vld [tilespmem:s2+$0xFFFFFFE0]  }
0x46: {  	v8 =	vsel vm2, v23, v8;
	v13 =	vsel vm0, v21, v13;
	v11 =	vsel vm3, v25, v11;
	v28 =	vld [tilespmem:s2+$0xFFFFFFF0]  }
0x47: {  	v9 =	vshrl.u32 v9, $0x15;
	v8 =	vshrl.u32 v8, $0x15;
	v13 =	vshrl.u32 v13, $0x15;
	v21 =	vld [tilespmem:s2+$0x10]  }
0x48: {  	v17 =	vsel vm4, v27, v17;
	[tilespmem:v16+s12+$0x0] =	vst.idx.add.s32.msk $0xffff, v2  }
0x49: {  	v10 =	vshrl.u32 v10, $0x15;
	v16 =	vld [tilespmem:s2+$0x30]  }
0x4a: {  	v23 =	vld [tilespmem:s2+$0x20]  }
0x4b: {  	v25 =	vld [tilespmem:s2+$0x0]  }
0x4c: {  	v11 =	vshrl.u32 v11, $0x15;
	[tilespmem:v13+s12+$0x0] =	vst.idx.add.s32.msk $0xffff, v2  }
0x4d: {  	[tilespmem:v9+s12+$0x0] =	vst.idx.add.s32.msk $0xffff, v2  }
0x4e: {  	v27 =	vor.u32 $0x80000000, v20;
	vm0 =	vlt.s32 v28, $0x0;
	v9 =	vshrl.u32 v17, $0x15;
	[tilespmem:v10+s12+$0x0] =	vst.idx.add.s32.msk $0xffff, v2  }
0x4f: {  	vm4 =	vlt.s32 v23, $0x0;
	v10 =	vxor.u32 $0xFFFFFFFF, v23;
	v13 =	vor.u32 $0x80000000, v23;
	[tilespmem:v8+s12+$0x0] =	vst.idx.add.s32.msk $0xffff, v2  }
0x50: {  	vm5 =	vlt.s32 v21, $0x0;
	v17 =	vor.u32 $0x80000000, v16;
	v8 =	vxor.u32 $0xFFFFFFFF, v21;
	[tilespmem:v7+s12+$0x0] =	vst.idx.add.s32.msk $0xffff, v2  }
0x51: {  	vm1 =	vlt.s32 v16, $0x0;
	v16 =	vxor.u32 $0xFFFFFFFF, v16;
	v7 =	vor.u32 $0x80000000, v21;
	[tilespmem:v6+s12+$0x0] =	vst.idx.add.s32.msk $0xffff, v2  }
0x52: {  	v21 =	vor.u32 $0x80000000, v28;
	vm3 =	vlt.s32 v25, $0x0;
	v6 =	vsel vm1, v16, v17;
	[tilespmem:v15+s12+$0x0] =	vst.idx.add.s32.msk $0xffff, v2  }
0x53: {  	vm2 =	vlt.s32 v20, $0x0;
	v16 =	vor.u32 $0x80000000, v25;
	v15 =	vxor.u32 $0xFFFFFFFF, v20;
	[tilespmem:v11+s12+$0x0] =	vst.idx.add.s32.msk $0xffff, v2  }
0x54: {  	v10 =	vsel vm4, v10, v13;
	vm1 =	vlt.s32 v26, $0x0;
	v17 =	vxor.u32 $0xFFFFFFFF, v26;
	[tilespmem:v5+s12+$0x0] =	vst.idx.add.s32.msk $0xffff, v2  }
0x55: {  	vm4 =	vlt.s32 v24, $0x0;
	v11 =	vxor.u32 $0xFFFFFFFF, v24;
	v5 =	vshrl.u32 v6, $0x15;
	[tilespmem:v14+s12+$0x0] =	vst.idx.add.s32.msk $0xffff, v2  }
0x56: {  	vm6 =	vlt.s32 v22, $0x0;
	v7 =	vsel vm5, v8, v7;
	v6 =	vxor.u32 $0xFFFFFFFF, v22;
	[tilespmem:v12+s12+$0x0] =	vst.idx.add.s32.msk $0xffff, v2  }
0x57: {  	v13 =	vor.u32 $0x80000000, v22;
	v7 =	vshrl.u32 v7, $0x15;
	v12 =	vor.u32 $0x80000000, v19;
	[tilespmem:v9+s12+$0x0] =	vst.idx.add.s32.msk $0xffff, v2  }
0x58: {  	vm5 =	vlt.s32 v18, $0x0;
	v20 =	vxor.u32 $0xFFFFFFFF, v25;
	v14 =	vor.u32 $0x80000000, v24;
	v8 =	vld [tilespmem:s2+$0x40]  }
0x59: {  	vm7 =	vlt.s32 v19, $0x0;
	v23 =	vshrl.u32 v10, $0x15;
	v22 =	vxor.u32 $0xFFFFFFFF, v18;
	v9 =	vld [tilespmem:s2+$0xFFFFFF80]  }
.Ltmp3:
0x5a: {  	v10 =	vor.u32 $0x80000000, v18;
	v18 =	vxor.u32 $0xFFFFFFFF, v19;
	v19 =	vor.u32 $0x80000000, v26;
	[tilespmem:v5+s12+$0x0] =	vst.idx.add.s32.msk $0xffff, v2;
	(pc) =	sbr.rel @p0 .LBB2_5-.Ltmp3, $4  }
0x5b: {  	v16 =	vsel vm3, v20, v16;
	v6 =	vsel vm6, v6, v13;
	v5 =	vsel vm5, v22, v10;
	v13 =	vld [tilespmem:s2+$0x70]  }
0x5c: {  	v6 =	vshrl.u32 v6, $0x15;
	v10 =	vsel vm2, v15, v27;
	v5 =	vshrl.u32 v5, $0x15;
	[tilespmem:v7+s12+$0x0] =	vst.idx.add.s32.msk $0xffff, v2  }
0x5d: {  	v12 =	vsel vm7, v18, v12;
	v18 =	vxor.u32 $0xFFFFFFFF, v28;
	v15 =	vsel vm4, v11, v14;
	v11 =	vld [tilespmem:s2+$0x60]  }
0x5e: {  	v14 =	vsel vm1, v17, v19;
	v7 =	vshrl.u32 v10, $0x15;
	v10 =	vsel vm0, v18, v21;
	s2 =	sadd.s32 $0x100, s2;
	[tilespmem:v23+s12+$0x0] =	vst.idx.add.s32.msk $0xffff, v2  }
0x5f: {  	v16 =	vshrl.u32 v16, $0x15  }
0x60: {  	v17 =	vor.u32 $0x80000000, v9;
	vm1 =	vlt.s32 v9, $0x0;
	v9 =	vxor.u32 $0xFFFFFFFF, v9  }
0x61: {  	vm0 =	vlt.s32 v13, $0x0;
	v18 =	vxor.u32 $0xFFFFFFFF, v13;
	v13 =	vor.u32 $0x80000000, v13  }
0x62: {  	v9 =	vsel vm1, v9, v17;
	v17 =	vxor.u32 $0xFFFFFFFF, v8;
	v13 =	vsel vm0, v18, v13  }
0x63: {  	vm0 =	vlt.s32 v8, $0x0;
	v8 =	vor.u32 $0x80000000, v8;
	v9 =	vshrl.u32 v9, $0x15  }
0x64: {  	[tilespmem:v7+s12+$0x0] =	vst.idx.add.s32.msk $0xffff, v2;
	v13 =	vshrl.u32 v13, $0x15;
	v8 =	vsel vm0, v17, v8  }
0x65: {  	v10 =	vshrl.u32 v10, $0x15;
	[tilespmem:v6+s12+$0x0] =	vst.idx.add.s32.msk $0xffff, v2;
	v8 =	vshrl.u32 v8, $0x15  }
0x66: {  	vm0 =	vlt.s32 v11, $0x0;
	[tilespmem:v16+s12+$0x0] =	vst.idx.add.s32.msk $0xffff, v2;
	v16 =	vxor.u32 $0xFFFFFFFF, v11;
	v11 =	vor.u32 $0x80000000, v11  }
0x67: {  	v7 =	vshrl.u32 v12, $0x15;
	[tilespmem:v5+s12+$0x0] =	vst.idx.add.s32.msk $0xffff, v2;
	v11 =	vsel vm0, v16, v11  }
0x68: {  	[tilespmem:v9+s12+$0x0] =	vst.idx.add.s32.msk $0xffff, v2;
	v9 =	vshrl.u32 v11, $0x15  }
0x69: {  	[tilespmem:v13+s12+$0x0] =	vst.idx.add.s32.msk $0xffff, v2;
	v13 =	vshrl.u32 v15, $0x15  }
0x6a: {  	[tilespmem:v8+s12+$0x0] =	vst.idx.add.s32.msk $0xffff, v2;
	v8 =	vshrl.u32 v14, $0x15  }
0x6b: {  	[tilespmem:v10+s12+$0x0] =	vst.idx.add.s32.msk $0xffff, v2  }
0x6c: {  	[tilespmem:v7+s12+$0x0] =	vst.idx.add.s32.msk $0xffff, v2  }
0x6d: {  	[tilespmem:v9+s12+$0x0] =	vst.idx.add.s32.msk $0xffff, v2  }
0x6e: {  	[tilespmem:v13+s12+$0x0] =	vst.idx.add.s32.msk $0xffff, v2  }
0x6f: {  	[tilespmem:v8+s12+$0x0] =	vst.idx.add.s32.msk $0xffff, v2  }
0x70: {  	v5 =	vld [tilespmem:s21+$0xFFFFFFF0]  }
0x71: {  	v7 =	vld [tilespmem:s21+$0x0];
	_ =	sdelay $0x3  }
0x72: {  	(xrf0) =	vadd.scan.msk.s32 $0xffff, v5  }
0x73: {  	(xrf0) =	vadd.scan.msk.s32 $0xffff, v7;
	_ =	sdelay $0x2  }
0x74: {  	s0 =	simm.s32 $0x100B0  }
0x75: {  	v8 =	vld [tilespmem:s0+$0xFFFFFFF0]  }
0x76: {  	v9 =	vld [tilespmem:s0+$0x0];
	v10, _, _ =	vpop (xrf0)  }
0x77: {  	v6 =	vxor.u32 $0x80000000, v10;
	v11, _, _ =	vpop (xrf0)  }
0x78: {  	v12 =	vxor.u32 $0x80000000, v11;
	(xrf0) =	vmax.scan.msk.u32 $0xffff, v6  }
0x79: {  	(xrf0) =	vmax.scan.msk.u32 $0xffff, v12  }
0x7a: {  	(xrf0) =	vadd.scan.msk.s32 $0xffff, v8  }
0x7b: {  	(xrf0) =	vadd.scan.msk.s32 $0xffff, v9;
	_ =	sdelay $0x2  }
0x7c: {  	s7 =	simm.s32 $0x100D0;
	v6, _, _ =	vpop (xrf0)  }
0x7d: {  	v15 =	vld [tilespmem:s7+$0xFFFFFFF0];
	v12, _, _ =	vpop (xrf0)  }
0x7e: {  	v14 =	vld [tilespmem:s7+$0x0];
	v16, _, _ =	vpop (xrf0)  }
0x7f: {  	v13 =	vxor.u32 $0x80000000, v16;
	v17, _, _ =	vpop (xrf0)  }
0x80: {  	v18 =	vxor.u32 $0x80000000, v17;
	(xrf0) =	vmax.scan.msk.u32 $0xffff, v13  }
0x81: {  	(v2sf) =	vpush v12, $0xF;
	(xrf0) =	vmax.scan.msk.u32 $0xffff, v18  }
0x82: {  	(v2sf) =	vpush v6, $0xF;
	(xrf0) =	vadd.scan.msk.s32 $0xffff, v15  }
0x83: {  	(xrf0) =	vadd.scan.msk.s32 $0xffff, v14;
	_ =	sdelay $0x2  }
0x84: {  	s8 =	simm.s32 $0x100F0;
	v6, _, _ =	vpop (xrf0)  }
0x85: {  	v12 =	vld [tilespmem:s8+$0xFFFFFFF0];
	v13, _, _ =	vpop (xrf0)  }
0x86: {  	v18 =	vld [tilespmem:s8+$0x0];
	v19, _, _ =	vpop (xrf0)  }
0x87: {  	v20 =	vxor.u32 $0x80000000, v19;
	v21, _, _ =	vpop (xrf0)  }
0x88: {  	v22 =	vxor.u32 $0x80000000, v21;
	(xrf0) =	vmax.scan.msk.u32 $0xffff, v20  }
0x89: {  	(xrf0) =	vmax.scan.msk.u32 $0xffff, v22  }
0x8a: {  	(v2sf) =	vpush v13, $0xF;
	(xrf0) =	vadd.scan.msk.s32 $0xffff, v12  }
0x8b: {  	s9 =	simm.s32 $0x0;
	(v2sf) =	vpush v6, $0xF;
	(xrf0) =	vadd.scan.msk.s32 $0xffff, v18  }
0x8c: {  	v6 =	vmov s9  }
0x8d: {  	v13 =	vsub.s32 $0x8000, v6  }
0x8e: {  	s10 =	simm.s32 $0x10110;
	v23 =	vbroadcast v13, $0x0;
	s1 =	spop (v2sf);
	v20, _, _ =	vpop (xrf0)  }
0x8f: {  	v6 =	vld [tilespmem:s10+$0xFFFFFFF0];
	s2 =	spop (v2sf);
	v22, _, _ =	vpop (xrf0)  }
0x90: {  	v24 =	vld [tilespmem:s10+$0x0];
	v5 =	vadd.s32 v5, v23;
	s16 =	sadd.s32 $0x0, s2;
	v13, _, _ =	vpop (xrf0)  }
0x91: {  	v5 =	vsub.s32 v5, v10;
	s0 =	sadd.s32 $0x80000000, s16;
	(v2sf) =	vpush v22, $0xF;
	v52 =	vxor.u32 $0x80000000, v13;
	v25, _, _ =	vpop (xrf0)  }
0x92: {  	v10 =	vmov s0;
	(v2sf) =	vpush v20, $0xF;
	v53 =	vxor.u32 $0x80000000, v25;
	(xrf0) =	vmax.scan.msk.u32 $0xffff, v52  }
0x93: {  	v10 =	vsub.s32 $0x0, v10;
	(xrf0) =	vmax.scan.msk.u32 $0xffff, v53  }
0x94: {  	s17 =	simm.s32 $0x0;
	v10 =	vbroadcast v10, $0x0;
	(xrf0) =	vadd.scan.msk.s32 $0xffff, v6  }
0x95: {  	vm0 =	vgt.s32 v5, $0x3FF;
	v5 =	vor.u32 s17, v3;
	(xrf0) =	vadd.scan.msk.s32 $0xffff, v24  }
0x96: {  	v7 =	vsub.s32 v7, v11;
	v5 =	vnsel vm0, $0x7FFFFFFF, v5  }
0x97: {  	(xrf0) =	vmax.scan.msk.u32 $0xffff, v5;
	v5 =	vadd.s32 v10, v7;
	v7 =	vor.u32 s20, v3  }
0x98: {  	s0 =	sadd.s32 s1, s0;
	v5 =	vadd.s32 $0x8000, v5;
	v10, _, _ =	vpop (xrf0)  }
0x99: {  	s0 =	sadd.s32 $0x80000000, s0;
	s22 =	spop (v2sf);
	vm0 =	vgt.s32 v5, $0x3FF;
	v11, _, _ =	vpop (xrf0)  }
0x9a: {  	v54 =	vmov s0;
	s3 =	spop (v2sf);
	v55 =	vnsel vm0, $0x7FFFFFFF, v7;
	v7, _, _ =	vpop (xrf0)  }
0x9b: {  	s21 =	simm.s32 $0x10130;
	s0 =	sadd.s32 s3, s0;
	(v2sf) =	vpush v11, $0xF;
	v11 =	vsub.s32 $0x8000, v54;
	(xrf0) =	vmax.scan.msk.u32 $0xffff, v55;
	v57 =	vxor.u32 $0x80000000, v7;
	v58, _, _ =	vpop (xrf0)  }
0x9c: {  	v5 =	vld [tilespmem:s21+$0xFFFFFFF0];
	s0 =	sadd.s32 $0x80000000, s0;
	(v2sf) =	vpush v10, $0xF;
	v10 =	vbroadcast v11, $0x0;
	v11 =	vxor.u32 $0x80000000, v58;
	(xrf0) =	vmax.scan.msk.u32 $0xffff, v57  }
0x9d: {  	v56 =	vld [tilespmem:s21+$0x0];
	(xrf0) =	vmax.scan.msk.u32 $0xffff, v11;
	v11 =	vmov s0  }
0x9e: {  	v8 =	vadd.s32 v8, v10;
	s0 =	sadd.s32 s22, s0;
	v10 =	vsub.s32 $0x0, v11  }
0x9f: {  	s0 =	sadd.s32 $0x80000000, s0;
	v10 =	vbroadcast v10, $0x0  }
0xa0: {  	v9 =	vsub.s32 v9, v17;
	v8 =	vsub.s32 v8, v16;
	v11 =	vmov s0;
	s24 =	spop (v2sf)  }
0xa1: {  	s23 =	simm.s32 $0x20;
	v59, _, _ =	vpop (xrf0);
	(xrf0) =	vadd.scan.msk.s32 $0xffff, v5;
	vm0 =	vgt.s32 v8, $0x3FF;
	v11 =	vsub.s32 $0x8000, v11;
	s25 =	spop (v2sf);
	v9 =	vadd.s32 v10, v9  }
0xa2: {  	v8 =	vor.u32 s23, v3;
	(xrf0) =	vadd.scan.msk.s32 $0xffff, v56;
	v11 =	vbroadcast v11, $0x0;
	s0 =	sadd.s32 s25, s0;
	v9 =	vadd.s32 $0x8000, v9  }
0xa3: {  	s26 =	simm.s32 $0x30;
	(v2sf) =	vpush v59, $0xF;
	v8 =	vnsel vm0, $0x7FFFFFFF, v8;
	s0 =	sadd.s32 $0x80000000, s0;
	vm0 =	vgt.s32 v9, $0x3FF  }
0xa4: {  	v10, _, _ =	vpop (xrf0);
	v9 =	vor.u32 s26, v3;
	v11 =	vadd.s32 v15, v11;
	v60 =	vmov s0  }
0xa5: {  	s0 =	sadd.s32 s24, s0;
	(v2sf) =	vpush v10, $0xF;
	v16, _, _ =	vpop (xrf0);
	v15 =	vnsel vm0, $0x7FFFFFFF, v9;
	(xrf0) =	vmax.scan.msk.u32 $0xffff, v8;
	v19 =	vsub.s32 v11, v19  }
0xa6: {  	v17 =	vsub.s32 v14, v21;
	v14 =	vsub.s32 v18, v25;
	s0 =	sadd.s32 $0x80000000, s0;
	v18, _, _ =	vpop (xrf0);
	(xrf0) =	vmax.scan.msk.u32 $0xffff, v15;
	v15 =	vsub.s32 $0x0, v60  }
0xa7: {  	v62 =	vmov s0;
	v9, _, _ =	vpop (xrf0);
	v15 =	vbroadcast v15, $0x0  }
0xa8: {  	vm0 =	vgt.s32 v19, $0x3FF;
	(v2sf) =	vpush v18, $0xF;
	v21 =	vsub.s32 $0x8000, v62;
	v19, _, _ =	vpop (xrf0)  }
0xa9: {  	s28 =	simm.s32 $0x10150;
	v18 =	vxor.u32 $0x80000000, v19;
	v15 =	vadd.s32 v15, v17;
	v17 =	vbroadcast v21, $0x0  }
0xaa: {  	v8 =	vld [tilespmem:s28+$0xFFFFFFF0];
	v61 =	vxor.u32 $0x80000000, v9  }
0xab: {  	v11 =	vld [tilespmem:s28+$0x0];
	(xrf0) =	vmax.scan.msk.u32 $0xffff, v61  }
0xac: {  	(v2sf) =	vpush v16, $0xF;
	(xrf0) =	vmax.scan.msk.u32 $0xffff, v18;
	v18, _, _ =	vpop (xrf0)  }
0xad: {  	s1 =	spop (v2sf);
	v12 =	vadd.s32 v12, v17;
	(v2sf) =	vpush v18, $0xF;
	v17, _, _ =	vpop (xrf0)  }
0xae: {  	s29 =	simm.s32 $0x40;
	s31 =	spop (v2sf);
	(v2sf) =	vpush v17, $0xF  }
0xaf: {  	s30 =	simm.s32 $0x50;
	v63 =	vor.u32 s29, v3;
	v15 =	vadd.s32 $0x8000, v15;
	(xrf0) =	vadd.scan.msk.s32 $0xffff, v8  }
0xb0: {  	v16 =	vnsel vm0, $0x7FFFFFFF, v63;
	vm0 =	vgt.s32 v15, $0x3FF;
	v15 =	vor.u32 s30, v3;
	(xrf0) =	vadd.scan.msk.s32 $0xffff, v11  }
0xb1: {  	s4 =	simm.s32 $0x10170;
	v15 =	vnsel vm0, $0x7FFFFFFF, v15;
	(xrf0) =	vmax.scan.msk.u32 $0xffff, v16  }
0xb2: {  	s2 =	simm.s32 $0x70;
	s20 =	simm.s32 $0xFFFFFFFF;
	s0 =	sadd.s32 s31, s0;
	v18 =	vsub.s32 v12, v13;
	(xrf0) =	vmax.scan.msk.u32 $0xffff, v15  }
0xb3: {  	s3 =	simm.s32 $0xE;
	v10 =	vsub.s32 v24, v58;
	v13 =	vsub.s32 v56, v19;
	v12 =	vld [tilespmem:s4+$0xFFFFFFF0];
	s8 =	sadd.s32 $0x80000000, s0;
	s0 =	spop (v2sf);
	vm0 =	vgt.s32 v18, $0x3FF;
	v16, _, _ =	vpop (xrf0)  }
.LBB2_7:
0xb4: {  	v15, _, _ =	vpop (xrf0);
	s5 =	sadd.s32 $0xFFFFFFF0, s2;
	v17 =	vmov s8;
	s0 =	sxor.u32 $0x80000000, s0;
	s16 =	spop (v2sf)  }
0xb5: {  	s1 =	sadd.s32 s1, s8;
	v18 =	vld [tilespmem:s4+$0x0];
	v19, _, _ =	vpop (xrf0);
	(v2sf) =	vpush v15, $0xF;
	v15 =	vor.u32 s5, v3;
	v17 =	vsub.s32 $0x0, v17;
	p0 =	sgt.s32 s20, s0;
	s5 =	sxor.u32 $0x80000000, s16  }
0xb6: {  	s3 =	sadd.s32 $0x2, s3;
	s8 =	sadd.s32 $0x80000000, s1;
	v20 =	vxor.u32 $0x80000000, v19;
	v21, _, _ =	vpop (xrf0);
	(v2sf) =	vpush v16, $0xF;
	v23 =	vbroadcast v17, $0x0;
	s0 =	smov.u32 @p0 s20  }
0xb7: {  	p0 =	slt.u32 s3, $0x7E;
	v15 =	vnsel vm0, $0x7FFFFFFF, v15;
	s20 =	smov.u32 s5;
	v17 =	vxor.u32 $0x80000000, v21;
	(xrf0) =	vmax.scan.msk.u32 $0xffff, v20;
	v20 =	vmov s8;
	v22, _, _ =	vpop (xrf0);
	p1 =	sgt.s32 s0, s5  }
0xb8: {  	(xrf0) =	vmax.scan.msk.u32 $0xffff, v17;
	v17 =	vsub.s32 $0x8000, v20;
	v23 =	vadd.s32 v23, v14;
	(v2sf) =	vpush v22, $0xF;
	v16, _, _ =	vpop (xrf0);
	s20 =	smov.u32 @p1 s0  }
.Ltmp4:
0xb9: {  	v14 =	vmovc v10;
	(xrf0) =	vadd.scan.msk.s32 $0xffff, v12;
	v17 =	vbroadcast v17, $0x0;
	v20 =	vadd.s32 $0x8000, v23;
	(v2sf) =	vpush v16, $0xF;
	(pc) =	sbr.rel @p0 .LBB2_7-.Ltmp4, $4  }
0xba: {  	v16 =	vsub.s32 v11, v21;
	(xrf0) =	vadd.scan.msk.s32 $0xffff, v18;
	s1 =	spop (v2sf);
	vm0 =	vgt.s32 v20, $0x3FF;
	v20 =	vor.u32 s2, v3;
	v11 =	vmovc v18  }
0xbb: {  	v10 =	vmovc v13;
	v13 =	vmov v16;
	v18 =	vadd.s32 v6, v17;
	s0 =	spop (v2sf);
	v17 =	vnsel vm0, $0x7FFFFFFF, v20;
	(xrf0) =	vmax.scan.msk.u32 $0xffff, v15  }
0xbc: {  	s4 =	sadd.s32 $0x20, s4;
	v6 =	vmovc v5;
	v15 =	vsub.s32 v18, v7;
	s0 =	sadd.s32 s0, s8;
	(xrf0) =	vmax.scan.msk.u32 $0xffff, v17;
	v7 =	vmov v9;
	v9 =	vmov v19  }
0xbd: {  	s2 =	sadd.s32 $0x20, s2;
	v5 =	vmov v8;
	v8 =	vmov v12;
	v16, _, _ =	vpop (xrf0);
	vm0 =	vgt.s32 v15, $0x3FF;
	s8 =	sadd.s32 $0x80000000, s0;
	s0 =	spop (v2sf);
	v12 =	vld [tilespmem:s4+$0xFFFFFFF0]  }
0xbe: {  	v17, _, _ =	vpop (xrf0)  }
0xbf: {  	v15, _, _ =	vpop (xrf0)  }
0xc0: {  	v18 =	vld [tilespmem:s4+$0x0];
	v19 =	vxor.u32 $0x80000000, v15  }
0xc1: {  	v20, _, _ =	vpop (xrf0);
	(xrf0) =	vmax.scan.msk.u32 $0xffff, v19;
	v19 =	vmov s8  }
0xc2: {  	v21 =	vxor.u32 $0x80000000, v20;
	v19 =	vsub.s32 $0x0, v19  }
0xc3: {  	(xrf0) =	vmax.scan.msk.u32 $0xffff, v21;
	v19 =	vbroadcast v19, $0x0  }
0xc4: {  	(xrf0) =	vadd.scan.msk.s32 $0xffff, v12  }
0xc5: {  	s3 =	sadd.s32 $0xFFFFFFF0, s2;
	(xrf0) =	vadd.scan.msk.s32 $0xffff, v18;
	v14 =	vadd.s32 v19, v14  }
0xc6: {  	v22 =	vor.u32 s3, v3;
	(v2sf) =	vpush v17, $0xF;
	v21, _, _ =	vpop (xrf0);
	v14 =	vadd.s32 $0x8000, v14  }
0xc7: {  	v22 =	vnsel vm0, $0x7FFFFFFF, v22;
	v19, _, _ =	vpop (xrf0);
	vm0 =	vgt.s32 v14, $0x3FF;
	v14 =	vor.u32 s2, v3  }
0xc8: {  	(v2sf) =	vpush v16, $0xF;
	v23, _, _ =	vpop (xrf0);
	v25 =	vnsel vm0, $0x7FFFFFFF, v14  }
0xc9: {  	(v2sf) =	vpush v21, $0xF;
	v24, _, _ =	vpop (xrf0)  }
0xca: {  	(xrf0) =	vmax.scan.msk.u32 $0xffff, v22;
	(v2sf) =	vpush v19, $0xF;
	v14, _, _ =	vpop (xrf0)  }
0xcb: {  	(xrf0) =	vmax.scan.msk.u32 $0xffff, v25;
	(v2sf) =	vpush v24, $0xF;
	v22 =	vxor.u32 $0x80000000, v14;
	v25, _, _ =	vpop (xrf0)  }
0xcc: {  	(v2sf) =	vpush v23, $0xF;
	v17 =	vxor.u32 $0x80000000, v25;
	(xrf0) =	vmax.scan.msk.u32 $0xffff, v22  }
0xcd: {  	(xrf0) =	vmax.scan.msk.u32 $0xffff, v17;
	_ =	sdelay $0x2  }
0xce: {  	v16, _, _ =	vpop (xrf0)  }
0xcf: {  	s5 =	spop (v2sf);
	v17, _, _ =	vpop (xrf0)  }
0xd0: {  	s1 =	sadd.s32 s1, s8;
	s24 =	spop (v2sf);
	(v2sf) =	vpush v16, $0xF;
	v16, _, _ =	vpop (xrf0)  }
0xd1: {  	s1 =	sadd.s32 $0x80000000, s1;
	s25 =	spop (v2sf);
	(v2sf) =	vpush v17, $0xF;
	v17, _, _ =	vpop (xrf0)  }
0xd2: {  	s16 =	sadd.s32 s25, s1;
	s4 =	spop (v2sf);
	(v2sf) =	vpush v17, $0xF  }
0xd3: {  	s16 =	sadd.s32 $0x80000000, s16;
	s8 =	spop (v2sf);
	(v2sf) =	vpush v16, $0xF;
	v16 =	vmov s1  }
0xd4: {  	s23 =	sadd.s32 $0x20, s2;
	s3 =	sadd.s32 s24, s16;
	s17 =	spop (v2sf);
	v16 =	vsub.s32 $0x8000, v16  }
0xd5: {  	s24 =	sadd.s32 $0xFFFFFFF0, s23;
	s22 =	sadd.s32 $0x80000000, s3;
	s21 =	spop (v2sf);
	v16 =	vbroadcast v16, $0x0  }
0xd6: {  	v11 =	vsub.s32 v11, v20;
	v19 =	vor.u32 s24, v3;
	s21 =	sadd.s32 s21, s22;
	s3 =	spop (v2sf)  }
0xd7: {  	s30 =	sadd.s32 $0x20, s23;
	v21 =	vmov s22;
	s21 =	sadd.s32 $0x80000000, s21;
	v17 =	vmov s16;
	s1 =	spop (v2sf);
	v6 =	vadd.s32 v6, v16  }
0xd8: {  	s10 =	sadd.s32 $0x20, s30;
	v24 =	vor.u32 s30, v3;
	s26 =	sadd.s32 s17, s21;
	v17 =	vsub.s32 $0x0, v17;
	s28 =	spop (v2sf);
	v6 =	vsub.s32 v6, v7  }
0xd9: {  	v21 =	vsub.s32 $0x8000, v21;
	s25 =	sadd.s32 $0x80000000, s26;
	s26 =	sadd.s32 $0xFFFFFFF0, s10;
	s29 =	spop (v2sf);
	vm0 =	vgt.s32 v6, $0x3FF;
	v6 =	vbroadcast v17, $0x0  }
0xda: {  	v22 =	vmov s21;
	v23 =	vmov s25;
	v27 =	vor.u32 s26, v3;
	s31 =	sadd.s32 s29, s25  }
0xdb: {  	s6 =	sadd.s32 $0xFFFFFFF0, s30;
	v16 =	vor.u32 s23, v3;
	s7 =	sadd.s32 $0x80000000, s31;
	v6 =	vadd.s32 v6, v10;
	v10 =	vbroadcast v21, $0x0  }
0xdc: {  	v7 =	vor.u32 s6, v3;
	v19 =	vnsel vm0, $0x7FFFFFFF, v19;
	v26 =	vmov s7  }
0xdd: {  	(xrf0) =	vmax.scan.msk.u32 $0xffff, v19;
	v19 =	vsub.s32 $0x0, v22;
	v6 =	vadd.s32 $0x8000, v6;
	v5 =	vadd.s32 v5, v10  }
0xde: {  	s17 =	sadd.s32 s28, s7;
	vm0 =	vgt.s32 v6, $0x3FF;
	v6 =	vbroadcast v19, $0x0;
	v5 =	vsub.s32 v5, v9  }
0xdf: {  	s2 =	spop (v2sf);
	s17 =	sadd.s32 $0x80000000, s17;
	v16 =	vnsel vm0, $0x7FFFFFFF, v16;
	vm0 =	vgt.s32 v5, $0x3FF;
	v5 =	vsub.s32 $0x8000, v23  }
0xe0: {  	s9 =	spop (v2sf);
	v17 =	vmov s17;
	v6 =	vadd.s32 v6, v13;
	v5 =	vbroadcast v5, $0x0  }
0xe1: {  	v9 =	vsub.s32 $0x0, v26;
	(xrf0) =	vmax.scan.msk.u32 $0xffff, v16;
	v6 =	vadd.s32 $0x8000, v6;
	v7 =	vnsel vm0, $0x7FFFFFFF, v7;
	s25 =	spop (v2sf)  }
0xe2: {  	vm0 =	vgt.s32 v6, $0x3FF;
	v6 =	vbroadcast v9, $0x0;
	s28 =	spop (v2sf);
	v5 =	vadd.s32 v8, v5  }
0xe3: {  	v10 =	vsub.s32 v18, v25;
	(xrf0) =	vmax.scan.msk.u32 $0xffff, v7;
	v7 =	vsub.s32 $0x8000, v17;
	s21 =	sadd.s32 s28, s17;
	v5 =	vsub.s32 v5, v15  }
0xe4: {  	v8 =	vnsel vm0, $0x7FFFFFFF, v24;
	v6 =	vadd.s32 v6, v11;
	s29 =	sadd.s32 $0x80000000, s21;
	vm0 =	vgt.s32 v5, $0x3FF  }
0xe5: {  	v5 =	vbroadcast v7, $0x0;
	v6 =	vadd.s32 $0x8000, v6;
	v28 =	vmov s29  }
0xe6: {  	v13, _, _ =	vpop (xrf0);
	(xrf0) =	vmax.scan.msk.u32 $0xffff, v8;
	v7 =	vnsel vm0, $0x7FFFFFFF, v27;
	vm0 =	vgt.s32 v6, $0x3FF;
	v6 =	vsub.s32 $0x0, v28  }
0xe7: {  	s0 =	sxor.u32 $0x80000000, s0;
	(v2sf) =	vpush v13, $0xF;
	v8, _, _ =	vpop (xrf0);
	v5 =	vadd.s32 v12, v5;
	v6 =	vbroadcast v6, $0x0  }
0xe8: {  	p0 =	sgt.s32 s20, s0;
	s30 =	sadd.s32 $0x20, s10;
	v9 =	vor.u32 s10, v3;
	(xrf0) =	vmax.scan.msk.u32 $0xffff, v7;
	(v2sf) =	vpush v8, $0xF;
	v5 =	vsub.s32 v5, v14  }
0xe9: {  	s5 =	sxor.u32 $0x80000000, s5;
	s0 =	smov.u32 @p0 s20;
	s31 =	sadd.s32 $0xFFFFFFF0, s30;
	v7 =	vnsel vm0, $0x7FFFFFFF, v9;
	v8, _, _ =	vpop (xrf0);
	vm0 =	vgt.s32 v5, $0x3FF;
	v6 =	vadd.s32 v6, v10  }
0xea: {  	p0 =	sgt.s32 s0, s5;
	(xrf0) =	vmax.scan.msk.u32 $0xffff, v7;
	v5 =	vor.u32 s31, v3;
	(v2sf) =	vpush v8, $0xF;
	v6 =	vadd.s32 $0x8000, v6  }
0xeb: {  	s5 =	smov.u32 @p0 s0;
	s0 =	sxor.u32 $0x80000000, s4;
	v5 =	vnsel vm0, $0x7FFFFFFF, v5;
	vm0 =	vgt.s32 v6, $0x3FF;
	v6 =	vor.u32 s30, v3  }
0xec: {  	p0 =	sgt.s32 s5, s0;
	v7, _, _ =	vpop (xrf0);
	(xrf0) =	vmax.scan.msk.u32 $0xffff, v5  }
0xed: {  	s4 =	sxor.u32 $0x80000000, s8;
	s0 =	smov.u32 @p0 s5;
	(v2sf) =	vpush v7, $0xF;
	v5 =	vnsel vm0, $0x7FFFFFFF, v6  }
0xee: {  	p0 =	sgt.s32 s0, s4;
	(xrf0) =	vmax.scan.msk.u32 $0xffff, v5;
	v6, _, _ =	vpop (xrf0)  }
0xef: {  	s4 =	smov.u32 @p0 s0;
	s0 =	sxor.u32 $0x80000000, s3;
	(v2sf) =	vpush v6, $0xF  }
0xf0: {  	p0 =	sgt.s32 s4, s0;
	v5, _, _ =	vpop (xrf0)  }
0xf1: {  	s0 =	smov.u32 @p0 s4;
	s1 =	sxor.u32 $0x80000000, s1;
	(v2sf) =	vpush v5, $0xF  }
0xf2: {  	p0 =	sgt.s32 s0, s1;
	v5, _, _ =	vpop (xrf0)  }
0xf3: {  	s1 =	smov.u32 @p0 s0;
	s0 =	sxor.u32 $0x80000000, s2;
	(v2sf) =	vpush v5, $0xF  }
0xf4: {  	p0 =	sgt.s32 s1, s0;
	v5, _, _ =	vpop (xrf0)  }
0xf5: {  	s0 =	smov.u32 @p0 s1;
	s2 =	sxor.u32 $0x80000000, s9;
	(v2sf) =	vpush v5, $0xF  }
0xf6: {  	p0 =	sgt.s32 s0, s2;
	s5 =	spop (v2sf)  }
0xf7: {  	s2 =	smov.u32 @p0 s0;
	s0 =	sxor.u32 $0x80000000, s5  }
0xf8: {  	p0 =	sgt.s32 s2, s0;
	s6 =	spop (v2sf)  }
0xf9: {  	s0 =	smov.u32 @p0 s2;
	s1 =	sxor.u32 $0x80000000, s6  }
0xfa: {  	p0 =	sgt.s32 s0, s1;
	s7 =	spop (v2sf)  }
0xfb: {  	s1 =	smov.u32 @p0 s0;
	s0 =	sxor.u32 $0x80000000, s7  }
0xfc: {  	s16 =	simm.s32 $0x40;
	s8 =	spop (v2sf);
	p0 =	sgt.s32 s1, s0  }
0xfd: {  	v11 =	vld [tilespmem:s16+$0x30];
	s2 =	sxor.u32 $0x80000000, s8;
	s0 =	smov.u32 @p0 s1  }
0xfe: {  	v9 =	vld [tilespmem:s16+$0x10];
	p0 =	sgt.s32 s0, s2;
	s9 =	spop (v2sf)  }
0xff: {  	v28 =	vld [tilespmem:s16+$0xFFFFFFC0];
	s2 =	smov.u32 @p0 s0;
	s0 =	sxor.u32 $0x80000000, s9  }
0x100: {  	v8 =	vld [tilespmem:s16+$0x0];
	s10 =	spop (v2sf);
	p0 =	sgt.s32 s2, s0  }
0x101: {  	v10 =	vld [tilespmem:s16+$0x20];
	s1 =	sxor.u32 $0x80000000, s10;
	s0 =	smov.u32 @p0 s2  }
0x102: {  	v7 =	vld [tilespmem:s16+$0xFFFFFFF0];
	s17 =	spop (v2sf);
	p0 =	sgt.s32 s0, s1  }
0x103: {  	vm6 =	vlt.s32 v11, $0x0;
	v12 =	vxor.u32 $0xFFFFFFFF, v11;
	vm5 =	vlt.s32 v9, $0x0;
	v6 =	vld [tilespmem:s16+$0xFFFFFFD0];
	s1 =	smov.u32 @p0 s0;
	s0 =	sxor.u32 $0x80000000, s17  }
0x104: {  	v14 =	vxor.u32 $0xFFFFFFFF, v9;
	v18 =	vand.u32 $0x7FFFFFFF, v28;
	v19 =	vxor.u32 $0xFFFFFFFF, v28;
	s20 =	spop (v2sf);
	p0 =	sgt.s32 s1, s0  }
0x105: {  	vm0 =	vlt.s32 v28, $0x0;
	v18 =	vxor.u32 $0x80000000, v18;
	vm4 =	vlt.s32 v8, $0x0;
	v5 =	vld [tilespmem:s16+$0xFFFFFFE0];
	s3 =	sxor.u32 $0x80000000, s20;
	s0 =	smov.u32 @p0 s1  }
0x106: {  	v16 =	vxor.u32 $0xFFFFFFFF, v8;
	v17 =	vand.u32 $0x7FFFFFFF, v8;
	v18 =	vsel vm0, v19, v18;
	p0 =	sgt.s32 s0, s3  }
0x107: {  	vm7 =	vlt.s32 v10, $0x0;
	v15 =	vxor.u32 $0xFFFFFFFF, v10;
	v17 =	vxor.u32 $0x80000000, v17;
	s3 =	smov.u32 @p0 s0  }
0x108: {  	vm3 =	vlt.s32 v7, $0x0;
	v16 =	vsel vm4, v16, v17;
	v19 =	vand.u32 $0x7FFFFFFF, v6;
	s0 =	sshll.u32 s3, $0x15  }
0x109: {  	vm1 =	vlt.s32 v6, $0x0;
	v19 =	vxor.u32 $0x80000000, v19;
	v13 =	vmov s0  }
0x10a: {  	vm2 =	vlt.s32 v5, $0x0;
	vm0 =	vge.u32 v18, v13;
	v18 =	vxor.u32 $0xFFFFFFFF, v6  }
0x10b: {  	v20 =	vsel vm0, $0x1, v0;
	v18 =	vsel vm1, v18, v19;
	v19 =	vand.u32 $0x7FFFFFFF, v5  }
0x10c: {  	vm1 =	vge.u32 v18, v13;
	v18 =	vxor.u32 $0xFFFFFFFF, v5;
	v19 =	vxor.u32 $0x80000000, v19;
	(xrf0) =	vadd.scan.msk.s32 $0xffff, v20  }
0x10d: {  	v20 =	vsel vm1, $0x1, v0;
	v18 =	vsel vm2, v18, v19;
	v19 =	vand.u32 $0x7FFFFFFF, v7  }
0x10e: {  	vm2 =	vge.u32 v18, v13;
	v18 =	vxor.u32 $0xFFFFFFFF, v7;
	v19 =	vxor.u32 $0x80000000, v19;
	(xrf0) =	vadd.scan.msk.s32 $0xffff, v20  }
0x10f: {  	v17 =	vand.u32 $0x7FFFFFFF, v9;
	v20 =	vsel vm2, $0x1, v0;
	v18 =	vsel vm3, v18, v19  }
0x110: {  	vm4 =	vge.u32 v16, v13;
	v16 =	vxor.u32 $0x80000000, v17;
	vm3 =	vge.u32 v18, v13;
	(xrf0) =	vadd.scan.msk.s32 $0xffff, v20  }
0x111: {  	v14 =	vsel vm5, v14, v16;
	v16 =	vand.u32 $0x7FFFFFFF, v10;
	v18 =	vsel vm3, $0x1, v0  }
0x112: {  	v17 =	vsel vm4, $0x1, v0;
	vm5 =	vge.u32 v14, v13;
	v14 =	vxor.u32 $0x80000000, v16;
	v20, _, _ =	vpop (xrf0);
	(xrf0) =	vadd.scan.msk.s32 $0xffff, v18  }
0x113: {  	v14 =	vsel vm7, v15, v14;
	v15 =	vand.u32 $0x7FFFFFFF, v11;
	v18 =	vxor.u32 $0x80000000, v20;
	(xrf0) =	vadd.scan.msk.s32 $0xffff, v17  }
0x114: {  	v16 =	vsel vm5, $0x1, v0;
	vm7 =	vge.u32 v14, v13;
	v14 =	vxor.u32 $0x80000000, v15;
	(xrf0) =	vmax.scan.msk.u32 $0xffff, v18;
	v19, _, _ =	vpop (xrf0)  }
0x115: {  	v12 =	vsel vm6, v12, v14;
	v17 =	vxor.u32 $0x80000000, v19;
	(xrf0) =	vadd.scan.msk.s32 $0xffff, v16  }
0x116: {  	v15 =	vsel vm7, $0x1, v0;
	vm8 =	vge.u32 v12, v13;
	(xrf0) =	vmax.scan.msk.u32 $0xffff, v17;
	v22, _, _ =	vpop (xrf0)  }
0x117: {  	v12 =	vsel vm8, $0x1, v0;
	v14 =	vxor.u32 $0x80000000, v22;
	(xrf0) =	vadd.scan.msk.s32 $0xffff, v15  }
0x118: {  	(xrf0) =	vmax.scan.msk.u32 $0xffff, v14;
	v24, _, _ =	vpop (xrf0)  }
0x119: {  	v25, _, _ =	vpop (xrf0);
	(xrf0) =	vadd.scan.msk.s32 $0xffff, v12  }
0x11a: {  	v14 =	vxor.u32 $0x80000000, v24;
	v12, _, _ =	vpop (xrf0)  }
0x11b: {  	v23, _, _ =	vpop (xrf0);
	(xrf0) =	vmax.scan.msk.u32 $0xffff, v14;
	v14 =	vxor.u32 $0x80000000, v25  }
0x11c: {  	v15, _, _ =	vpop (xrf0);
	(xrf0) =	vmax.scan.msk.u32 $0xffff, v14  }
0x11d: {  	s21 =	simm.s32 $0x0;
	(v2sf) =	vpush v12, $0xF;
	v14 =	vxor.u32 $0x80000000, v23;
	v26, _, _ =	vpop (xrf0)  }
0x11e: {  	(xrf0) =	vmax.scan.msk.u32 $0xffff, v14;
	(v2sf) =	vpush v15, $0xF;
	v14 =	vmov s21;
	v16, _, _ =	vpop (xrf0)  }
0x11f: {  	v12 =	vxor.u32 $0x80000000, v26;
	v33, _, _ =	vpop (xrf0);
	(v2sf) =	vpush v16, $0xF;
	v16 =	vadd.s32 $0xFFFFFFFF, v14  }
0x120: {  	s20 =	simm.s32 $0xC0;
	(xrf0) =	vmax.scan.msk.u32 $0xffff, v12;
	v12 =	vxor.u32 $0x80000000, v33;
	v17 =	vbroadcast v16, $0x0  }
0x121: {  	v14 =	vld [tilespmem:s20+$0x20];
	(xrf0) =	vmax.scan.msk.u32 $0xffff, v12;
	v15, _, _ =	vpop (xrf0)  }
0x122: {  	(v2sf) =	vpush v15, $0xF;
	v15, _, _ =	vpop (xrf0);
	v20 =	vadd.s32 v20, v17;
	v17 =	vld [tilespmem:s20+$0xFFFFFFF0]  }
0x123: {  	vm6 =	vmmov vm7;
	(v2sf) =	vpush v15, $0xF;
	v15 =	vld [tilespmem:s20+$0x10]  }
0x124: {  	v35 =	vsel vm0, v20, v4;
	vm0 =	vmmov vm1;
	vm1 =	vmmov vm2;
	v20 =	vld [tilespmem:s20+$0xFFFFFFC0]  }
0x125: {  	v16, _, _ =	vpop (xrf0);
	vm2 =	vmmov vm3;
	vm3 =	vmmov vm4;
	vm4 =	vmmov vm5  }
0x126: {  	vm5 =	vmmov vm8;
	(v2sf) =	vpush v16, $0xF;
	v16 =	vld [tilespmem:s20+$0x0];
	vm13 =	vlt.s32 v14, $0x0;
	v18, _, _ =	vpop (xrf0)  }
0x127: {  	v30 =	vxor.u32 $0xFFFFFFFF, v14;
	(v2sf) =	vpush v18, $0xF;
	v18 =	vld [tilespmem:s20+$0xFFFFFFE0];
	v21, _, _ =	vpop (xrf0);
	vm10 =	vlt.s32 v17, $0x0  }
0x128: {  	v44 =	vand.u32 $0x7FFFFFFF, v17;
	v45 =	vxor.u32 $0xFFFFFFFF, v17;
	(v2sf) =	vpush v21, $0xF;
	v21 =	vld [tilespmem:s20+$0xFFFFFFD0]  }
0x129: {  	vm12 =	vlt.s32 v15, $0x0;
	v27 =	vxor.u32 $0xFFFFFFFF, v15;
	v34 =	vand.u32 $0x7FFFFFFF, v20  }
0x12a: {  	vm7 =	vlt.s32 v20, $0x0;
	v36 =	vxor.u32 $0xFFFFFFFF, v20;
	v47 =	vand.u32 $0x7FFFFFFF, v15  }
0x12b: {  	vm11 =	vlt.s32 v16, $0x0;
	v32 =	vand.u32 $0x7FFFFFFF, v16;
	v34 =	vxor.u32 $0x80000000, v34  }
0x12c: {  	v31 =	vxor.u32 $0xFFFFFFFF, v16;
	v34 =	vsel vm7, v36, v34;
	v32 =	vxor.u32 $0x80000000, v32  }
0x12d: {  	vm8 =	vlt.s32 v18, $0x0;
	vm9 =	vge.u32 v34, v13;
	v63 =	vand.u32 $0x7FFFFFFF, v21  }
0x12e: {  	vm7 =	vlt.s32 v21, $0x0;
	v40 =	vxor.u32 $0xFFFFFFFF, v21;
	v36 =	vxor.u32 $0x80000000, v63  }
0x12f: {  	v41 =	vand.u32 $0x7FFFFFFF, v18;
	v37 =	vsel vm9, $0x1, v0;
	v34 =	vsel vm7, v40, v36  }
0x130: {  	s22 =	spop (v2sf);
	v42 =	vxor.u32 $0xFFFFFFFF, v18;
	(xrf0) =	vadd.scan.msk.s32 $0xffff, v37;
	v36 =	vxor.u32 $0x80000000, v41;
	vm7 =	vge.u32 v34, v13  }
0x131: {  	v12 =	vld [tilespmem:s20+$0x30];
	s0 =	sadd.s32 $0x0, s22;
	v31 =	vsel vm11, v31, v32;
	v34 =	vsel vm8, v42, v36;
	v43 =	vsel vm7, $0x1, v0  }
0x132: {  	s0 =	sadd.s32 $0x80000000, s0;
	s23 =	spop (v2sf);
	vm11 =	vge.u32 v31, v13;
	v36 =	vxor.u32 $0x80000000, v44;
	vm8 =	vge.u32 v34, v13;
	(xrf0) =	vadd.scan.msk.s32 $0xffff, v43  }
0x133: {  	v31 =	vxor.u32 $0x80000000, v47;
	s1 =	sadd.s32 s23, s0;
	v34 =	vsel vm10, v45, v36;
	v46 =	vsel vm8, $0x1, v0  }
0x134: {  	v49 =	vand.u32 $0x7FFFFFFF, v14;
	v27 =	vsel vm12, v27, v31;
	s1 =	sadd.s32 $0x80000000, s1;
	s24 =	spop (v2sf);
	vm10 =	vge.u32 v34, v13;
	(xrf0) =	vadd.scan.msk.s32 $0xffff, v46  }
0x135: {  	vm12 =	vge.u32 v27, v13;
	v27 =	vxor.u32 $0x80000000, v49;
	s2 =	sadd.s32 s24, s1;
	v34 =	vsel vm10, $0x1, v0  }
0x136: {  	vm14 =	vlt.s32 v12, $0x0;
	v29 =	vxor.u32 $0xFFFFFFFF, v12;
	v48 =	vsel vm11, $0x1, v0;
	s2 =	sadd.s32 $0x80000000, s2;
	s25 =	spop (v2sf);
	v31, _, _ =	vpop (xrf0);
	(xrf0) =	vadd.scan.msk.s32 $0xffff, v34  }
0x137: {  	v52 =	vand.u32 $0x7FFFFFFF, v12;
	v30 =	vsel vm13, v30, v27;
	s3 =	sadd.s32 s25, s2;
	v50 =	vxor.u32 $0x80000000, v31;
	(xrf0) =	vadd.scan.msk.s32 $0xffff, v48  }
0x138: {  	v51 =	vsel vm12, $0x1, v0;
	vm13 =	vge.u32 v30, v13;
	v30 =	vxor.u32 $0x80000000, v52;
	s26 =	spop (v2sf);
	s3 =	sadd.s32 $0x80000000, s3;
	(xrf0) =	vmax.scan.msk.u32 $0xffff, v50;
	v27, _, _ =	vpop (xrf0)  }
0x139: {  	v30 =	vsel vm14, v29, v30;
	s4 =	sadd.s32 s26, s3;
	(xrf0) =	vadd.scan.msk.s32 $0xffff, v51;
	v53 =	vxor.u32 $0x80000000, v27  }
0x13a: {  	v60 =	vmov s0;
	v54 =	vsel vm13, $0x1, v0;
	s28 =	spop (v2sf);
	s4 =	sadd.s32 $0x80000000, s4;
	v29, _, _ =	vpop (xrf0);
	(xrf0) =	vmax.scan.msk.u32 $0xffff, v53  }
0x13b: {  	v41 =	vmov s2;
	vm14 =	vge.u32 v30, v13;
	s5 =	sadd.s32 s28, s4;
	v56 =	vxor.u32 $0x80000000, v29;
	(xrf0) =	vadd.scan.msk.s32 $0xffff, v54  }
0x13c: {  	v59 =	vmov s1;
	v37 =	vadd.s32 $0xFFFFFFFF, v41;
	v38 =	vsel vm14, $0x1, v0;
	s29 =	spop (v2sf);
	s5 =	sadd.s32 $0x80000000, s5;
	v30, _, _ =	vpop (xrf0);
	(xrf0) =	vmax.scan.msk.u32 $0xffff, v56  }
0x13d: {  	v58 =	vmov s3;
	v39 =	vmov s4;
	s8 =	sadd.s32 s29, s5;
	v40 =	vxor.u32 $0x80000000, v30;
	v32, _, _ =	vpop (xrf0);
	(xrf0) =	vadd.scan.msk.s32 $0xffff, v38  }
0x13e: {  	v41 =	vadd.s32 $0xFFFFFFFF, v60;
	v47 =	vadd.s32 $0xFFFFFFFF, v58;
	s30 =	spop (v2sf);
	v48 =	vadd.s32 $0xFFFFFFFF, v39;
	s8 =	sadd.s32 $0x80000000, s8;
	v43, _, _ =	vpop (xrf0);
	(xrf0) =	vmax.scan.msk.u32 $0xffff, v40  }
0x13f: {  	v55 =	vmov s8;
	s31 =	sadd.s32 s30, s8;
	v45 =	vxor.u32 $0x80000000, v32;
	(v2sf) =	vpush v43, $0xF;
	v34, _, _ =	vpop (xrf0)  }
0x140: {  	v39 =	vadd.s32 $0xFFFFFFFF, v59;
	v57 =	vmov s5;
	s22 =	sadd.s32 $0x80000000, s31;
	v44 =	vadd.s32 $0xFFFFFFFF, v55;
	(xrf0) =	vmax.scan.msk.u32 $0xffff, v45;
	v46, _, _ =	vpop (xrf0)  }
0x141: {  	[tilespmem:v35+s13+$0x0] =	vst.idx.msk $0xffff, v28;
	v42 =	vmov s22;
	v28 =	vxor.u32 $0x80000000, v34;
	(v2sf) =	vpush v46, $0xF;
	v35, _, _ =	vpop (xrf0)  }
0x142: {  	v61 =	vadd.s32 $0xFFFFFFFF, v57;
	v63 =	vbroadcast v44, $0x0;
	v38 =	vadd.s32 $0xFFFFFFFF, v42;
	(xrf0) =	vmax.scan.msk.u32 $0xffff, v28;
	v62, _, _ =	vpop (xrf0)  }
0x143: {  	v42 =	vbroadcast v61, $0x0;
	v28 =	vxor.u32 $0x80000000, v35;
	(v2sf) =	vpush v62, $0xF;
	v36, _, _ =	vpop (xrf0)  }
0x144: {  	s21 =	simm.s32 $0x8;
	v43 =	vbroadcast v48, $0x0;
	v40 =	vbroadcast v47, $0x0;
	v33 =	vadd.s32 v33, v63;
	(xrf0) =	vmax.scan.msk.u32 $0xffff, v28;
	v44, _, _ =	vpop (xrf0)  }
.LBB2_9:
0x145: {  	s21 =	sadd.s32 $0x8, s21;
	v45 =	vxor.u32 $0x80000000, v36;
	(v2sf) =	vpush v44, $0xF;
	v37 =	vbroadcast v37, $0x0;
	v28 =	vmovc v36  }
0x146: {  	v41 =	vbroadcast v41, $0x0;
	v39 =	vbroadcast v39, $0x0;
	v42 =	vadd.s32 v26, v42;
	p0 =	slt.u32 s21, $0x7F8;
	v36, _, _ =	vpop (xrf0);
	(xrf0) =	vmax.scan.msk.u32 $0xffff, v45  }
0x147: {  	v38 =	vbroadcast v38, $0x0;
	s20 =	sadd.s32 $0x80, s20;
	v26 =	vmovc v35;
	(v2sf) =	vpush v36, $0xF;
	v36 =	vadd.s32 v23, v43;
	v23 =	vmovc v34  }
0x148: {  	v25 =	vadd.s32 v25, v40;
	v39 =	vadd.s32 v22, v39;
	v24 =	vadd.s32 v24, v37;
	v34 =	vld [tilespmem:s20+$0x30];
	v35, _, _ =	vpop (xrf0)  }
0x149: {  	v31 =	vadd.s32 v31, v38;
	v22 =	vmovc v29;
	v37 =	vld [tilespmem:s20+$0x20];
	(v2sf) =	vpush v35, $0xF;
	v35 =	vadd.s32 v19, v41;
	v19 =	vmovc v27  }
0x14a: {  	v33 =	vsel vm5, v33, v4;
	v38 =	vsel vm6, v42, v4;
	v36 =	vsel vm4, v36, v4;
	v27 =	vld [tilespmem:s20+$0x10];
	v29, _, _ =	vpop (xrf0)  }
0x14b: {  	v41 =	vsel vm3, v25, v4;
	v25 =	vmovc v32;
	v40 =	vld [tilespmem:s20+$0x0];
	(v2sf) =	vpush v29, $0xF;
	v29 =	vsel vm2, v24, v4;
	v24 =	vmovc v30  }
0x14c: {  	v31 =	vsel vm9, v31, v4;
	v39 =	vsel vm1, v39, v4;
	v35 =	vsel vm0, v35, v4;
	v30 =	vld [tilespmem:s20+$0xFFFFFFF0];
	v32, _, _ =	vpop (xrf0)  }
0x14d: {  	vm1 =	vmmov vm8;
	vm0 =	vmmov vm7;
	v42 =	vld [tilespmem:s20+$0xFFFFFFE0];
	(v2sf) =	vpush v32, $0xF  }
0x14e: {  	vm4 =	vmmov vm12;
	vm3 =	vmmov vm11;
	vm2 =	vmmov vm10;
	v32 =	vld [tilespmem:s20+$0xFFFFFFC0];
	s0 =	spop (v2sf)  }
0x14f: {  	vm5 =	vmmov vm14;
	vm6 =	vmmov vm13;
	s0 =	sadd.s32 s0, s22;
	[tilespmem:v33+s13+$0x0] =	vst.idx.msk $0xffff, v11;
	v11 =	vmovc v12;
	v12 =	vmov v34  }
0x150: {  	vm13 =	vlt.s32 v37, $0x0;
	v33 =	vld [tilespmem:s20+$0xFFFFFFD0];
	vm14 =	vlt.s32 v12, $0x0;
	v34 =	vxor.u32 $0xFFFFFFFF, v12;
	s0 =	sadd.s32 $0x80000000, s0;
	s1 =	spop (v2sf);
	[tilespmem:v38+s13+$0x0] =	vst.idx.msk $0xffff, v10;
	v10 =	vmovc v14;
	v14 =	vmovc v37  }
0x151: {  	vm12 =	vlt.s32 v27, $0x0;
	v37 =	vxor.u32 $0xFFFFFFFF, v27;
	v38 =	vxor.u32 $0xFFFFFFFF, v14;
	s1 =	sadd.s32 s1, s0;
	[tilespmem:v36+s13+$0x0] =	vst.idx.msk $0xffff, v9;
	v9 =	vmovc v15;
	v15 =	vmovc v27  }
0x152: {  	vm11 =	vlt.s32 v40, $0x0;
	v27 =	vxor.u32 $0xFFFFFFFF, v40;
	v36 =	vand.u32 $0x7FFFFFFF, v40;
	s1 =	sadd.s32 $0x80000000, s1;
	s2 =	spop (v2sf);
	[tilespmem:v41+s13+$0x0] =	vst.idx.msk $0xffff, v8;
	v8 =	vmovc v16;
	v16 =	vmovc v40  }
0x153: {  	vm10 =	vlt.s32 v30, $0x0;
	vm8 =	vlt.s32 v42, $0x0;
	v40 =	vand.u32 $0x7FFFFFFF, v32;
	s2 =	sadd.s32 s2, s1;
	[tilespmem:v29+s13+$0x0] =	vst.idx.msk $0xffff, v7;
	v7 =	vmovc v17;
	v17 =	vmovc v30  }
0x154: {  	vm7 =	vlt.s32 v32, $0x0;
	v29 =	vxor.u32 $0xFFFFFFFF, v32;
	v30 =	vxor.u32 $0x80000000, v40;
	s2 =	sadd.s32 $0x80000000, s2;
	s3 =	spop (v2sf);
	[tilespmem:v39+s13+$0x0] =	vst.idx.msk $0xffff, v5;
	v5 =	vmovc v18;
	v18 =	vmovc v42  }
0x155: {  	v29 =	vsel vm7, v29, v30;
	vm7 =	vlt.s32 v33, $0x0;
	v30 =	vand.u32 $0x7FFFFFFF, v33;
	s3 =	sadd.s32 s3, s2;
	[tilespmem:v35+s13+$0x0] =	vst.idx.msk $0xffff, v6;
	v6 =	vmovc v21  }
0x156: {  	v35 =	vxor.u32 $0xFFFFFFFF, v33;
	vm9 =	vge.u32 v29, v13;
	v29 =	vxor.u32 $0x80000000, v30;
	[tilespmem:v31+s13+$0x0] =	vst.idx.msk $0xffff, v20;
	s3 =	sadd.s32 $0x80000000, s3;
	s4 =	spop (v2sf);
	v20 =	vmovc v32  }
0x157: {  	v21 =	vmovc v33;
	v31 =	vand.u32 $0x7FFFFFFF, v18;
	v30 =	vsel vm9, $0x1, v0;
	v29 =	vsel vm7, v35, v29;
	s4 =	sadd.s32 s4, s3  }
0x158: {  	v31 =	vxor.u32 $0x80000000, v31;
	vm7 =	vge.u32 v29, v13;
	v29 =	vxor.u32 $0xFFFFFFFF, v18;
	(xrf0) =	vadd.scan.msk.s32 $0xffff, v30;
	s4 =	sadd.s32 $0x80000000, s4;
	s5 =	spop (v2sf)  }
0x159: {  	v30 =	vsel vm7, $0x1, v0;
	v29 =	vsel vm8, v29, v31;
	v31 =	vand.u32 $0x7FFFFFFF, v17;
	s5 =	sadd.s32 s5, s4  }
0x15a: {  	vm8 =	vge.u32 v29, v13;
	v29 =	vxor.u32 $0xFFFFFFFF, v17;
	v31 =	vxor.u32 $0x80000000, v31;
	(xrf0) =	vadd.scan.msk.s32 $0xffff, v30;
	s5 =	sadd.s32 $0x80000000, s5;
	s8 =	spop (v2sf)  }
0x15b: {  	v30 =	vsel vm8, $0x1, v0;
	v29 =	vsel vm10, v29, v31;
	v31 =	vxor.u32 $0x80000000, v36;
	s8 =	sadd.s32 s8, s5  }
0x15c: {  	vm10 =	vge.u32 v29, v13;
	v27 =	vsel vm11, v27, v31;
	v29 =	vand.u32 $0x7FFFFFFF, v15;
	(xrf0) =	vadd.scan.msk.s32 $0xffff, v30;
	s8 =	sadd.s32 $0x80000000, s8;
	s16 =	spop (v2sf)  }
0x15d: {  	v30 =	vsel vm10, $0x1, v0;
	vm11 =	vge.u32 v27, v13;
	v27 =	vxor.u32 $0x80000000, v29;
	s16 =	sadd.s32 s16, s8  }
0x15e: {  	v32 =	vand.u32 $0x7FFFFFFF, v14;
	v29 =	vsel vm11, $0x1, v0;
	v37 =	vsel vm12, v37, v27;
	v31, _, _ =	vpop (xrf0);
	(xrf0) =	vadd.scan.msk.s32 $0xffff, v30;
	s22 =	sadd.s32 $0x80000000, s16  }
0x15f: {  	v35 =	vxor.u32 $0x80000000, v32;
	v30 =	vxor.u32 $0x80000000, v31;
	vm12 =	vge.u32 v37, v13;
	(xrf0) =	vadd.scan.msk.s32 $0xffff, v29  }
0x160: {  	v33 =	vand.u32 $0x7FFFFFFF, v12;
	v32 =	vsel vm13, v38, v35;
	v36 =	vsel vm12, $0x1, v0;
	(xrf0) =	vmax.scan.msk.u32 $0xffff, v30;
	v27, _, _ =	vpop (xrf0)  }
0x161: {  	vm13 =	vge.u32 v32, v13;
	v32 =	vxor.u32 $0x80000000, v33;
	v30 =	vxor.u32 $0x80000000, v27;
	(xrf0) =	vadd.scan.msk.s32 $0xffff, v36  }
0x162: {  	v33 =	vsel vm13, $0x1, v0;
	v32 =	vsel vm14, v34, v32;
	v34 =	vmov s8;
	(xrf0) =	vmax.scan.msk.u32 $0xffff, v30;
	v29, _, _ =	vpop (xrf0)  }
0x163: {  	vm14 =	vge.u32 v32, v13;
	v36 =	vxor.u32 $0x80000000, v29;
	(xrf0) =	vadd.scan.msk.s32 $0xffff, v33;
	v33 =	vmov s5  }
0x164: {  	v38 =	vmov s4;
	v35 =	vsel vm14, $0x1, v0;
	(xrf0) =	vmax.scan.msk.u32 $0xffff, v36;
	v30, _, _ =	vpop (xrf0);
	v36 =	vmov s3  }
0x165: {  	v39 =	vmov s1;
	v37 =	vxor.u32 $0x80000000, v30;
	v32, _, _ =	vpop (xrf0);
	(xrf0) =	vadd.scan.msk.s32 $0xffff, v35;
	v35 =	vmov s2  }
0x166: {  	v42 =	vmov s0;
	v43 =	vadd.s32 $0xFFFFFFFF, v34;
	v40 =	vmov s22;
	v41, _, _ =	vpop (xrf0);
	(xrf0) =	vmax.scan.msk.u32 $0xffff, v37  }
0x167: {  	v33 =	vadd.s32 $0xFFFFFFFF, v33;
	v37 =	vxor.u32 $0x80000000, v32;
	(v2sf) =	vpush v41, $0xF;
	v34, _, _ =	vpop (xrf0)  }
.Ltmp5:
0x168: {  	v46 =	vadd.s32 $0xFFFFFFFF, v38;
	v45 =	vadd.s32 $0xFFFFFFFF, v36;
	v41, _, _ =	vpop (xrf0);
	(xrf0) =	vmax.scan.msk.u32 $0xffff, v37;
	v37 =	vadd.s32 $0xFFFFFFFF, v35;
	(pc) =	sbr.rel @p0 .LBB2_9-.Ltmp5, $4  }
0x169: {  	v39 =	vadd.s32 $0xFFFFFFFF, v39;
	v44 =	vxor.u32 $0x80000000, v34;
	(v2sf) =	vpush v41, $0xF;
	v35, _, _ =	vpop (xrf0)  }
0x16a: {  	v47 =	vbroadcast v43, $0x0;
	v38 =	vadd.s32 $0xFFFFFFFF, v40;
	v41 =	vadd.s32 $0xFFFFFFFF, v42;
	v40, _, _ =	vpop (xrf0);
	(xrf0) =	vmax.scan.msk.u32 $0xffff, v44  }
0x16b: {  	v42 =	vbroadcast v33, $0x0;
	v43 =	vxor.u32 $0x80000000, v35;
	(v2sf) =	vpush v40, $0xF;
	v36, _, _ =	vpop (xrf0)  }
0x16c: {  	v33 =	vadd.s32 v28, v47;
	v40 =	vbroadcast v45, $0x0;
	v44, _, _ =	vpop (xrf0);
	(xrf0) =	vmax.scan.msk.u32 $0xffff, v43;
	v43 =	vbroadcast v46, $0x0  }
0x16d: {  	(v2sf) =	vpush v44, $0xF  }
0x16e: {  	v13, _, _ =	vpop (xrf0)  }
0x16f: {  	(v2sf) =	vpush v13, $0xF  }
0x170: {  	v60, _, _ =	vpop (xrf0)  }
0x171: {  	(v2sf) =	vpush v60, $0xF  }
0x172: {  	v61, _, _ =	vpop (xrf0)  }
0x173: {  	(v2sf) =	vpush v61, $0xF  }
0x174: {  	v28 =	vbroadcast v37, $0x0  }
0x175: {  	v62 =	vxor.u32 $0x80000000, v36;
	v63 =	vbroadcast v39, $0x0;
	v41 =	vbroadcast v41, $0x0  }
0x176: {  	v38 =	vbroadcast v38, $0x0;
	v26 =	vadd.s32 v26, v42;
	v46 =	vsel vm5, v33, v4;
	s0 =	spop (v2sf)  }
0x177: {  	vm15 =	vmmov vm7;
	v23 =	vadd.s32 v23, v43;
	v44 =	vadd.s32 v25, v40;
	s0 =	sadd.s32 s0, s22  }
0x178: {  	v26 =	vsel vm6, v26, v4;
	v13 =	vadd.s32 v22, v63;
	v19 =	vadd.s32 v19, v41;
	s0 =	sadd.s32 $0x80000000, s0;
	s1 =	spop (v2sf)  }
0x179: {  	(xrf0) =	vmax.scan.msk.u32 $0xffff, v62;
	v43 =	vadd.s32 v24, v28;
	v45 =	vadd.s32 v31, v38;
	v19 =	vsel vm0, v19, v4;
	s1 =	sadd.s32 s1, s0  }
0x17a: {  	v23 =	vsel vm4, v23, v4;
	v24 =	vsel vm3, v44, v4;
	v13 =	vsel vm1, v13, v4;
	s1 =	sadd.s32 $0x80000000, s1;
	s2 =	spop (v2sf)  }
0x17b: {  	v22 =	vsel vm2, v43, v4;
	v25 =	vsel vm9, v45, v4;
	vm9 =	vmmov vm10;
	s2 =	sadd.s32 s2, s1  }
0x17c: {  	vm10 =	vmmov vm11;
	vm11 =	vmmov vm12;
	v54 =	vmov s0;
	s2 =	sadd.s32 $0x80000000, s2;
	s3 =	spop (v2sf)  }
0x17d: {  	vm12 =	vmmov vm13;
	v59 =	vadd.s32 $0xFFFFFFFF, v54;
	v52 =	vmov s1;
	s3 =	sadd.s32 s3, s2  }
0x17e: {  	vm13 =	vmmov vm14;
	[tilespmem:v19+s13+$0x0] =	vst.idx.msk $0xffff, v6;
	v6 =	vbroadcast v59, $0x0;
	v58 =	vadd.s32 $0xFFFFFFFF, v52;
	s3 =	sadd.s32 $0x80000000, s3;
	s4 =	spop (v2sf)  }
0x17f: {  	vm14 =	vmmov vm8;
	v47, _, _ =	vpop (xrf0);
	[tilespmem:v13+s13+$0x0] =	vst.idx.msk $0xffff, v5;
	v53 =	vmov s2;
	v5 =	vbroadcast v58, $0x0;
	s4 =	sadd.s32 s4, s3  }
0x180: {  	(v2sf) =	vpush v47, $0xF;
	v6 =	vadd.s32 v27, v6;
	v55 =	vadd.s32 $0xFFFFFFFF, v53;
	s4 =	sadd.s32 $0x80000000, s4;
	s5 =	spop (v2sf)  }
0x181: {  	[tilespmem:v22+s13+$0x0] =	vst.idx.msk $0xffff, v7;
	v50 =	vmov s3;
	v7 =	vbroadcast v55, $0x0;
	v5 =	vadd.s32 v29, v5;
	s5 =	sadd.s32 s5, s4  }
0x182: {  	v6 =	vsel vm15, v6, v4;
	v56 =	vadd.s32 $0xFFFFFFFF, v50;
	v5 =	vsel vm14, v5, v4;
	s5 =	sadd.s32 $0x80000000, s5;
	s8 =	spop (v2sf)  }
0x183: {  	v51 =	vmov s4;
	v61 =	vbroadcast v56, $0x0;
	v7 =	vadd.s32 v30, v7;
	s8 =	sadd.s32 s8, s5  }
0x184: {  	[tilespmem:v46+s13+$0x0] =	vst.idx.msk $0xffff, v11;
	v57 =	vadd.s32 $0xFFFFFFFF, v51;
	v7 =	vsel vm9, v7, v4;
	v49 =	vmov s5;
	s8 =	sadd.s32 $0x80000000, s8  }
0x185: {  	[tilespmem:v26+s13+$0x0] =	vst.idx.msk $0xffff, v10;
	v10 =	vbroadcast v57, $0x0;
	v33 =	vadd.s32 $0xFFFFFFFF, v49;
	v48 =	vmov s8  }
0x186: {  	[tilespmem:v24+s13+$0x0] =	vst.idx.msk $0xffff, v8;
	v8 =	vadd.s32 v32, v61;
	v33 =	vbroadcast v33, $0x0;
	v31 =	vadd.s32 $0xFFFFFFFF, v48  }
0x187: {  	[tilespmem:v23+s13+$0x0] =	vst.idx.msk $0xffff, v9;
	v8 =	vsel vm10, v8, v4;
	v10 =	vadd.s32 v34, v10;
	v31 =	vbroadcast v31, $0x0  }
0x188: {  	[tilespmem:v25+s13+$0x0] =	vst.idx.msk $0xffff, v20;
	v10 =	vsel vm11, v10, v4;
	v62 =	vadd.s32 v35, v33  }
0x189: {  	[tilespmem:v6+s13+$0x0] =	vst.idx.msk $0xffff, v21;
	v63 =	vsel vm12, v62, v4;
	v60 =	vadd.s32 v36, v31  }
0x18a: {  	[tilespmem:v5+s13+$0x0] =	vst.idx.msk $0xffff, v18;
	v23 =	vsel vm13, v60, v4  }
0x18b: {  	[tilespmem:v7+s13+$0x0] =	vst.idx.msk $0xffff, v17  }
0x18c: {  	[tilespmem:v8+s13+$0x0] =	vst.idx.msk $0xffff, v16  }
0x18d: {  	p0 =	por $0x1, $0x1;
	[tilespmem:v10+s13+$0x0] =	vst.idx.msk $0xffff, v15  }
.Ltmp6:
0x18e: {  	[tilespmem:v63+s13+$0x0] =	vst.idx.msk $0xffff, v14;
	(pc) =	sbr.rel @!p0 .LBB2_12-.Ltmp6, $4  }
0x18f: {  	s0 =	simm.s32 $0x100A0;
	[tilespmem:v23+s13+$0x0] =	vst.idx.msk $0xffff, v12  }
0x190: {  	s31 =	spop (v2sf);
	[tilespmem:s0+$0xFFFFFFE0] =	vst v0  }
0x191: {  	s1 =	sadd.s32 s31, s8;
	[tilespmem:s0+$0x10] =	vst v0  }
0x192: {  	s23 =	sadd.s32 $0x80000000, s1;
	s1 =	simm.s32 $0x0;
	[tilespmem:s0+$0x0] =	vst v0  }
.LBB2_11:
0x193: {  	s1 =	sadd.s32 $0x4, s1  }
0x194: {  	[tilespmem:s0+$0xFFFFFFF0] =	vst v0;
	s0 =	sadd.s32 $0x40, s0;
	p0 =	slt.u32 s1, $0xC  }
.Ltmp7:
0x195: {  	[tilespmem:s0+$0xFFFFFFE0] =	vst v0;
	(pc) =	sbr.rel @p0 .LBB2_11-.Ltmp7, $3  }
0x196: {  	_ =	sdelay $0x1  }
0x197: {  	[tilespmem:s0+$0x10] =	vst v0  }
0x198: {  	[tilespmem:s0+$0x0] =	vst v0  }
.LBB2_12:
0x199: {  	s1 =	sadd.s32 $0xF, s23  }
0x19a: {  	s20 =	sshra.s32 s1, $0x4;
	s1 =	sshrl.u32 s1, $0x1F  }
0x19b: {  	s1 =	sadd.s32 s1, s20  }
0x19c: {  	s21 =	sand.u32 $0xFFFFFFFE, s1  }
0x19d: {  	p0 =	slt.s32 s21, $0x1  }
.Ltmp8:
0x19e: {  	_ = 	snop;
	(pc) =	sbr.rel @p0 .LBB2_22-.Ltmp8, $3  }
0x19f: {  	_ =	sdelay $0x1  }
0x1a0: {  	[tilespmem:s0+$0xFFFFFFF0] =	vst v0  }
0x1a1: {  	v5 =	vmov s23;
	[tilespmem:$0x10180] =	vst v0  }
0x1a2: {  	p3 =	sgt.s32 s21, $0x2  }
.Ltmp9:
0x1a3: {  	_ = 	snop;
	(pc) =	sbr.rel @!p3 .LBB2_14-.Ltmp9, $4  }
0x1a4: {  	_ = 	snop  }
0x1a5: {  	s1 =	simm.s32 $0x8010  }
0x1a6: {  	v14 =	vld [tilespmem:s1+$0xFFFFFFF0]  }
0x1a7: {  	s0 =	simm.s32 $0x10;
	p1 =	por $0x0, $0x0;
	p2 =	por $0x0, $0x0;
	v6 =	vld [tilespmem:s1+$0x0]  }
0x1a8: {  	p3 =	sgt.s32 s21, $0x4  }
.Ltmp10:
0x1a9: {  	_ = 	snop;
	(pc) =	sbr.rel @!p3 .LBB2_16-.Ltmp10, $4  }
0x1aa: {  	s2 =	simm.s32 $0x0  }
0x1ab: {  	s1 =	simm.s32 $0x8030;
	v9 =	vor.u32 s0, v1;
	v16 =	vor.u32 s2, v1  }
0x1ac: {  	v11 =	vld [tilespmem:s1+$0xFFFFFFF0];
	v10 =	vor.u32 $0x80000000, v14;
	vm3 =	vlt.s32 v14, $0x0;
	v15 =	vxor.u32 $0xFFFFFFFF, v14  }
0x1ad: {  	p1 =	por $0x1, $0x1;
	vm2 =	vlt.s32 v6, $0x0;
	v12 =	vxor.u32 $0xFFFFFFFF, v6;
	v13 =	vor.u32 $0x80000000, v6;
	v6 =	vld [tilespmem:s1+$0x0]  }
0x1ae: {  	p3 =	sgt.s32 s21, $0x6  }
.Ltmp11:
0x1af: {  	v7 =	vsel vm3, v15, v10;
	vm1 =	vlt.s32 v16, v5;
	v10 =	vsel vm2, v12, v13;
	(pc) =	sbr.rel @!p3 .LBB2_18-.Ltmp11, $4  }
0x1b0: {  	vm0 =	vlt.s32 v9, v5;
	s1 =	simm.s32 $0x30;
	s4 =	simm.s32 $0x20;
	v8 =	vshrl.u32 v7, $0x18;
	v7 =	vshrl.u32 v10, $0x18  }
0x1b1: {  	s2 =	simm.s32 $0x8050;
	vm1 =	vmmov vm1;
	v9 =	vor.u32 s1, v1;
	v16 =	vor.u32 s4, v1  }
0x1b2: {  	v14 =	vld [tilespmem:s2+$0xFFFFFFF0];
	v10 =	vor.u32 $0x80000000, v11;
	vm3 =	vlt.s32 v11, $0x0;
	v15 =	vxor.u32 $0xFFFFFFFF, v11  }
0x1b3: {  	s3 =	simm.s32 $0x6;
	p2 =	por $0x1, $0x1;
	vm2 =	vlt.s32 v6, $0x0;
	v12 =	vxor.u32 $0xFFFFFFFF, v6;
	v13 =	vor.u32 $0x80000000, v6;
	v6 =	vld [tilespmem:s2+$0x0]  }
.LBB2_19:
0x1b4: {  	s3 =	sadd.s32 $0x2, s3  }
0x1b5: {  	v10 =	vsel vm3, v15, v10;
	vm3 =	vlt.s32 v16, v5;
	v12 =	vsel vm2, v12, v13;
	p3 =	slt.s32 s3, s21  }
.Ltmp12:
0x1b6: {  	s2 =	sadd.s32 $0x20, s2;
	v10 =	vshrl.u32 v10, $0x18;
	[tilespmem:v7+s12+$0x0] =	vst.idx.add.s32.msk vm0, v2;
	v7 =	vshrl.u32 v12, $0x18;
	vm0 =	vlt.s32 v9, v5;
	(pc) =	sbr.rel @p3 .LBB2_19-.Ltmp12, $4  }
0x1b7: {  	s1 =	sadd.s32 $0x20, s1;
	[tilespmem:v8+s12+$0x0] =	vst.idx.add.s32.msk vm1, v2;
	v8 =	vmov v10;
	v11 =	vmov v14;
	vm1 =	vmmov vm3  }
0x1b8: {  	v9 =	vor.u32 s1, v1;
	v14 =	vld [tilespmem:s2+$0xFFFFFFF0];
	v10 =	vor.u32 $0x80000000, v11  }
0x1b9: {  	s4 =	sadd.s32 $0xFFFFFFF0, s1;
	vm2 =	vlt.s32 v6, $0x0;
	v12 =	vxor.u32 $0xFFFFFFFF, v6;
	v13 =	vor.u32 $0x80000000, v6  }
0x1ba: {  	v16 =	vor.u32 s4, v1;
	vm3 =	vlt.s32 v11, $0x0;
	v15 =	vxor.u32 $0xFFFFFFFF, v11;
	v6 =	vld [tilespmem:s2+$0x0]  }
0x1bb: {  	_ =	sdelay $0x1  }
0x1bc: {  	v11 =	vmov v14  }
.LBB2_21:
0x1bd: {  	v10 =	vsel @p1 vm3, v15, v10;
	vm3 =	vlt.s32 @p1 v16, v5;
	v12 =	vsel @p1 vm2, v12, v13  }
0x1be: {  	vm2 =	vlt.s32 @p1 v9, v5;
	v61 =	vor.u32 $0x80000000, v11;
	vm14 =	vlt.s32 v11, $0x0  }
0x1bf: {  	s1 =	sadd.s32 @p1 $0x20, s1;
	v62 =	vxor.u32 $0xFFFFFFFF, v11;
	v10 =	vshrl.u32 @p1 v10, $0x18;
	v9 =	vshrl.u32 @p1 v12, $0x18  }
0x1c0: {  	vm3 =	vmmov @p1 vm3;
	s0 =	smov.u32 @p1 s1;
	vm4 =	vlt.s32 v6, $0x0;
	v60 =	vxor.u32 $0xFFFFFFFF, v6  }
0x1c1: {  	v6 =	vor.u32 $0x80000000, v6;
	vm2 =	vmmov @p1 vm2;
	v14 =	vor.u32 s0, v1  }
0x1c2: {  	v6 =	vsel vm4, v60, v6;
	s0 =	sadd.s32 $0xFFFFFFF0, s0;
	v9 =	vpsel p1, v9, v0;
	vm3 =	vmmov @p1 vm3  }
0x1c3: {  	v10 =	vpsel p1, v10, v0;
	v63 =	vor.u32 s0, v1;
	vm6 =	vlt.s32 v14, v5  }
0x1c4: {  	v11 =	vsel vm14, v62, v61;
	v6 =	vshrl.u32 v6, $0x18;
	vm5 =	vlt.s32 v63, v5  }
0x1c5: {  	[tilespmem:v7+s12+$0x0] =	vst.idx.add.s32.msk @p2 vm0, v2;
	v7 =	vshrl.u32 v11, $0x18  }
0x1c6: {  	[tilespmem:v8+s12+$0x0] =	vst.idx.add.s32.msk @p2 vm1, v2  }
0x1c7: {  	[tilespmem:v9+s12+$0x0] =	vst.idx.add.s32.msk @p1 vm2, v2  }
0x1c8: {  	[tilespmem:v10+s12+$0x0] =	vst.idx.add.s32.msk @p1 vm3, v2  }
0x1c9: {  	[tilespmem:v6+s12+$0x0] =	vst.idx.add.s32.msk vm6, v2  }
0x1ca: {  	vm15 =	vmmov vm5;
	[tilespmem:v7+s12+$0x0] =	vst.idx.add.s32.msk vm5, v2  }
.LBB2_22:
0x1cb: {  	s22 =	ssub.s32 s20, s21  }
0x1cc: {  	p1 =	sgt.s32 s22, $0x0  }
0x1cd: {  	s0 =	sshll.u32 @p1 s21, $0x4  }
0x1ce: {  	v6 =	vld @p1 [tilespmem:s0+$0x8000];
	_ =	sdelay $0x2  }
0x1cf: {  	v7 =	vlaneseq.u32 @p1  }
0x1d0: {  	v7 =	vor.u32 @p1 s0, v7  }
0x1d1: {  	vm0 =	vlt.s32 @p1 v6, $0x0;
	v8 =	vxor.u32 @p1 $0xFFFFFFFF, v6;
	v6 =	vor.u32 @p1 $0x80000000, v6  }
0x1d2: {  	v6 =	vsel @p1 vm0, v8, v6;
	vm0 =	vlt.s32 @p1 v7, v5  }
0x1d3: {  	v6 =	vshrl.u32 @p1 v6, $0x18;
	_ =	sdelay $0x3  }
0x1d4: {  	s0 =	simm.s32 @p1 $0x10080;
	v7 =	vimm.s32 @p1 $0x1  }
0x1d5: {  	s2 =	simm.s32 $0x10090;
	[tilespmem:v6+s0+$0x0] =	vst.idx.add.s32.msk @p1 vm0, v7  }
0x1d6: {  	v7 =	vld [tilespmem:s2+$0xFFFFFFF0];
	_ =	sdelay $0x1  }
0x1d7: {  	v8 =	vld [tilespmem:s2+$0x0];
	_ =	sdelay $0x2  }
0x1d8: {  	(xrf0) =	vadd.scan.msk.s32 $0xffff, v7  }
0x1d9: {  	s4 =	simm.s32 $0x100B0  }
0x1da: {  	v9 =	vld [tilespmem:s4+$0xFFFFFFF0];
	(xrf0) =	vadd.scan.msk.s32 $0xffff, v8;
	_ =	sdelay $0x3  }
0x1db: {  	v10, _, _ =	vpop (xrf0)  }
0x1dc: {  	(xrf0) =	vadd.scan.msk.s32 $0xffff, v9;
	v6 =	vxor.u32 $0x80000000, v10  }
0x1dd: {  	v12, _, _ =	vpop (xrf0);
	(xrf0) =	vmax.scan.msk.u32 $0xffff, v6  }
0x1de: {  	v6 =	vxor.u32 $0x80000000, v12  }
0x1df: {  	v13 =	vld [tilespmem:s4+$0x0];
	(xrf0) =	vmax.scan.msk.u32 $0xffff, v6;
	_ =	sdelay $0x2  }
0x1e0: {  	v15, _, _ =	vpop (xrf0)  }
0x1e1: {  	s5 =	simm.s32 $0x100D0;
	v6, _, _ =	vpop (xrf0)  }
0x1e2: {  	v11 =	vld [tilespmem:s5+$0xFFFFFFF0];
	(xrf0) =	vadd.scan.msk.s32 $0xffff, v13;
	(v2sf) =	vpush v6, $0xF  }
0x1e3: {  	v6, _, _ =	vpop (xrf0)  }
0x1e4: {  	(v2sf) =	vpush v6, $0xF;
	_ =	sdelay $0x2  }
0x1e5: {  	(xrf0) =	vadd.scan.msk.s32 $0xffff, v11;
	v6 =	vxor.u32 $0x80000000, v15  }
0x1e6: {  	v17, _, _ =	vpop (xrf0);
	(xrf0) =	vmax.scan.msk.u32 $0xffff, v6  }
0x1e7: {  	s1 =	simm.s32 $0x0;
	s6 =	simm.s32 $0x0;
	v6 =	vxor.u32 $0x80000000, v17  }
0x1e8: {  	v14 =	vmov s6;
	s1 =	ssub.s32 s23, s1;
	v16 =	vld [tilespmem:s5+$0x0];
	(xrf0) =	vmax.scan.msk.u32 $0xffff, v6;
	v6 =	vmul.u32 $0x10000, v1  }
0x1e9: {  	v14 =	vshll.u32 v14, $0x10;
	v18 =	vadd.s32 s1, v7  }
0x1ea: {  	v10 =	vsub.s32 v18, v10;
	v19 =	vor.u32 v6, v14  }
0x1eb: {  	s7 =	simm.s32 $0x100F0;
	v20, _, _ =	vpop (xrf0);
	v21 =	vadd.s32 v19, v10  }
0x1ec: {  	v14 =	vld [tilespmem:s7+$0xFFFFFFF0];
	v18, _, _ =	vpop (xrf0)  }
0x1ed: {  	s16 =	simm.s32 $0x60;
	(xrf0) =	vadd.scan.msk.s32 $0xffff, v16;
	(v2sf) =	vpush v18, $0xF  }
0x1ee: {  	v23 =	vmov s16;
	vm0 =	vgt.s32 v10, $0x3FF;
	v10 =	vxor.u32 $0x80000000, v21;
	v21, _, _ =	vpop (xrf0)  }
0x1ef: {  	s3 =	simm.s32 $0x10;
	s8 =	simm.s32 $0x20;
	v7 =	vadd.s32 v19, v7;
	v10 =	vnsel vm0, $0x7FFFFFFF, v10;
	(v2sf) =	vpush v21, $0xF;
	s10 =	spop (v2sf)  }
0x1f0: {  	v7 =	vxor.u32 $0x80000000, v7;
	v18 =	vmov s8;
	(xrf0) =	vmax.scan.msk.u32 $0xffff, v10;
	v10 =	vmov s3;
	s2 =	sadd.s32 $0x0, s10  }
0x1f1: {  	v21 =	vshll.u32 v18, $0x10;
	v18 =	vxor.u32 $0x80000000, v20;
	(xrf0) =	vadd.scan.msk.s32 $0xffff, v14;
	v10 =	vshll.u32 v10, $0x10;
	s25 =	spop (v2sf);
	s17 =	sadd.s32 $0x80000000, s2  }
0x1f2: {  	v7 =	vnsel vm0, $0x7FFFFFFF, v7;
	(xrf0) =	vmax.scan.msk.u32 $0xffff, v18;
	v10 =	vor.u32 v6, v10;
	v18 =	vshll.u32 v23, $0x10;
	s2 =	sadd.s32 s25, s17  }
0x1f3: {  	v19, _, _ =	vpop (xrf0);
	v24 =	vadd.s32 v10, v8;
	v8 =	vadd.s32 v5, v8;
	v25 =	vmov s17;
	s26 =	sadd.s32 $0x80000000, s2  }
0x1f4: {  	v23 =	vxor.u32 $0x80000000, v19;
	(xrf0) =	vmax.scan.msk.u32 $0xffff, v7;
	v12 =	vsub.s32 v8, v12;
	v8 =	vsub.s32 $0x0, v25;
	s3 =	ssub.s32 s23, s26  }
0x1f5: {  	(xrf0) =	vmax.scan.msk.u32 $0xffff, v23;
	v26 =	vadd.s32 s3, v9  }
0x1f6: {  	s31 =	simm.s32 $0x30;
	v21 =	vor.u32 v6, v21;
	v7 =	vld [tilespmem:s7+$0x0]  }
0x1f7: {  	s9 =	simm.s32 $0x40;
	v23 =	vxor.u32 $0x80000000, v24;
	v24 =	vmov s31;
	v25 =	vbroadcast v8, $0x0;
	v8, _, _ =	vpop (xrf0)  }
0x1f8: {  	v22 =	vmov s9;
	v24 =	vshll.u32 v24, $0x10;
	v15 =	vsub.s32 v26, v15;
	v26, _, _ =	vpop (xrf0)  }
0x1f9: {  	s4 =	simm.s32 $0x10110;
	v9 =	vadd.s32 v21, v9;
	v12 =	vadd.s32 v25, v12;
	(v2sf) =	vpush v8, $0xF;
	v27, _, _ =	vpop (xrf0)  }
0x1fa: {  	vm0 =	vgt.s32 v15, $0x3FF;
	v15 =	vadd.s32 v21, v15;
	v8 =	vld [tilespmem:s4+$0xFFFFFFF0];
	(v2sf) =	vpush v27, $0xF;
	v21, _, _ =	vpop (xrf0)  }
0x1fb: {  	v24 =	vor.u32 v6, v24;
	(xrf0) =	vadd.scan.msk.s32 $0xffff, v7;
	vm1 =	vgt.s32 v12, $0x3FF;
	v15 =	vxor.u32 $0x80000000, v15;
	v25, _, _ =	vpop (xrf0)  }
0x1fc: {  	s5 =	simm.s32 $0x80;
	v10 =	vadd.s32 v10, v12;
	s6 =	spop (v2sf);
	v15 =	vnsel vm0, $0x7FFFFFFF, v15;
	(v2sf) =	vpush v25, $0xF  }
0x1fd: {  	v12 =	vmov s5;
	s0 =	sadd.s32 s6, s26;
	(xrf0) =	vmax.scan.msk.u32 $0xffff, v15;
	v15 =	vnsel vm1, $0x7FFFFFFF, v23;
	v23 =	vxor.u32 $0x80000000, v10  }
0x1fe: {  	v9 =	vxor.u32 $0x80000000, v9;
	s7 =	spop (v2sf);
	v10 =	vshll.u32 v12, $0x10;
	s0 =	sadd.s32 $0x80000000, s0;
	(xrf0) =	vmax.scan.msk.u32 $0xffff, v15;
	v12 =	vnsel vm1, $0x7FFFFFFF, v23  }
0x1ff: {  	v27 =	vxor.u32 $0x80000000, v26;
	(xrf0) =	vadd.scan.msk.s32 $0xffff, v8;
	(v2sf) =	vpush v21, $0xF;
	v21 =	vmov s0;
	s0 =	sadd.s32 s7, s0  }
0x200: {  	v15 =	vnsel vm0, $0x7FFFFFFF, v9;
	v9 =	vadd.s32 v24, v13;
	v13 =	vadd.s32 v5, v13;
	(xrf0) =	vmax.scan.msk.u32 $0xffff, v12;
	s0 =	sadd.s32 $0x80000000, s0  }
0x201: {  	v22 =	vshll.u32 v22, $0x10;
	v23 =	vsub.s32 v13, v17;
	(xrf0) =	vmax.scan.msk.u32 $0xffff, v27;
	v12, _, _ =	vpop (xrf0);
	v13 =	vsub.s32 $0x0, v21;
	s9 =	ssub.s32 s23, s0  }
0x202: {  	s8 =	simm.s32 $0x50;
	v17 =	vxor.u32 $0x80000000, v12;
	v27 =	vbroadcast v13, $0x0;
	(xrf0) =	vmax.scan.msk.u32 $0xffff, v15;
	v13 =	vadd.s32 s9, v11  }
0x203: {  	v22 =	vor.u32 v6, v22;
	v25 =	vmov s8;
	v21 =	vxor.u32 $0x80000000, v9;
	v9 =	vld [tilespmem:s4+$0x0];
	v15, _, _ =	vpop (xrf0);
	(xrf0) =	vmax.scan.msk.u32 $0xffff, v17  }
0x204: {  	v17 =	vshll.u32 v25, $0x10;
	v25 =	vadd.s32 v22, v11;
	v11, _, _ =	vpop (xrf0)  }
0x205: {  	v20 =	vsub.s32 v13, v20;
	v23 =	vadd.s32 v27, v23;
	(v2sf) =	vpush v11, $0xF;
	v13, _, _ =	vpop (xrf0)  }
0x206: {  	s10 =	simm.s32 $0x10130;
	vm0 =	vgt.s32 v20, $0x3FF;
	v20 =	vadd.s32 v22, v20;
	(v2sf) =	vpush v15, $0xF;
	v15, _, _ =	vpop (xrf0)  }
0x207: {  	v11 =	vld [tilespmem:s10+$0xFFFFFFF0];
	vm1 =	vgt.s32 v23, $0x3FF;
	v20 =	vxor.u32 $0x80000000, v20;
	v27, _, _ =	vpop (xrf0)  }
0x208: {  	(xrf0) =	vadd.scan.msk.s32 $0xffff, v9;
	(v2sf) =	vpush v15, $0xF;
	v15 =	vnsel vm0, $0x7FFFFFFF, v20;
	v20 =	vadd.s32 v24, v23;
	v23, _, _ =	vpop (xrf0);
	s3 =	spop (v2sf)  }
0x209: {  	s16 =	simm.s32 $0xA0;
	v17 =	vor.u32 v6, v17;
	(v2sf) =	vpush v27, $0xF;
	v27, _, _ =	vpop (xrf0);
	(xrf0) =	vmax.scan.msk.u32 $0xffff, v15;
	s17 =	spop (v2sf)  }
0x20a: {  	v25 =	vxor.u32 $0x80000000, v25;
	v21 =	vnsel vm1, $0x7FFFFFFF, v21;
	v24 =	vmov s16;
	s0 =	sadd.s32 s17, s0  }
0x20b: {  	(v2sf) =	vpush v27, $0xF;
	(xrf0) =	vmax.scan.msk.u32 $0xffff, v21;
	v21 =	vadd.s32 v17, v16;
	v16 =	vadd.s32 v5, v16;
	s0 =	sadd.s32 $0x80000000, s0;
	s25 =	spop (v2sf)  }
0x20c: {  	v20 =	vxor.u32 $0x80000000, v20;
	(xrf0) =	vadd.scan.msk.s32 $0xffff, v11;
	(v2sf) =	vpush v23, $0xF;
	v23 =	vmov s0;
	s0 =	sadd.s32 s25, s0  }
0x20d: {  	v22 =	vxor.u32 $0x80000000, v13;
	v15 =	vshll.u32 v24, $0x10;
	v20 =	vnsel vm1, $0x7FFFFFFF, v20;
	s30 =	sadd.s32 $0x80000000, s0  }
0x20e: {  	v24 =	vnsel vm0, $0x7FFFFFFF, v25;
	v25 =	vsub.s32 v16, v19;
	(xrf0) =	vmax.scan.msk.u32 $0xffff, v20;
	v16, _, _ =	vpop (xrf0);
	v19 =	vsub.s32 $0x0, v23;
	s0 =	ssub.s32 s23, s30  }
0x20f: {  	s26 =	simm.s32 $0x70;
	v28, _, _ =	vpop (xrf0);
	(xrf0) =	vmax.scan.msk.u32 $0xffff, v22;
	v27 =	vbroadcast v19, $0x0;
	v19 =	vadd.s32 s0, v14  }
0x210: {  	v29 =	vor.u32 v6, v18;
	v20 =	vmov s26  }
0x211: {  	s24 =	simm.s32 $0xFFFFFFFF;
	s29 =	simm.s32 $0x90;
	v18 =	vshll.u32 v20, $0x10;
	v20 =	vadd.s32 v29, v14;
	s31 =	spop (v2sf);
	v23 =	vxor.u32 $0x80000000, v16;
	v14, _, _ =	vpop (xrf0);
	(xrf0) =	vmax.scan.msk.u32 $0xffff, v24  }
0x212: {  	s28 =	simm.s32 $0xB0;
	s1 =	simm.s32 $0x10150;
	v21 =	vxor.u32 $0x80000000, v21;
	s26 =	sxor.u32 $0x80000000, s31;
	v22 =	vsub.s32 v19, v26;
	(v2sf) =	vpush v14, $0xF;
	v14 =	vld [tilespmem:s10+$0x0];
	v19, _, _ =	vpop (xrf0);
	(xrf0) =	vmax.scan.msk.u32 $0xffff, v23  }
0x213: {  	s2 =	simm.s32 $0xD0;
	s25 =	sxor.u32 $0x80000000, s3;
	v18 =	vor.u32 v6, v18;
	p2 =	slt.s32 s26, $0xFFFFFFFF;
	vm0 =	vgt.s32 v22, $0x3FF;
	(v2sf) =	vpush v28, $0xF  }
0x214: {  	p1 =	slt.s32 s25, $0xFFFFFFFF;
	s0 =	simm.s32 $0xA;
	s26 =	smov.u32 @p2 s24;
	v24 =	vadd.s32 v29, v22;
	v23 =	vadd.s32 v27, v25;
	v22 =	vxor.u32 $0x80000000, v19;
	v25, _, _ =	vpop (xrf0)  }
.LBB2_23:
0x215: {  	v26, _, _ =	vpop (xrf0);
	v24 =	vxor.u32 $0x80000000, v24;
	vm1 =	vgt.s32 v23, $0x3FF;
	(v2sf) =	vpush v25, $0xF;
	s4 =	smov.u32 s25  }
0x216: {  	s0 =	sadd.s32 $0x2, s0;
	s3 =	spop (v2sf);
	v25 =	vmovc v8;
	v8 =	vmovc v11;
	v11 =	vld [tilespmem:s1+$0xFFFFFFF0];
	v27 =	vmov v15;
	v28 =	vmov v13;
	v13 =	vmov v19;
	s4 =	smov.u32 @p1 s24  }
0x217: {  	s5 =	sadd.s32 $0xFFFFFFF0, s2;
	v30 =	vadd.s32 v17, v23;
	v15 =	vnsel vm0, $0x7FFFFFFF, v24;
	s3 =	sxor.u32 $0x80000000, s3;
	v19 =	vld [tilespmem:s1+$0x0];
	(xrf0) =	vadd.scan.msk.s32 $0xffff, v14;
	(v2sf) =	vpush v26, $0xF;
	v23, _, _ =	vpop (xrf0);
	s8 =	spop (v2sf)  }
0x218: {  	v20 =	vxor.u32 $0x80000000, v20;
	v24 =	vmov s5;
	v29 =	vxor.u32 $0x80000000, v30;
	p1 =	sgt.s32 s26, s3;
	v26, _, _ =	vpop (xrf0);
	(xrf0) =	vmax.scan.msk.u32 $0xffff, v15;
	s25 =	sxor.u32 $0x80000000, s8;
	s5 =	spop (v2sf)  }
0x219: {  	v17 =	vmovc v18;
	v21 =	vnsel vm1, $0x7FFFFFFF, v21;
	v15 =	vshll.u32 v24, $0x10;
	s3 =	smov.u32 @p1 s26;
	(v2sf) =	vpush v26, $0xF;
	s8 =	spop (v2sf);
	s24 =	sxor.u32 $0x80000000, s5  }
0x21a: {  	p2 =	slt.u32 s0, $0xE;
	v18 =	vnsel vm0, $0x7FFFFFFF, v20;
	v20 =	vadd.s32 v17, v7;
	v24 =	vnsel vm1, $0x7FFFFFFF, v29;
	s5 =	sadd.s32 s8, s30;
	(xrf0) =	vmax.scan.msk.u32 $0xffff, v21;
	p1 =	sgt.s32 s4, s24  }
0x21b: {  	v21 =	vadd.s32 v5, v7;
	v7 =	vmovc v9;
	v9 =	vmov v14;
	(xrf0) =	vadd.scan.msk.s32 $0xffff, v11;
	s5 =	sadd.s32 $0x80000000, s5;
	s8 =	spop (v2sf);
	(v2sf) =	vpush v23, $0xF;
	s24 =	smov.u32 @p1 s4  }
0x21c: {  	v26 =	vsub.s32 v21, v12;
	v12 =	vmovc v16;
	v23 =	vmov s5;
	s4 =	sadd.s32 s8, s5;
	(xrf0) =	vmax.scan.msk.u32 $0xffff, v24;
	p1 =	sgt.s32 s24, s25;
	v14 =	vmov v19  }
0x21d: {  	v21 =	vxor.u32 $0x80000000, v20;
	(xrf0) =	vmax.scan.msk.u32 $0xffff, v22;
	v16, _, _ =	vpop (xrf0);
	v19 =	vsub.s32 $0x0, v23;
	s30 =	sadd.s32 $0x80000000, s4;
	s4 =	spop (v2sf)  }
.Ltmp13:
0x21e: {  	v22 =	vmov s29;
	v20 =	vxor.u32 $0x80000000, v16;
	s5 =	ssub.s32 s23, s30;
	v23 =	vbroadcast v19, $0x0;
	v29, _, _ =	vpop (xrf0);
	(xrf0) =	vmax.scan.msk.u32 $0xffff, v18;
	s26 =	sxor.u32 $0x80000000, s4;
	(pc) =	sbr.rel @p2 .LBB2_23-.Ltmp13, $4  }
0x21f: {  	v24 =	vor.u32 v6, v10;
	v10 =	vmovc v27;
	s29 =	smov.u32 s28;
	s28 =	smov.u32 s2;
	v30 =	vshll.u32 v22, $0x10;
	(xrf0) =	vmax.scan.msk.u32 $0xffff, v20;
	v18 =	vadd.s32 s5, v25;
	p3 =	sgt.s32 s3, s26  }
0x220: {  	s1 =	sadd.s32 $0x20, s1;
	v20 =	vadd.s32 v24, v25;
	v22 =	vsub.s32 v18, v28;
	v18 =	vor.u32 v6, v30;
	v25, _, _ =	vpop (xrf0);
	s26 =	smov.u32 @p3 s3  }
0x221: {  	s2 =	sadd.s32 $0x20, s2;
	v19, _, _ =	vpop (xrf0);
	vm0 =	vgt.s32 v22, $0x3FF;
	v24 =	vadd.s32 v24, v22;
	(v2sf) =	vpush v25, $0xF  }
0x222: {  	v23 =	vadd.s32 v23, v26;
	v22 =	vxor.u32 $0x80000000, v19;
	(v2sf) =	vpush v29, $0xF;
	v25, _, _ =	vpop (xrf0)  }
0x223: {  	v24 =	vxor.u32 $0x80000000, v24  }
0x224: {  	vm1 =	vgt.s32 v23, $0x3FF;
	(xrf0) =	vadd.scan.msk.s32 $0xffff, v14;
	v24 =	vnsel vm0, $0x7FFFFFFF, v24  }
0x225: {  	v17 =	vadd.s32 v17, v23;
	v21 =	vnsel vm1, $0x7FFFFFFF, v21;
	(xrf0) =	vmax.scan.msk.u32 $0xffff, v24  }
0x226: {  	v17 =	vxor.u32 $0x80000000, v17;
	(xrf0) =	vmax.scan.msk.u32 $0xffff, v21  }
0x227: {  	v60, _, _ =	vpop (xrf0);
	v17 =	vnsel vm1, $0x7FFFFFFF, v17  }
0x228: {  	v61, _, _ =	vpop (xrf0);
	(xrf0) =	vmax.scan.msk.u32 $0xffff, v17  }
0x229: {  	(v2sf) =	vpush v25, $0xF;
	v62, _, _ =	vpop (xrf0);
	(xrf0) =	vmax.scan.msk.u32 $0xffff, v22  }
0x22a: {  	(v2sf) =	vpush v60, $0xF;
	v63, _, _ =	vpop (xrf0)  }
0x22b: {  	(v2sf) =	vpush v62, $0xF;
	v28, _, _ =	vpop (xrf0)  }
0x22c: {  	(v2sf) =	vpush v61, $0xF;
	v29, _, _ =	vpop (xrf0)  }
0x22d: {  	(v2sf) =	vpush v29, $0xF  }
0x22e: {  	v30, _, _ =	vpop (xrf0);
	(v2sf) =	vpush v28, $0xF  }
0x22f: {  	v31, _, _ =	vpop (xrf0);
	(v2sf) =	vpush v30, $0xF  }
0x230: {  	s5 =	spop (v2sf);
	(v2sf) =	vpush v31, $0xF  }
0x231: {  	s3 =	spop (v2sf)  }
0x232: {  	s16 =	spop (v2sf)  }
0x233: {  	s0 =	spop (v2sf)  }
0x234: {  	v33 =	vmov s29;
	v20 =	vxor.u32 $0x80000000, v20;
	v36 =	vmov s28;
	s0 =	sadd.s32 s0, s30;
	s8 =	spop (v2sf)  }
0x235: {  	v38 =	vadd.s32 v18, v7;
	v7 =	vadd.s32 v5, v7;
	v10 =	vor.u32 v6, v10;
	s6 =	sadd.s32 $0x80000000, s0;
	s4 =	spop (v2sf)  }
0x236: {  	v45 =	vadd.s32 v5, v9;
	v47 =	vor.u32 v6, v15;
	v57 =	vadd.s32 v5, v14;
	s8 =	sadd.s32 s8, s6;
	s17 =	spop (v2sf)  }
0x237: {  	v20 =	vnsel vm0, $0x7FFFFFFF, v20;
	v7 =	vsub.s32 v7, v12;
	v39 =	vxor.u32 $0x80000000, v38;
	s7 =	sadd.s32 $0x80000000, s8;
	s2 =	spop (v2sf)  }
0x238: {  	v40 =	vshll.u32 v33, $0x10;
	v32 =	vmov s6;
	v37 =	vxor.u32 $0x80000000, v63;
	s6 =	ssub.s32 s23, s7;
	(xrf0) =	vmax.scan.msk.u32 $0xffff, v20;
	s1 =	spop (v2sf)  }
0x239: {  	v49 =	vshll.u32 v36, $0x10;
	v17 =	vsub.s32 $0x0, v32;
	v34 =	vadd.s32 s6, v8;
	(xrf0) =	vmax.scan.msk.u32 $0xffff, v37;
	s10 =	spop (v2sf)  }
0x23a: {  	v50 =	vadd.s32 v47, v11;
	v17 =	vbroadcast v17, $0x0;
	v13 =	vsub.s32 v34, v13;
	s9 =	spop (v2sf)  }
0x23b: {  	v58 =	vxor.u32 $0x80000000, v50;
	v8 =	vadd.s32 v10, v8;
	v10 =	vadd.s32 v10, v13;
	s31 =	spop (v2sf)  }
0x23c: {  	v7 =	vadd.s32 v17, v7;
	vm11 =	vgt.s32 v13, $0x3FF;
	v10 =	vxor.u32 $0x80000000, v10;
	s0 =	sadd.s32 s10, s7;
	s30 =	spop (v2sf)  }
0x23d: {  	vm12 =	vgt.s32 v7, $0x3FF;
	v7 =	vadd.s32 v18, v7;
	v10 =	vnsel vm11, $0x7FFFFFFF, v10;
	s10 =	sadd.s32 $0x80000000, s0;
	s0 =	spop (v2sf)  }
0x23e: {  	v7 =	vxor.u32 $0x80000000, v7;
	v43 =	vnsel vm12, $0x7FFFFFFF, v39;
	(xrf0) =	vmax.scan.msk.u32 $0xffff, v10;
	v41, _, _ =	vpop (xrf0);
	s9 =	sadd.s32 s9, s10;
	v35 =	vmov s10;
	s8 =	spop (v2sf)  }
0x23f: {  	v59 =	vsub.s32 v57, v63;
	v7 =	vnsel vm12, $0x7FFFFFFF, v7;
	v42, _, _ =	vpop (xrf0);
	(xrf0) =	vmax.scan.msk.u32 $0xffff, v43;
	s7 =	sadd.s32 $0x80000000, s9;
	v46 =	vsub.s32 $0x0, v35;
	s9 =	spop (v2sf)  }
0x240: {  	v8 =	vxor.u32 $0x80000000, v8;
	v20 =	vor.u32 v6, v40;
	(xrf0) =	vmax.scan.msk.u32 $0xffff, v7;
	v7 =	vbroadcast v46, $0x0;
	s29 =	sadd.s32 s9, s7;
	s7 =	ssub.s32 s23, s7  }
0x241: {  	v44 =	vadd.s32 v20, v9;
	v9 =	vsub.s32 v45, v16;
	v26 =	vadd.s32 s7, v11  }
0x242: {  	v8 =	vnsel vm11, $0x7FFFFFFF, v8;
	v7 =	vadd.s32 v7, v9;
	v48 =	vsub.s32 v26, v19  }
0x243: {  	v12 =	vxor.u32 $0x80000000, v44;
	vm14 =	vgt.s32 v7, $0x3FF;
	v10 =	vadd.s32 v47, v48  }
0x244: {  	(xrf0) =	vmax.scan.msk.u32 $0xffff, v8;
	(v2sf) =	vpush v42, $0xF;
	s6 =	sadd.s32 $0x80000000, s29;
	vm13 =	vgt.s32 v48, $0x3FF;
	v52 =	vxor.u32 $0x80000000, v10  }
0x245: {  	v7 =	vadd.s32 v20, v7;
	v27 =	vmov s6;
	v9 =	vnsel vm13, $0x7FFFFFFF, v52  }
0x246: {  	v51, _, _ =	vpop (xrf0);
	v54 =	vnsel vm14, $0x7FFFFFFF, v12;
	(v2sf) =	vpush v41, $0xF;
	v55 =	vsub.s32 $0x0, v27;
	(xrf0) =	vmax.scan.msk.u32 $0xffff, v9  }
0x247: {  	v8 =	vor.u32 v6, v49;
	v53, _, _ =	vpop (xrf0);
	v7 =	vxor.u32 $0x80000000, v7;
	v9 =	vbroadcast v55, $0x0;
	(xrf0) =	vmax.scan.msk.u32 $0xffff, v54  }
0x248: {  	v60 =	vadd.s32 v8, v14;
	v7 =	vnsel vm14, $0x7FFFFFFF, v7;
	(v2sf) =	vpush v53, $0xF  }
0x249: {  	v56, _, _ =	vpop (xrf0);
	(v2sf) =	vpush v51, $0xF;
	(xrf0) =	vmax.scan.msk.u32 $0xffff, v7;
	v7 =	vnsel vm13, $0x7FFFFFFF, v58;
	v9 =	vadd.s32 v9, v59  }
0x24a: {  	s5 =	sxor.u32 $0x80000000, s5;
	v61, _, _ =	vpop (xrf0);
	v10 =	vxor.u32 $0x80000000, v60;
	(xrf0) =	vmax.scan.msk.u32 $0xffff, v7;
	vm15 =	vgt.s32 v9, $0x3FF;
	v7 =	vadd.s32 v8, v9  }
0x24b: {  	s25 =	smov.u32 @p1 s24;
	p1 =	sgt.s32 s26, s5;
	s6 =	sxor.u32 $0x80000000, s16;
	(v2sf) =	vpush v56, $0xF;
	v7 =	vxor.u32 $0x80000000, v7;
	v62 =	vnsel vm15, $0x7FFFFFFF, v10  }
0x24c: {  	s5 =	smov.u32 @p1 s26;
	s4 =	sxor.u32 $0x80000000, s4;
	p1 =	sgt.s32 s25, s6;
	(v2sf) =	vpush v61, $0xF;
	v7 =	vnsel vm15, $0x7FFFFFFF, v7;
	v8, _, _ =	vpop (xrf0);
	(xrf0) =	vmax.scan.msk.u32 $0xffff, v62  }
0x24d: {  	s3 =	sxor.u32 $0x80000000, s3;
	s6 =	smov.u32 @p1 s25;
	p1 =	sgt.s32 s5, s4;
	v63, _, _ =	vpop (xrf0)  }
0x24e: {  	s4 =	smov.u32 @p1 s5;
	p1 =	sgt.s32 s6, s3;
	s5 =	sxor.u32 $0x80000000, s17;
	(xrf0) =	vmax.scan.msk.u32 $0xffff, v7;
	(v2sf) =	vpush v63, $0xF  }
0x24f: {  	s1 =	sxor.u32 $0x80000000, s1;
	s3 =	smov.u32 @p1 s6;
	p1 =	sgt.s32 s4, s5;
	v7, _, _ =	vpop (xrf0);
	(v2sf) =	vpush v8, $0xF  }
0x250: {  	s5 =	smov.u32 @p1 s4;
	p1 =	sgt.s32 s3, s1;
	s4 =	sxor.u32 $0x80000000, s31;
	(v2sf) =	vpush v7, $0xF  }
0x251: {  	s2 =	sxor.u32 $0x80000000, s2;
	s1 =	smov.u32 @p1 s3;
	p1 =	sgt.s32 s5, s4;
	v7, _, _ =	vpop (xrf0)  }
0x252: {  	p2 =	sgt.s32 s1, s2;
	s4 =	smov.u32 @p1 s5;
	(v2sf) =	vpush v7, $0xF;
	v7, _, _ =	vpop (xrf0)  }
0x253: {  	s2 =	smov.u32 @p2 s1;
	s1 =	sxor.u32 $0x80000000, s30;
	s9 =	spop (v2sf);
	(v2sf) =	vpush v7, $0xF  }
0x254: {  	s3 =	sxor.u32 $0x80000000, s8;
	p1 =	sgt.s32 s4, s1;
	v7, _, _ =	vpop (xrf0)  }
0x255: {  	s1 =	smov.u32 @p1 s4;
	p1 =	sgt.s32 s2, s3;
	s10 =	spop (v2sf);
	(v2sf) =	vpush v7, $0xF  }
0x256: {  	s0 =	sxor.u32 $0x80000000, s0;
	s3 =	smov.u32 @p1 s2  }
0x257: {  	p3 =	por $0x1, $0x1;
	p2 =	sgt.s32 s3, s0  }
0x258: {  	s0 =	smov.u32 @p2 s3;
	s4 =	sxor.u32 $0x80000000, s10;
	s16 =	spop (v2sf)  }
0x259: {  	p1 =	sgt.s32 s1, s4;
	s17 =	spop (v2sf);
	s2 =	sxor.u32 $0x80000000, s16  }
0x25a: {  	s4 =	smov.u32 @p1 s1;
	s1 =	sxor.u32 $0x80000000, s17;
	s23 =	spop (v2sf)  }
0x25b: {  	p1 =	sgt.s32 s4, s2;
	s3 =	sxor.u32 $0x80000000, s23;
	s24 =	spop (v2sf)  }
0x25c: {  	s2 =	smov.u32 @p1 s4;
	p1 =	sgt.s32 s0, s3;
	s4 =	sxor.u32 $0x80000000, s24  }
0x25d: {  	s3 =	smov.u32 @p1 s0;
	p1 =	sgt.s32 s2, s4;
	s25 =	spop (v2sf)  }
0x25e: {  	p2 =	sgt.s32 s3, s1;
	s4 =	smov.u32 @p1 s2;
	s26 =	spop (v2sf)  }
0x25f: {  	s1 =	smov.u32 @p2 s3;
	s0 =	sxor.u32 $0x80000000, s25;
	s28 =	spop (v2sf)  }
0x260: {  	s2 =	sxor.u32 $0x80000000, s26;
	p1 =	sgt.s32 s4, s0;
	s3 =	sxor.u32 $0x80000000, s28  }
0x261: {  	s29 =	spop (v2sf);
	s0 =	smov.u32 @p1 s4;
	p2 =	sgt.s32 s1, s3  }
0x262: {  	s3 =	smov.u32 @p2 s1;
	s1 =	sxor.u32 $0x80000000, s29;
	s30 =	spop (v2sf)  }
.Ltmp14:
0x263: {  	p1 =	sgt.s32 s3, s2;
	p2 =	sgt.s32 s0, s1;
	(pc) =	sbr.rel @!p3 .LBB2_26-.Ltmp14, $4  }
0x264: {  	s31 =	spop (v2sf);
	s1 =	smov.u32 @p2 s0;
	s0 =	simm.s32 $0x100A0  }
0x265: {  	s23 =	sxor.u32 $0x80000000, s30;
	s2 =	smov.u32 @p1 s3;
	s24 =	sxor.u32 $0x80000000, s31;
	[tilespmem:s0+$0xFFFFFFE0] =	vst v0  }
0x266: {  	p1 =	sgt.s32 s1, s23;
	p2 =	sgt.s32 s2, s24;
	[tilespmem:s0+$0x10] =	vst v0  }
0x267: {  	[tilespmem:s0+$0x0] =	vst v0;
	s23 =	smov.u32 @p1 s1;
	s24 =	smov.u32 @p2 s2;
	s1 =	simm.s32 $0x0  }
.LBB2_25:
0x268: {  	s1 =	sadd.s32 $0x4, s1  }
0x269: {  	[tilespmem:s0+$0xFFFFFFF0] =	vst v0;
	s0 =	sadd.s32 $0x40, s0;
	p1 =	slt.u32 s1, $0xC  }
.Ltmp15:
0x26a: {  	[tilespmem:s0+$0xFFFFFFE0] =	vst v0;
	(pc) =	sbr.rel @p1 .LBB2_25-.Ltmp15, $3  }
0x26b: {  	_ =	sdelay $0x1  }
0x26c: {  	[tilespmem:s0+$0x10] =	vst v0  }
0x26d: {  	[tilespmem:s0+$0x0] =	vst v0  }
.LBB2_26:
.Ltmp16:
0x26e: {  	(pc) =	sbr.rel @p0 .LBB2_32-.Ltmp16, $3  }
0x26f: {  	_ =	sdelay $0x1  }
0x270: {  	[tilespmem:s0+$0xFFFFFFF0] =	vst v0  }
0x271: {  	s0 =	sshll.u32 s24, $0x8;
	[tilespmem:$0x10180] =	vst v0  }
0x272: {  	s31 =	simm.s32 $0x8010  }
0x273: {  	v8 =	vld [tilespmem:s31+$0x0]  }
0x274: {  	v11 =	vld [tilespmem:s31+$0xFFFFFFF0]  }
0x275: {  	p2 =	sgt.s32 s21, $0x2  }
.Ltmp17:
0x276: {  	s1 =	sshrl.u32 s0, $0x18;
	(pc) =	sbr.rel @!p2 .LBB2_28-.Ltmp17, $4  }
0x277: {  	v7 =	vmov s1  }
0x278: {  	s2 =	simm.s32 $0x10;
	vm0 =	vlt.s32 v8, $0x0;
	v9 =	vxor.u32 $0xFFFFFFFF, v8;
	v8 =	vor.u32 $0x80000000, v8  }
0x279: {  	v12 =	vor.u32 s2, v1;
	vm1 =	vlt.s32 v11, $0x0;
	v9 =	vsel vm0, v9, v8  }
0x27a: {  	p1 =	por $0x0, $0x0;
	s1 =	simm.s32 $0x0;
	s2 =	simm.s32 $0x8030;
	v10 =	vxor.u32 $0xFFFFFFFF, v11;
	v11 =	vor.u32 $0x80000000, v11;
	v13 =	vshrl.u32 v9, $0x18  }
0x27b: {  	v14 =	vld [tilespmem:s2+$0x0];
	vm0 =	vlt.s32 v12, v5;
	vm2 =	veq.s32 v13, v7  }
0x27c: {  	v8 =	vsel vm1, v10, v11;
	v11 =	vld [tilespmem:s2+$0xFFFFFFF0];
	v9 =	vshrl.u32 v9, $0x10;
	vm2 =	vmand vm0, vm2  }
0x27d: {  	v12 =	vor.u32 s1, v1;
	p2 =	sgt.s32 s21, $0x4;
	v10 =	vshrl.u32 v8, $0x18;
	v15 =	vand.u32 $0xFF, v9  }
.Ltmp18:
0x27e: {  	vm1 =	vlt.s32 v12, v5;
	v8 =	vshrl.u32 v8, $0x10;
	vm0 =	veq.s32 v10, v7;
	(pc) =	sbr.rel @!p2 .LBB2_31-.Ltmp18, $4  }
0x27f: {  	v8 =	vand.u32 $0xFF, v8;
	vm0 =	vmand vm1, vm0  }
0x280: {  	vm3 =	vlt.s32 v14, $0x0;
	v9 =	vxor.u32 $0xFFFFFFFF, v14;
	v12 =	vor.u32 $0x80000000, v14  }
0x281: {  	s2 =	simm.s32 $0x4;
	s3 =	simm.s32 $0x30;
	vm1 =	vlt.s32 v11, $0x0;
	v10 =	vxor.u32 $0xFFFFFFFF, v11;
	v9 =	vsel vm3, v9, v12  }
0x282: {  	s1 =	simm.s32 $0x20;
	s4 =	simm.s32 $0x8050;
	p1 =	por $0x1, $0x1;
	v11 =	vor.u32 $0x80000000, v11;
	v12 =	vor.u32 s3, v1;
	v13 =	vshrl.u32 v9, $0x18;
	[tilespmem:v15+s12+$0x0] =	vst.idx.add.s32.msk vm2, v2  }
.LBB2_30:
0x283: {  	v14 =	vld [tilespmem:s4+$0x0];
	s2 =	sadd.s32 $0x2, s2;
	v10 =	vsel vm1, v10, v11;
	vm1 =	vlt.s32 v12, v5;
	vm2 =	veq.s32 v13, v7  }
0x284: {  	v9 =	vshrl.u32 v9, $0x10;
	v11 =	vld [tilespmem:s4+$0xFFFFFFF0];
	p2 =	slt.s32 s2, s21;
	v12 =	vshrl.u32 v10, $0x18;
	vm2 =	vmand vm1, vm2  }
0x285: {  	v13 =	vor.u32 s1, v1;
	v15 =	vand.u32 $0xFF, v9;
	vm1 =	veq.s32 v12, v7;
	[tilespmem:v8+s12+$0x0] =	vst.idx.add.s32.msk vm0, v2  }
.Ltmp19:
0x286: {  	vm0 =	vlt.s32 v13, v5;
	v8 =	vshrl.u32 v10, $0x10;
	(pc) =	sbr.rel @p2 .LBB2_30-.Ltmp19, $4  }
0x287: {  	vm0 =	vmand vm0, vm1;
	v8 =	vand.u32 $0xFF, v8  }
0x288: {  	vm3 =	vlt.s32 v14, $0x0;
	v9 =	vxor.u32 $0xFFFFFFFF, v14;
	v12 =	vor.u32 $0x80000000, v14  }
0x289: {  	s3 =	sadd.s32 $0x20, s3;
	vm1 =	vlt.s32 v11, $0x0;
	v10 =	vxor.u32 $0xFFFFFFFF, v11;
	v9 =	vsel vm3, v9, v12  }
0x28a: {  	s1 =	sadd.s32 $0xFFFFFFF0, s3;
	s4 =	sadd.s32 $0x20, s4;
	v11 =	vor.u32 $0x80000000, v11;
	v12 =	vor.u32 s3, v1;
	v13 =	vshrl.u32 v9, $0x18;
	[tilespmem:v15+s12+$0x0] =	vst.idx.add.s32.msk vm2, v2  }
.LBB2_31:
0x28b: {  	v10 =	vsel vm1, v10, v11;
	vm14 =	vlt.s32 v12, v5;
	vm2 =	veq.s32 v13, v7  }
0x28c: {  	v62 =	vor.u32 s1, v1;
	v9 =	vshrl.u32 v9, $0x10;
	v11 =	vshrl.u32 v10, $0x18  }
0x28d: {  	vm1 =	vmand vm14, vm2;
	vm3 =	vlt.s32 v62, v5;
	vm15 =	veq.s32 v11, v7  }
0x28e: {  	v63 =	vshrl.u32 v10, $0x10;
	v7 =	vand.u32 $0xFF, v9;
	vm2 =	vmand vm3, vm15  }
0x28f: {  	v9 =	vand.u32 $0xFF, v63;
	_ =	sdelay $0x2  }
0x290: {  	[tilespmem:v8+s12+$0x0] =	vst.idx.add.s32.msk @p1 vm0, v2  }
0x291: {  	[tilespmem:v7+s12+$0x0] =	vst.idx.add.s32.msk vm1, v2  }
0x292: {  	[tilespmem:v9+s12+$0x0] =	vst.idx.add.s32.msk vm2, v2  }
.LBB2_32:
0x293: {  	p1 =	slt.s32 s22, $0x1  }
0x294: {  	s22 =	sshll.u32 @!p1 s21, $0x4  }
0x295: {  	v7 =	vld @!p1 [tilespmem:s22+$0x8000];
	_ =	sdelay $0x4  }
0x296: {  	vm0 =	vlt.s32 @!p1 v7, $0x0;
	v8 =	vxor.u32 @!p1 $0xFFFFFFFF, v7;
	v7 =	vor.u32 @!p1 $0x80000000, v7  }
0x297: {  	v7 =	vsel @!p1 vm0, v8, v7;
	v8 =	vlaneseq.u32 @!p1  }
0x298: {  	s1 =	sshrl.u32 @!p1 s0, $0x18;
	v8 =	vor.u32 @!p1 s22, v8;
	v9 =	vshrl.u32 @!p1 v7, $0x18  }
0x299: {  	vm0 =	vlt.s32 @!p1 v8, v5;
	vm1 =	veq.s32 @!p1 v9, s1  }
0x29a: {  	v7 =	vshrl.u32 @!p1 v7, $0x10;
	vm0 =	vmand @!p1 vm0, vm1  }
0x29b: {  	v7 =	vand.u32 @!p1 $0xFF, v7;
	_ =	sdelay $0x3  }
0x29c: {  	s2 =	simm.s32 @!p1 $0x10080;
	v8 =	vimm.s32 @!p1 $0x1  }
0x29d: {  	s26 =	simm.s32 $0x10090;
	[tilespmem:v7+s2+$0x0] =	vst.idx.add.s32.msk @!p1 vm0, v8  }
0x29e: {  	v11 =	vld [tilespmem:s26+$0x0]  }
0x29f: {  	v9 =	vld [tilespmem:s26+$0xFFFFFFF0];
	_ =	sdelay $0x3  }
0x2a0: {  	(xrf0) =	vadd.scan.msk.s32 $0xffff, v11  }
0x2a1: {  	(xrf0) =	vadd.scan.msk.s32 $0xffff, v9;
	_ =	sdelay $0x4  }
0x2a2: {  	s24 =	sand.u32 $0xFFFF, s24;
	s25 =	sand.u32 $0xFFFF, s23;
	v12, _, _ =	vpop (xrf0)  }
0x2a3: {  	s1 =	ssub.s32 s25, s24;
	v7 =	vxor.u32 $0x80000000, v12;
	v10, _, _ =	vpop (xrf0)  }
0x2a4: {  	s23 =	sadd.s32 $0x400, s1;
	s1 =	simm.s32 $0x100B0;
	(xrf0) =	vmax.scan.msk.u32 $0xffff, v7;
	v7 =	vxor.u32 $0x80000000, v10  }
0x2a5: {  	v14 =	vld [tilespmem:s1+$0x0];
	(xrf0) =	vmax.scan.msk.u32 $0xffff, v7  }
0x2a6: {  	v13 =	vld [tilespmem:s1+$0xFFFFFFF0];
	_ =	sdelay $0x3  }
0x2a7: {  	(xrf0) =	vadd.scan.msk.s32 $0xffff, v14;
	v7, _, _ =	vpop (xrf0)  }
0x2a8: {  	(xrf0) =	vadd.scan.msk.s32 $0xffff, v13;
	v8, _, _ =	vpop (xrf0)  }
0x2a9: {  	(v2sf) =	vpush v8, $0xF;
	_ =	sdelay $0x1  }
0x2aa: {  	(v2sf) =	vpush v7, $0xF  }
0x2ab: {  	s2 =	simm.s32 $0x0  }
0x2ac: {  	s3 =	simm.s32 $0x0;
	v15, _, _ =	vpop (xrf0);
	v7 =	vmov s2  }
0x2ad: {  	s1 =	ssub.s32 s25, s3;
	v8 =	vxor.u32 $0x80000000, v15;
	v7 =	vshll.u32 v7, $0x10;
	v16, _, _ =	vpop (xrf0)  }
0x2ae: {  	s4 =	simm.s32 $0x100D0;
	v19 =	vadd.s32 s1, v9;
	(xrf0) =	vmax.scan.msk.u32 $0xffff, v8;
	v18 =	vor.u32 v6, v7;
	v17 =	vxor.u32 $0x80000000, v16  }
0x2af: {  	v8 =	vld [tilespmem:s4+$0x0];
	v7 =	vmov s23;
	v9 =	vadd.s32 v18, v9;
	(xrf0) =	vmax.scan.msk.u32 $0xffff, v17;
	v17 =	vsub.s32 v19, v10  }
0x2b0: {  	v20 =	vld [tilespmem:s4+$0xFFFFFFF0];
	v9 =	vxor.u32 $0x80000000, v9;
	vm11 =	vlt.s32 v17, v7  }
0x2b1: {  	v9 =	vsel vm11, $0x7FFFFFFF, v9;
	_ =	sdelay $0x1  }
0x2b2: {  	(xrf0) =	vmax.scan.msk.u32 $0xffff, v9  }
0x2b3: {  	v9, _, _ =	vpop (xrf0);
	(xrf0) =	vadd.scan.msk.s32 $0xffff, v8  }
0x2b4: {  	v19, _, _ =	vpop (xrf0);
	(xrf0) =	vadd.scan.msk.s32 $0xffff, v20  }
0x2b5: {  	v17 =	vadd.s32 v18, v17;
	(v2sf) =	vpush v19, $0xF  }
0x2b6: {  	s7 =	simm.s32 $0x20;
	v17 =	vxor.u32 $0x80000000, v17;
	s6 =	spop (v2sf)  }
0x2b7: {  	v22 =	vmov s7;
	v10 =	vmov s25;
	(v2sf) =	vpush v9, $0xF;
	s1 =	sadd.s32 $0x0, s6  }
0x2b8: {  	v21 =	vadd.s32 v10, v11;
	v9 =	vshll.u32 v22, $0x10;
	v18, _, _ =	vpop (xrf0);
	s9 =	spop (v2sf);
	s8 =	sadd.s32 $0x80000000, s1  }
0x2b9: {  	s5 =	simm.s32 $0x10;
	v12 =	vsub.s32 v21, v12;
	v21 =	vor.u32 v6, v9;
	v9 =	vsel vm11, $0x7FFFFFFF, v17;
	v17, _, _ =	vpop (xrf0);
	s1 =	sadd.s32 s9, s8  }
0x2ba: {  	v19 =	vmov s5;
	(xrf0) =	vmax.scan.msk.u32 $0xffff, v9;
	v22 =	vmov s8;
	v9 =	vxor.u32 $0x80000000, v17;
	v23, _, _ =	vpop (xrf0);
	s10 =	sadd.s32 $0x80000000, s1  }
0x2bb: {  	s16 =	simm.s32 $0x100F0;
	v19 =	vshll.u32 v19, $0x10;
	v22 =	vsub.s32 $0x0, v22;
	(xrf0) =	vmax.scan.msk.u32 $0xffff, v9;
	v25 =	vxor.u32 $0x80000000, v23;
	s17 =	ssub.s32 s25, s10  }
0x2bc: {  	v19 =	vor.u32 v6, v19;
	v9 =	vld [tilespmem:s16+$0x0];
	v22 =	vbroadcast v22, $0x0;
	(xrf0) =	vmax.scan.msk.u32 $0xffff, v25;
	v24 =	vadd.s32 s17, v13  }
0x2bd: {  	v11 =	vadd.s32 v19, v11;
	v13 =	vadd.s32 v21, v13;
	v16 =	vsub.s32 v24, v16  }
0x2be: {  	v13 =	vxor.u32 $0x80000000, v13;
	v12 =	vadd.s32 v22, v12;
	vm12 =	vlt.s32 v16, v7  }
0x2bf: {  	(v2sf) =	vpush v18, $0xF;
	v22 =	vadd.s32 v19, v12;
	v24 =	vsel vm12, $0x7FFFFFFF, v13  }
0x2c0: {  	s26 =	simm.s32 $0x30;
	s3 =	simm.s32 $0x40;
	v11 =	vxor.u32 $0x80000000, v11;
	vm13 =	vlt.s32 v12, v7;
	v19, _, _ =	vpop (xrf0);
	v13 =	vld [tilespmem:s16+$0xFFFFFFF0];
	v12 =	vxor.u32 $0x80000000, v22;
	(xrf0) =	vmax.scan.msk.u32 $0xffff, v24  }
0x2c1: {  	v22 =	vmov s26;
	v12 =	vsel vm13, $0x7FFFFFFF, v12;
	v24 =	vmov s3;
	v18, _, _ =	vpop (xrf0);
	(xrf0) =	vadd.scan.msk.s32 $0xffff, v9  }
0x2c2: {  	(v2sf) =	vpush v19, $0xF;
	v11 =	vsel vm13, $0x7FFFFFFF, v11;
	v19, _, _ =	vpop (xrf0);
	(xrf0) =	vmax.scan.msk.u32 $0xffff, v12;
	v12 =	vshll.u32 v24, $0x10  }
0x2c3: {  	v24 =	vadd.s32 v10, v14;
	(v2sf) =	vpush v19, $0xF;
	v25 =	vor.u32 v6, v12  }
0x2c4: {  	(xrf0) =	vmax.scan.msk.u32 $0xffff, v11;
	v15 =	vsub.s32 v24, v15;
	s5 =	spop (v2sf);
	v11 =	vadd.s32 v10, v8;
	v12 =	vadd.s32 v21, v16  }
0x2c5: {  	s24 =	sand.u32 $0xFF000000, s0;
	s6 =	simm.s32 $0x60;
	(v2sf) =	vpush v18, $0xF;
	(xrf0) =	vadd.scan.msk.s32 $0xffff, v13;
	s0 =	sadd.s32 s5, s10;
	v21 =	vsub.s32 v11, v17;
	v11 =	vxor.u32 $0x80000000, v12  }
0x2c6: {  	v26 =	vadd.s32 v25, v20;
	v12 =	vmov s6;
	s7 =	spop (v2sf);
	s0 =	sadd.s32 $0x80000000, s0;
	v17 =	vsel vm12, $0x7FFFFFFF, v11;
	v16, _, _ =	vpop (xrf0)  }
0x2c7: {  	v12 =	vshll.u32 v12, $0x10;
	v26 =	vxor.u32 $0x80000000, v26;
	s1 =	sadd.s32 s7, s0;
	v27 =	vmov s0;
	v18, _, _ =	vpop (xrf0)  }
0x2c8: {  	v19 =	vor.u32 v6, v12;
	(v2sf) =	vpush v16, $0xF;
	s1 =	sadd.s32 $0x80000000, s1;
	v12 =	vsub.s32 $0x0, v27;
	v16, _, _ =	vpop (xrf0)  }
0x2c9: {  	s9 =	simm.s32 $0x10110;
	s10 =	ssub.s32 s25, s1;
	v28 =	vbroadcast v12, $0x0;
	(v2sf) =	vpush v16, $0xF;
	v16 =	vshll.u32 v22, $0x10  }
0x2ca: {  	(xrf0) =	vmax.scan.msk.u32 $0xffff, v17;
	v17 =	vxor.u32 $0x80000000, v18;
	v12 =	vld [tilespmem:s9+$0x0];
	v27, _, _ =	vpop (xrf0);
	v20 =	vadd.s32 s10, v20;
	v16 =	vor.u32 v6, v16  }
0x2cb: {  	v22, _, _ =	vpop (xrf0);
	v20 =	vsub.s32 v20, v23;
	v15 =	vadd.s32 v28, v15;
	(v2sf) =	vpush v27, $0xF  }
0x2cc: {  	(xrf0) =	vmax.scan.msk.u32 $0xffff, v17;
	v17 =	vxor.u32 $0x80000000, v22;
	vm14 =	vlt.s32 v20, v7;
	v14 =	vadd.s32 v16, v14  }
0x2cd: {  	(xrf0) =	vmax.scan.msk.u32 $0xffff, v17;
	v17 =	vadd.s32 v16, v15;
	v26 =	vsel vm14, $0x7FFFFFFF, v26;
	v16 =	vadd.s32 v10, v9  }
0x2ce: {  	vm15 =	vlt.s32 v15, v7;
	v15 =	vxor.u32 $0x80000000, v17;
	(xrf0) =	vmax.scan.msk.u32 $0xffff, v26;
	v26 =	vxor.u32 $0x80000000, v14  }
0x2cf: {  	s16 =	simm.s32 $0x80;
	v14 =	vsub.s32 v16, v18;
	v18 =	vadd.s32 v25, v20;
	(xrf0) =	vadd.scan.msk.s32 $0xffff, v12;
	v15 =	vsel vm15, $0x7FFFFFFF, v15  }
0x2d0: {  	v17 =	vld [tilespmem:s9+$0xFFFFFFF0];
	v16, _, _ =	vpop (xrf0);
	(xrf0) =	vmax.scan.msk.u32 $0xffff, v15;
	v15 =	vxor.u32 $0x80000000, v18;
	v18 =	vmov s16  }
0x2d1: {  	s4 =	simm.s32 $0x50;
	s3 =	spop (v2sf);
	(v2sf) =	vpush v16, $0xF  }
0x2d2: {  	v24 =	vmov s4;
	s4 =	spop (v2sf);
	v25, _, _ =	vpop (xrf0)  }
0x2d3: {  	v20 =	vsel vm15, $0x7FFFFFFF, v26;
	v16 =	vshll.u32 v18, $0x10;
	s5 =	spop (v2sf);
	v18, _, _ =	vpop (xrf0)  }
0x2d4: {  	(xrf0) =	vmax.scan.msk.u32 $0xffff, v20;
	s1 =	sadd.s32 s5, s1;
	(v2sf) =	vpush v18, $0xF  }
0x2d5: {  	s28 =	simm.s32 $0xFFFFFFFF;
	v20 =	vsel vm14, $0x7FFFFFFF, v15;
	s1 =	sadd.s32 $0x80000000, s1;
	(v2sf) =	vpush v25, $0xF;
	v25, _, _ =	vpop (xrf0);
	(xrf0) =	vadd.scan.msk.s32 $0xffff, v17  }
0x2d6: {  	s30 =	simm.s32 $0xFFFFFFFF;
	s2 =	simm.s32 $0x8;
	s8 =	simm.s32 $0x70;
	v24 =	vshll.u32 v24, $0x10;
	v26 =	vadd.s32 v10, v12;
	v63 =	vmov s1;
	v27, _, _ =	vpop (xrf0);
	(xrf0) =	vmax.scan.msk.u32 $0xffff, v20  }
0x2d7: {  	v11 =	vmov s8;
	s0 =	simm.s32 $0x90;
	s26 =	sxor.u32 $0x80000000, s3;
	s17 =	spop (v2sf);
	v20 =	vsub.s32 v26, v27;
	v26 =	vsub.s32 $0x0, v63  }
0x2d8: {  	v24 =	vor.u32 v6, v24;
	p3 =	slt.s32 s26, $0xFFFFFFFF;
	v23 =	vadd.s32 v19, v13;
	s29 =	sxor.u32 $0x80000000, s4;
	s1 =	sadd.s32 s17, s1;
	(v2sf) =	vpush v25, $0xF  }
0x2d9: {  	v15 =	vmov s0;
	p2 =	slt.s32 s29, $0xFFFFFFFF;
	v16 =	vor.u32 v6, v16;
	s1 =	sadd.s32 $0x80000000, s1;
	s31 =	spop (v2sf);
	v25 =	vxor.u32 $0x80000000, v27;
	v27, _, _ =	vpop (xrf0)  }
0x2da: {  	v18 =	vadd.s32 v16, v17;
	s17 =	simm.s32 $0x10130;
	s3 =	ssub.s32 s25, s1;
	(xrf0) =	vmax.scan.msk.u32 $0xffff, v25;
	v25 =	vbroadcast v26, $0x0;
	(v2sf) =	vpush v27, $0xF;
	s8 =	spop (v2sf);
	v26, _, _ =	vpop (xrf0)  }
.LBB2_33:
0x2db: {  	v27 =	vld [tilespmem:s17+$0x0];
	s2 =	sadd.s32 $0x2, s2;
	v28, _, _ =	vpop (xrf0);
	v13 =	vadd.s32 s3, v13;
	v23 =	vxor.u32 $0x80000000, v23;
	v8 =	vadd.s32 v24, v8  }
0x2dc: {  	s3 =	smov.u32 s26;
	p4 =	slt.u32 s2, $0xE;
	v29 =	vxor.u32 $0x80000000, v28;
	v13 =	vsub.s32 v13, v22;
	v30 =	vxor.u32 $0x80000000, v8;
	v31, _, _ =	vpop (xrf0)  }
0x2dd: {  	s0 =	sadd.s32 $0x20, s0;
	s4 =	smov.u32 s29;
	v25 =	vadd.s32 v25, v21;
	s3 =	smov.u32 @p3 s28;
	(xrf0) =	vmax.scan.msk.u32 $0xffff, v29;
	vm0 =	vlt.s32 v13, v7;
	v29 =	vadd.s32 v19, v13  }
0x2de: {  	s4 =	smov.u32 @p2 s30;
	s30 =	sxor.u32 $0x80000000, s8;
	v21 =	vadd.s32 v24, v25;
	v19 =	vxor.u32 $0x80000000, v29;
	(v2sf) =	vpush v26, $0xF;
	s5 =	spop (v2sf);
	v8 =	vmovc v9;
	v9 =	vmovc v12  }
0x2df: {  	s26 =	sxor.u32 $0x80000000, s31;
	s6 =	sadd.s32 $0xFFFFFFF0, s0;
	v22 =	vmovc v28;
	vm1 =	vlt.s32 v25, v7;
	v26 =	vsel vm0, $0x7FFFFFFF, v23;
	v21 =	vxor.u32 $0x80000000, v21;
	s28 =	sxor.u32 $0x80000000, s5;
	v13 =	vmovc v17;
	v17 =	vld [tilespmem:s17+$0xFFFFFFF0]  }
0x2e0: {  	p2 =	sgt.s32 s4, s30;
	v23 =	vmov s6;
	v25 =	vsel vm0, $0x7FFFFFFF, v19;
	v24, _, _ =	vpop (xrf0);
	(xrf0) =	vmax.scan.msk.u32 $0xffff, v26;
	(v2sf) =	vpush v31, $0xF;
	s5 =	spop (v2sf);
	p3 =	sgt.s32 s3, s28  }
0x2e1: {  	v32 =	vmov s0;
	s30 =	smov.u32 @p2 s4;
	v29 =	vshll.u32 v23, $0x10;
	v31 =	vsel vm1, $0x7FFFFFFF, v21;
	v12 =	vmovc v27;
	(xrf0) =	vadd.scan.msk.s32 $0xffff, v27;
	s29 =	sxor.u32 $0x80000000, s5;
	s28 =	smov.u32 @p3 s3  }
0x2e2: {  	v26 =	vsel vm1, $0x7FFFFFFF, v30;
	v27 =	vmovc v15;
	v15 =	vmov v32;
	v19 =	vmov v16;
	(xrf0) =	vmax.scan.msk.u32 $0xffff, v31;
	p2 =	sgt.s32 s30, s29;
	p3 =	sgt.s32 s28, s26  }
0x2e3: {  	v16 =	vor.u32 v6, v29;
	v23 =	vmov v18;
	v21 =	vmov v14;
	v28, _, _ =	vpop (xrf0);
	(xrf0) =	vmax.scan.msk.u32 $0xffff, v26  }
0x2e4: {  	v14 =	vmovc v20;
	v18 =	vadd.s32 v16, v17;
	(xrf0) =	vadd.scan.msk.s32 $0xffff, v17;
	(v2sf) =	vpush v28, $0xF;
	s3 =	spop (v2sf)  }
.Ltmp20:
0x2e5: {  	s1 =	sadd.s32 s3, s1;
	(xrf0) =	vmax.scan.msk.u32 $0xffff, v25;
	(pc) =	sbr.rel @p4 .LBB2_33-.Ltmp20, $4  }
0x2e6: {  	(v2sf) =	vpush v24, $0xF;
	s1 =	sadd.s32 $0x80000000, s1;
	v24 =	vshll.u32 v11, $0x10;
	v20, _, _ =	vpop (xrf0);
	s3 =	spop (v2sf);
	v11 =	vmov v27  }
0x2e7: {  	s17 =	sadd.s32 $0x20, s17;
	v25 =	vadd.s32 v10, v12;
	v26, _, _ =	vpop (xrf0);
	v28 =	vmov s1;
	s1 =	sadd.s32 s3, s1;
	(v2sf) =	vpush v20, $0xF;
	s31 =	spop (v2sf)  }
0x2e8: {  	v20 =	vsub.s32 v25, v26;
	v25 =	vxor.u32 $0x80000000, v26;
	v28 =	vsub.s32 $0x0, v28;
	s1 =	sadd.s32 $0x80000000, s1;
	v27, _, _ =	vpop (xrf0)  }
0x2e9: {  	v24 =	vor.u32 v6, v24;
	(xrf0) =	vmax.scan.msk.u32 $0xffff, v25;
	s3 =	ssub.s32 s25, s1;
	v25 =	vbroadcast v28, $0x0;
	(v2sf) =	vpush v27, $0xF;
	v26, _, _ =	vpop (xrf0);
	s8 =	spop (v2sf)  }
0x2ea: {  	v10, _, _ =	vpop (xrf0)  }
0x2eb: {  	v27 =	vxor.u32 $0x80000000, v10  }
0x2ec: {  	(xrf0) =	vmax.scan.msk.u32 $0xffff, v27;
	_ =	sdelay $0x3  }
0x2ed: {  	v48, _, _ =	vpop (xrf0)  }
0x2ee: {  	(v2sf) =	vpush v26, $0xF;
	v49, _, _ =	vpop (xrf0)  }
0x2ef: {  	(v2sf) =	vpush v48, $0xF;
	v50, _, _ =	vpop (xrf0)  }
0x2f0: {  	(v2sf) =	vpush v50, $0xF;
	_ =	sdelay $0x4  }
0x2f1: {  	v13 =	vadd.s32 s3, v13  }
0x2f2: {  	v13 =	vsub.s32 v13, v22  }
0x2f3: {  	v51 =	vxor.u32 $0x80000000, v23;
	vm0 =	vlt.s32 v13, v7;
	s4 =	spop (v2sf)  }
0x2f4: {  	v22 =	vsel vm0, $0x7FFFFFFF, v51;
	s2 =	spop (v2sf)  }
0x2f5: {  	v21 =	vadd.s32 v25, v21;
	(xrf0) =	vmax.scan.msk.u32 $0xffff, v22;
	s10 =	spop (v2sf)  }
0x2f6: {  	v8 =	vadd.s32 v24, v8;
	v11 =	vshll.u32 v11, $0x10;
	v52 =	vadd.s32 v24, v21;
	s3 =	sadd.s32 s10, s1;
	s6 =	spop (v2sf)  }
0x2f7: {  	v57 =	vxor.u32 $0x80000000, v18;
	vm1 =	vlt.s32 v21, v7;
	v53 =	vxor.u32 $0x80000000, v52;
	s7 =	sadd.s32 $0x80000000, s3;
	s0 =	spop (v2sf)  }
0x2f8: {  	v8 =	vxor.u32 $0x80000000, v8;
	v13 =	vadd.s32 v19, v13;
	v21 =	vsel vm1, $0x7FFFFFFF, v53;
	s6 =	sadd.s32 s6, s7;
	s16 =	spop (v2sf)  }
0x2f9: {  	v13 =	vxor.u32 $0x80000000, v13;
	v8 =	vsel vm1, $0x7FFFFFFF, v8;
	(xrf0) =	vmax.scan.msk.u32 $0xffff, v21;
	v54 =	vmov s7;
	s6 =	sadd.s32 $0x80000000, s6;
	s5 =	spop (v2sf)  }
0x2fa: {  	v13 =	vsel vm0, $0x7FFFFFFF, v13;
	(xrf0) =	vmax.scan.msk.u32 $0xffff, v8;
	v8 =	vor.u32 v6, v11;
	v21 =	vsub.s32 $0x0, v54;
	s25 =	ssub.s32 s25, s6;
	s17 =	spop (v2sf)  }
0x2fb: {  	(v2sf) =	vpush v49, $0xF;
	v22, _, _ =	vpop (xrf0);
	(xrf0) =	vmax.scan.msk.u32 $0xffff, v13;
	v21 =	vbroadcast v21, $0x0;
	v17 =	vadd.s32 s25, v17;
	s9 =	spop (v2sf)  }
0x2fc: {  	v9 =	vadd.s32 v8, v9;
	(v2sf) =	vpush v22, $0xF;
	v10 =	vsub.s32 v17, v10;
	s6 =	sadd.s32 s9, s6  }
0x2fd: {  	v9 =	vxor.u32 $0x80000000, v9;
	v14 =	vadd.s32 v21, v14;
	vm13 =	vlt.s32 v10, v7;
	s6 =	sadd.s32 $0x80000000, s6  }
0x2fe: {  	v8 =	vadd.s32 v8, v14;
	vm14 =	vlt.s32 v14, v7;
	v55 =	vmov s6  }
0x2ff: {  	v56, _, _ =	vpop (xrf0);
	v11 =	vsel vm13, $0x7FFFFFFF, v57;
	v8 =	vxor.u32 $0x80000000, v8;
	v58 =	vsub.s32 $0x0, v55  }
0x300: {  	(v2sf) =	vpush v56, $0xF;
	v60, _, _ =	vpop (xrf0);
	(xrf0) =	vmax.scan.msk.u32 $0xffff, v11;
	v8 =	vsel vm14, $0x7FFFFFFF, v8;
	v59 =	vbroadcast v58, $0x0  }
0x301: {  	(v2sf) =	vpush v60, $0xF;
	v62, _, _ =	vpop (xrf0);
	v10 =	vadd.s32 v16, v10;
	(xrf0) =	vmax.scan.msk.u32 $0xffff, v8;
	v8 =	vshll.u32 v15, $0x10  }
0x302: {  	(v2sf) =	vpush v62, $0xF;
	v8 =	vor.u32 v6, v8;
	v61 =	vadd.s32 v59, v20  }
0x303: {  	v9 =	vsel vm14, $0x7FFFFFFF, v9;
	v10 =	vxor.u32 $0x80000000, v10;
	v11 =	vadd.s32 v8, v61  }
0x304: {  	v10 =	vsel vm13, $0x7FFFFFFF, v10;
	(xrf0) =	vmax.scan.msk.u32 $0xffff, v9;
	vm15 =	vlt.s32 v61, v7;
	v7 =	vxor.u32 $0x80000000, v11  }
0x305: {  	(xrf0) =	vmax.scan.msk.u32 $0xffff, v10;
	v8 =	vadd.s32 v8, v12;
	v7 =	vsel vm15, $0x7FFFFFFF, v7  }
0x306: {  	v8 =	vxor.u32 $0x80000000, v8  }
0x307: {  	v63, _, _ =	vpop (xrf0);
	v8 =	vsel vm15, $0x7FFFFFFF, v8;
	(xrf0) =	vmax.scan.msk.u32 $0xffff, v7  }
0x308: {  	v7, _, _ =	vpop (xrf0);
	(xrf0) =	vmax.scan.msk.u32 $0xffff, v8  }
0x309: {  	s26 =	smov.u32 @p3 s28;
	s4 =	sxor.u32 $0x80000000, s4;
	(v2sf) =	vpush v63, $0xF  }
0x30a: {  	p3 =	sgt.s32 s26, s4;
	(v2sf) =	vpush v7, $0xF;
	v7, _, _ =	vpop (xrf0)  }
0x30b: {  	s4 =	smov.u32 @p3 s26;
	(v2sf) =	vpush v7, $0xF;
	v7, _, _ =	vpop (xrf0)  }
0x30c: {  	s7 =	sxor.u32 $0x80000000, s31;
	s6 =	sxor.u32 $0x80000000, s8;
	s8 =	spop (v2sf);
	(v2sf) =	vpush v7, $0xF  }
0x30d: {  	s29 =	smov.u32 @p2 s30;
	s2 =	sxor.u32 $0x80000000, s2;
	p3 =	sgt.s32 s4, s7;
	v7, _, _ =	vpop (xrf0)  }
0x30e: {  	s0 =	sxor.u32 $0x80000000, s0;
	p2 =	sgt.s32 s29, s6;
	s9 =	spop (v2sf);
	(v2sf) =	vpush v7, $0xF;
	v7, _, _ =	vpop (xrf0)  }
0x30f: {  	s7 =	smov.u32 @p3 s4;
	s6 =	smov.u32 @p2 s29;
	s10 =	spop (v2sf);
	(v2sf) =	vpush v7, $0xF  }
0x310: {  	s1 =	sxor.u32 $0x80000000, s16;
	s4 =	sxor.u32 $0x80000000, s5;
	p2 =	sgt.s32 s6, s2  }
0x311: {  	s3 =	sxor.u32 $0x80000000, s17;
	s2 =	smov.u32 @p2 s6;
	p2 =	sgt.s32 s7, s4  }
0x312: {  	s16 =	spop (v2sf);
	p3 =	sgt.s32 s2, s1;
	s4 =	smov.u32 @p2 s7  }
0x313: {  	s17 =	spop (v2sf);
	s1 =	smov.u32 @p3 s2;
	p2 =	sgt.s32 s4, s0  }
0x314: {  	s2 =	sxor.u32 $0x80000000, s16;
	s5 =	sxor.u32 $0x80000000, s17;
	p3 =	sgt.s32 s1, s3  }
0x315: {  	s0 =	smov.u32 @p2 s4;
	s3 =	smov.u32 @p3 s1;
	s1 =	sxor.u32 $0x80000000, s10  }
0x316: {  	s4 =	sxor.u32 $0x80000000, s9;
	p2 =	sgt.s32 s0, s2;
	p3 =	sgt.s32 s3, s1  }
0x317: {  	s2 =	smov.u32 @p2 s0;
	s0 =	simm.s32 $0x100A0;
	s1 =	smov.u32 @p3 s3  }
0x318: {  	p2 =	sgt.s32 s2, s4;
	p3 =	sgt.s32 s1, s5;
	s25 =	spop (v2sf)  }
0x319: {  	s4 =	smov.u32 @p2 s2;
	s5 =	smov.u32 @p3 s1;
	s26 =	spop (v2sf)  }
0x31a: {  	s3 =	sxor.u32 $0x80000000, s25;
	s28 =	spop (v2sf);
	s2 =	sxor.u32 $0x80000000, s26  }
0x31b: {  	s1 =	sxor.u32 $0x80000000, s28;
	s29 =	spop (v2sf);
	p2 =	sgt.s32 s5, s2  }
0x31c: {  	p3 =	sgt.s32 s4, s1;
	s6 =	sxor.u32 $0x80000000, s29;
	s2 =	smov.u32 @p2 s5  }
0x31d: {  	s1 =	smov.u32 @p3 s4;
	p2 =	sgt.s32 s2, s6;
	s30 =	spop (v2sf)  }
0x31e: {  	p3 =	sgt.s32 s1, s3;
	s6 =	smov.u32 @p2 s2;
	s31 =	spop (v2sf)  }
0x31f: {  	[tilespmem:s0+$0xFFFFFFE0] =	vst v0;
	s25 =	sxor.u32 $0x80000000, s30;
	s3 =	smov.u32 @p3 s1;
	s26 =	sxor.u32 $0x80000000, s31  }
0x320: {  	[tilespmem:s0+$0x10] =	vst v0;
	p2 =	sgt.s32 s6, s25;
	p3 =	sgt.s32 s3, s26  }
0x321: {  	[tilespmem:s0+$0x0] =	vst v0;
	s1 =	simm.s32 $0x0;
	s25 =	smov.u32 @p2 s6;
	s26 =	smov.u32 @p3 s3  }
.LBB2_35:
0x322: {  	s1 =	sadd.s32 $0x4, s1  }
0x323: {  	[tilespmem:s0+$0xFFFFFFF0] =	vst v0;
	s0 =	sadd.s32 $0x40, s0;
	p2 =	slt.u32 s1, $0xC  }
.Ltmp21:
0x324: {  	[tilespmem:s0+$0xFFFFFFE0] =	vst v0;
	(pc) =	sbr.rel @p2 .LBB2_35-.Ltmp21, $3  }
0x325: {  	_ =	sdelay $0x1  }
0x326: {  	[tilespmem:s0+$0x10] =	vst v0  }
0x327: {  	[tilespmem:s0+$0x0] =	vst v0  }
.Ltmp22:
0x328: {  	(pc) =	sbr.rel @p0 .LBB2_42-.Ltmp22, $3  }
0x329: {  	_ =	sdelay $0x1  }
0x32a: {  	[tilespmem:s0+$0xFFFFFFF0] =	vst v0;
	s31 =	sand.u32 $0xFFFF0000, s25  }
0x32b: {  	s24 =	sor.u32 s24, s31;
	[tilespmem:$0x10180] =	vst v0  }
0x32c: {  	s31 =	simm.s32 $0x8010  }
0x32d: {  	v8 =	vld [tilespmem:s31+$0x0]  }
0x32e: {  	v11 =	vld [tilespmem:s31+$0xFFFFFFF0]  }
0x32f: {  	p3 =	sgt.s32 s21, $0x2  }
.Ltmp23:
0x330: {  	s0 =	sshrl.u32 s24, $0x10;
	(pc) =	sbr.rel @!p3 .LBB2_38-.Ltmp23, $4  }
0x331: {  	v7 =	vmov s0  }
0x332: {  	s1 =	simm.s32 $0x10;
	vm0 =	vlt.s32 v8, $0x0;
	v9 =	vxor.u32 $0xFFFFFFFF, v8;
	v8 =	vor.u32 $0x80000000, v8  }
0x333: {  	v12 =	vor.u32 s1, v1;
	vm1 =	vlt.s32 v11, $0x0;
	v9 =	vsel vm0, v9, v8  }
0x334: {  	p2 =	por $0x0, $0x0;
	s0 =	simm.s32 $0x0;
	s1 =	simm.s32 $0x8030;
	v10 =	vxor.u32 $0xFFFFFFFF, v11;
	v11 =	vor.u32 $0x80000000, v11;
	v13 =	vshrl.u32 v9, $0x10  }
0x335: {  	v14 =	vld [tilespmem:s1+$0x0];
	vm0 =	vlt.s32 v12, v5;
	vm2 =	veq.s32 v13, v7  }
0x336: {  	v8 =	vsel vm1, v10, v11;
	v11 =	vld [tilespmem:s1+$0xFFFFFFF0];
	v9 =	vshrl.u32 v9, $0x8;
	vm2 =	vmand vm0, vm2  }
0x337: {  	v12 =	vor.u32 s0, v1;
	p3 =	sgt.s32 s21, $0x4;
	v10 =	vshrl.u32 v8, $0x10;
	v15 =	vand.u32 $0xFF, v9  }
.Ltmp24:
0x338: {  	vm1 =	vlt.s32 v12, v5;
	v8 =	vshrl.u32 v8, $0x8;
	vm0 =	veq.s32 v10, v7;
	(pc) =	sbr.rel @!p3 .LBB2_41-.Ltmp24, $4  }
0x339: {  	v8 =	vand.u32 $0xFF, v8;
	vm0 =	vmand vm1, vm0  }
0x33a: {  	vm3 =	vlt.s32 v14, $0x0;
	v9 =	vxor.u32 $0xFFFFFFFF, v14;
	v12 =	vor.u32 $0x80000000, v14  }
0x33b: {  	s1 =	simm.s32 $0x4;
	s2 =	simm.s32 $0x30;
	vm1 =	vlt.s32 v11, $0x0;
	v10 =	vxor.u32 $0xFFFFFFFF, v11;
	v9 =	vsel vm3, v9, v12  }
0x33c: {  	s0 =	simm.s32 $0x20;
	s3 =	simm.s32 $0x8050;
	p2 =	por $0x1, $0x1;
	v11 =	vor.u32 $0x80000000, v11;
	v12 =	vor.u32 s2, v1;
	v13 =	vshrl.u32 v9, $0x10;
	[tilespmem:v15+s12+$0x0] =	vst.idx.add.s32.msk vm2, v2  }
.LBB2_40:
0x33d: {  	v14 =	vld [tilespmem:s3+$0x0];
	s1 =	sadd.s32 $0x2, s1;
	v10 =	vsel vm1, v10, v11;
	vm1 =	vlt.s32 v12, v5;
	vm2 =	veq.s32 v13, v7  }
0x33e: {  	v9 =	vshrl.u32 v9, $0x8;
	v11 =	vld [tilespmem:s3+$0xFFFFFFF0];
	p3 =	slt.s32 s1, s21;
	v12 =	vshrl.u32 v10, $0x10;
	vm2 =	vmand vm1, vm2  }
0x33f: {  	v13 =	vor.u32 s0, v1;
	v15 =	vand.u32 $0xFF, v9;
	vm1 =	veq.s32 v12, v7;
	[tilespmem:v8+s12+$0x0] =	vst.idx.add.s32.msk vm0, v2  }
.Ltmp25:
0x340: {  	vm0 =	vlt.s32 v13, v5;
	v8 =	vshrl.u32 v10, $0x8;
	(pc) =	sbr.rel @p3 .LBB2_40-.Ltmp25, $4  }
0x341: {  	vm0 =	vmand vm0, vm1;
	v8 =	vand.u32 $0xFF, v8  }
0x342: {  	vm3 =	vlt.s32 v14, $0x0;
	v9 =	vxor.u32 $0xFFFFFFFF, v14;
	v12 =	vor.u32 $0x80000000, v14  }
0x343: {  	s2 =	sadd.s32 $0x20, s2;
	vm1 =	vlt.s32 v11, $0x0;
	v10 =	vxor.u32 $0xFFFFFFFF, v11;
	v9 =	vsel vm3, v9, v12  }
0x344: {  	s0 =	sadd.s32 $0xFFFFFFF0, s2;
	s3 =	sadd.s32 $0x20, s3;
	v11 =	vor.u32 $0x80000000, v11;
	v12 =	vor.u32 s2, v1;
	v13 =	vshrl.u32 v9, $0x10;
	[tilespmem:v15+s12+$0x0] =	vst.idx.add.s32.msk vm2, v2  }
.LBB2_41:
0x345: {  	v10 =	vsel vm1, v10, v11;
	vm14 =	vlt.s32 v12, v5;
	vm2 =	veq.s32 v13, v7  }
0x346: {  	v62 =	vor.u32 s0, v1;
	v9 =	vshrl.u32 v9, $0x8;
	v11 =	vshrl.u32 v10, $0x10  }
0x347: {  	vm1 =	vmand vm14, vm2;
	vm3 =	vlt.s32 v62, v5;
	vm15 =	veq.s32 v11, v7  }
0x348: {  	v63 =	vshrl.u32 v10, $0x8;
	v7 =	vand.u32 $0xFF, v9;
	vm2 =	vmand vm3, vm15  }
0x349: {  	v9 =	vand.u32 $0xFF, v63;
	_ =	sdelay $0x2  }
0x34a: {  	[tilespmem:v8+s12+$0x0] =	vst.idx.add.s32.msk @p2 vm0, v2  }
0x34b: {  	[tilespmem:v7+s12+$0x0] =	vst.idx.add.s32.msk vm1, v2  }
0x34c: {  	[tilespmem:v9+s12+$0x0] =	vst.idx.add.s32.msk vm2, v2  }
.LBB2_42:
0x34d: {  	v7 =	vld @!p1 [tilespmem:s22+$0x8000];
	_ =	sdelay $0x4  }
0x34e: {  	vm0 =	vlt.s32 @!p1 v7, $0x0;
	v8 =	vxor.u32 @!p1 $0xFFFFFFFF, v7;
	v7 =	vor.u32 @!p1 $0x80000000, v7  }
0x34f: {  	v7 =	vsel @!p1 vm0, v8, v7;
	v8 =	vlaneseq.u32 @!p1  }
0x350: {  	s0 =	sshrl.u32 @!p1 s24, $0x10;
	v8 =	vor.u32 @!p1 s22, v8;
	v9 =	vshrl.u32 @!p1 v7, $0x10  }
0x351: {  	vm0 =	vlt.s32 @!p1 v8, v5;
	vm1 =	veq.s32 @!p1 v9, s0  }
0x352: {  	v7 =	vshrl.u32 @!p1 v7, $0x8;
	vm0 =	vmand @!p1 vm0, vm1  }
0x353: {  	v7 =	vand.u32 @!p1 $0xFF, v7;
	_ =	sdelay $0x3  }
0x354: {  	s1 =	simm.s32 @!p1 $0x10080;
	v8 =	vimm.s32 @!p1 $0x1  }
0x355: {  	[tilespmem:v7+s1+$0x0] =	vst.idx.add.s32.msk @!p1 vm0, v8;
	s1 =	simm.s32 $0x10090  }
0x356: {  	v11 =	vld [tilespmem:s1+$0x0]  }
0x357: {  	v9 =	vld [tilespmem:s1+$0xFFFFFFF0];
	_ =	sdelay $0x3  }
0x358: {  	(xrf0) =	vadd.scan.msk.s32 $0xffff, v11  }
0x359: {  	(xrf0) =	vadd.scan.msk.s32 $0xffff, v9;
	_ =	sdelay $0x4  }
0x35a: {  	v12, _, _ =	vpop (xrf0)  }
0x35b: {  	v7 =	vxor.u32 $0x80000000, v12;
	v10, _, _ =	vpop (xrf0)  }
0x35c: {  	s2 =	simm.s32 $0x100B0;
	(xrf0) =	vmax.scan.msk.u32 $0xffff, v7;
	v7 =	vxor.u32 $0x80000000, v10  }
0x35d: {  	v14 =	vld [tilespmem:s2+$0x0];
	(xrf0) =	vmax.scan.msk.u32 $0xffff, v7  }
0x35e: {  	v13 =	vld [tilespmem:s2+$0xFFFFFFF0];
	_ =	sdelay $0x3  }
0x35f: {  	(xrf0) =	vadd.scan.msk.s32 $0xffff, v14;
	v7, _, _ =	vpop (xrf0)  }
0x360: {  	(xrf0) =	vadd.scan.msk.s32 $0xffff, v13;
	v8, _, _ =	vpop (xrf0)  }
0x361: {  	(v2sf) =	vpush v8, $0xF;
	_ =	sdelay $0x1  }
0x362: {  	(v2sf) =	vpush v7, $0xF  }
0x363: {  	s3 =	simm.s32 $0x0  }
0x364: {  	s17 =	sand.u32 $0xFFFF, s25;
	s25 =	sand.u32 $0xFFFF, s26;
	s4 =	simm.s32 $0x0;
	v15, _, _ =	vpop (xrf0);
	v7 =	vmov s3  }
0x365: {  	s0 =	ssub.s32 s25, s17;
	s1 =	ssub.s32 s25, s4;
	v8 =	vxor.u32 $0x80000000, v15;
	v7 =	vshll.u32 v7, $0x10;
	v16, _, _ =	vpop (xrf0)  }
0x366: {  	s5 =	simm.s32 $0x100D0;
	s23 =	sadd.s32 s23, s0;
	v19 =	vadd.s32 s1, v9;
	(xrf0) =	vmax.scan.msk.u32 $0xffff, v8;
	v18 =	vor.u32 v6, v7;
	v17 =	vxor.u32 $0x80000000, v16  }
0x367: {  	v8 =	vld [tilespmem:s5+$0x0];
	v7 =	vmov s23;
	v9 =	vadd.s32 v18, v9;
	(xrf0) =	vmax.scan.msk.u32 $0xffff, v17;
	v17 =	vsub.s32 v19, v10  }
0x368: {  	v20 =	vld [tilespmem:s5+$0xFFFFFFF0];
	v9 =	vxor.u32 $0x80000000, v9;
	vm11 =	vlt.s32 v17, v7  }
0x369: {  	v9 =	vsel vm11, $0x7FFFFFFF, v9;
	_ =	sdelay $0x1  }
0x36a: {  	(xrf0) =	vmax.scan.msk.u32 $0xffff, v9  }
0x36b: {  	v9, _, _ =	vpop (xrf0);
	(xrf0) =	vadd.scan.msk.s32 $0xffff, v8  }
0x36c: {  	v19, _, _ =	vpop (xrf0);
	(xrf0) =	vadd.scan.msk.s32 $0xffff, v20  }
0x36d: {  	v17 =	vadd.s32 v18, v17;
	(v2sf) =	vpush v19, $0xF  }
0x36e: {  	s8 =	simm.s32 $0x20;
	v17 =	vxor.u32 $0x80000000, v17;
	s7 =	spop (v2sf)  }
0x36f: {  	v22 =	vmov s8;
	v10 =	vmov s25;
	(v2sf) =	vpush v9, $0xF;
	s1 =	sadd.s32 $0x0, s7  }
0x370: {  	v21 =	vadd.s32 v10, v11;
	v9 =	vshll.u32 v22, $0x10;
	v18, _, _ =	vpop (xrf0);
	s10 =	spop (v2sf);
	s9 =	sadd.s32 $0x80000000, s1  }
0x371: {  	s6 =	simm.s32 $0x10;
	v12 =	vsub.s32 v21, v12;
	v21 =	vor.u32 v6, v9;
	v9 =	vsel vm11, $0x7FFFFFFF, v17;
	v17, _, _ =	vpop (xrf0);
	s1 =	sadd.s32 s10, s9  }
0x372: {  	v19 =	vmov s6;
	(xrf0) =	vmax.scan.msk.u32 $0xffff, v9;
	v22 =	vmov s9;
	v9 =	vxor.u32 $0x80000000, v17;
	v23, _, _ =	vpop (xrf0);
	s16 =	sadd.s32 $0x80000000, s1  }
0x373: {  	s17 =	simm.s32 $0x100F0;
	v19 =	vshll.u32 v19, $0x10;
	v22 =	vsub.s32 $0x0, v22;
	(xrf0) =	vmax.scan.msk.u32 $0xffff, v9;
	v25 =	vxor.u32 $0x80000000, v23;
	s2 =	ssub.s32 s25, s16  }
0x374: {  	v19 =	vor.u32 v6, v19;
	v9 =	vld [tilespmem:s17+$0x0];
	v22 =	vbroadcast v22, $0x0;
	(xrf0) =	vmax.scan.msk.u32 $0xffff, v25;
	v24 =	vadd.s32 s2, v13  }
0x375: {  	v11 =	vadd.s32 v19, v11;
	v13 =	vadd.s32 v21, v13;
	v16 =	vsub.s32 v24, v16  }
0x376: {  	v13 =	vxor.u32 $0x80000000, v13;
	v12 =	vadd.s32 v22, v12;
	vm12 =	vlt.s32 v16, v7  }
0x377: {  	(v2sf) =	vpush v18, $0xF;
	v22 =	vadd.s32 v19, v12;
	v24 =	vsel vm12, $0x7FFFFFFF, v13  }
0x378: {  	s26 =	simm.s32 $0x30;
	s3 =	simm.s32 $0x40;
	v11 =	vxor.u32 $0x80000000, v11;
	vm13 =	vlt.s32 v12, v7;
	v19, _, _ =	vpop (xrf0);
	v13 =	vld [tilespmem:s17+$0xFFFFFFF0];
	v12 =	vxor.u32 $0x80000000, v22;
	(xrf0) =	vmax.scan.msk.u32 $0xffff, v24  }
0x379: {  	v22 =	vmov s26;
	v12 =	vsel vm13, $0x7FFFFFFF, v12;
	v24 =	vmov s3;
	v18, _, _ =	vpop (xrf0);
	(xrf0) =	vadd.scan.msk.s32 $0xffff, v9  }
0x37a: {  	(v2sf) =	vpush v19, $0xF;
	v11 =	vsel vm13, $0x7FFFFFFF, v11;
	v19, _, _ =	vpop (xrf0);
	(xrf0) =	vmax.scan.msk.u32 $0xffff, v12;
	v12 =	vshll.u32 v24, $0x10  }
0x37b: {  	v24 =	vadd.s32 v10, v14;
	(v2sf) =	vpush v19, $0xF;
	v25 =	vor.u32 v6, v12  }
0x37c: {  	(xrf0) =	vmax.scan.msk.u32 $0xffff, v11;
	v15 =	vsub.s32 v24, v15;
	s5 =	spop (v2sf);
	v11 =	vadd.s32 v10, v8;
	v12 =	vadd.s32 v21, v16  }
0x37d: {  	s6 =	simm.s32 $0x60;
	(v2sf) =	vpush v18, $0xF;
	(xrf0) =	vadd.scan.msk.s32 $0xffff, v13;
	s0 =	sadd.s32 s5, s16;
	v21 =	vsub.s32 v11, v17;
	v11 =	vxor.u32 $0x80000000, v12  }
0x37e: {  	v26 =	vadd.s32 v25, v20;
	v12 =	vmov s6;
	s7 =	spop (v2sf);
	s0 =	sadd.s32 $0x80000000, s0;
	v17 =	vsel vm12, $0x7FFFFFFF, v11;
	v16, _, _ =	vpop (xrf0)  }
0x37f: {  	v12 =	vshll.u32 v12, $0x10;
	v26 =	vxor.u32 $0x80000000, v26;
	s1 =	sadd.s32 s7, s0;
	v27 =	vmov s0;
	v18, _, _ =	vpop (xrf0)  }
0x380: {  	v19 =	vor.u32 v6, v12;
	(v2sf) =	vpush v16, $0xF;
	s1 =	sadd.s32 $0x80000000, s1;
	v12 =	vsub.s32 $0x0, v27;
	v16, _, _ =	vpop (xrf0)  }
0x381: {  	s9 =	simm.s32 $0x10110;
	s10 =	ssub.s32 s25, s1;
	v28 =	vbroadcast v12, $0x0;
	(v2sf) =	vpush v16, $0xF;
	v16 =	vshll.u32 v22, $0x10  }
0x382: {  	(xrf0) =	vmax.scan.msk.u32 $0xffff, v17;
	v17 =	vxor.u32 $0x80000000, v18;
	v12 =	vld [tilespmem:s9+$0x0];
	v27, _, _ =	vpop (xrf0);
	v20 =	vadd.s32 s10, v20;
	v16 =	vor.u32 v6, v16  }
0x383: {  	v22, _, _ =	vpop (xrf0);
	v20 =	vsub.s32 v20, v23;
	v15 =	vadd.s32 v28, v15;
	(v2sf) =	vpush v27, $0xF  }
0x384: {  	(xrf0) =	vmax.scan.msk.u32 $0xffff, v17;
	v17 =	vxor.u32 $0x80000000, v22;
	vm14 =	vlt.s32 v20, v7;
	v14 =	vadd.s32 v16, v14  }
0x385: {  	(xrf0) =	vmax.scan.msk.u32 $0xffff, v17;
	v17 =	vadd.s32 v16, v15;
	v26 =	vsel vm14, $0x7FFFFFFF, v26;
	v16 =	vadd.s32 v10, v9  }
0x386: {  	vm15 =	vlt.s32 v15, v7;
	v15 =	vxor.u32 $0x80000000, v17;
	(xrf0) =	vmax.scan.msk.u32 $0xffff, v26;
	v26 =	vxor.u32 $0x80000000, v14  }
0x387: {  	s16 =	simm.s32 $0x80;
	v14 =	vsub.s32 v16, v18;
	v18 =	vadd.s32 v25, v20;
	(xrf0) =	vadd.scan.msk.s32 $0xffff, v12;
	v15 =	vsel vm15, $0x7FFFFFFF, v15  }
0x388: {  	v17 =	vld [tilespmem:s9+$0xFFFFFFF0];
	v16, _, _ =	vpop (xrf0);
	(xrf0) =	vmax.scan.msk.u32 $0xffff, v15;
	v15 =	vxor.u32 $0x80000000, v18;
	v18 =	vmov s16  }
0x389: {  	s4 =	simm.s32 $0x50;
	s3 =	spop (v2sf);
	(v2sf) =	vpush v16, $0xF  }
0x38a: {  	v24 =	vmov s4;
	s4 =	spop (v2sf);
	v25, _, _ =	vpop (xrf0)  }
0x38b: {  	v20 =	vsel vm15, $0x7FFFFFFF, v26;
	v16 =	vshll.u32 v18, $0x10;
	s5 =	spop (v2sf);
	v18, _, _ =	vpop (xrf0)  }
0x38c: {  	(xrf0) =	vmax.scan.msk.u32 $0xffff, v20;
	s1 =	sadd.s32 s5, s1;
	(v2sf) =	vpush v18, $0xF  }
0x38d: {  	s28 =	simm.s32 $0xFFFFFFFF;
	v20 =	vsel vm14, $0x7FFFFFFF, v15;
	s1 =	sadd.s32 $0x80000000, s1;
	(v2sf) =	vpush v25, $0xF;
	v25, _, _ =	vpop (xrf0);
	(xrf0) =	vadd.scan.msk.s32 $0xffff, v17  }
0x38e: {  	s30 =	simm.s32 $0xFFFFFFFF;
	s8 =	simm.s32 $0x70;
	s2 =	simm.s32 $0x8;
	v24 =	vshll.u32 v24, $0x10;
	v26 =	vadd.s32 v10, v12;
	v63 =	vmov s1;
	v27, _, _ =	vpop (xrf0);
	(xrf0) =	vmax.scan.msk.u32 $0xffff, v20  }
0x38f: {  	v11 =	vmov s8;
	s0 =	simm.s32 $0x90;
	s26 =	sxor.u32 $0x80000000, s3;
	s17 =	spop (v2sf);
	v20 =	vsub.s32 v26, v27;
	v26 =	vsub.s32 $0x0, v63  }
0x390: {  	v24 =	vor.u32 v6, v24;
	p3 =	slt.s32 s26, $0xFFFFFFFF;
	v23 =	vadd.s32 v19, v13;
	s29 =	sxor.u32 $0x80000000, s4;
	s1 =	sadd.s32 s17, s1;
	(v2sf) =	vpush v25, $0xF  }
0x391: {  	v15 =	vmov s0;
	p2 =	slt.s32 s29, $0xFFFFFFFF;
	v16 =	vor.u32 v6, v16;
	s1 =	sadd.s32 $0x80000000, s1;
	s31 =	spop (v2sf);
	v25 =	vxor.u32 $0x80000000, v27;
	v27, _, _ =	vpop (xrf0)  }
0x392: {  	v18 =	vadd.s32 v16, v17;
	s17 =	simm.s32 $0x10130;
	s3 =	ssub.s32 s25, s1;
	(xrf0) =	vmax.scan.msk.u32 $0xffff, v25;
	v25 =	vbroadcast v26, $0x0;
	(v2sf) =	vpush v27, $0xF;
	s8 =	spop (v2sf);
	v26, _, _ =	vpop (xrf0)  }
.LBB2_43:
0x393: {  	v27 =	vld [tilespmem:s17+$0x0];
	s2 =	sadd.s32 $0x2, s2;
	v28, _, _ =	vpop (xrf0);
	v13 =	vadd.s32 s3, v13;
	v23 =	vxor.u32 $0x80000000, v23;
	v8 =	vadd.s32 v24, v8  }
0x394: {  	s3 =	smov.u32 s26;
	p4 =	slt.u32 s2, $0xE;
	v29 =	vxor.u32 $0x80000000, v28;
	v13 =	vsub.s32 v13, v22;
	v30 =	vxor.u32 $0x80000000, v8;
	v31, _, _ =	vpop (xrf0)  }
0x395: {  	s0 =	sadd.s32 $0x20, s0;
	s4 =	smov.u32 s29;
	v25 =	vadd.s32 v25, v21;
	s3 =	smov.u32 @p3 s28;
	(xrf0) =	vmax.scan.msk.u32 $0xffff, v29;
	vm0 =	vlt.s32 v13, v7;
	v29 =	vadd.s32 v19, v13  }
0x396: {  	s4 =	smov.u32 @p2 s30;
	s30 =	sxor.u32 $0x80000000, s8;
	v21 =	vadd.s32 v24, v25;
	v19 =	vxor.u32 $0x80000000, v29;
	(v2sf) =	vpush v26, $0xF;
	s5 =	spop (v2sf);
	v8 =	vmovc v9;
	v9 =	vmovc v12  }
0x397: {  	s26 =	sxor.u32 $0x80000000, s31;
	s6 =	sadd.s32 $0xFFFFFFF0, s0;
	v22 =	vmovc v28;
	vm1 =	vlt.s32 v25, v7;
	v26 =	vsel vm0, $0x7FFFFFFF, v23;
	v21 =	vxor.u32 $0x80000000, v21;
	s28 =	sxor.u32 $0x80000000, s5;
	v13 =	vmovc v17;
	v17 =	vld [tilespmem:s17+$0xFFFFFFF0]  }
0x398: {  	p2 =	sgt.s32 s4, s30;
	v23 =	vmov s6;
	v25 =	vsel vm0, $0x7FFFFFFF, v19;
	v24, _, _ =	vpop (xrf0);
	(xrf0) =	vmax.scan.msk.u32 $0xffff, v26;
	(v2sf) =	vpush v31, $0xF;
	s5 =	spop (v2sf);
	p3 =	sgt.s32 s3, s28  }
0x399: {  	v32 =	vmov s0;
	s30 =	smov.u32 @p2 s4;
	v29 =	vshll.u32 v23, $0x10;
	v31 =	vsel vm1, $0x7FFFFFFF, v21;
	v12 =	vmovc v27;
	(xrf0) =	vadd.scan.msk.s32 $0xffff, v27;
	s29 =	sxor.u32 $0x80000000, s5;
	s28 =	smov.u32 @p3 s3  }
0x39a: {  	v26 =	vsel vm1, $0x7FFFFFFF, v30;
	v27 =	vmovc v15;
	v15 =	vmov v32;
	v19 =	vmov v16;
	(xrf0) =	vmax.scan.msk.u32 $0xffff, v31;
	p2 =	sgt.s32 s30, s29;
	p3 =	sgt.s32 s28, s26  }
0x39b: {  	v16 =	vor.u32 v6, v29;
	v23 =	vmov v18;
	v21 =	vmov v14;
	v28, _, _ =	vpop (xrf0);
	(xrf0) =	vmax.scan.msk.u32 $0xffff, v26  }
0x39c: {  	v14 =	vmovc v20;
	v18 =	vadd.s32 v16, v17;
	(xrf0) =	vadd.scan.msk.s32 $0xffff, v17;
	(v2sf) =	vpush v28, $0xF;
	s3 =	spop (v2sf)  }
.Ltmp26:
0x39d: {  	s1 =	sadd.s32 s3, s1;
	(xrf0) =	vmax.scan.msk.u32 $0xffff, v25;
	(pc) =	sbr.rel @p4 .LBB2_43-.Ltmp26, $4  }
0x39e: {  	(v2sf) =	vpush v24, $0xF;
	s1 =	sadd.s32 $0x80000000, s1;
	v24 =	vshll.u32 v11, $0x10;
	v20, _, _ =	vpop (xrf0);
	s3 =	spop (v2sf);
	v11 =	vmov v27  }
0x39f: {  	s17 =	sadd.s32 $0x20, s17;
	v25 =	vadd.s32 v10, v12;
	v26, _, _ =	vpop (xrf0);
	v28 =	vmov s1;
	s1 =	sadd.s32 s3, s1;
	(v2sf) =	vpush v20, $0xF;
	s31 =	spop (v2sf)  }
0x3a0: {  	v20 =	vsub.s32 v25, v26;
	v25 =	vxor.u32 $0x80000000, v26;
	v28 =	vsub.s32 $0x0, v28;
	s1 =	sadd.s32 $0x80000000, s1;
	v27, _, _ =	vpop (xrf0)  }
0x3a1: {  	v24 =	vor.u32 v6, v24;
	(xrf0) =	vmax.scan.msk.u32 $0xffff, v25;
	s3 =	ssub.s32 s25, s1;
	v25 =	vbroadcast v28, $0x0;
	(v2sf) =	vpush v27, $0xF;
	v26, _, _ =	vpop (xrf0);
	s8 =	spop (v2sf)  }
0x3a2: {  	v10, _, _ =	vpop (xrf0)  }
0x3a3: {  	v27 =	vxor.u32 $0x80000000, v10  }
0x3a4: {  	(xrf0) =	vmax.scan.msk.u32 $0xffff, v27;
	_ =	sdelay $0x3  }
0x3a5: {  	v48, _, _ =	vpop (xrf0)  }
0x3a6: {  	(v2sf) =	vpush v26, $0xF;
	v49, _, _ =	vpop (xrf0)  }
0x3a7: {  	(v2sf) =	vpush v48, $0xF;
	v50, _, _ =	vpop (xrf0)  }
0x3a8: {  	(v2sf) =	vpush v50, $0xF;
	_ =	sdelay $0x4  }
0x3a9: {  	v13 =	vadd.s32 s3, v13  }
0x3aa: {  	v13 =	vsub.s32 v13, v22  }
0x3ab: {  	v51 =	vxor.u32 $0x80000000, v23;
	vm0 =	vlt.s32 v13, v7;
	s4 =	spop (v2sf)  }
0x3ac: {  	v22 =	vsel vm0, $0x7FFFFFFF, v51;
	s2 =	spop (v2sf)  }
0x3ad: {  	v21 =	vadd.s32 v25, v21;
	(xrf0) =	vmax.scan.msk.u32 $0xffff, v22;
	s10 =	spop (v2sf)  }
0x3ae: {  	v8 =	vadd.s32 v24, v8;
	v11 =	vshll.u32 v11, $0x10;
	v52 =	vadd.s32 v24, v21;
	s3 =	sadd.s32 s10, s1;
	s6 =	spop (v2sf)  }
0x3af: {  	v57 =	vxor.u32 $0x80000000, v18;
	vm1 =	vlt.s32 v21, v7;
	v53 =	vxor.u32 $0x80000000, v52;
	s7 =	sadd.s32 $0x80000000, s3;
	s0 =	spop (v2sf)  }
0x3b0: {  	v8 =	vxor.u32 $0x80000000, v8;
	v13 =	vadd.s32 v19, v13;
	v21 =	vsel vm1, $0x7FFFFFFF, v53;
	s6 =	sadd.s32 s6, s7;
	s16 =	spop (v2sf)  }
0x3b1: {  	v13 =	vxor.u32 $0x80000000, v13;
	v8 =	vsel vm1, $0x7FFFFFFF, v8;
	(xrf0) =	vmax.scan.msk.u32 $0xffff, v21;
	v54 =	vmov s7;
	s6 =	sadd.s32 $0x80000000, s6;
	s5 =	spop (v2sf)  }
0x3b2: {  	v13 =	vsel vm0, $0x7FFFFFFF, v13;
	(xrf0) =	vmax.scan.msk.u32 $0xffff, v8;
	v8 =	vor.u32 v6, v11;
	v21 =	vsub.s32 $0x0, v54;
	s25 =	ssub.s32 s25, s6;
	s17 =	spop (v2sf)  }
0x3b3: {  	(v2sf) =	vpush v49, $0xF;
	v22, _, _ =	vpop (xrf0);
	(xrf0) =	vmax.scan.msk.u32 $0xffff, v13;
	v21 =	vbroadcast v21, $0x0;
	v17 =	vadd.s32 s25, v17;
	s9 =	spop (v2sf)  }
0x3b4: {  	v9 =	vadd.s32 v8, v9;
	(v2sf) =	vpush v22, $0xF;
	v10 =	vsub.s32 v17, v10;
	s6 =	sadd.s32 s9, s6  }
0x3b5: {  	v9 =	vxor.u32 $0x80000000, v9;
	v14 =	vadd.s32 v21, v14;
	vm13 =	vlt.s32 v10, v7;
	s6 =	sadd.s32 $0x80000000, s6  }
0x3b6: {  	v8 =	vadd.s32 v8, v14;
	vm14 =	vlt.s32 v14, v7;
	v55 =	vmov s6  }
0x3b7: {  	v56, _, _ =	vpop (xrf0);
	v11 =	vsel vm13, $0x7FFFFFFF, v57;
	v8 =	vxor.u32 $0x80000000, v8;
	v58 =	vsub.s32 $0x0, v55  }
0x3b8: {  	(v2sf) =	vpush v56, $0xF;
	v60, _, _ =	vpop (xrf0);
	(xrf0) =	vmax.scan.msk.u32 $0xffff, v11;
	v8 =	vsel vm14, $0x7FFFFFFF, v8;
	v59 =	vbroadcast v58, $0x0  }
0x3b9: {  	(v2sf) =	vpush v60, $0xF;
	v62, _, _ =	vpop (xrf0);
	v10 =	vadd.s32 v16, v10;
	(xrf0) =	vmax.scan.msk.u32 $0xffff, v8;
	v8 =	vshll.u32 v15, $0x10  }
0x3ba: {  	(v2sf) =	vpush v62, $0xF;
	v8 =	vor.u32 v6, v8;
	v61 =	vadd.s32 v59, v20  }
0x3bb: {  	v9 =	vsel vm14, $0x7FFFFFFF, v9;
	v10 =	vxor.u32 $0x80000000, v10;
	v11 =	vadd.s32 v8, v61  }
0x3bc: {  	v10 =	vsel vm13, $0x7FFFFFFF, v10;
	(xrf0) =	vmax.scan.msk.u32 $0xffff, v9;
	vm15 =	vlt.s32 v61, v7;
	v7 =	vxor.u32 $0x80000000, v11  }
0x3bd: {  	(xrf0) =	vmax.scan.msk.u32 $0xffff, v10;
	v8 =	vadd.s32 v8, v12;
	v7 =	vsel vm15, $0x7FFFFFFF, v7  }
0x3be: {  	v8 =	vxor.u32 $0x80000000, v8  }
0x3bf: {  	v63, _, _ =	vpop (xrf0);
	v8 =	vsel vm15, $0x7FFFFFFF, v8;
	(xrf0) =	vmax.scan.msk.u32 $0xffff, v7  }
0x3c0: {  	v7, _, _ =	vpop (xrf0);
	(xrf0) =	vmax.scan.msk.u32 $0xffff, v8  }
0x3c1: {  	s26 =	smov.u32 @p3 s28;
	s4 =	sxor.u32 $0x80000000, s4;
	(v2sf) =	vpush v63, $0xF  }
0x3c2: {  	p3 =	sgt.s32 s26, s4;
	(v2sf) =	vpush v7, $0xF;
	v7, _, _ =	vpop (xrf0)  }
0x3c3: {  	s4 =	smov.u32 @p3 s26;
	(v2sf) =	vpush v7, $0xF;
	v7, _, _ =	vpop (xrf0)  }
0x3c4: {  	s7 =	sxor.u32 $0x80000000, s31;
	s6 =	sxor.u32 $0x80000000, s8;
	s8 =	spop (v2sf);
	(v2sf) =	vpush v7, $0xF  }
0x3c5: {  	s29 =	smov.u32 @p2 s30;
	s2 =	sxor.u32 $0x80000000, s2;
	p3 =	sgt.s32 s4, s7;
	v7, _, _ =	vpop (xrf0)  }
0x3c6: {  	s0 =	sxor.u32 $0x80000000, s0;
	p2 =	sgt.s32 s29, s6;
	s9 =	spop (v2sf);
	(v2sf) =	vpush v7, $0xF;
	v7, _, _ =	vpop (xrf0)  }
0x3c7: {  	s7 =	smov.u32 @p3 s4;
	s6 =	smov.u32 @p2 s29;
	s10 =	spop (v2sf);
	(v2sf) =	vpush v7, $0xF  }
0x3c8: {  	s1 =	sxor.u32 $0x80000000, s16;
	s4 =	sxor.u32 $0x80000000, s5;
	p2 =	sgt.s32 s6, s2  }
0x3c9: {  	s3 =	sxor.u32 $0x80000000, s17;
	s2 =	smov.u32 @p2 s6;
	p2 =	sgt.s32 s7, s4  }
0x3ca: {  	s16 =	spop (v2sf);
	p3 =	sgt.s32 s2, s1;
	s4 =	smov.u32 @p2 s7  }
0x3cb: {  	s17 =	spop (v2sf);
	s1 =	smov.u32 @p3 s2;
	p2 =	sgt.s32 s4, s0  }
0x3cc: {  	s2 =	sxor.u32 $0x80000000, s16;
	s5 =	sxor.u32 $0x80000000, s17;
	p3 =	sgt.s32 s1, s3  }
0x3cd: {  	s0 =	smov.u32 @p2 s4;
	s3 =	smov.u32 @p3 s1;
	s1 =	sxor.u32 $0x80000000, s10  }
0x3ce: {  	s4 =	sxor.u32 $0x80000000, s9;
	p2 =	sgt.s32 s0, s2;
	p3 =	sgt.s32 s3, s1  }
0x3cf: {  	s2 =	smov.u32 @p2 s0;
	s0 =	simm.s32 $0x100A0;
	s1 =	smov.u32 @p3 s3  }
0x3d0: {  	p2 =	sgt.s32 s2, s4;
	p3 =	sgt.s32 s1, s5;
	s25 =	spop (v2sf)  }
0x3d1: {  	s4 =	smov.u32 @p2 s2;
	s5 =	smov.u32 @p3 s1;
	s26 =	spop (v2sf)  }
0x3d2: {  	s3 =	sxor.u32 $0x80000000, s25;
	s28 =	spop (v2sf);
	s2 =	sxor.u32 $0x80000000, s26  }
0x3d3: {  	s1 =	sxor.u32 $0x80000000, s28;
	s29 =	spop (v2sf);
	p2 =	sgt.s32 s5, s2  }
0x3d4: {  	p3 =	sgt.s32 s4, s1;
	s6 =	sxor.u32 $0x80000000, s29;
	s2 =	smov.u32 @p2 s5  }
0x3d5: {  	s1 =	smov.u32 @p3 s4;
	p2 =	sgt.s32 s2, s6;
	s30 =	spop (v2sf)  }
0x3d6: {  	p3 =	sgt.s32 s1, s3;
	s6 =	smov.u32 @p2 s2;
	s31 =	spop (v2sf)  }
0x3d7: {  	[tilespmem:s0+$0xFFFFFFE0] =	vst v0;
	s25 =	sxor.u32 $0x80000000, s30;
	s3 =	smov.u32 @p3 s1;
	s26 =	sxor.u32 $0x80000000, s31  }
0x3d8: {  	[tilespmem:s0+$0x10] =	vst v0;
	p2 =	sgt.s32 s6, s25;
	p3 =	sgt.s32 s3, s26  }
0x3d9: {  	[tilespmem:s0+$0x0] =	vst v0;
	s1 =	simm.s32 $0x0;
	s25 =	smov.u32 @p2 s6;
	s26 =	smov.u32 @p3 s3  }
.LBB2_45:
0x3da: {  	s1 =	sadd.s32 $0x4, s1  }
0x3db: {  	[tilespmem:s0+$0xFFFFFFF0] =	vst v0;
	s0 =	sadd.s32 $0x40, s0;
	p2 =	slt.u32 s1, $0xC  }
.Ltmp27:
0x3dc: {  	[tilespmem:s0+$0xFFFFFFE0] =	vst v0;
	(pc) =	sbr.rel @p2 .LBB2_45-.Ltmp27, $3  }
0x3dd: {  	_ =	sdelay $0x1  }
0x3de: {  	[tilespmem:s0+$0x10] =	vst v0  }
0x3df: {  	[tilespmem:s0+$0x0] =	vst v0  }
.Ltmp28:
0x3e0: {  	(pc) =	sbr.rel @p0 .LBB2_56-.Ltmp28, $4  }
0x3e1: {  	_ = 	snop  }
0x3e2: {  	s1 =	sshra.s32 s25, $0x8  }
0x3e3: {  	[tilespmem:s0+$0xFFFFFFF0] =	vst v0;
	s31 =	sand.u32 $0xFFFFFF00, s1  }
0x3e4: {  	[tilespmem:$0x10180] =	vst v0;
	s24 =	sor.u32 s24, s31  }
0x3e5: {  	s1 =	simm.s32 $0x8010  }
0x3e6: {  	v8 =	vld [tilespmem:s1+$0x0]  }
0x3e7: {  	p3 =	sgt.s32 s21, $0x2  }
.Ltmp29:
0x3e8: {  	_ = 	snop;
	(pc) =	sbr.rel @!p3 .LBB2_48-.Ltmp29, $3  }
0x3e9: {  	_ =	sdelay $0x1  }
0x3ea: {  	s0 =	sshrl.u32 s24, $0x8;
	p0 =	por $0x0, $0x0;
	vm0 =	vlt.s32 v8, $0x0;
	v9 =	vxor.u32 $0xFFFFFFFF, v8;
	v8 =	vor.u32 $0x80000000, v8  }
0x3eb: {  	p2 =	por $0x0, $0x0;
	v7 =	vmov s0;
	s0 =	simm.s32 $0x10;
	v11 =	vld [tilespmem:s1+$0xFFFFFFF0];
	s1 =	simm.s32 $0x8030;
	v9 =	vsel vm0, v9, v8  }
0x3ec: {  	_ = 	snop  }
0x3ed: {  	v12 =	vld [tilespmem:s1+$0x0]  }
0x3ee: {  	v8 =	vor.u32 s0, v1;
	s31 =	simm.s32 $0x0;
	v10 =	vshrl.u32 v9, $0x8  }
0x3ef: {  	p3 =	sgt.s32 s21, $0x4;
	vm0 =	vlt.s32 v8, v5;
	vm2 =	veq.s32 v10, v7;
	v10 =	vor.u32 s31, v1  }
.Ltmp30:
0x3f0: {  	vm1 =	vlt.s32 v11, $0x0;
	v13 =	vxor.u32 $0xFFFFFFFF, v11;
	v8 =	vor.u32 $0x80000000, v11;
	(pc) =	sbr.rel @!p3 .LBB2_50-.Ltmp30, $4  }
0x3f1: {  	vm0 =	vmand vm0, vm2;
	v11 =	vsel vm1, v13, v8;
	vm1 =	vlt.s32 v10, v5  }
0x3f2: {  	v8 =	vand.u32 $0xFF, v9;
	vm2 =	vlt.s32 v12, $0x0;
	v9 =	vxor.u32 $0xFFFFFFFF, v12  }
0x3f3: {  	v12 =	vor.u32 $0x80000000, v12;
	v13 =	vshrl.u32 v11, $0x8;
	v10 =	vand.u32 $0xFF, v11  }
0x3f4: {  	s2 =	simm.s32 $0x8050;
	s0 =	simm.s32 $0x30;
	p0 =	por $0x1, $0x1;
	v11 =	vld [tilespmem:s1+$0xFFFFFFF0];
	v9 =	vsel vm2, v9, v12;
	vm3 =	vmmov vm1;
	vm2 =	veq.s32 v13, v7  }
0x3f5: {  	_ =	sdelay $0x2  }
0x3f6: {  	v13 =	vld [tilespmem:s2+$0x0];
	v12 =	vor.u32 s0, v1;
	v14 =	vshrl.u32 v9, $0x8  }
0x3f7: {  	s31 =	simm.s32 $0x20;
	vm4 =	vlt.s32 v12, v5;
	vm5 =	veq.s32 v14, v7;
	vm1 =	vlt.s32 v11, $0x0  }
0x3f8: {  	[tilespmem:v8+s12+$0x0] =	vst.idx.add.s32.msk vm0, v2;
	p3 =	sgt.s32 s21, $0x6;
	v15 =	vxor.u32 $0xFFFFFFFF, v11;
	v8 =	vor.u32 $0x80000000, v11;
	v11 =	vor.u32 s31, v1  }
.Ltmp31:
0x3f9: {  	vm0 =	vmand vm4, vm5;
	vm4 =	vlt.s32 v11, v5;
	v11 =	vld [tilespmem:s2+$0xFFFFFFF0];
	(pc) =	sbr.rel @!p3 .LBB2_52-.Ltmp31, $4  }
0x3fa: {  	v12 =	vsel vm1, v15, v8;
	v8 =	vand.u32 $0xFF, v9  }
0x3fb: {  	vm1 =	vmand vm3, vm2;
	vm2 =	vlt.s32 v13, $0x0;
	v9 =	vxor.u32 $0xFFFFFFFF, v13  }
0x3fc: {  	s1 =	simm.s32 $0x6;
	v13 =	vor.u32 $0x80000000, v13;
	v14 =	vshrl.u32 v12, $0x8;
	v12 =	vand.u32 $0xFF, v12  }
0x3fd: {  	s0 =	simm.s32 $0x50;
	p2 =	por $0x1, $0x1;
	s2 =	simm.s32 $0x8070;
	v9 =	vsel vm2, v9, v13;
	vm3 =	vmmov vm4;
	vm2 =	veq.s32 v14, v7  }
.LBB2_53:
0x3fe: {  	v13 =	vld [tilespmem:s2+$0x0];
	s1 =	sadd.s32 $0x2, s1;
	s3 =	sadd.s32 $0xFFFFFFF0, s0;
	vm4 =	vlt.s32 v11, $0x0;
	v14 =	vor.u32 s0, v1;
	v15 =	vshrl.u32 v9, $0x8  }
0x3ff: {  	v16 =	vxor.u32 $0xFFFFFFFF, v11;
	p3 =	slt.s32 s1, s21;
	vm5 =	vlt.s32 v14, v5;
	vm6 =	veq.s32 v15, v7;
	[tilespmem:v8+s12+$0x0] =	vst.idx.add.s32.msk vm0, v2  }
.Ltmp32:
0x400: {  	v8 =	vor.u32 $0x80000000, v11;
	v14 =	vor.u32 s3, v1;
	v11 =	vld [tilespmem:s2+$0xFFFFFFF0];
	vm0 =	vmand vm5, vm6;
	(pc) =	sbr.rel @p3 .LBB2_53-.Ltmp32, $4  }
0x401: {  	v15 =	vsel vm4, v16, v8;
	vm4 =	vlt.s32 v14, v5;
	v8 =	vand.u32 $0xFF, v9;
	[tilespmem:v10+s12+$0x0] =	vst.idx.add.s32.msk vm1, v2  }
0x402: {  	v14 =	vshrl.u32 v15, $0x8;
	vm1 =	vmand vm3, vm2;
	v10 =	vmovc v12;
	v12 =	vand.u32 $0xFF, v15  }
0x403: {  	vm2 =	vlt.s32 v13, $0x0;
	v9 =	vxor.u32 $0xFFFFFFFF, v13;
	v13 =	vor.u32 $0x80000000, v13  }
0x404: {  	s0 =	sadd.s32 $0x20, s0;
	s2 =	sadd.s32 $0x20, s2;
	vm3 =	vmmov vm4;
	v9 =	vsel vm2, v9, v13;
	vm2 =	veq.s32 v14, v7  }
0x405: {  	v13 =	vmov v10;
	v10 =	vmov v12  }
.LBB2_55:
0x406: {  	vm4 =	vlt.s32 v11, $0x0;
	v12 =	vor.u32 s0, v1  }
0x407: {  	v14 =	vshrl.u32 v9, $0x8;
	v15 =	vxor.u32 $0xFFFFFFFF, v11;
	v59 =	vor.u32 $0x80000000, v11  }
0x408: {  	s31 =	sadd.s32 $0xFFFFFFF0, s0;
	v61 =	vand.u32 $0xFF, v9;
	vm2 =	vmand @p0 vm3, vm2;
	vm5 =	vlt.s32 v12, v5  }
0x409: {  	vm6 =	veq.s32 v14, v7;
	v60 =	vor.u32 s31, v1;
	v11 =	vsel vm4, v15, v59  }
0x40a: {  	vm5 =	vmand vm5, vm6;
	vm14 =	vlt.s32 v60, v5;
	v62 =	vshrl.u32 v11, $0x8  }
0x40b: {  	vm2 =	vmmov @p0 vm2;
	vm15 =	veq.s32 v62, v7;
	vm4 =	vmmov vm14  }
0x40c: {  	v7 =	vpsel p0, v10, v0;
	vm3 =	vmand vm4, vm15  }
0x40d: {  	v63 =	vand.u32 $0xFF, v11  }
0x40e: {  	[tilespmem:v8+s12+$0x0] =	vst.idx.add.s32.msk @p0 vm0, v2  }
0x40f: {  	[tilespmem:v13+s12+$0x0] =	vst.idx.add.s32.msk @p2 vm1, v2  }
0x410: {  	[tilespmem:v61+s12+$0x0] =	vst.idx.add.s32.msk vm5, v2  }
0x411: {  	[tilespmem:v7+s12+$0x0] =	vst.idx.add.s32.msk @p0 vm2, v2  }
0x412: {  	[tilespmem:v63+s12+$0x0] =	vst.idx.add.s32.msk vm3, v2  }
.LBB2_56:
0x413: {  	v7 =	vld @!p1 [tilespmem:s22+$0x8000];
	_ =	sdelay $0x4  }
0x414: {  	vm0 =	vlt.s32 @!p1 v7, $0x0;
	v8 =	vxor.u32 @!p1 $0xFFFFFFFF, v7;
	v7 =	vor.u32 @!p1 $0x80000000, v7  }
0x415: {  	v7 =	vsel @!p1 vm0, v8, v7;
	v8 =	vlaneseq.u32 @!p1  }
0x416: {  	s0 =	sshrl.u32 @!p1 s24, $0x8;
	v8 =	vor.u32 @!p1 s22, v8;
	v9 =	vshrl.u32 @!p1 v7, $0x8  }
0x417: {  	vm0 =	vlt.s32 @!p1 v8, v5;
	vm1 =	veq.s32 @!p1 v9, s0  }
0x418: {  	vm0 =	vmand @!p1 vm0, vm1  }
0x419: {  	v7 =	vand.u32 @!p1 $0xFF, v7;
	_ =	sdelay $0x3  }
0x41a: {  	s1 =	simm.s32 @!p1 $0x10080;
	v8 =	vimm.s32 @!p1 $0x1  }
0x41b: {  	s7 =	simm.s32 $0x10090;
	[tilespmem:v7+s1+$0x0] =	vst.idx.add.s32.msk @!p1 vm0, v8  }
0x41c: {  	v8 =	vld [tilespmem:s7+$0xFFFFFFF0];
	_ =	sdelay $0x1  }
0x41d: {  	v9 =	vld [tilespmem:s7+$0x0];
	_ =	sdelay $0x2  }
0x41e: {  	(xrf0) =	vadd.scan.msk.s32 $0xffff, v8;
	_ =	sdelay $0x1  }
0x41f: {  	(xrf0) =	vadd.scan.msk.s32 $0xffff, v9;
	_ =	sdelay $0x2  }
0x420: {  	s8 =	simm.s32 $0x100B0  }
0x421: {  	v11 =	vld [tilespmem:s8+$0xFFFFFFF0];
	v12, _, _ =	vpop (xrf0)  }
0x422: {  	v10 =	vld [tilespmem:s8+$0x0];
	v7 =	vxor.u32 $0x80000000, v12  }
0x423: {  	v13, _, _ =	vpop (xrf0);
	(xrf0) =	vmax.scan.msk.u32 $0xffff, v7  }
0x424: {  	v14 =	vxor.u32 $0x80000000, v13  }
0x425: {  	(xrf0) =	vmax.scan.msk.u32 $0xffff, v14  }
0x426: {  	(xrf0) =	vadd.scan.msk.s32 $0xffff, v11  }
0x427: {  	(xrf0) =	vadd.scan.msk.s32 $0xffff, v10;
	_ =	sdelay $0x1  }
0x428: {  	v7, _, _ =	vpop (xrf0)  }
0x429: {  	s9 =	simm.s32 $0x100D0;
	(v2sf) =	vpush v7, $0xF  }
0x42a: {  	v14 =	vld [tilespmem:s9+$0xFFFFFFF0];
	v7, _, _ =	vpop (xrf0)  }
0x42b: {  	v16 =	vld [tilespmem:s9+$0x0];
	v15, _, _ =	vpop (xrf0)  }
0x42c: {  	(v2sf) =	vpush v7, $0xF;
	v7 =	vxor.u32 $0x80000000, v15;
	v19, _, _ =	vpop (xrf0)  }
0x42d: {  	v17 =	vxor.u32 $0x80000000, v19;
	(xrf0) =	vmax.scan.msk.u32 $0xffff, v7  }
0x42e: {  	(xrf0) =	vmax.scan.msk.u32 $0xffff, v17  }
0x42f: {  	(xrf0) =	vadd.scan.msk.s32 $0xffff, v14  }
0x430: {  	(xrf0) =	vadd.scan.msk.s32 $0xffff, v16  }
0x431: {  	s21 =	sand.u32 $0xFFFF, s26;
	s10 =	simm.s32 $0x0  }
0x432: {  	s6 =	sand.u32 $0xFFFF, s25;
	s2 =	simm.s32 $0x0;
	s1 =	ssub.s32 s21, s10  }
0x433: {  	s0 =	ssub.s32 s23, s6;
	v8 =	vadd.s32 s1, v8;
	v17 =	vmov s2;
	v18, _, _ =	vpop (xrf0)  }
0x434: {  	s16 =	simm.s32 $0x100F0;
	s0 =	sadd.s32 s21, s0;
	v8 =	vsub.s32 v8, v12;
	v17 =	vshll.u32 v17, $0x10;
	v20, _, _ =	vpop (xrf0)  }
0x435: {  	v7 =	vmov s0;
	v21 =	vor.u32 v6, v17;
	v17 =	vld [tilespmem:s16+$0xFFFFFFF0];
	(v2sf) =	vpush v18, $0xF;
	v12, _, _ =	vpop (xrf0)  }
0x436: {  	(v2sf) =	vpush v20, $0xF;
	v20 =	vadd.s32 v21, v8;
	v21 =	vld [tilespmem:s16+$0x0];
	v22 =	vxor.u32 $0x80000000, v12;
	v18, _, _ =	vpop (xrf0)  }
0x437: {  	vm0 =	vlt.s32 v8, v7;
	v8 =	vxor.u32 $0x80000000, v20;
	v20 =	vxor.u32 $0x80000000, v18;
	(xrf0) =	vmax.scan.msk.u32 $0xffff, v22  }
0x438: {  	v8 =	vsel vm0, $0x7FFFFFFF, v8;
	(xrf0) =	vmax.scan.msk.u32 $0xffff, v20;
	s17 =	spop (v2sf)  }
0x439: {  	(xrf0) =	vmax.scan.msk.u32 $0xffff, v8;
	s0 =	sadd.s32 $0x0, s17  }
0x43a: {  	s3 =	simm.s32 $0x30;
	s28 =	simm.s32 $0x40;
	(xrf0) =	vadd.scan.msk.s32 $0xffff, v17;
	s0 =	sadd.s32 $0x80000000, s0  }
0x43b: {  	v23 =	vmov s3;
	v27 =	vmov s28;
	s22 =	simm.s32 $0x10;
	s23 =	simm.s32 $0x20;
	s25 =	spop (v2sf);
	(xrf0) =	vadd.scan.msk.s32 $0xffff, v21;
	v24 =	vmov s0  }
0x43c: {  	v26 =	vshll.u32 v23, $0x10;
	v22 =	vmov s23;
	v20 =	vmov s22;
	s26 =	sadd.s32 s25, s0  }
0x43d: {  	v22 =	vshll.u32 v22, $0x10;
	v8 =	vmov s21;
	v20 =	vshll.u32 v20, $0x10;
	s29 =	sadd.s32 $0x80000000, s26;
	v25, _, _ =	vpop (xrf0)  }
0x43e: {  	v29 =	vadd.s32 v8, v9;
	v9 =	vor.u32 v6, v22;
	v23 =	vsub.s32 $0x0, v24;
	s1 =	ssub.s32 s21, s29;
	v24, _, _ =	vpop (xrf0)  }
0x43f: {  	s30 =	simm.s32 $0x10110;
	v20 =	vor.u32 v6, v20;
	(v2sf) =	vpush v25, $0xF;
	v11 =	vadd.s32 s1, v11;
	v25, _, _ =	vpop (xrf0)  }
0x440: {  	v13 =	vsub.s32 v29, v13;
	v28 =	vbroadcast v23, $0x0;
	v23 =	vld [tilespmem:s30+$0xFFFFFFF0];
	v11 =	vsub.s32 v11, v15;
	v22, _, _ =	vpop (xrf0)  }
0x441: {  	(v2sf) =	vpush v24, $0xF;
	v15 =	vadd.s32 v9, v11;
	v9 =	vld [tilespmem:s30+$0x0];
	v30 =	vxor.u32 $0x80000000, v22;
	v24, _, _ =	vpop (xrf0)  }
0x442: {  	s31 =	simm.s32 $0x50;
	vm0 =	vlt.s32 v11, v7;
	v11 =	vxor.u32 $0x80000000, v15;
	v15 =	vxor.u32 $0x80000000, v24;
	(xrf0) =	vmax.scan.msk.u32 $0xffff, v30  }
0x443: {  	v13 =	vadd.s32 v28, v13;
	v11 =	vsel vm0, $0x7FFFFFFF, v11;
	(xrf0) =	vmax.scan.msk.u32 $0xffff, v15;
	v15 =	vmov s31  }
0x444: {  	s4 =	simm.s32 $0x70;
	s2 =	simm.s32 $0x60;
	s3 =	spop (v2sf);
	vm0 =	vlt.s32 v13, v7;
	(xrf0) =	vmax.scan.msk.u32 $0xffff, v11;
	v51 =	vshll.u32 v15, $0x10;
	v15 =	vadd.s32 v20, v13  }
0x445: {  	s0 =	sadd.s32 s3, s29;
	v11 =	vmov s2;
	v20 =	vmov s4;
	(xrf0) =	vadd.scan.msk.s32 $0xffff, v23;
	v13 =	vxor.u32 $0x80000000, v15  }
0x446: {  	v10 =	vadd.s32 v8, v10;
	s5 =	spop (v2sf);
	s0 =	sadd.s32 $0x80000000, s0;
	v52 =	vshll.u32 v11, $0x10;
	(xrf0) =	vadd.scan.msk.s32 $0xffff, v9;
	v11 =	vsel vm0, $0x7FFFFFFF, v13  }
0x447: {  	v27 =	vshll.u32 v27, $0x10;
	v19 =	vsub.s32 v10, v19;
	s1 =	sadd.s32 s5, s0  }
0x448: {  	s6 =	simm.s32 $0x80;
	s7 =	simm.s32 $0x90;
	(v2sf) =	vpush v25, $0xF;
	v53 =	vshll.u32 v20, $0x10;
	v13 =	vmov s0;
	s8 =	sadd.s32 $0x80000000, s1;
	v20, _, _ =	vpop (xrf0)  }
0x449: {  	v25 =	vmov s7;
	v15 =	vmov s6;
	v31 =	vsub.s32 $0x0, v13;
	s1 =	ssub.s32 s21, s8;
	(xrf0) =	vmax.scan.msk.u32 $0xffff, v11;
	v11, _, _ =	vpop (xrf0)  }
0x44a: {  	s9 =	simm.s32 $0x10130;
	v13 =	vadd.s32 s1, v14;
	v14 =	vor.u32 v6, v27;
	(v2sf) =	vpush v20, $0xF;
	v20, _, _ =	vpop (xrf0)  }
0x44b: {  	v31 =	vbroadcast v31, $0x0;
	v12 =	vsub.s32 v13, v12;
	v13 =	vld [tilespmem:s9+$0xFFFFFFF0];
	(v2sf) =	vpush v11, $0xF;
	v27, _, _ =	vpop (xrf0)  }
0x44c: {  	v10 =	vld [tilespmem:s9+$0x0];
	v14 =	vadd.s32 v14, v12;
	vm0 =	vlt.s32 v12, v7;
	v32 =	vxor.u32 $0x80000000, v27;
	v11, _, _ =	vpop (xrf0)  }
0x44d: {  	v12 =	vshll.u32 v25, $0x10;
	v14 =	vxor.u32 $0x80000000, v14;
	(xrf0) =	vmax.scan.msk.u32 $0xffff, v32;
	v54 =	vxor.u32 $0x80000000, v11  }
0x44e: {  	v25 =	vor.u32 v6, v26;
	v19 =	vadd.s32 v31, v19;
	v14 =	vsel vm0, $0x7FFFFFFF, v14;
	(xrf0) =	vmax.scan.msk.u32 $0xffff, v54  }
0x44f: {  	v33 =	vshll.u32 v15, $0x10;
	s10 =	spop (v2sf);
	vm0 =	vlt.s32 v19, v7;
	v19 =	vadd.s32 v25, v19;
	v15, _, _ =	vpop (xrf0);
	(xrf0) =	vmax.scan.msk.u32 $0xffff, v14  }
0x450: {  	s0 =	sadd.s32 s10, s8;
	v19 =	vxor.u32 $0x80000000, v19;
	(xrf0) =	vadd.scan.msk.s32 $0xffff, v13  }
0x451: {  	s22 =	spop (v2sf);
	s0 =	sadd.s32 $0x80000000, s0;
	v19 =	vsel vm0, $0x7FFFFFFF, v19;
	(v2sf) =	vpush v15, $0xF;
	(xrf0) =	vadd.scan.msk.s32 $0xffff, v10  }
0x452: {  	s23 =	sadd.s32 s22, s0  }
0x453: {  	v16 =	vadd.s32 v8, v16;
	(v2sf) =	vpush v20, $0xF;
	v20 =	vmov s0;
	s25 =	sadd.s32 $0x80000000, s23;
	v26, _, _ =	vpop (xrf0)  }
0x454: {  	v16 =	vsub.s32 v16, v18;
	v20 =	vsub.s32 $0x0, v20;
	s1 =	ssub.s32 s21, s25;
	(xrf0) =	vmax.scan.msk.u32 $0xffff, v19;
	v19, _, _ =	vpop (xrf0)  }
0x455: {  	v20 =	vbroadcast v20, $0x0;
	v17 =	vadd.s32 s1, v17;
	(v2sf) =	vpush v26, $0xF;
	v26, _, _ =	vpop (xrf0)  }
0x456: {  	v55 =	vor.u32 v6, v52;
	v17 =	vsub.s32 v17, v22;
	(v2sf) =	vpush v19, $0xF;
	v19, _, _ =	vpop (xrf0)  }
0x457: {  	v16 =	vadd.s32 v20, v16;
	v20 =	vadd.s32 v55, v17;
	v22 =	vxor.u32 $0x80000000, v19;
	v18, _, _ =	vpop (xrf0)  }
0x458: {  	s26 =	simm.s32 $0x10150;
	vm1 =	vlt.s32 v17, v7;
	v17 =	vxor.u32 $0x80000000, v20;
	v20 =	vxor.u32 $0x80000000, v18;
	(xrf0) =	vmax.scan.msk.u32 $0xffff, v22  }
0x459: {  	v21 =	vadd.s32 v8, v21;
	s4 =	simm.s32 $0xC0;
	v22 =	vld [tilespmem:s26+$0xFFFFFFF0];
	(xrf0) =	vmax.scan.msk.u32 $0xffff, v20  }
0x45a: {  	s16 =	simm.s32 $0xA0;
	v21 =	vsub.s32 v21, v24;
	s2 =	simm.s32 $0xD0;
	v56 =	vmov s4;
	s28 =	spop (v2sf)  }
0x45b: {  	s17 =	simm.s32 $0xB0;
	v58 =	vmov s2;
	v14 =	vmov s16;
	v57 =	vsel vm1, $0x7FFFFFFF, v17;
	v17 =	vld [tilespmem:s26+$0x0];
	s5 =	spop (v2sf)  }
0x45c: {  	v61 =	vor.u32 v6, v53;
	v15 =	vshll.u32 v14, $0x10;
	v14 =	vmov s17;
	s0 =	sadd.s32 s5, s25;
	v59, _, _ =	vpop (xrf0)  }
0x45d: {  	v25 =	vor.u32 v6, v51;
	v14 =	vshll.u32 v14, $0x10;
	s0 =	sadd.s32 $0x80000000, s0;
	(xrf0) =	vmax.scan.msk.u32 $0xffff, v57;
	(v2sf) =	vpush v59, $0xF  }
0x45e: {  	vm0 =	vlt.s32 v16, v7;
	s29 =	spop (v2sf);
	v60 =	vmov s0;
	(v2sf) =	vpush v26, $0xF;
	(xrf0) =	vadd.scan.msk.s32 $0xffff, v22;
	v63, _, _ =	vpop (xrf0)  }
0x45f: {  	v25 =	vadd.s32 v25, v16;
	s0 =	sadd.s32 s29, s0;
	v28 =	vsub.s32 $0x0, v60;
	(v2sf) =	vpush v63, $0xF;
	v24, _, _ =	vpop (xrf0)  }
0x460: {  	v25 =	vxor.u32 $0x80000000, v25;
	s1 =	sadd.s32 $0x80000000, s0;
	s0 =	sxor.u32 $0x80000000, s28;
	v26 =	vbroadcast v28, $0x0;
	s31 =	spop (v2sf);
	(xrf0) =	vadd.scan.msk.s32 $0xffff, v17;
	(v2sf) =	vpush v24, $0xF  }
0x461: {  	v16 =	vshll.u32 v58, $0x10;
	v62 =	vsel vm0, $0x7FFFFFFF, v25;
	v25 =	vor.u32 v6, v33;
	s5 =	simm.s32 $0xFFFFFFFF;
	s30 =	ssub.s32 s21, s1;
	p0 =	slt.s32 s0, $0xFFFFFFFF  }
0x462: {  	s4 =	simm.s32 $0xC;
	v20 =	vshll.u32 v56, $0x10;
	v23 =	vadd.s32 s30, v23;
	s0 =	smov.u32 @p0 s5;
	v21 =	vadd.s32 v26, v21;
	s22 =	sxor.u32 $0x80000000, s31;
	(xrf0) =	vmax.scan.msk.u32 $0xffff, v62  }
0x463: {  	s5 =	simm.s32 $0x10170;
	v23 =	vsub.s32 v23, v27;
	s3 =	spop (v2sf);
	vm0 =	vlt.s32 v21, v7;
	v21 =	vadd.s32 v61, v21;
	v24, _, _ =	vpop (xrf0);
	p0 =	sgt.s32 s0, s22  }
.LBB2_57:
0x464: {  	v25 =	vadd.s32 v25, v23;
	v26 =	vmov v13;
	v27 =	vmov v19;
	v19, _, _ =	vpop (xrf0)  }
0x465: {  	s2 =	sadd.s32 $0x20, s2;
	s3 =	sxor.u32 $0x80000000, s3;
	s22 =	smov.u32 @p0 s0;
	v13 =	vmovc v22;
	v22 =	vld [tilespmem:s5+$0xFFFFFFF0];
	v28 =	vmovc v17;
	v29 =	vmov v11;
	v11 =	vmov v18;
	v30 =	vmov v15  }
0x466: {  	s4 =	sadd.s32 $0x2, s4;
	vm1 =	vlt.s32 v23, v7;
	s0 =	sadd.s32 $0xFFFFFFF0, s2;
	v17 =	vld [tilespmem:s5+$0x0];
	v32 =	vxor.u32 $0x80000000, v19;
	v18, _, _ =	vpop (xrf0);
	v23 =	vxor.u32 $0x80000000, v25;
	p0 =	sgt.s32 s22, s3  }
0x467: {  	v15 =	vmovc v20;
	p1 =	slt.u32 s4, $0xE;
	v25 =	vmov s0;
	v33 =	vxor.u32 $0x80000000, v18;
	(xrf0) =	vmax.scan.msk.u32 $0xffff, v32;
	v23 =	vsel vm1, $0x7FFFFFFF, v23;
	s0 =	spop (v2sf)  }
0x468: {  	v20 =	vshll.u32 v25, $0x10;
	v25 =	vmov s2;
	(xrf0) =	vmax.scan.msk.u32 $0xffff, v33;
	s0 =	sadd.s32 s0, s1;
	s1 =	spop (v2sf);
	v31, _, _ =	vpop (xrf0)  }
0x469: {  	v25 =	vshll.u32 v25, $0x10;
	s0 =	sadd.s32 $0x80000000, s0;
	(xrf0) =	vmax.scan.msk.u32 $0xffff, v23;
	(v2sf) =	vpush v31, $0xF  }
0x46a: {  	v31 =	vor.u32 v6, v12;
	v12 =	vmovc v14;
	v14 =	vmov v16;
	(xrf0) =	vadd.scan.msk.s32 $0xffff, v22;
	v23 =	vmov s0;
	s0 =	sadd.s32 s1, s0  }
.Ltmp33:
0x46b: {  	v21 =	vxor.u32 $0x80000000, v21;
	v16 =	vmovc v25;
	(xrf0) =	vadd.scan.msk.s32 $0xffff, v17;
	v23 =	vsub.s32 $0x0, v23;
	s1 =	sadd.s32 $0x80000000, s0;
	(v2sf) =	vpush v24, $0xF;
	(pc) =	sbr.rel @p1 .LBB2_57-.Ltmp33, $4  }
0x46c: {  	v32 =	vsel vm0, $0x7FFFFFFF, v21;
	s0 =	ssub.s32 s21, s1;
	v33 =	vbroadcast v23, $0x0;
	v23 =	vadd.s32 v8, v9;
	v9 =	vmovc v10;
	v10 =	vmovc v28  }
0x46d: {  	v25 =	vor.u32 v6, v30;
	v28, _, _ =	vpop (xrf0);
	v26 =	vadd.s32 s0, v26;
	v29 =	vsub.s32 v23, v29;
	(xrf0) =	vmax.scan.msk.u32 $0xffff, v32;
	s6 =	spop (v2sf);
	s0 =	smov.u32 s3  }
0x46e: {  	(v2sf) =	vpush v28, $0xF;
	v21, _, _ =	vpop (xrf0);
	v23 =	vsub.s32 v26, v27;
	v26 =	vadd.s32 v33, v29;
	s0 =	smov.u32 @p0 s22;
	s22 =	sxor.u32 $0x80000000, s6  }
0x46f: {  	s5 =	sadd.s32 $0x20, s5;
	(v2sf) =	vpush v21, $0xF;
	vm0 =	vlt.s32 v26, v7;
	v21 =	vadd.s32 v31, v26;
	v24, _, _ =	vpop (xrf0);
	s3 =	spop (v2sf);
	p0 =	sgt.s32 s0, s22  }
0x470: {  	v26, _, _ =	vpop (xrf0)  }
0x471: {  	v27 =	vxor.u32 $0x80000000, v26  }
0x472: {  	(xrf0) =	vmax.scan.msk.u32 $0xffff, v27;
	_ =	sdelay $0x2  }
0x473: {  	v43, _, _ =	vpop (xrf0)  }
0x474: {  	v28, _, _ =	vpop (xrf0)  }
0x475: {  	(v2sf) =	vpush v28, $0xF  }
0x476: {  	(v2sf) =	vpush v24, $0xF;
	v44, _, _ =	vpop (xrf0)  }
0x477: {  	(v2sf) =	vpush v44, $0xF;
	_ =	sdelay $0x4  }
0x478: {  	s2 =	spop (v2sf);
	v25 =	vadd.s32 v25, v23  }
0x479: {  	vm1 =	vlt.s32 v23, v7;
	v21 =	vxor.u32 $0x80000000, v21;
	v9 =	vadd.s32 v8, v9;
	s1 =	sadd.s32 s2, s1  }
0x47a: {  	v12 =	vor.u32 v6, v12;
	v50 =	vor.u32 v6, v15;
	v52 =	vor.u32 v6, v14;
	s28 =	spop (v2sf);
	s6 =	sadd.s32 $0x80000000, s1  }
0x47b: {  	v10 =	vadd.s32 v8, v10;
	v54 =	vor.u32 v6, v20;
	v46 =	vmov s6;
	s5 =	spop (v2sf)  }
0x47c: {  	v8 =	vadd.s32 v8, v17;
	v6 =	vor.u32 v6, v16;
	s1 =	sadd.s32 s28, s6;
	v24 =	vsub.s32 $0x0, v46;
	s4 =	spop (v2sf)  }
0x47d: {  	v48 =	vxor.u32 $0x80000000, v25;
	v21 =	vsel vm0, $0x7FFFFFFF, v21;
	s7 =	sadd.s32 $0x80000000, s1;
	v24 =	vbroadcast v24, $0x0;
	s29 =	spop (v2sf)  }
0x47e: {  	v9 =	vsub.s32 v9, v11;
	v10 =	vsub.s32 v10, v18;
	v45 =	vxor.u32 $0x80000000, v43;
	s1 =	sadd.s32 s29, s7  }
0x47f: {  	v23 =	vsel vm1, $0x7FFFFFFF, v48;
	v8 =	vsub.s32 v8, v43;
	v9 =	vadd.s32 v24, v9;
	s8 =	spop (v2sf);
	s7 =	ssub.s32 s21, s7;
	s9 =	sadd.s32 $0x80000000, s1  }
0x480: {  	(xrf0) =	vmax.scan.msk.u32 $0xffff, v45;
	vm11 =	vlt.s32 v9, v7;
	v9 =	vadd.s32 v12, v9;
	v13 =	vadd.s32 s7, v13;
	s8 =	sadd.s32 s8, s9;
	s30 =	spop (v2sf)  }
0x481: {  	(xrf0) =	vmax.scan.msk.u32 $0xffff, v23;
	v9 =	vxor.u32 $0x80000000, v9;
	v47 =	vmov s9;
	v13 =	vsub.s32 v13, v19;
	s10 =	sadd.s32 $0x80000000, s8;
	s31 =	spop (v2sf)  }
0x482: {  	(xrf0) =	vmax.scan.msk.u32 $0xffff, v21;
	v11 =	vadd.s32 v50, v13;
	vm12 =	vlt.s32 v13, v7;
	v53 =	vsub.s32 $0x0, v47;
	s17 =	ssub.s32 s21, s10;
	s16 =	spop (v2sf)  }
0x483: {  	v11 =	vxor.u32 $0x80000000, v11;
	v13 =	vbroadcast v53, $0x0;
	v22 =	vadd.s32 s17, v22;
	s7 =	sadd.s32 s16, s10  }
0x484: {  	v9 =	vsel vm11, $0x7FFFFFFF, v9;
	v11 =	vsel vm12, $0x7FFFFFFF, v11;
	v55 =	vsub.s32 v22, v26;
	s21 =	sadd.s32 $0x80000000, s7  }
0x485: {  	(xrf0) =	vmax.scan.msk.u32 $0xffff, v11;
	v10 =	vadd.s32 v13, v10;
	v56 =	vadd.s32 v54, v55;
	v49 =	vmov s21  }
0x486: {  	v51, _, _ =	vpop (xrf0);
	(xrf0) =	vmax.scan.msk.u32 $0xffff, v9;
	vm13 =	vlt.s32 v10, v7;
	vm14 =	vlt.s32 v55, v7;
	v59 =	vsub.s32 $0x0, v49  }
0x487: {  	v58, _, _ =	vpop (xrf0);
	v10 =	vadd.s32 v52, v10;
	v57 =	vxor.u32 $0x80000000, v56;
	v12 =	vbroadcast v59, $0x0  }
0x488: {  	(v2sf) =	vpush v51, $0xF;
	v60, _, _ =	vpop (xrf0);
	v10 =	vxor.u32 $0x80000000, v10;
	v9 =	vsel vm14, $0x7FFFFFFF, v57  }
0x489: {  	(v2sf) =	vpush v60, $0xF;
	v61 =	vsel vm13, $0x7FFFFFFF, v10;
	(xrf0) =	vmax.scan.msk.u32 $0xffff, v9;
	v8 =	vadd.s32 v12, v8  }
0x48a: {  	(xrf0) =	vmax.scan.msk.u32 $0xffff, v61;
	v6 =	vadd.s32 v6, v8  }
0x48b: {  	(v2sf) =	vpush v58, $0xF;
	v62, _, _ =	vpop (xrf0);
	vm15 =	vlt.s32 v8, v7;
	v6 =	vxor.u32 $0x80000000, v6  }
0x48c: {  	v63, _, _ =	vpop (xrf0);
	v6 =	vsel vm15, $0x7FFFFFFF, v6  }
0x48d: {  	(v2sf) =	vpush v63, $0xF  }
0x48e: {  	(xrf0) =	vmax.scan.msk.u32 $0xffff, v6  }
0x48f: {  	s22 =	smov.u32 @p0 s0;
	s0 =	sxor.u32 $0x80000000, s3;
	(v2sf) =	vpush v62, $0xF;
	v6, _, _ =	vpop (xrf0)  }
0x490: {  	p0 =	sgt.s32 s22, s0;
	v7, _, _ =	vpop (xrf0)  }
0x491: {  	s0 =	smov.u32 @p0 s22;
	s3 =	sxor.u32 $0x80000000, s5;
	(v2sf) =	vpush v7, $0xF  }
0x492: {  	p0 =	sgt.s32 s0, s3  }
0x493: {  	s4 =	sxor.u32 $0x80000000, s4;
	s3 =	smov.u32 @p0 s0;
	(v2sf) =	vpush v6, $0xF  }
0x494: {  	p0 =	sgt.s32 s3, s4;
	v6, _, _ =	vpop (xrf0)  }
0x495: {  	s4 =	smov.u32 @p0 s3;
	s0 =	sxor.u32 $0x80000000, s30;
	(v2sf) =	vpush v6, $0xF  }
0x496: {  	p0 =	sgt.s32 s4, s0  }
0x497: {  	s1 =	sxor.u32 $0x80000000, s31;
	s0 =	smov.u32 @p0 s4;
	s22 =	spop (v2sf)  }
0x498: {  	p0 =	sgt.s32 s0, s1;
	s2 =	spop (v2sf)  }
0x499: {  	s1 =	smov.u32 @p0 s0;
	s0 =	sxor.u32 $0x80000000, s2  }
0x49a: {  	s23 =	spop (v2sf);
	p0 =	sgt.s32 s1, s0  }
0x49b: {  	s2 =	sxor.u32 $0x80000000, s23;
	s0 =	smov.u32 @p0 s1  }
0x49c: {  	p0 =	sgt.s32 s0, s2;
	s25 =	spop (v2sf)  }
0x49d: {  	s2 =	smov.u32 @p0 s0;
	s0 =	sxor.u32 $0x80000000, s25  }
0x49e: {  	s26 =	spop (v2sf);
	p0 =	sgt.s32 s2, s0  }
0x49f: {  	s1 =	sxor.u32 $0x80000000, s26;
	s0 =	smov.u32 @p0 s2  }
0x4a0: {  	p0 =	sgt.s32 s0, s1;
	s28 =	spop (v2sf)  }
0x4a1: {  	s1 =	smov.u32 @p0 s0;
	s0 =	sxor.u32 $0x80000000, s28  }
0x4a2: {  	s29 =	spop (v2sf);
	p0 =	sgt.s32 s1, s0  }
0x4a3: {  	s2 =	sxor.u32 $0x80000000, s29;
	s0 =	smov.u32 @p0 s1  }
0x4a4: {  	s31 =	sshrl.u32 s20, $0x1E;
	s30 =	spop (v2sf);
	p0 =	sgt.s32 s0, s2  }
0x4a5: {  	s1 =	sadd.s32 s31, s20;
	s2 =	smov.u32 @p0 s0;
	s0 =	sxor.u32 $0x80000000, s30  }
0x4a6: {  	s22 =	sand.u32 $0xFFFFFFFC, s1;
	p0 =	sgt.s32 s2, s0  }
0x4a7: {  	s0 =	smov.u32 @p0 s2;
	p0 =	slt.s32 s22, $0x1  }
.Ltmp34:
0x4a8: {  	_ = 	snop;
	(pc) =	sbr.rel @p0 .LBB2_59-.Ltmp34, $4  }
0x4a9: {  	_ = 	snop  }
0x4aa: {  	s0 =	sshra.s32 s0, $0x10  }
0x4ab: {  	s21 =	sor.u32 s24, s0  }
0x4ac: {  	v6 =	vmov s21  }
0x4ad: {  	s0 =	simm.s32 $0x8020  }
0x4ae: {  	v7 =	vld [tilespmem:s0+$0x10]  }
0x4af: {  	v8 =	vld [tilespmem:s0+$0x0]  }
0x4b0: {  	s23 =	simm.s32 $0x0;
	s1 =	simm.s32 $0x20;
	v9 =	vld [tilespmem:s0+$0xFFFFFFE0]  }
0x4b1: {  	s30 =	simm.s32 $0x10;
	s31 =	simm.s32 $0x30;
	v10 =	vld [tilespmem:s0+$0xFFFFFFF0];
	v11 =	vor.u32 s23, v1;
	v12 =	vor.u32 s1, v1  }
0x4b2: {  	v62 =	vor.u32 s31, v1;
	vm0 =	vlt.s32 v11, v5;
	v11 =	vor.u32 s30, v1  }
0x4b3: {  	vm1 =	vlt.s32 v12, v5;
	vm2 =	vlt.s32 v11, v5;
	vm3 =	vlt.s32 v7, $0x0  }
0x4b4: {  	vm4 =	vlt.s32 v8, $0x0;
	v11 =	vxor.u32 $0xFFFFFFFF, v8;
	v55 =	vxor.u32 $0xFFFFFFFF, v7  }
0x4b5: {  	v13 =	vand.u32 $0x7FFFFFFF, v9;
	vm5 =	vlt.s32 v9, $0x0;
	v14 =	vxor.u32 $0xFFFFFFFF, v9  }
0x4b6: {  	vm7 =	vlt.s32 v10, $0x0;
	v56 =	vand.u32 $0x7FFFFFFF, v10;
	v57 =	vxor.u32 $0xFFFFFFFF, v10  }
0x4b7: {  	v58 =	vand.u32 $0x7FFFFFFF, v8;
	v60 =	vand.u32 $0x7FFFFFFF, v7;
	v13 =	vxor.u32 $0x80000000, v13  }
0x4b8: {  	v59 =	vxor.u32 $0x80000000, v58;
	v13 =	vsel vm5, v14, v13;
	v14 =	vxor.u32 $0x80000000, v56  }
0x4b9: {  	p2 =	sgt.s32 s22, $0x4;
	v11 =	vsel vm4, v11, v59;
	vm5 =	vgt.u32 v13, v6;
	v13 =	vsel vm7, v57, v14  }
.Ltmp35:
0x4ba: {  	vm13 =	vgt.u32 v11, v6;
	vm6 =	vmand vm0, vm5;
	vm12 =	vgt.u32 v13, v6;
	(pc) =	sbr.rel @!p2 .LBB2_67-.Ltmp35, $4  }
0x4bb: {  	v11 =	vxor.u32 $0x80000000, v60;
	v15 =	vsel vm6, $0x1, v0;
	vm7 =	vmand vm2, vm12  }
0x4bc: {  	vm9 =	vmand vm1, vm13;
	v11 =	vsel vm3, v55, v11;
	v61 =	vsel vm7, $0x1, v0;
	(xrf0) =	vadd.scan.msk.s32 $0xffff, v15  }
0x4bd: {  	vm14 =	vlt.s32 v62, v5;
	v63 =	vsel vm9, $0x1, v0;
	vm15 =	vgt.u32 v11, v6;
	(xrf0) =	vadd.scan.msk.s32 $0xffff, v61  }
0x4be: {  	p0 =	por $0x0, $0x0;
	p1 =	por $0x0, $0x0;
	vm8 =	vmand vm14, vm15;
	(xrf0) =	vadd.scan.msk.s32 $0xffff, v63  }
0x4bf: {  	_ =	sdelay $0x1  }
0x4c0: {  	s0 =	simm.s32 $0x8060  }
0x4c1: {  	v11 =	vsel vm8, $0x1, v0;
	v15 =	vld [tilespmem:s0+$0x0];
	v27, _, _ =	vpop (xrf0)  }
0x4c2: {  	v14 =	vld [tilespmem:s0+$0xFFFFFFE0];
	(xrf0) =	vadd.scan.msk.s32 $0xffff, v11;
	v11 =	vxor.u32 $0x80000000, v27;
	v26, _, _ =	vpop (xrf0)  }
0x4c3: {  	v13 =	vld [tilespmem:s0+$0xFFFFFFF0];
	(xrf0) =	vmax.scan.msk.u32 $0xffff, v11;
	v11 =	vxor.u32 $0x80000000, v26;
	v25, _, _ =	vpop (xrf0)  }
0x4c4: {  	(xrf0) =	vmax.scan.msk.u32 $0xffff, v11;
	v12 =	vxor.u32 $0x80000000, v25  }
0x4c5: {  	vm0 =	vmmov vm7;
	vm1 =	vmmov vm9;
	s29 =	simm.s32 $0x60;
	(xrf0) =	vmax.scan.msk.u32 $0xffff, v12  }
0x4c6: {  	vm2 =	vmmov vm6;
	vm3 =	vmmov vm8;
	v20 =	vor.u32 s29, v1  }
0x4c7: {  	v18 =	vmov s23;
	vm4 =	vlt.s32 v20, v5;
	vm8 =	vlt.s32 v15, $0x0  }
0x4c8: {  	s1 =	simm.s32 $0x40;
	v11 =	vld [tilespmem:s0+$0x10];
	v21 =	vand.u32 $0x7FFFFFFF, v14;
	vm9 =	vlt.s32 v14, $0x0;
	vm10 =	vlt.s32 v13, $0x0;
	v17, _, _ =	vpop (xrf0)  }
0x4c9: {  	s30 =	simm.s32 $0x50;
	v61 =	vand.u32 $0x7FFFFFFF, v13;
	v12 =	vor.u32 s1, v1;
	v21 =	vxor.u32 $0x80000000, v21;
	v19, _, _ =	vpop (xrf0)  }
0x4ca: {  	vm6 =	vlt.s32 v12, v5;
	v12 =	vor.u32 s30, v1;
	(v2sf) =	vpush v19, $0xF;
	v19, _, _ =	vpop (xrf0)  }
0x4cb: {  	vm7 =	vlt.s32 v12, v5;
	v12 =	vxor.u32 $0xFFFFFFFF, v15;
	(v2sf) =	vpush v19, $0xF;
	v19, _, _ =	vpop (xrf0)  }
0x4cc: {  	v16 =	vxor.u32 $0x80000000, v17;
	(v2sf) =	vpush v19, $0xF;
	v19 =	vxor.u32 $0xFFFFFFFF, v14  }
0x4cd: {  	vm5 =	vlt.s32 v11, $0x0;
	v60 =	vxor.u32 $0xFFFFFFFF, v11;
	v19 =	vsel vm9, v19, v21  }
0x4ce: {  	(xrf0) =	vmax.scan.msk.u32 $0xffff, v16;
	v16 =	vxor.u32 $0xFFFFFFFF, v13;
	vm9 =	vgt.u32 v19, v6;
	v19 =	vxor.u32 $0x80000000, v61  }
0x4cf: {  	vm6 =	vmand vm6, vm9;
	v16 =	vsel vm10, v16, v19;
	v19 =	vand.u32 $0x7FFFFFFF, v15  }
0x4d0: {  	p2 =	sgt.s32 s22, $0x8;
	v62 =	vsel vm6, $0x1, v0;
	vm9 =	vgt.u32 v16, v6;
	v16 =	vxor.u32 $0x80000000, v19  }
.Ltmp36:
0x4d1: {  	vm7 =	vmand vm7, vm9;
	v12 =	vsel vm8, v12, v16;
	v16 =	vand.u32 $0x7FFFFFFF, v11;
	(pc) =	sbr.rel @!p2 .LBB2_69-.Ltmp36, $4  }
0x4d2: {  	s31 =	simm.s32 $0x70;
	v19 =	vsel vm7, $0x1, v0;
	vm8 =	vgt.u32 v12, v6;
	v12 =	vxor.u32 $0x80000000, v16  }
0x4d3: {  	(xrf0) =	vadd.scan.msk.s32 $0xffff, v62;
	v16 =	vor.u32 s31, v1;
	vm9 =	vmand vm4, vm8;
	v12 =	vsel vm5, v60, v12  }
0x4d4: {  	v63, _, _ =	vpop (xrf0);
	(xrf0) =	vadd.scan.msk.s32 $0xffff, v19;
	vm4 =	vlt.s32 v16, v5;
	v19 =	vsel vm9, $0x1, v0;
	vm5 =	vgt.u32 v12, v6  }
0x4d5: {  	p0 =	por $0x1, $0x1;
	v30 =	vadd.s32 $0xFFFFFFFF, v18;
	(v2sf) =	vpush v63, $0xF;
	vm8 =	vmand vm4, vm5;
	(xrf0) =	vadd.scan.msk.s32 $0xffff, v19  }
0x4d6: {  	_ =	sdelay $0x1  }
0x4d7: {  	v12 =	vbroadcast v30, $0x0  }
0x4d8: {  	v18 =	vsel vm8, $0x1, v0;
	v16, _, _ =	vpop (xrf0)  }
0x4d9: {  	(xrf0) =	vadd.scan.msk.s32 $0xffff, v18;
	v18 =	vadd.s32 v27, v12;
	v12 =	vor.u32 $0x400, v1;
	v19 =	vxor.u32 $0x80000000, v16  }
0x4da: {  	s0 =	spop (v2sf);
	v23 =	vsel vm2, v18, v12  }
0x4db: {  	s24 =	simm.s32 $0x80A0;
	s0 =	sadd.s32 $0x0, s0  }
0x4dc: {  	vm10 =	vmmov vm0;
	vm0 =	vmmov vm7;
	vm4 =	vmmov vm3;
	v22 =	vld [tilespmem:s24+$0x0];
	s1 =	spop (v2sf);
	s0 =	sadd.s32 $0x80000000, s0;
	(xrf0) =	vmax.scan.msk.u32 $0xffff, v19;
	v19, _, _ =	vpop (xrf0)  }
0x4dd: {  	vm5 =	vmmov vm1;
	s29 =	simm.s32 $0xA0;
	v18 =	vmov s0;
	s0 =	sadd.s32 s1, s0;
	v20 =	vxor.u32 $0x80000000, v19  }
0x4de: {  	vm1 =	vmmov vm9;
	v21 =	vld [tilespmem:s24+$0x10];
	v30 =	vor.u32 s29, v1;
	v18 =	vadd.s32 $0xFFFFFFFF, v18;
	s0 =	sadd.s32 $0x80000000, s0  }
0x4df: {  	s25 =	spop (v2sf);
	v24 =	vbroadcast v18, $0x0;
	v18 =	vmov s0;
	[tilespmem:v23+s14+$0x0] =	vst.idx.msk $0xffff, v9;
	v9 =	vld [tilespmem:s24+$0xFFFFFFE0];
	(xrf0) =	vmax.scan.msk.u32 $0xffff, v20  }
0x4e0: {  	vm3 =	vmmov vm8;
	vm8 =	vlt.s32 v30, v5;
	vm2 =	vmmov vm6;
	s0 =	sadd.s32 s25, s0;
	v20, _, _ =	vpop (xrf0)  }
0x4e1: {  	vm9 =	vlt.s32 v22, $0x0;
	v28 =	vadd.s32 $0xFFFFFFFF, v18;
	s0 =	sadd.s32 $0x80000000, s0;
	v27 =	vxor.u32 $0x80000000, v20  }
0x4e2: {  	v24 =	vadd.s32 v26, v24;
	v26 =	vbroadcast v28, $0x0;
	v28 =	vmov s0;
	v18, _, _ =	vpop (xrf0);
	(xrf0) =	vmax.scan.msk.u32 $0xffff, v27  }
0x4e3: {  	v23 =	vxor.u32 $0x80000000, v18;
	v27 =	vsel vm10, v24, v12;
	v24 =	vadd.s32 $0xFFFFFFFF, v28  }
0x4e4: {  	v29, _, _ =	vpop (xrf0);
	vm10 =	vlt.s32 v21, $0x0;
	vm11 =	vlt.s32 v9, $0x0;
	v31 =	vxor.u32 $0xFFFFFFFF, v9;
	s26 =	spop (v2sf);
	(xrf0) =	vmax.scan.msk.u32 $0xffff, v23  }
0x4e5: {  	v23 =	vadd.s32 v25, v26;
	v25 =	vbroadcast v24, $0x0;
	v24 =	vld [tilespmem:s24+$0xFFFFFFF0];
	(v2sf) =	vpush v29, $0xF;
	s0 =	sadd.s32 s26, s0;
	s26 =	simm.s32 $0x80;
	v29, _, _ =	vpop (xrf0)  }
0x4e6: {  	s30 =	simm.s32 $0x90;
	s25 =	sadd.s32 $0x80000000, s0;
	v26 =	vor.u32 s26, v1;
	(v2sf) =	vpush v29, $0xF;
	v29 =	vand.u32 $0x7FFFFFFF, v9  }
0x4e7: {  	v28 =	vmov s25;
	vm6 =	vlt.s32 v26, v5;
	v26 =	vor.u32 s30, v1  }
0x4e8: {  	s31 =	simm.s32 $0xB0;
	v29 =	vxor.u32 $0x80000000, v29;
	vm7 =	vlt.s32 v26, v5;
	v26 =	vxor.u32 $0xFFFFFFFF, v22;
	v30, _, _ =	vpop (xrf0)  }
0x4e9: {  	v29 =	vsel vm11, v31, v29;
	[tilespmem:v27+s14+$0x0] =	vst.idx.msk $0xffff, v10;
	v27 =	vor.u32 s31, v1;
	(v2sf) =	vpush v30, $0xF  }
0x4ea: {  	vm12 =	vlt.s32 v24, $0x0;
	v31 =	vand.u32 $0x7FFFFFFF, v24;
	vm11 =	vgt.u32 v29, v6;
	v30, _, _ =	vpop (xrf0)  }
0x4eb: {  	v29 =	vxor.u32 $0xFFFFFFFF, v24;
	(v2sf) =	vpush v30, $0xF;
	v30 =	vxor.u32 $0x80000000, v31  }
0x4ec: {  	vm6 =	vmand vm6, vm11;
	v29 =	vsel vm12, v29, v30;
	v30 =	vand.u32 $0x7FFFFFFF, v22  }
0x4ed: {  	p2 =	sgt.s32 s22, $0xC;
	v31 =	vxor.u32 $0xFFFFFFFF, v21;
	vm11 =	vgt.u32 v29, v6;
	v30 =	vxor.u32 $0x80000000, v30  }
.Ltmp37:
0x4ee: {  	v29 =	vsel vm6, $0x1, v0;
	v26 =	vsel vm9, v26, v30;
	v30 =	vand.u32 $0x7FFFFFFF, v21;
	(pc) =	sbr.rel @!p2 .LBB2_71-.Ltmp37, $4  }
0x4ef: {  	vm7 =	vmand vm7, vm11;
	(xrf0) =	vadd.scan.msk.s32 $0xffff, v29;
	vm9 =	vgt.u32 v26, v6;
	v26 =	vxor.u32 $0x80000000, v30  }
0x4f0: {  	v10 =	vsel vm7, $0x1, v0;
	vm9 =	vmand vm8, vm9;
	v26 =	vsel vm10, v31, v26  }
0x4f1: {  	(xrf0) =	vadd.scan.msk.s32 $0xffff, v10;
	vm8 =	vlt.s32 v27, v5;
	v10 =	vsel vm9, $0x1, v0;
	vm10 =	vgt.u32 v26, v6  }
0x4f2: {  	s28 =	simm.s32 $0xC;
	p1 =	por $0x1, $0x1;
	v32 =	vadd.s32 v17, v25;
	v30 =	vadd.s32 $0xFFFFFFFF, v28;
	vm8 =	vmand vm8, vm10;
	(xrf0) =	vadd.scan.msk.s32 $0xffff, v10  }
.LBB2_72:
0x4f3: {  	v10 =	vsel vm8, $0x1, v0;
	v17 =	vbroadcast v30, $0x0;
	v25 =	vsel vm4, v32, v12  }
0x4f4: {  	s28 =	sadd.s32 $0x4, s28;
	s0 =	spop (v2sf);
	vm10 =	vmmov vm0;
	vm0 =	vmmov vm7;
	vm4 =	vmmov vm3  }
0x4f5: {  	p2 =	slt.s32 s28, s22;
	v26, _, _ =	vpop (xrf0);
	(xrf0) =	vadd.scan.msk.s32 $0xffff, v10;
	s0 =	sadd.s32 s0, s25;
	v10 =	vsel vm5, v23, v12;
	vm5 =	vmmov vm1;
	vm1 =	vmmov vm9  }
0x4f6: {  	v27 =	vxor.u32 $0x80000000, v26;
	v17 =	vadd.s32 v16, v17;
	s0 =	sadd.s32 $0x80000000, s0;
	s1 =	spop (v2sf);
	v16 =	vmov v26  }
0x4f7: {  	(xrf0) =	vmax.scan.msk.u32 $0xffff, v27;
	v23, _, _ =	vpop (xrf0);
	v17 =	vsel vm2, v17, v12;
	v26 =	vmov s0;
	s0 =	sadd.s32 s1, s0;
	vm2 =	vmmov vm6  }
0x4f8: {  	vm3 =	vmmov vm8;
	v28 =	vxor.u32 $0x80000000, v23;
	v26 =	vadd.s32 $0xFFFFFFFF, v26;
	s0 =	sadd.s32 $0x80000000, s0;
	s1 =	spop (v2sf)  }
0x4f9: {  	s24 =	sadd.s32 $0x40, s24;
	(xrf0) =	vmax.scan.msk.u32 $0xffff, v28;
	v27, _, _ =	vpop (xrf0);
	v26 =	vbroadcast v26, $0x0;
	v28 =	vmov s0;
	s0 =	sadd.s32 s1, s0;
	[tilespmem:v25+s14+$0x0] =	vst.idx.msk $0xffff, v7  }
0x4fa: {  	v7 =	vmovc v11;
	v11 =	vmovc v21;
	v29 =	vxor.u32 $0x80000000, v27;
	v28 =	vadd.s32 $0xFFFFFFFF, v28;
	s0 =	sadd.s32 $0x80000000, s0;
	s1 =	spop (v2sf);
	[tilespmem:v10+s14+$0x0] =	vst.idx.msk $0xffff, v8;
	v21 =	vld [tilespmem:s24+$0x10];
	v8 =	vmov v15  }
0x4fb: {  	v10 =	vld [tilespmem:s24+$0x0];
	(xrf0) =	vmax.scan.msk.u32 $0xffff, v29;
	v25, _, _ =	vpop (xrf0);
	v32 =	vadd.s32 v19, v26;
	v26 =	vbroadcast v28, $0x0;
	v30 =	vmov s0;
	s0 =	sadd.s32 s1, s0  }
0x4fc: {  	s26 =	sadd.s32 $0x40, s26;
	v19 =	vmovc v23;
	v28 =	vld [tilespmem:s24+$0xFFFFFFF0];
	v29 =	vxor.u32 $0x80000000, v25;
	[tilespmem:v17+s14+$0x0] =	vst.idx.msk $0xffff, v14;
	v17 =	vsel vm10, v32, v12;
	v14 =	vadd.s32 $0xFFFFFFFF, v30;
	s25 =	sadd.s32 $0x80000000, s0  }
0x4fd: {  	s0 =	sadd.s32 $0x20, s26;
	v30 =	vld [tilespmem:s24+$0xFFFFFFE0];
	v31 =	vmov s25;
	v15, _, _ =	vpop (xrf0);
	(xrf0) =	vmax.scan.msk.u32 $0xffff, v29;
	v23 =	vadd.s32 v20, v26;
	v26 =	vbroadcast v14, $0x0  }
0x4fe: {  	s1 =	sadd.s32 $0x10, s26;
	v32 =	vor.u32 s26, v1;
	v29 =	vor.u32 s0, v1;
	v20 =	vmovc v27;
	(v2sf) =	vpush v15, $0xF;
	v15 =	vmovc v22  }
0x4ff: {  	vm6 =	vlt.s32 v32, v5;
	v27 =	vor.u32 s1, v1;
	vm8 =	vlt.s32 v29, v5;
	v22, _, _ =	vpop (xrf0)  }
0x500: {  	vm7 =	vlt.s32 v27, v5;
	vm10 =	vlt.s32 v21, $0x0;
	v14 =	vmovc v9;
	(v2sf) =	vpush v22, $0xF;
	v22 =	vmovc v10  }
0x501: {  	v27 =	vxor.u32 $0xFFFFFFFF, v21;
	vm9 =	vlt.s32 v22, $0x0;
	v10 =	vxor.u32 $0xFFFFFFFF, v22;
	v9, _, _ =	vpop (xrf0);
	[tilespmem:v17+s14+$0x0] =	vst.idx.msk $0xffff, v13  }
0x502: {  	vm11 =	vlt.s32 v28, $0x0;
	v13 =	vmovc v24;
	v24 =	vmovc v28;
	v17 =	vand.u32 $0x7FFFFFFF, v30;
	(v2sf) =	vpush v9, $0xF  }
0x503: {  	vm12 =	vlt.s32 v30, $0x0;
	v32 =	vxor.u32 $0xFFFFFFFF, v30;
	v17 =	vxor.u32 $0x80000000, v17;
	v28, _, _ =	vpop (xrf0)  }
0x504: {  	v29 =	vand.u32 $0x7FFFFFFF, v24;
	v9 =	vmovc v30;
	v17 =	vsel vm12, v32, v17;
	(v2sf) =	vpush v28, $0xF  }
0x505: {  	v28 =	vxor.u32 $0x80000000, v29;
	vm12 =	vgt.u32 v17, v6;
	v17 =	vxor.u32 $0xFFFFFFFF, v24  }
0x506: {  	vm6 =	vmand vm6, vm12;
	v17 =	vsel vm11, v17, v28;
	v28 =	vand.u32 $0x7FFFFFFF, v22  }
0x507: {  	v29 =	vsel vm6, $0x1, v0;
	vm11 =	vgt.u32 v17, v6;
	v17 =	vxor.u32 $0x80000000, v28  }
.Ltmp38:
0x508: {  	vm7 =	vmand vm7, vm11;
	v10 =	vsel vm9, v10, v17;
	v17 =	vand.u32 $0x7FFFFFFF, v21;
	(xrf0) =	vadd.scan.msk.s32 $0xffff, v29;
	(pc) =	sbr.rel @p2 .LBB2_72-.Ltmp38, $4  }
0x509: {  	s0 =	sadd.s32 $0x30, s26;
	v28 =	vsel vm7, $0x1, v0;
	vm9 =	vgt.u32 v10, v6;
	v10 =	vxor.u32 $0x80000000, v17  }
0x50a: {  	v17 =	vor.u32 s0, v1;
	vm9 =	vmand vm8, vm9;
	v10 =	vsel vm10, v27, v10;
	(xrf0) =	vadd.scan.msk.s32 $0xffff, v28  }
0x50b: {  	vm8 =	vlt.s32 v17, v5;
	v27 =	vsel vm9, $0x1, v0;
	vm10 =	vgt.u32 v10, v6  }
0x50c: {  	v30 =	vadd.s32 $0xFFFFFFFF, v31;
	v32 =	vadd.s32 v18, v26;
	v18 =	vmovc v25;
	vm8 =	vmand vm8, vm10;
	(xrf0) =	vadd.scan.msk.s32 $0xffff, v27  }
0x50d: {  	v28 =	vmov v7;
	v29 =	vmov v8;
	v27 =	vmov v16  }
0x50e: {  	v31 =	vmovc v11;
	v7 =	vmovc v21;
	v16 =	vmov v15;
	v26 =	vmov v19;
	v19 =	vmov v14  }
0x50f: {  	v25 =	vmovc v20;
	v8 =	vmovc v22;
	v20 =	vmov v13;
	v10 =	vmov v24;
	v17 =	vmov v18  }
.LBB2_74:
0x510: {  	v11 =	vsel vm8, $0x1, v0;
	v13, _, _ =	vpop (xrf0)  }
0x511: {  	(xrf0) =	vadd.scan.msk.s32 $0xffff, v11;
	v50 =	vxor.u32 $0x80000000, v13  }
0x512: {  	v51, _, _ =	vpop (xrf0);
	(xrf0) =	vmax.scan.msk.u32 $0xffff, v50  }
0x513: {  	v14 =	vxor.u32 $0x80000000, v51  }
0x514: {  	v52, _, _ =	vpop (xrf0);
	(xrf0) =	vmax.scan.msk.u32 $0xffff, v14  }
0x515: {  	v15 =	vxor.u32 $0x80000000, v52  }
0x516: {  	(xrf0) =	vmax.scan.msk.u32 $0xffff, v15  }
0x517: {  	v53, _, _ =	vpop (xrf0)  }
0x518: {  	v18, _, _ =	vpop (xrf0)  }
0x519: {  	(v2sf) =	vpush v18, $0xF  }
0x51a: {  	v54, _, _ =	vpop (xrf0)  }
0x51b: {  	(v2sf) =	vpush v54, $0xF  }
0x51c: {  	v55, _, _ =	vpop (xrf0)  }
0x51d: {  	s0 =	spop @p0 (v2sf);
	(v2sf) =	vpush v55, $0xF  }
0x51e: {  	s0 =	sadd.s32 @p0 s0, s25  }
0x51f: {  	s1 =	spop @p0 (v2sf);
	s0 =	sadd.s32 @p0 $0x80000000, s0  }
0x520: {  	v22 =	vbroadcast @p0 v30, $0x0;
	v24 =	vsel @p1 vm4, v32, v12;
	s1 =	sadd.s32 @p0 s1, s0;
	v56 =	vxor.u32 $0x80000000, v53  }
0x521: {  	v12 =	vsel @p1 vm5, v23, v12;
	v23 =	vor.u32 @p0 $0x400, v1;
	vm4 =	vmmov @p0 vm0;
	s1 =	sadd.s32 @p0 $0x80000000, s1;
	(xrf0) =	vmax.scan.msk.u32 $0xffff, v56  }
0x522: {  	vm11 =	vmmov vm7;
	vm3 =	vmmov @p0 vm3;
	v21 =	vmov @p0 s1  }
0x523: {  	vm7 =	vmmov @p0 vm1;
	v21 =	vadd.s32 @p0 $0xFFFFFFFF, v21;
	v18 =	vmov @p0 s0;
	s0 =	spop @p0 (v2sf)  }
0x524: {  	vm12 =	vmmov vm9;
	vm13 =	vmmov vm6;
	v21 =	vbroadcast @p0 v21, $0x0;
	s0 =	sadd.s32 @p0 s0, s1  }
0x525: {  	vm14 =	vmmov vm8;
	v62 =	vor.u32 $0x400, v1;
	v16 =	vpsel p0, v16, v0;
	s1 =	spop @p0 (v2sf);
	s0 =	sadd.s32 @p0 $0x80000000, s0  }
0x526: {  	v21 =	vadd.s32 @p0 v25, v21;
	v18 =	vadd.s32 @p0 $0xFFFFFFFF, v18;
	v25 =	vmov @p0 s0;
	s0 =	sadd.s32 @p0 s1, s0  }
0x527: {  	vm3 =	vmmov @p0 vm3;
	vm15 =	vmmov vm11;
	v18 =	vbroadcast @p0 v18, $0x0;
	s0 =	sadd.s32 @p0 $0x80000000, s0;
	v57, _, _ =	vpop (xrf0)  }
0x528: {  	vm1 =	vmmov vm14;
	v22 =	vadd.s32 @p0 v27, v22;
	s23 =	smov.u32 @p0 s0;
	(v2sf) =	vpush v57, $0xF;
	s28 =	spop (v2sf)  }
0x529: {  	v22 =	vsel @p0 vm2, v22, v23;
	v18 =	vadd.s32 @p0 v26, v18;
	v25 =	vadd.s32 @p0 $0xFFFFFFFF, v25;
	s0 =	sadd.s32 s28, s23  }
0x52a: {  	v21 =	vpsel p0, v21, v0;
	v25 =	vbroadcast @p0 v25, $0x0;
	v18 =	vsel @p0 vm4, v18, v23;
	s29 =	spop (v2sf);
	s0 =	sadd.s32 $0x80000000, s0  }
0x52b: {  	v23 =	vpsel p0, v23, v0;
	vm4 =	vmmov @p0 vm7;
	v58 =	vmov s23;
	s1 =	sadd.s32 s29, s0  }
0x52c: {  	v21 =	vsel @p0 vm4, v21, v23;
	v17 =	vadd.s32 @p0 v17, v25;
	v25 =	vadd.s32 $0xFFFFFFFF, v58;
	s2 =	spop (v2sf);
	s1 =	sadd.s32 $0x80000000, s1  }
0x52d: {  	v17 =	vpsel p0, v17, v0;
	v25 =	vbroadcast v25, $0x0;
	v59 =	vmov s0;
	s2 =	sadd.s32 s2, s1  }
0x52e: {  	v17 =	vsel @p0 vm3, v17, v23;
	v23 =	vadd.s32 $0xFFFFFFFF, v59;
	v61 =	vmov s1;
	s30 =	sadd.s32 $0x80000000, s2  }
0x52f: {  	[tilespmem:v24+s14+$0x0] =	vst.idx.msk @p1 $0xffff, v28;
	v23 =	vbroadcast v23, $0x0;
	v24 =	vadd.s32 $0xFFFFFFFF, v61;
	v60 =	vmov s30  }
0x530: {  	v13 =	vadd.s32 v13, v25;
	v63 =	vbroadcast v24, $0x0;
	v25 =	vadd.s32 $0xFFFFFFFF, v60  }
0x531: {  	[tilespmem:v12+s14+$0x0] =	vst.idx.msk @p1 $0xffff, v29;
	v13 =	vsel vm13, v13, v62;
	v11 =	vadd.s32 v51, v23;
	v25 =	vbroadcast v25, $0x0  }
0x532: {  	vm0 =	vmmov vm12;
	[tilespmem:v22+s14+$0x0] =	vst.idx.msk @p0 $0xffff, v19;
	v11 =	vsel vm15, v11, v62;
	v14 =	vadd.s32 v52, v63  }
0x533: {  	v26 =	vmov @p0 v31;
	[tilespmem:v18+s14+$0x0] =	vst.idx.msk @p0 $0xffff, v20;
	v12 =	vsel vm0, v14, v62;
	v15 =	vadd.s32 v53, v25  }
0x534: {  	v26 =	vpsel p0, v26, v0;
	[tilespmem:v21+s14+$0x0] =	vst.idx.msk @p0 $0xffff, v16;
	v15 =	vsel vm1, v15, v62  }
.Ltmp39:
0x535: {  	[tilespmem:v17+s14+$0x0] =	vst.idx.msk @p0 $0xffff, v26;
	(pc) =	sbr.rel .LBB2_60-.Ltmp39, $4  }
0x536: {  	[tilespmem:v13+s14+$0x0] =	vst.idx.msk $0xffff, v9  }
0x537: {  	s31 =	spop (v2sf);
	[tilespmem:v11+s14+$0x0] =	vst.idx.msk $0xffff, v10  }
0x538: {  	s0 =	sadd.s32 s31, s30;
	[tilespmem:v12+s14+$0x0] =	vst.idx.msk $0xffff, v8  }
0x539: {  	s0 =	sadd.s32 $0x80000000, s0;
	[tilespmem:v15+s14+$0x0] =	vst.idx.msk $0xffff, v7  }
.LBB2_59:
0x53a: {  	s0 =	simm.s32 $0x0  }
.LBB2_60:
0x53b: {  	s1 =	ssub.s32 s20, s22  }
0x53c: {  	p0 =	slt.s32 s1, $0x1  }
.Ltmp40:
0x53d: {  	_ = 	snop;
	(pc) =	sbr.rel @p0 .LBB2_63-.Ltmp40, $1  }
0x53e: {  	_ =	sdelay $0x3  }
0x53f: {  	s2 =	sshll.u32 s20, $0x6;
	s3 =	sshll.u32 s1, $0x6  }
0x540: {  	s2 =	ssub.s32 s2, s3  }
0x541: {  	s31 =	sshll.u32 s20, $0x4;
	s4 =	sshll.u32 s1, $0x4;
	s2 =	sshra.s32 s2, $0x2  }
0x542: {  	s1 =	sadd.s32 $0x8000, s2;
	s2 =	ssub.s32 s31, s4  }
.LBB2_62:
0x543: {  	v7 =	vld [tilespmem:s1+$0x0];
	_ =	sdelay $0x4  }
0x544: {  	v8 =	vand.u32 $0x7FFFFFFF, v7  }
0x545: {  	vm0 =	vlt.s32 v7, $0x0;
	v9 =	vxor.u32 $0xFFFFFFFF, v7;
	v8 =	vxor.u32 $0x80000000, v8  }
0x546: {  	v60 =	vor.u32 s2, v1;
	v8 =	vsel vm0, v9, v8  }
0x547: {  	vm15 =	vlt.s32 v60, v5;
	vm1 =	vgt.u32 v8, v6  }
0x548: {  	vm0 =	vmand vm15, vm1  }
0x549: {  	v8 =	vsel vm0, $0x1, v0  }
0x54a: {  	(xrf0) =	vadd.scan.msk.s32 $0xffff, v8;
	_ =	sdelay $0x5  }
0x54b: {  	v8, _, _ =	vpop (xrf0)  }
0x54c: {  	v61 =	vxor.u32 $0x80000000, v8  }
0x54d: {  	(xrf0) =	vmax.scan.msk.u32 $0xffff, v61;
	_ =	sdelay $0x5  }
0x54e: {  	v9, _, _ =	vpop (xrf0)  }
0x54f: {  	(v2sf) =	vpush v9, $0xF;
	_ =	sdelay $0x6  }
0x550: {  	v62 =	vmov s0  }
0x551: {  	v9 =	vadd.s32 $0xFFFFFFFF, v62  }
0x552: {  	v9 =	vbroadcast v9, $0x0;
	_ =	sdelay $0x1  }
0x553: {  	v63 =	vor.u32 $0x400, v1;
	s22 =	sadd.s32 $0x1, s22;
	v8 =	vadd.s32 v8, v9  }
0x554: {  	p0 =	slt.s32 s22, s20;
	v8 =	vsel vm0, v8, v63  }
.Ltmp41:
0x555: {  	_ = 	snop;
	(pc) =	sbr.rel @p0 .LBB2_62-.Ltmp41, $4  }
0x556: {  	_ = 	snop  }
0x557: {  	s3 =	spop (v2sf)  }
0x558: {  	s31 =	sadd.s32 s3, s0  }
0x559: {  	s1 =	sadd.s32 $0x10, s1;
	s2 =	sadd.s32 $0x10, s2;
	[tilespmem:v8+s14+$0x0] =	vst.idx.msk $0xffff, v7;
	s0 =	sadd.s32 $0x80000000, s31  }
.LBB2_63:
0x55a: {  	s4 =	sshra.s32 s0, $0x4  }
0x55b: {  	s1 =	ssub.s32 $0x40, s4  }
0x55c: {  	s3 =	sshrl.u32 s1, $0x1F  }
0x55d: {  	s1 =	sadd.s32 s3, s1  }
0x55e: {  	p0 =	sgt.s32 s21, $0xFFFFFFFF;
	s2 =	simm.s32 $0xFFFFFFFF;
	s1 =	sand.u32 $0xFFFFFFFE, s1  }
0x55f: {  	s2 =	simm.s32 @!p0 $0x80000000;
	p0 =	slt.s32 s1, $0x1  }
.Ltmp42:
0x560: {  	_ = 	snop;
	(pc) =	sbr.rel @p0 .LBB2_79-.Ltmp42, $4  }
0x561: {  	_ = 	snop  }
0x562: {  	s2 =	sxor.u32 s21, s2  }
0x563: {  	v5 =	vmov s2  }
0x564: {  	v5 =	vbroadcast v5, $0x0;
	s1 =	sadd.s32 s4, s1  }
0x565: {  	s2 =	sshll.u32 s4, $0x6;
	s3 =	sshll.u32 s4, $0x4;
	s4 =	sadd.s32 $0x2, s4  }
0x566: {  	p1 =	slt.s32 s4, s1  }
.Ltmp43:
0x567: {  	_ = 	snop;
	(pc) =	sbr.rel @!p1 .LBB2_65-.Ltmp43, $4  }
0x568: {  	_ = 	snop  }
0x569: {  	s2 =	sshra.s32 s2, $0x2  }
0x56a: {  	s2 =	sadd.s32 $0x10890, s2  }
0x56b: {  	v6 =	vmov s0;
	p0 =	por $0x0, $0x0;
	s3 =	sadd.s32 $0x10, s3;
	v7 =	vld [tilespmem:s2+$0x0]  }
0x56c: {  	s5 =	sadd.s32 $0x2, s4  }
0x56d: {  	v8 =	vld [tilespmem:s2+$0xFFFFFFF0];
	p1 =	slt.s32 s5, s1  }
.Ltmp44:
0x56e: {  	_ = 	snop;
	(pc) =	sbr.rel @!p1 .LBB2_76-.Ltmp44, $4  }
0x56f: {  	s6 =	sadd.s32 $0xFFFFFFF0, s3;
	v9 =	vor.u32 s3, v1  }
0x570: {  	v10 =	vor.u32 s6, v1;
	vm0 =	vlt.s32 v9, v6  }
0x571: {  	s4 =	sadd.s32 $0x20, s2;
	vm1 =	vlt.s32 v10, v6;
	v9 =	vsel vm0, v7, v5  }
0x572: {  	p0 =	por $0x1, $0x1;
	s8 =	smov.u32 s3;
	v7 =	vld [tilespmem:s4+$0x0];
	v8 =	vsel vm1, v8, v5;
	[tilespmem:s2+$0x0] =	vst v9  }
.LBB2_77:
0x573: {  	s5 =	sadd.s32 $0x2, s5  }
0x574: {  	v9 =	vld [tilespmem:s4+$0xFFFFFFF0];
	[tilespmem:s2+$0xFFFFFFF0] =	vst v8;
	s8 =	sadd.s32 $0x20, s8;
	s2 =	smov.u32 s4;
	p1 =	slt.s32 s5, s1  }
.Ltmp45:
0x575: {  	(pc) =	sbr.rel @p1 .LBB2_77-.Ltmp45, $4  }
0x576: {  	s6 =	sadd.s32 $0xFFFFFFF0, s8;
	v8 =	vor.u32 s8, v1  }
0x577: {  	v10 =	vor.u32 s6, v1;
	vm0 =	vlt.s32 v8, v6  }
0x578: {  	s4 =	sadd.s32 $0x20, s4;
	vm1 =	vlt.s32 v10, v6;
	v10 =	vsel vm0, v7, v5  }
0x579: {  	v7 =	vld [tilespmem:s4+$0x0];
	v8 =	vsel vm1, v9, v5;
	[tilespmem:s2+$0x0] =	vst v10  }
.LBB2_78:
0x57a: {  	v9 =	vld [tilespmem:s4+$0xFFFFFFF0];
	s5 =	sadd.s32 @p0 $0x20, s8  }
0x57b: {  	s3 =	smov.u32 @p0 s5  }
0x57c: {  	s5 =	sadd.s32 $0xFFFFFFF0, s3;
	v10 =	vor.u32 s3, v1  }
0x57d: {  	v11 =	vor.u32 s5, v1;
	vm0 =	vlt.s32 v10, v6  }
0x57e: {  	[tilespmem:s2+$0xFFFFFFF0] =	vst @p0 v8;
	vm1 =	vlt.s32 v11, v6;
	v6 =	vsel vm0, v7, v5  }
0x57f: {  	v7 =	vsel vm1, v9, v5;
	[tilespmem:s4+$0x0] =	vst v6  }
0x580: {  	[tilespmem:s4+$0xFFFFFFF0] =	vst v7  }
.LBB2_79:
0x581: {  	p0 =	slt.s32 s1, $0x40  }
0x582: {  	s1 =	sshll.u32 @p0 s1, $0x4  }
0x583: {  	v6 =	vld @p0 [tilespmem:s1+$0x10880];
	_ =	sdelay $0x1  }
0x584: {  	v7 =	vlaneseq.u32 @p0  }
0x585: {  	v7 =	vor.u32 @p0 s1, v7  }
0x586: {  	vm0 =	vlt.s32 @p0 v7, s0  }
0x587: {  	v5 =	vsel @p0 vm0, v6, v5  }
0x588: {  	[tilespmem:s1+$0x10880] =	vst @p0 v5;
	s1 =	simm.s32 $0x108A0  }
0x589: {  	v5 =	vld [tilespmem:s1+$0xFFFFFFE0]  }
0x58a: {  	v6 =	vld [tilespmem:s1+$0x10]  }
0x58b: {  	v7 =	vld [tilespmem:s1+$0x0];
	_ =	sdelay $0x2  }
0x58c: {  	(xrf1) =	vsort.ascd.msk.f32 $0xffff, v5, v5  }
0x58d: {  	(xrf1) =	vsort.ascd.msk.f32 $0xffff, v6, v6  }
0x58e: {  	v8 =	vld [tilespmem:s1+$0xFFFFFFF0];
	(xrf1) =	vsort.ascd.msk.f32 $0xffff, v7, v7  }
0x58f: {  	s2 =	simm.s32 $0x108E0  }
0x590: {  	v5 =	vld [tilespmem:s2+$0xFFFFFFE0]  }
0x591: {  	v6 =	vld [tilespmem:s2+$0x10]  }
0x592: {  	v7 =	vld [tilespmem:s2+$0x0]  }
0x593: {  	s0 =	simm.s32 $0x10920;
	(xrf1) =	vsort.ascd.msk.f32 $0xffff, v8, v8;
	v8 =	vld [tilespmem:s2+$0xFFFFFFF0]  }
0x594: {  	v9 =	vld [tilespmem:s0+$0xFFFFFFE0]  }
0x595: {  	v10 =	vld [tilespmem:s0+$0x10];
	(xrf1) =	vsort.ascd.msk.f32 $0xffff, v5, v5  }
0x596: {  	v11 =	vld [tilespmem:s0+$0x0];
	(xrf1) =	vsort.ascd.msk.f32 $0xffff, v6, v6  }
0x597: {  	v12 =	vld [tilespmem:s0+$0xFFFFFFF0];
	(xrf1) =	vsort.ascd.msk.f32 $0xffff, v7, v7  }
0x598: {  	(xrf1) =	vsort.ascd.msk.f32 $0xffff, v8, v8  }
0x599: {  	(xrf1) =	vsort.ascd.msk.f32 $0xffff, v9, v9  }
0x59a: {  	v7, _, _ =	vpop (xrf1);
	(xrf1) =	vsort.ascd.msk.f32 $0xffff, v10, v10  }
0x59b: {  	v8, _, _ =	vpop (xrf1);
	(xrf1) =	vsort.ascd.msk.f32 $0xffff, v11, v11  }
0x59c: {  	v9, _, _ =	vpop (xrf1);
	(xrf1) =	vsort.ascd.msk.f32 $0xffff, v12, v12;
	_ =	sdelay $0x2  }
0x59d: {  	s4 =	simm.s32 $0x10960  }
0x59e: {  	v5 =	vld [tilespmem:s4+$0xFFFFFFE0]  }
0x59f: {  	v6 =	vld [tilespmem:s4+$0x10];
	[tilespmem:s1+$0xFFFFFFE0] =	vst v7  }
0x5a0: {  	v7 =	vld [tilespmem:s4+$0x0];
	[tilespmem:s1+$0x10] =	vst v8  }
0x5a1: {  	s5 =	simm.s32 $0xC;
	s3 =	simm.s32 $0x10960;
	v8 =	vld [tilespmem:s4+$0xFFFFFFF0];
	[tilespmem:s1+$0x0] =	vst v9;
	v9, _, _ =	vpop (xrf1)  }
.LBB2_80:
0x5a2: {  	s5 =	sadd.s32 $0x4, s5  }
0x5a3: {  	s4 =	sadd.s32 $0x40, s4;
	(xrf1) =	vsort.ascd.msk.f32 $0xffff, v5, v5;
	[tilespmem:s1+$0xFFFFFFF0] =	vst v9;
	p0 =	slt.u32 s5, $0x3C  }
.Ltmp46:
0x5a4: {  	s1 =	smov.u32 s2;
	v5 =	vld [tilespmem:s4+$0xFFFFFFE0];
	(xrf1) =	vsort.ascd.msk.f32 $0xffff, v6, v6;
	(pc) =	sbr.rel @p0 .LBB2_80-.Ltmp46, $4  }
0x5a5: {  	s2 =	smov.u32 s0;
	s0 =	smov.u32 s3;
	s3 =	smov.u32 s4;
	v6 =	vld [tilespmem:s4+$0x10];
	(xrf1) =	vsort.ascd.msk.f32 $0xffff, v7, v7;
	v9, _, _ =	vpop (xrf1)  }
0x5a6: {  	v7 =	vld [tilespmem:s4+$0x0];
	(xrf1) =	vsort.ascd.msk.f32 $0xffff, v8, v8;
	[tilespmem:s1+$0xFFFFFFE0] =	vst v9;
	v9, _, _ =	vpop (xrf1)  }
0x5a7: {  	v8 =	vld [tilespmem:s4+$0xFFFFFFF0];
	[tilespmem:s1+$0x10] =	vst v9;
	v9, _, _ =	vpop (xrf1)  }
0x5a8: {  	[tilespmem:s1+$0x0] =	vst v9;
	v9, _, _ =	vpop (xrf1)  }
0x5a9: {  	(xrf1) =	vsort.ascd.msk.f32 $0xffff, v5, v5  }
0x5aa: {  	(xrf1) =	vsort.ascd.msk.f32 $0xffff, v6, v6  }
0x5ab: {  	(xrf1) =	vsort.ascd.msk.f32 $0xffff, v7, v7  }
0x5ac: {  	(xrf1) =	vsort.ascd.msk.f32 $0xffff, v8, v8;
	_ =	sdelay $0x2  }
0x5ad: {  	v5, _, _ =	vpop (xrf1);
	[tilespmem:s1+$0xFFFFFFF0] =	vst v9  }
0x5ae: {  	[tilespmem:s2+$0xFFFFFFE0] =	vst v5;
	v5, _, _ =	vpop (xrf1)  }
0x5af: {  	[tilespmem:s2+$0x10] =	vst v5;
	v5, _, _ =	vpop (xrf1)  }
0x5b0: {  	[tilespmem:s2+$0x0] =	vst v5;
	v5, _, _ =	vpop (xrf1)  }
0x5b1: {  	[tilespmem:s2+$0xFFFFFFF0] =	vst v5;
	v5, _, _ =	vpop (xrf1)  }
0x5b2: {  	[tilespmem:s0+$0xFFFFFFE0] =	vst v5;
	v5, _, _ =	vpop (xrf1)  }
0x5b3: {  	[tilespmem:s0+$0x10] =	vst v5;
	v5, _, _ =	vpop (xrf1)  }
0x5b4: {  	[tilespmem:s0+$0x0] =	vst v5;
	v5, _, _ =	vpop (xrf1)  }
0x5b5: {  	[tilespmem:s0+$0xFFFFFFF0] =	vst v5;
	v5, _, _ =	vpop (xrf1)  }
0x5b6: {  	[tilespmem:s3+$0xFFFFFFE0] =	vst v5;
	v5, _, _ =	vpop (xrf1)  }
0x5b7: {  	[tilespmem:s3+$0x10] =	vst v5;
	v5, _, _ =	vpop (xrf1)  }
0x5b8: {  	[tilespmem:s3+$0x0] =	vst v5;
	v5, _, _ =	vpop (xrf1)  }
0x5b9: {  	s20 =	simm.s32 $0x0;
	s22 =	simm.s32 $0x0;
	[tilespmem:s3+$0xFFFFFFF0] =	vst v5  }
.LBB2_82:
0x5ba: {  	s0 =	sshll.u32 s15, s22  }
0x5bb: {  	s21 =	sadd.s32 $0x1, s22;
	s2 =	simm.s32 $0x4;
	s9 =	simm.s32 $0x3  }
0x5bc: {  	s1 =	sshrl.u32 s20, s22;
	s5 =	simm.s32 $0x1;
	s6 =	simm.s32 $0x2  }
0x5bd: {  	s23 =	sxor.u32 $0xFFFFFFFF, s0;
	s7 =	sshrl.u32 s5, s22;
	s8 =	sshrl.u32 s6, s22  }
0x5be: {  	s1 =	sshll.u32 s1, s21;
	s17 =	sshrl.u32 s9, s22;
	s3 =	sand.u32 s23, s20  }
0x5bf: {  	s6 =	sand.u32 s23, s6;
	s8 =	sshll.u32 s8, s21;
	s10 =	sshll.u32 s7, s21  }
0x5c0: {  	s0 =	sand.u32 s23, s9;
	s5 =	sand.u32 s23, s5;
	s7 =	sshll.u32 s17, s21  }
0x5c1: {  	s4 =	ssub.s32 s23, s3;
	s8 =	sadd.s32 s6, s8;
	s6 =	ssub.s32 s23, s6  }
0x5c2: {  	s1 =	sadd.s32 s3, s1;
	s9 =	ssub.s32 s23, s0;
	s3 =	sadd.s32 s5, s10  }
0x5c3: {  	s5 =	ssub.s32 s23, s5;
	s7 =	sadd.s32 s0, s7;
	s4 =	sshll.u32 s4, $0x7  }
0x5c4: {  	s16 =	sshll.u32 s8, $0x4;
	s3 =	sshll.u32 s3, $0x4;
	s6 =	sshll.u32 s6, $0x7  }
0x5c5: {  	s9 =	sshll.u32 s9, $0x7;
	s1 =	sshll.u32 s1, $0x4;
	s26 =	sshll.u32 s5, $0x7  }
0x5c6: {  	s8 =	sshll.u32 s7, $0x4;
	s4 =	sshra.s32 s4, $0x2;
	s25 =	sand.u32 $0x3FFFFFF0, s16  }
0x5c7: {  	s6 =	sshra.s32 s6, $0x2;
	s0 =	sand.u32 $0x3FFFFFF0, s3;
	s28 =	sand.u32 $0x3FFFFFF0, s1  }
0x5c8: {  	s3 =	sshra.s32 s26, $0x2;
	s10 =	sshra.s32 s9, $0x2;
	s24 =	sadd.s32 $0x10880, s25;
	v6 =	vld [tilespmem:s25+$0x10880]  }
0x5c9: {  	s29 =	sand.u32 $0x3FFFFFF0, s8;
	s5 =	sadd.s32 $0x10880, s0;
	v8 =	vld [tilespmem:s0+$0x10880];
	s24 =	sadd.s32 s6, s24  }
0x5ca: {  	s1 =	simm.s32 $0x8;
	s6 =	sadd.s32 $0x10880, s28;
	s31 =	sadd.s32 s3, s5;
	v11 =	vld [tilespmem:s24+$0x10]  }
0x5cb: {  	v5 =	vmul.u32 $0xFFFFFFFF, v1;
	s16 =	sshrl.u32 s2, s22;
	s17 =	sadd.s32 $0x10880, s29;
	s26 =	sadd.s32 s4, s6;
	v10 =	vld [tilespmem:s31+$0x10]  }
0x5cc: {  	s8 =	sand.u32 s23, s2;
	s3 =	simm.s32 $0x7;
	s30 =	sadd.s32 s10, s17;
	v9 =	vld [tilespmem:s26+$0x10]  }
0x5cd: {  	v5 =	vadd.s32 $0xF, v5;
	v7 =	vld [tilespmem:s28+$0x10880];
	s5 =	simm.s32 $0x5;
	s17 =	simm.s32 $0x6;
	s4 =	ssub.s32 s23, s8  }
.LBB2_83:
0x5ce: {  	s4 =	sshll.u32 s4, $0x7;
	s6 =	sshrl.u32 s5, s22  }
0x5cf: {  	s7 =	sshrl.u32 s17, s22;
	v11 =	vperm.xlane v11, v5;
	v12 =	vld [tilespmem:s30+$0x10];
	s2 =	smov.u32 s1;
	s9 =	sand.u32 s23, s17  }
0x5d0: {  	s10 =	sshll.u32 s16, s21;
	s4 =	sshra.s32 s4, $0x2;
	s7 =	sshll.u32 s7, s21;
	v10 =	vperm.xlane v10, v5  }
0x5d1: {  	s5 =	sand.u32 s23, s5;
	s7 =	sadd.s32 s9, s7;
	s9 =	ssub.s32 s23, s9;
	v9 =	vperm.xlane v9, v5;
	v13 =	vmax.f32 v6, v11;
	v14 =	vld [tilespmem:s29+$0x10880]  }
0x5d2: {  	s8 =	sadd.s32 s8, s10;
	s6 =	sshll.u32 s6, s21;
	v6 =	vmin.f32 v6, v11;
	s7 =	sshll.u32 s7, $0x4;
	v15 =	vmax.f32 v8, v10;
	v11 =	vperm.xlane v13, v5  }
0x5d3: {  	s10 =	sshrl.u32 s3, s22;
	s3 =	sand.u32 s23, s3;
	v8 =	vmin.f32 v8, v10;
	v13 =	vmax.f32 v7, v9;
	v10 =	vperm.xlane v15, v5;
	[tilespmem:s25+$0x10880] =	vst v6;
	s25 =	sand.u32 $0x3FFFFFF0, s7  }
0x5d4: {  	p0 =	slt.u32 s1, $0x1C;
	s16 =	ssub.s32 s23, s3;
	v6 =	vmin.f32 v7, v9;
	s7 =	sadd.s32 $0x10880, s25;
	v7 =	vperm.xlane v13, v5;
	[tilespmem:s0+$0x10880] =	vst v8;
	v8 =	vperm.xlane v12, v5  }
0x5d5: {  	s0 =	sadd.s32 s5, s6;
	s5 =	ssub.s32 s23, s5;
	s6 =	sshll.u32 s10, s21;
	[tilespmem:s28+$0x10880] =	vst v6  }
0x5d6: {  	s9 =	sshll.u32 s9, $0x7;
	s10 =	sshll.u32 s16, $0x7;
	s0 =	sshll.u32 s0, $0x4;
	[tilespmem:s31+$0x10] =	vst v10;
	v6 =	vmin.f32 v14, v8;
	v8 =	vmax.f32 v14, v8  }
0x5d7: {  	s9 =	sshra.s32 s9, $0x2;
	s3 =	sadd.s32 s3, s6;
	s6 =	sshra.s32 s10, $0x2;
	[tilespmem:s29+$0x10880] =	vst v6;
	v6 =	vperm.xlane v8, v5  }
0x5d8: {  	s8 =	sshll.u32 s8, $0x4;
	s7 =	sadd.s32 s9, s7;
	s0 =	sand.u32 $0x3FFFFFF0, s0;
	[tilespmem:s26+$0x10] =	vst v7  }
0x5d9: {  	s28 =	sand.u32 $0x3FFFFFF0, s8;
	s5 =	sshll.u32 s5, $0x7;
	s8 =	sadd.s32 $0x10880, s0;
	[tilespmem:s30+$0x10] =	vst v6  }
0x5da: {  	s9 =	sadd.s32 $0x10880, s28;
	s5 =	sshra.s32 s5, $0x2;
	s3 =	sshll.u32 s3, $0x4;
	v6 =	vld [tilespmem:s25+$0x10880];
	[tilespmem:s24+$0x10] =	vst v11  }
.Ltmp47:
0x5db: {  	s26 =	sadd.s32 s4, s9;
	s31 =	sadd.s32 s5, s8;
	v11 =	vld [tilespmem:s7+$0x10];
	(pc) =	sbr.rel @p0 .LBB2_83-.Ltmp47, $4  }
0x5dc: {  	s1 =	sadd.s32 $0x4, s1;
	s29 =	sand.u32 $0x3FFFFFF0, s3;
	v10 =	vld [tilespmem:s31+$0x10]  }
0x5dd: {  	s3 =	sadd.s32 $0x3, s2;
	s4 =	sadd.s32 $0x10880, s29;
	s24 =	smov.u32 s7;
	v9 =	vld [tilespmem:s26+$0x10]  }
0x5de: {  	s16 =	sshrl.u32 s2, s22;
	s8 =	sand.u32 s23, s2;
	s30 =	sadd.s32 s6, s4;
	v8 =	vld [tilespmem:s0+$0x10880]  }
0x5df: {  	s17 =	sadd.s32 $0x2, s2;
	s5 =	sadd.s32 $0x1, s2;
	s4 =	ssub.s32 s23, s8;
	v7 =	vld [tilespmem:s28+$0x10880]  }
0x5e0: {  	s1 =	sshll.u32 s4, $0x7;
	s2 =	sshrl.u32 s5, s22;
	s7 =	sshrl.u32 s17, s22  }
0x5e1: {  	s9 =	sand.u32 s23, s17;
	s17 =	sand.u32 s23, s5;
	s6 =	sshra.s32 s1, $0x2  }
0x5e2: {  	s4 =	sshll.u32 s7, s21;
	s7 =	sshll.u32 s16, s21;
	s1 =	ssub.s32 s23, s9  }
0x5e3: {  	s16 =	sshrl.u32 s3, s22;
	s5 =	ssub.s32 s23, s17;
	s4 =	sadd.s32 s9, s4  }
0x5e4: {  	s7 =	sadd.s32 s8, s7;
	s8 =	sshll.u32 s2, s21;
	s1 =	sshll.u32 s1, $0x7  }
0x5e5: {  	s5 =	sshll.u32 s5, $0x7;
	s10 =	sshll.u32 s4, $0x4;
	s8 =	sadd.s32 s17, s8  }
0x5e6: {  	s4 =	sshll.u32 s16, s21;
	s1 =	sshra.s32 s1, $0x2;
	s7 =	sshll.u32 s7, $0x4  }
0x5e7: {  	v12 =	vld [tilespmem:s30+$0x10];
	v11 =	vperm.xlane v11, v5;
	s5 =	sshra.s32 s5, $0x2;
	s2 =	sand.u32 $0x3FFFFFF0, s10;
	s10 =	sand.u32 s23, s3  }
0x5e8: {  	v13 =	vld [tilespmem:s29+$0x10880];
	v10 =	vperm.xlane v10, v5;
	s8 =	sshll.u32 s8, $0x4;
	s7 =	sand.u32 $0x3FFFFFF0, s7;
	s9 =	sadd.s32 $0x10880, s2  }
0x5e9: {  	v9 =	vperm.xlane v9, v5;
	v15 =	vmin.f32 v6, v11;
	s8 =	sand.u32 $0x3FFFFFF0, s8;
	v14 =	vld [tilespmem:s2+$0x10880];
	s17 =	sadd.s32 $0x10880, s7;
	s1 =	sadd.s32 s1, s9  }
0x5ea: {  	v6 =	vmax.f32 v6, v11;
	v46 =	vmin.f32 v8, v10;
	[tilespmem:s25+$0x10880] =	vst v15;
	s4 =	sadd.s32 s10, s4;
	s16 =	sadd.s32 $0x10880, s8;
	s6 =	sadd.s32 s6, s17;
	v16 =	vld [tilespmem:s1+$0x10]  }
0x5eb: {  	v17 =	vmax.f32 v8, v10;
	v6 =	vperm.xlane v6, v5;
	v49 =	vmin.f32 v7, v9;
	[tilespmem:s0+$0x10880] =	vst v46;
	s3 =	ssub.s32 s23, s10;
	s4 =	sshll.u32 s4, $0x4;
	s5 =	sadd.s32 s5, s16;
	v51 =	vld [tilespmem:s6+$0x10]  }
0x5ec: {  	v48 =	vperm.xlane v17, v5;
	v7 =	vmax.f32 v7, v9;
	v50 =	vperm.xlane v12, v5;
	[tilespmem:s28+$0x10880] =	vst v49;
	s23 =	sshll.u32 s3, $0x7;
	s25 =	sand.u32 $0x3FFFFFF0, s4;
	v47 =	vld [tilespmem:s5+$0x10]  }
0x5ed: {  	v7 =	vperm.xlane v7, v5;
	v54 =	vld [tilespmem:s7+$0x10880];
	[tilespmem:s24+$0x10] =	vst v6;
	s0 =	sshra.s32 s23, $0x2;
	s4 =	sadd.s32 $0x10880, s25  }
0x5ee: {  	v52 =	vld [tilespmem:s8+$0x10880];
	[tilespmem:s31+$0x10] =	vst v48;
	v8 =	vmax.f32 v13, v50;
	s0 =	sadd.s32 s0, s4  }
0x5ef: {  	v53 =	vmin.f32 v13, v50;
	[tilespmem:s26+$0x10] =	vst v7;
	v8 =	vperm.xlane v8, v5;
	v55 =	vld [tilespmem:s0+$0x10];
	v7 =	vperm.xlane v16, v5  }
0x5f0: {  	[tilespmem:s29+$0x10880] =	vst v53;
	v6 =	vperm.xlane v51, v5  }
0x5f1: {  	v57 =	vld [tilespmem:s25+$0x10880];
	[tilespmem:s30+$0x10] =	vst v8;
	v56 =	vperm.xlane v47, v5;
	v58 =	vmin.f32 v14, v7  }
0x5f2: {  	v61 =	vmin.f32 v54, v6;
	v6 =	vmax.f32 v54, v6;
	[tilespmem:s2+$0x10880] =	vst v58  }
0x5f3: {  	v7 =	vmax.f32 v14, v7;
	v8 =	vmin.f32 v52, v56;
	[tilespmem:s7+$0x10880] =	vst v61;
	v6 =	vperm.xlane v6, v5  }
0x5f4: {  	p0 =	seq.s32 s22, $0x0;
	v59 =	vmax.f32 v52, v56;
	v62 =	vperm.xlane v55, v5;
	v7 =	vperm.xlane v7, v5;
	[tilespmem:s8+$0x10880] =	vst v8  }
.Ltmp48:
0x5f5: {  	v60 =	vperm.xlane v59, v5;
	[tilespmem:s6+$0x10] =	vst v6;
	(pc) =	sbr.rel @p0 .LBB2_88-.Ltmp48, $4  }
0x5f6: {  	v8 =	vmax.f32 v57, v62;
	[tilespmem:s1+$0x10] =	vst v7  }
0x5f7: {  	v63 =	vmin.f32 v57, v62;
	[tilespmem:s5+$0x10] =	vst v60;
	v8 =	vperm.xlane v8, v5  }
0x5f8: {  	[tilespmem:s25+$0x10880] =	vst v63  }
0x5f9: {  	s23 =	simm.s32 $0x0;
	[tilespmem:s0+$0x10] =	vst v8;
	s0 =	simm.s32 $0x0  }
.LBB2_85:
0x5fa: {  	s1 =	sxor.u32 $0xFFFFFFFF, s23  }
0x5fb: {  	s4 =	ssub.s32 s22, s23;
	s25 =	simm.s32 $0x3;
	s3 =	sadd.s32 s1, s22  }
0x5fc: {  	s30 =	simm.s32 $0x2;
	s24 =	simm.s32 $0x4;
	s1 =	sshll.u32 s11, s3  }
0x5fd: {  	s5 =	sshrl.u32 s0, s3;
	s9 =	sshrl.u32 s25, s3;
	s2 =	sadd.s32 $0xFFFFFFFF, s1  }
0x5fe: {  	s31 =	sshrl.u32 s30, s3;
	s5 =	sshll.u32 s5, s4;
	s6 =	sand.u32 s2, s0  }
0x5ff: {  	s26 =	sshll.u32 s9, s4;
	s9 =	sand.u32 s2, s30;
	s5 =	sadd.s32 s6, s5  }
0x600: {  	s6 =	sand.u32 s2, s25;
	s7 =	sadd.s32 s1, s5;
	s5 =	sshll.u32 s5, $0x6  }
0x601: {  	s6 =	sadd.s32 s6, s26;
	s26 =	simm.s32 $0x1;
	s8 =	sshra.s32 s5, $0x2  }
0x602: {  	s7 =	sshll.u32 s7, $0x6;
	s10 =	sshll.u32 s6, $0x6;
	s6 =	sadd.s32 s1, s6  }
0x603: {  	s29 =	sshrl.u32 s26, s3;
	s5 =	sshra.s32 s7, $0x2;
	s7 =	sshll.u32 s31, s4  }
0x604: {  	s16 =	sshra.s32 s10, $0x2;
	s6 =	sshll.u32 s6, $0x6;
	v6 =	vld [tilespmem:s8+$0x10880];
	s7 =	sadd.s32 s9, s7  }
0x605: {  	s17 =	sshra.s32 s6, $0x2;
	v7 =	vld [tilespmem:s5+$0x10880];
	s25 =	sshll.u32 s7, $0x6;
	s28 =	sadd.s32 s1, s7  }
.LBB2_86:
0x606: {  	p0 =	slt.u32 s24, $0x1C;
	s6 =	sshll.u32 s29, s4  }
0x607: {  	s7 =	sand.u32 s2, s26;
	v8 =	vld [tilespmem:s16+$0x10880];
	s9 =	sshll.u32 s28, $0x6;
	s26 =	sand.u32 s2, s24  }
0x608: {  	s6 =	sadd.s32 s7, s6;
	s7 =	sshra.s32 s25, $0x2;
	v9 =	vld [tilespmem:s17+$0x10880];
	s9 =	sshra.s32 s9, $0x2  }
0x609: {  	s25 =	sshrl.u32 s24, s3;
	s10 =	sadd.s32 s1, s6;
	s6 =	sshll.u32 s6, $0x6;
	v10 =	vld [tilespmem:s7+$0x10880]  }
0x60a: {  	s25 =	sshll.u32 s25, s4;
	s6 =	sshra.s32 s6, $0x2;
	s10 =	sshll.u32 s10, $0x6;
	v11 =	vld [tilespmem:s9+$0x10880]  }
0x60b: {  	s25 =	sadd.s32 s26, s25;
	v12 =	vmin.f32 v6, v7;
	v13 =	vld [tilespmem:s6+$0x10880];
	s10 =	sshra.s32 s10, $0x2  }
0x60c: {  	s26 =	sadd.s32 $0x3, s24;
	v6 =	vmax.f32 v6, v7;
	[tilespmem:s8+$0x10880] =	vst v12;
	v7 =	vld [tilespmem:s10+$0x10880];
	s8 =	sshll.u32 s25, $0x6  }
0x60d: {  	s28 =	sadd.s32 s1, s25;
	s25 =	sshrl.u32 s26, s3;
	[tilespmem:s5+$0x10880] =	vst v6;
	v6 =	vmin.f32 v8, v9;
	s8 =	sshra.s32 s8, $0x2  }
0x60e: {  	s5 =	sshll.u32 s25, s4;
	s25 =	sand.u32 s2, s26;
	[tilespmem:s16+$0x10880] =	vst v6;
	v6 =	vmax.f32 v8, v9;
	s16 =	sshll.u32 s28, $0x6  }
0x60f: {  	s26 =	sadd.s32 $0x2, s24;
	s25 =	sadd.s32 s25, s5;
	v8 =	vmin.f32 v10, v11;
	[tilespmem:s17+$0x10880] =	vst v6;
	s5 =	sshra.s32 s16, $0x2  }
.Ltmp49:
0x610: {  	s16 =	sshrl.u32 s26, s3;
	s17 =	sshll.u32 s25, $0x6;
	v6 =	vmax.f32 v10, v11;
	[tilespmem:s7+$0x10880] =	vst v8;
	(pc) =	sbr.rel @p0 .LBB2_86-.Ltmp49, $4  }
0x611: {  	s25 =	sadd.s32 s1, s25;
	s7 =	sshll.u32 s16, s4;
	s16 =	sand.u32 s2, s26;
	v8 =	vmin.f32 v13, v7;
	[tilespmem:s9+$0x10880] =	vst v6  }
0x612: {  	s7 =	sadd.s32 s16, s7;
	s16 =	sshra.s32 s17, $0x2;
	s9 =	sshll.u32 s25, $0x6;
	v7 =	vmax.f32 v13, v7;
	[tilespmem:s6+$0x10880] =	vst v8  }
0x613: {  	s26 =	sadd.s32 $0x1, s24;
	s25 =	sshll.u32 s7, $0x6;
	s17 =	sshra.s32 s9, $0x2;
	v6 =	vld [tilespmem:s8+$0x10880];
	[tilespmem:s10+$0x10880] =	vst v7  }
0x614: {  	s24 =	sadd.s32 $0x4, s24;
	s29 =	sshrl.u32 s26, s3;
	s28 =	sadd.s32 s1, s7;
	v7 =	vld [tilespmem:s5+$0x10880]  }
0x615: {  	s3 =	sshll.u32 s29, s4;
	s2 =	sand.u32 s2, s26;
	v8 =	vld [tilespmem:s16+$0x10880]  }
0x616: {  	s30 =	sshra.s32 s25, $0x2;
	s31 =	sshll.u32 s28, $0x6;
	v9 =	vld [tilespmem:s17+$0x10880];
	s2 =	sadd.s32 s2, s3  }
0x617: {  	v10 =	vld [tilespmem:s30+$0x10880];
	s4 =	sshra.s32 s31, $0x2;
	s1 =	sadd.s32 s1, s2;
	s2 =	sshll.u32 s2, $0x6  }
0x618: {  	v11 =	vld [tilespmem:s4+$0x10880];
	s2 =	sshra.s32 s2, $0x2;
	s1 =	sshll.u32 s1, $0x6  }
0x619: {  	v12 =	vmin.f32 v6, v7;
	v13 =	vld [tilespmem:s2+$0x10880];
	s1 =	sshra.s32 s1, $0x2  }
0x61a: {  	v6 =	vmax.f32 v6, v7;
	[tilespmem:s8+$0x10880] =	vst v12;
	v7 =	vld [tilespmem:s1+$0x10880]  }
0x61b: {  	s23 =	sadd.s32 $0x1, s23;
	[tilespmem:s5+$0x10880] =	vst v6;
	v6 =	vmin.f32 v8, v9  }
0x61c: {  	p0 =	sne.s32 s23, s22;
	[tilespmem:s16+$0x10880] =	vst v6;
	v6 =	vmax.f32 v8, v9  }
.Ltmp50:
0x61d: {  	v62 =	vmin.f32 v10, v11;
	[tilespmem:s17+$0x10880] =	vst v6;
	(pc) =	sbr.rel @p0 .LBB2_85-.Ltmp50, $4  }
0x61e: {  	[tilespmem:s30+$0x10880] =	vst v62;
	v6 =	vmax.f32 v10, v11  }
0x61f: {  	[tilespmem:s4+$0x10880] =	vst v6;
	v63 =	vmin.f32 v13, v7  }
0x620: {  	v6 =	vmax.f32 v13, v7;
	[tilespmem:s2+$0x10880] =	vst v63  }
0x621: {  	[tilespmem:s1+$0x10880] =	vst v6  }
.LBB2_88:
0x622: {  	s0 =	simm.s32 $0x108A0  }
0x623: {  	v6 =	vld [tilespmem:s0+$0xFFFFFFE0]  }
0x624: {  	v7 =	vld [tilespmem:s0+$0x10]  }
0x625: {  	v8 =	vld [tilespmem:s0+$0x0];
	_ =	sdelay $0x2  }
0x626: {  	(xrf1) =	vsort.ascd.msk.f32 $0xffff, v6, v6  }
0x627: {  	(xrf1) =	vsort.ascd.msk.f32 $0xffff, v7, v7  }
0x628: {  	v9 =	vld [tilespmem:s0+$0xFFFFFFF0];
	(xrf1) =	vsort.ascd.msk.f32 $0xffff, v8, v8  }
0x629: {  	s2 =	simm.s32 $0x108E0  }
0x62a: {  	v6 =	vld [tilespmem:s2+$0xFFFFFFE0]  }
0x62b: {  	v7 =	vld [tilespmem:s2+$0x10]  }
0x62c: {  	v8 =	vld [tilespmem:s2+$0x0]  }
0x62d: {  	s1 =	simm.s32 $0x10920;
	(xrf1) =	vsort.ascd.msk.f32 $0xffff, v9, v9;
	v9 =	vld [tilespmem:s2+$0xFFFFFFF0]  }
0x62e: {  	v10 =	vld [tilespmem:s1+$0xFFFFFFE0]  }
0x62f: {  	v11 =	vld [tilespmem:s1+$0x10];
	(xrf1) =	vsort.ascd.msk.f32 $0xffff, v6, v6  }
0x630: {  	v12 =	vld [tilespmem:s1+$0x0];
	(xrf1) =	vsort.ascd.msk.f32 $0xffff, v7, v7  }
0x631: {  	v13 =	vld [tilespmem:s1+$0xFFFFFFF0];
	(xrf1) =	vsort.ascd.msk.f32 $0xffff, v8, v8  }
0x632: {  	(xrf1) =	vsort.ascd.msk.f32 $0xffff, v9, v9  }
0x633: {  	(xrf1) =	vsort.ascd.msk.f32 $0xffff, v10, v10  }
0x634: {  	v8, _, _ =	vpop (xrf1);
	(xrf1) =	vsort.ascd.msk.f32 $0xffff, v11, v11  }
0x635: {  	v9, _, _ =	vpop (xrf1);
	(xrf1) =	vsort.ascd.msk.f32 $0xffff, v12, v12  }
0x636: {  	v10, _, _ =	vpop (xrf1);
	(xrf1) =	vsort.ascd.msk.f32 $0xffff, v13, v13;
	_ =	sdelay $0x2  }
0x637: {  	s4 =	simm.s32 $0x10960  }
0x638: {  	v6 =	vld [tilespmem:s4+$0xFFFFFFE0]  }
0x639: {  	v7 =	vld [tilespmem:s4+$0x10];
	[tilespmem:s0+$0xFFFFFFE0] =	vst v8  }
0x63a: {  	v8 =	vld [tilespmem:s4+$0x0];
	[tilespmem:s0+$0x10] =	vst v9  }
0x63b: {  	s5 =	simm.s32 $0xC;
	s3 =	simm.s32 $0x10960;
	v9 =	vld [tilespmem:s4+$0xFFFFFFF0];
	[tilespmem:s0+$0x0] =	vst v10;
	v10, _, _ =	vpop (xrf1)  }
.LBB2_89:
0x63c: {  	s5 =	sadd.s32 $0x4, s5  }
0x63d: {  	s4 =	sadd.s32 $0x40, s4;
	(xrf1) =	vsort.ascd.msk.f32 $0xffff, v6, v6;
	[tilespmem:s0+$0xFFFFFFF0] =	vst v10;
	s0 =	smov.u32 s2;
	p0 =	slt.u32 s5, $0x3C  }
.Ltmp51:
0x63e: {  	s2 =	smov.u32 s1;
	v6 =	vld [tilespmem:s4+$0xFFFFFFE0];
	(xrf1) =	vsort.ascd.msk.f32 $0xffff, v7, v7;
	(pc) =	sbr.rel @p0 .LBB2_89-.Ltmp51, $4  }
0x63f: {  	s1 =	smov.u32 s3;
	s3 =	smov.u32 s4;
	v7 =	vld [tilespmem:s4+$0x10];
	(xrf1) =	vsort.ascd.msk.f32 $0xffff, v8, v8;
	v10, _, _ =	vpop (xrf1)  }
0x640: {  	v8 =	vld [tilespmem:s4+$0x0];
	(xrf1) =	vsort.ascd.msk.f32 $0xffff, v9, v9;
	[tilespmem:s0+$0xFFFFFFE0] =	vst v10;
	v10, _, _ =	vpop (xrf1)  }
0x641: {  	v9 =	vld [tilespmem:s4+$0xFFFFFFF0];
	[tilespmem:s0+$0x10] =	vst v10;
	v10, _, _ =	vpop (xrf1)  }
0x642: {  	[tilespmem:s0+$0x0] =	vst v10;
	v10, _, _ =	vpop (xrf1)  }
0x643: {  	(xrf1) =	vsort.ascd.msk.f32 $0xffff, v6, v6  }
0x644: {  	(xrf1) =	vsort.ascd.msk.f32 $0xffff, v7, v7  }
0x645: {  	(xrf1) =	vsort.ascd.msk.f32 $0xffff, v8, v8  }
0x646: {  	(xrf1) =	vsort.ascd.msk.f32 $0xffff, v9, v9;
	_ =	sdelay $0x2  }
0x647: {  	v6, _, _ =	vpop (xrf1);
	[tilespmem:s0+$0xFFFFFFF0] =	vst v10  }
0x648: {  	[tilespmem:s2+$0xFFFFFFE0] =	vst v6;
	v6, _, _ =	vpop (xrf1)  }
0x649: {  	[tilespmem:s2+$0x10] =	vst v6;
	v6, _, _ =	vpop (xrf1)  }
0x64a: {  	[tilespmem:s2+$0x0] =	vst v6;
	v6, _, _ =	vpop (xrf1)  }
0x64b: {  	[tilespmem:s2+$0xFFFFFFF0] =	vst v6;
	v6, _, _ =	vpop (xrf1)  }
0x64c: {  	[tilespmem:s1+$0xFFFFFFE0] =	vst v6;
	v6, _, _ =	vpop (xrf1)  }
0x64d: {  	[tilespmem:s1+$0x10] =	vst v6;
	v6, _, _ =	vpop (xrf1)  }
0x64e: {  	p0 =	sne.s32 s21, $0x6;
	[tilespmem:s1+$0x0] =	vst v6;
	v6, _, _ =	vpop (xrf1)  }
.Ltmp52:
0x64f: {  	[tilespmem:s1+$0xFFFFFFF0] =	vst v6;
	v6, _, _ =	vpop (xrf1);
	(pc) =	sbr.rel @p0 .LBB2_82-.Ltmp52, $4  }
0x650: {  	[tilespmem:s3+$0xFFFFFFE0] =	vst v6;
	v6, _, _ =	vpop (xrf1)  }
0x651: {  	[tilespmem:s3+$0x10] =	vst v6;
	v6, _, _ =	vpop (xrf1)  }
0x652: {  	[tilespmem:s3+$0x0] =	vst v6;
	v6, _, _ =	vpop (xrf1)  }
0x653: {  	s22 =	smov.u32 s21;
	[tilespmem:s3+$0xFFFFFFF0] =	vst v6  }
0x654: {  	s0 =	simm.s32 $0x10C70  }
0x655: {  	v6 =	vld [tilespmem:s0+$0x0]  }
0x656: {  	v7 =	vld [tilespmem:s0+$0xFFFFFFD0]  }
0x657: {  	v9 =	vld [tilespmem:s0+$0xFFFFFFE0];
	_ =	sdelay $0x1  }
0x658: {  	v10 =	vld [tilespmem:s0+$0xFFFFFFF0]  }
0x659: {  	s1 =	simm.s32 $0x10C30;
	v11 =	vperm.xlane v6, v5  }
0x65a: {  	s0 =	simm.s32 $0x10D20;
	v8 =	vld [tilespmem:s1+$0x0];
	v12 =	vperm.xlane v7, v5  }
0x65b: {  	v6 =	vld [tilespmem:s1+$0xFFFFFFD0];
	[tilespmem:s0+$0xFFFFFFE0] =	vst v11;
	v11 =	vperm.xlane v9, v5  }
0x65c: {  	v7 =	vld [tilespmem:s1+$0xFFFFFFE0];
	[tilespmem:s0+$0x10] =	vst v12  }
0x65d: {  	s2 =	simm.s32 $0x4;
	s3 =	simm.s32 $0x400;
	v10 =	vperm.xlane v10, v5;
	v9 =	vld [tilespmem:s1+$0xFFFFFFF0];
	[tilespmem:s0+$0x0] =	vst v11  }
.LBB2_92:
0x65e: {  	s2 =	sadd.s32 $0x4, s2  }
0x65f: {  	[tilespmem:s0+$0xFFFFFFF0] =	vst v10;
	s0 =	sadd.s32 $0x40, s0;
	p0 =	slt.u32 s2, $0x3C  }
.Ltmp53:
0x660: {  	s1 =	sadd.s32 $0xFFFFFFC0, s1;
	v10 =	vperm.xlane v8, v5;
	(pc) =	sbr.rel @p0 .LBB2_92-.Ltmp53, $4  }
0x661: {  	v8 =	vld [tilespmem:s1+$0x0];
	v11 =	vperm.xlane v6, v5  }
0x662: {  	v6 =	vld [tilespmem:s1+$0xFFFFFFD0];
	[tilespmem:s0+$0xFFFFFFE0] =	vst v10;
	v12 =	vperm.xlane v7, v5  }
0x663: {  	v7 =	vld [tilespmem:s1+$0xFFFFFFE0];
	v10 =	vperm.xlane v9, v5;
	[tilespmem:s0+$0x10] =	vst v11  }
0x664: {  	v9 =	vld [tilespmem:s1+$0xFFFFFFF0];
	[tilespmem:s0+$0x0] =	vst v12  }
0x665: {  	_ = 	snop  }
0x666: {  	v8 =	vperm.xlane v8, v5  }
0x667: {  	[tilespmem:s0+$0xFFFFFFF0] =	vst v10;
	s29 =	sadd.s32 $0x40, s0;
	v6 =	vperm.xlane v6, v5  }
0x668: {  	[tilespmem:s29+$0xFFFFFFE0] =	vst v8  }
0x669: {  	[tilespmem:s29+$0x10] =	vst v6  }
0x66a: {  	v7 =	vperm.xlane v7, v5;
	s1 =	rddreg [dreg:$0x5]  }
0x66b: {  	s30 =	rddreg [dreg:$0x1];
	v5 =	vperm.xlane v9, v5;
	s1 =	sor.u32 s1, s19  }
0x66c: {  	s2 =	simm.s32 $0x80;
	s18 =	sadd.s32 $0x1, s18;
	[tilespmem:s29+$0x0] =	vst v7;
	s1 =	sshrl.u32 s1, $0x3  }
0x66d: {  	s31 =	simm.s32 $0x10D00;
	p0 =	sne.s32 s18, $0x4;
	[tilespmem:s29+$0xFFFFFFF0] =	vst v5;
	s0 =	sadd.s32 s30, s1  }
0x66e: {  	[hbm4b:s0+s2] =	stream.strided.scatter [tilespmem:s31], [sflag:$0x1], $0x400, s3, s2, $0x38;
	[tilespmem:$0x11100] =	vst v63  }
.Ltmp54:
0x66f: {  	_ = 	snop;
	(pc) =	sbr.rel @p0 .LBB2_2-.Ltmp54, $4  }
.Ltmp55:
0x670: {  	_ = 	snop;
	(pc) =	sbr.rel @!p0 .LBB2_94-.Ltmp55, $4  }
0x671: {  	_ =	swait.ge [sflag:s11], $0x400  }
0x672: {  	[sflag:s11] =	ssyncset.done $0x0  }
0x673: {  	[sflag:s11] =	ssyncadd.s32 $0xFFFFFC00  }
0x674: {  	_ = 	snop  }
.LBB2_14:
.Ltmp56:
0x675: {  	(pc) =	sbr.rel .LBB2_21-.Ltmp56, $2  }
0x676: {  	_ =	sdelay $0x2  }
0x677: {  	s1 =	simm.s32 $0x10;
	v11 =	vmov v14  }
.LBB2_28:
.Ltmp57:
0x678: {  	(pc) =	sbr.rel .LBB2_31-.Ltmp57, $2  }
0x679: {  	_ =	sdelay $0x2  }
0x67a: {  	_ = 	snop  }
.LBB2_38:
.Ltmp58:
0x67b: {  	(pc) =	sbr.rel .LBB2_41-.Ltmp58, $2  }
0x67c: {  	_ =	sdelay $0x2  }
0x67d: {  	_ = 	snop  }
.LBB2_48:
.Ltmp59:
0x67e: {  	(pc) =	sbr.rel .LBB2_55-.Ltmp59, $2  }
0x67f: {  	_ =	sdelay $0x2  }
0x680: {  	_ = 	snop  }
.LBB2_67:
.Ltmp60:
0x681: {  	(pc) =	sbr.rel .LBB2_74-.Ltmp60, $2  }
0x682: {  	_ =	sdelay $0x2  }
0x683: {  	s25 =	simm.s32 $0x0  }
.LBB2_65:
.Ltmp61:
0x684: {  	(pc) =	sbr.rel .LBB2_78-.Ltmp61, $2  }
0x685: {  	_ =	sdelay $0x2  }
0x686: {  	s4 =	smov.u32 s2;
	s8 =	smov.u32 s3  }
.LBB2_16:
.Ltmp62:
0x687: {  	(pc) =	sbr.rel .LBB2_21-.Ltmp62, $2  }
0x688: {  	_ =	sdelay $0x2  }
0x689: {  	s1 =	simm.s32 $0x10  }
.LBB2_50:
.Ltmp63:
0x68a: {  	(pc) =	sbr.rel .LBB2_55-.Ltmp63, $2  }
0x68b: {  	_ =	sdelay $0x2  }
0x68c: {  	_ = 	snop  }
.LBB2_69:
.Ltmp64:
0x68d: {  	(pc) =	sbr.rel .LBB2_74-.Ltmp64, $3  }
0x68e: {  	_ =	sdelay $0x1  }
0x68f: {  	v31 =	vmov v7;
	v16 =	vmov v8;
	v19 =	vmov v9  }
0x690: {  	v20 =	vmovc v10;
	s25 =	simm.s32 $0x0;
	v7 =	vmovc v11;
	v8 =	vmov v15;
	v9 =	vmov v14;
	v10 =	vmov v13  }
.LBB2_76:
.Ltmp65:
0x691: {  	(pc) =	sbr.rel .LBB2_78-.Ltmp65, $2  }
0x692: {  	_ =	sdelay $0x2  }
0x693: {  	s8 =	smov.u32 s3  }
.LBB2_18:
.Ltmp66:
0x694: {  	(pc) =	sbr.rel .LBB2_21-.Ltmp66, $2  }
0x695: {  	_ =	sdelay $0x2  }
0x696: {  	v11 =	vmov v14  }
.LBB2_52:
.Ltmp67:
0x697: {  	(pc) =	sbr.rel .LBB2_55-.Ltmp67, $2  }
0x698: {  	_ =	sdelay $0x2  }
0x699: {  	v13 =	vmov v10;
	v10 =	vmov v12  }
.LBB2_71:
.Ltmp68:
0x69a: {  	(pc) =	sbr.rel .LBB2_74-.Ltmp68, $4  }
0x69b: {  	_ = 	snop  }
0x69c: {  	v28 =	vmov v7;
	v29 =	vmov v8;
	v27 =	vmov v16  }
0x69d: {  	v31 =	vmovc v11;
	v7 =	vmovc v21;
	v16 =	vmov v15;
	v26 =	vmov v19;
	v19 =	vmov v14  }
0x69e: {  	v25 =	vmovc v20;
	v8 =	vmovc v22;
	v20 =	vmov v13;
	v10 =	vmov v24;
	v17 =	vmov v18  }
.LBB2_95:
0x69f: {  	_ =	sfence.sel $0x180000  }
0x6a0: {  	[bflag:$0x0] =	sbarrier.arrive $0xFFFF  }
0x6a1: {  	_ =	strace $0x90000047  }
0x6a2: {  	s0 =	stileid.u32;
	[bflag:$0x2] =	sbarrier.arrive $0xFFFF  }
0x6a3: {  	p0 =	sne.s32 s0, $0x0;
	s0 =	rddreg [dreg:$0x2]  }
0x6a4: {  	s0 =	sadd.s32 @!p0 $0x100000, s0  }
0x6a5: {  	[sflag:s0] =	ssyncadd.tile.s32 @!p0 $0x1;
	_ =	shalt  }
.Lfunc_end2:
_tile_overlayer_lowered:
.L_overlay_start_2:
0x6a6: {  	(tag) =	ssettag $0x2  }
0x6a7: {  	s0 =	rddreg [dreg:$0x0];
	s2 =	stileid.u32  }
0x6a8: {  	s1 =	rddreg [dreg:$0x1];
	p0 =	sne.s32 s2, $0x0  }
0x6a9: {  	s3 =	rddreg [dreg:$0x2];
	[bflag:$0x3] =	sbarrier.arrive $0xFFFF;
	s2 =	simm.s32 @!p0 $0x1C01  }
0x6aa: {  	[timem:s3], [sflag:s2] =	dma.local @!p0 [hbm:s0], s1  }
0x6ab: {  	s0 =	simm.s32 @!p0 $0x1  }
0x6ac: {  	_ =	swait.ge @!p0 [sflag:s0], s1  }
0x6ad: {  	s1 =	ssub.s32 @!p0 $0x0, s1;
	[sflag:s0] =	ssyncset.done @!p0 $0x0  }
0x6ae: {  	[sflag:s0] =	ssyncadd.s32 @!p0 s1  }
0x6af: {  	[bflag:$0x3] =	sbarrier.arrive $0xFFFF  }
0x6b0: {  	_ =	shalt  }

</sc_bundles>
